<compile_context>
chip_gen: v7x
topology: tpu7x:2x2x1
jax: 0.10.2.dev20260603
libtpu: 0.0.44.dev20260713+nightly
codegen_flags: <defaults>
</compile_context>

<pallas_src>
import jax
import jax.numpy as jnp
import numpy as np
from jax import lax
from jax.experimental import pallas as pl
from jax.experimental.pallas import tpu as pltpu
from jax.experimental.pallas import tpu_sc as plsc

N = 10000
E = 320000
D = 128
H = 128

NC = 2
NS = 16
NW = NC * NS

CH = 125
MAIN_CHUNKS = E // (NS * CH)
W32_CHUNKS = E // (NW * CH)
ROWS_PER_SUB = 640
LAST_ROWS = N - 15 * ROWS_PER_SUB
PCH = 80
PCHUNKS = N // PCH

def _compute_perm_const():
    try:
        cpus = jax.local_devices(backend="cpu")
        with jax.default_device(cpus[0]):
            p = jax.random.permutation(jax.random.key(1), N)
        return np.asarray(p).astype(np.int32)
    except Exception:
        return None


_PERM_CONST = _compute_perm_const()


def _perm_i32():
    if _PERM_CONST is not None:
        return jnp.asarray(_PERM_CONST)
    return jax.random.permutation(jax.random.key(1), N).astype(jnp.int32)


def _mesh():
    return plsc.VectorSubcoreMesh(core_axis_name="c", subcore_axis_name="s")


def _sc1_body(ei3, perm1, h1, zeros1, degp, h1p, didx, pidx, rows, ones, vbuf, dacc, sem):
    c = lax.axis_index("c")
    s = lax.axis_index("s")
    wid = s * NC + c
    for i in range(8):
        ones[pl.ds(16 * i, 16)] = jnp.ones((16,), jnp.float32)

    @pl.when(s == 0)
    def _():
        pltpu.sync_copy(zeros1, vbuf)
        pltpu.sync_copy(vbuf, dacc)

    pltpu.sync_copy(
        ei3.at[1, pl.ds(pl.multiple_of(wid * W32_CHUNKS, 8), W32_CHUNKS)], didx)
    plsc.subcore_barrier()

    def deg_body(j, carry):
        pltpu.sync_copy(ones.at[pl.ds(0, CH)], dacc.at[didx.at[j]], add=True)
        return carry

    lax.fori_loop(0, W32_CHUNKS, deg_body, 0)

    for t in range(4):
        jj = wid + NW * t

        @pl.when(jj < PCHUNKS)
        def _():
            pltpu.sync_copy(perm1.at[pl.ds(pl.multiple_of(jj * PCH, 8), PCH)], pidx)
            pltpu.async_copy(h1.at[pidx], rows, sem).wait()
            pltpu.sync_copy(rows, h1p.at[pl.ds(pl.multiple_of(jj * PCH, 8), PCH)])

    plsc.subcore_barrier()

    @pl.when(s == 0)
    def _():
        pltpu.sync_copy(dacc, vbuf)
        pltpu.sync_copy(vbuf, degp.at[pl.ds(pl.multiple_of(c * N, 8), N)])


def _sc1_call(ei3, perm1, h1, zeros1):
    return pl.kernel(
        _sc1_body,
        out_type=[
            jax.ShapeDtypeStruct((NC * N,), jnp.float32),
            jax.ShapeDtypeStruct((N, D), jnp.float32),
        ],
        mesh=_mesh(),
        compiler_params=pltpu.CompilerParams(use_tc_tiling_on_sc=False),
        scratch_types=[
            pltpu.VMEM((W32_CHUNKS, CH), jnp.int32),
            pltpu.VMEM((PCH,), jnp.int32),
            pltpu.VMEM((PCH, D), jnp.float32),
            pltpu.VMEM((128,), jnp.float32),
            pltpu.VMEM((N,), jnp.float32),
            pltpu.VMEM_SHARED((N,), jnp.float32),
            pltpu.SemaphoreType.DMA,
        ],
    )(ei3, perm1, h1, zeros1)


DQ = D // 2


NBUF = 4
CNBUF = 4
ZNBUF = 8


def _sc2_body(ei3, t0a, t0b, t1a, t1b, dis1, zer2d, zeros1,
              agg4, cpart, sidx, didx,
              rows0, rows1, rows2, rows3,
              dbuf0, dbuf1, dbuf2, dbuf3, vbuf, acc, cacc, dis_sp, sem, sem2):
    rows = (rows0, rows1, rows2, rows3)
    dbufs = (dbuf0, dbuf1, dbuf2, dbuf3)
    c = lax.axis_index("c")
    s = lax.axis_index("s")
    pltpu.sync_copy(
        ei3.at[0, pl.ds(pl.multiple_of(s * MAIN_CHUNKS, 8), MAIN_CHUNKS)], sidx)
    pltpu.sync_copy(
        ei3.at[1, pl.ds(pl.multiple_of(s * MAIN_CHUNKS, 8), MAIN_CHUNKS)], didx)

    @pl.when(s == 0)
    def _():
        pltpu.sync_copy(zeros1, vbuf)
        pltpu.sync_copy(vbuf, cacc)
        pltpu.sync_copy(dis1, vbuf)
        pltpu.sync_copy(vbuf, dis_sp)

    for q, (tq0, tq1) in enumerate(((t0a, t1a), (t0b, t1b))):
        @pl.when(s < NS - 1)
        def _():
            pltpu.sync_copy(
                zer2d,
                acc.at[pl.ds(pl.multiple_of(s * ROWS_PER_SUB, 8), ROWS_PER_SUB)])

        @pl.when(s == NS - 1)
        def _():
            pltpu.sync_copy(
                zer2d.at[pl.ds(0, LAST_ROWS)],
                acc.at[pl.ds(15 * ROWS_PER_SUB, LAST_ROWS)])

        plsc.subcore_barrier()

        def run_main(tq):
            def main_body(k, carry):
                j = NBUF * k
                gds = [pltpu.async_copy(tq.at[sidx.at[j + b]], rows[b], sem)
                       for b in range(NBUF)]
                sds = []
                for b in range(NBUF):
                    gds[b].wait()
                    sds.append(pltpu.async_copy(
                        rows[b], acc.at[didx.at[j + b]], sem2, add=True))
                for d in sds:
                    d.wait()
                return carry

            lax.fori_loop(0, MAIN_CHUNKS // NBUF, main_body, 0)

        @pl.when(c == 0)
        def _():
            run_main(tq0)

        @pl.when(c == 1)
        def _():
            run_main(tq1)

        plsc.subcore_barrier()

        @pl.when(s < NS - 1)
        def _():
            off = pl.multiple_of(s * ROWS_PER_SUB, 8)
            pltpu.sync_copy(acc.at[pl.ds(off, ROWS_PER_SUB)],
                            agg4.at[c, q, pl.ds(off, ROWS_PER_SUB)])

        @pl.when(s == NS - 1)
        def _():
            pltpu.sync_copy(acc.at[pl.ds(15 * ROWS_PER_SUB, LAST_ROWS)],
                            agg4.at[c, q, pl.ds(15 * ROWS_PER_SUB, LAST_ROWS)])

    cbase = c * (MAIN_CHUNKS // NC)

    def c_body(k, carry):
        j = cbase + CNBUF * k
        gds = [pltpu.async_copy(dis_sp.at[didx.at[j + b]], dbufs[b], sem)
               for b in range(CNBUF)]
        sds = []
        for b in range(CNBUF):
            gds[b].wait()
            sds.append(pltpu.async_copy(
                dbufs[b], cacc.at[sidx.at[j + b]], sem2, add=True))
        for d in sds:
            d.wait()
        return carry

    lax.fori_loop(0, MAIN_CHUNKS // NC // CNBUF, c_body, 0)
    plsc.subcore_barrier()

    @pl.when(s == 0)
    def _():
        pltpu.sync_copy(cacc, vbuf)
        pltpu.sync_copy(vbuf, cpart.at[pl.ds(pl.multiple_of(c * N, 8), N)])


def _sc2_call(ei3, t0a, t0b, t1a, t1b, dis1, zer2d, zeros1):
    return pl.kernel(
        _sc2_body,
        out_type=[
            jax.ShapeDtypeStruct((NC, 2, N, DQ), jnp.float32),
            jax.ShapeDtypeStruct((NC * N,), jnp.float32),
        ],
        mesh=_mesh(),
        compiler_params=pltpu.CompilerParams(use_tc_tiling_on_sc=False),
        scratch_types=[
            pltpu.VMEM((MAIN_CHUNKS, CH), jnp.int32),
            pltpu.VMEM((MAIN_CHUNKS, CH), jnp.int32),
            pltpu.VMEM((CH, DQ), jnp.float32),
            pltpu.VMEM((CH, DQ), jnp.float32),
            pltpu.VMEM((CH, DQ), jnp.float32),
            pltpu.VMEM((CH, DQ), jnp.float32),
            pltpu.VMEM((CH,), jnp.float32),
            pltpu.VMEM((CH,), jnp.float32),
            pltpu.VMEM((CH,), jnp.float32),
            pltpu.VMEM((CH,), jnp.float32),
            pltpu.VMEM((N,), jnp.float32),
            pltpu.VMEM_SHARED((N, DQ), jnp.float32),
            pltpu.VMEM_SHARED((N,), jnp.float32),
            pltpu.VMEM_SHARED((N,), jnp.float32),
            pltpu.SemaphoreType.DMA,
            pltpu.SemaphoreType.DMA,
        ],
    )(ei3, t0a, t0b, t1a, t1b, dis1, zer2d, zeros1)


def _sc3_body(ei3, u, zeros2, zpart, sidx, didx,
              rows0, rows1, rows2, rows3, rows4, rows5, rows6, rows7,
              zacc, sem, sem2):
    zrows = (rows0, rows1, rows2, rows3, rows4, rows5, rows6, rows7)
    c = lax.axis_index("c")
    s = lax.axis_index("s")
    wid = s * NC + c
    pltpu.sync_copy(
        ei3.at[0, pl.ds(pl.multiple_of(wid * W32_CHUNKS, 8), W32_CHUNKS)], sidx)
    pltpu.sync_copy(
        ei3.at[1, pl.ds(pl.multiple_of(wid * W32_CHUNKS, 8), W32_CHUNKS)], didx)

    @pl.when(s == 0)
    def _():
        pltpu.sync_copy(zeros2, zacc)

    plsc.subcore_barrier()

    def z_body(k, carry):
        j = ZNBUF * k
        gds = [pltpu.async_copy(u.at[sidx.at[j + b]], zrows[b], sem)
               for b in range(ZNBUF)]
        sds = []
        for b in range(ZNBUF):
            gds[b].wait()
            sds.append(pltpu.async_copy(
                zrows[b], zacc.at[didx.at[j + b]], sem2, add=True))
        for d in sds:
            d.wait()
        return carry

    lax.fori_loop(0, W32_CHUNKS // ZNBUF, z_body, 0)
    plsc.subcore_barrier()

    @pl.when(s == 0)
    def _():
        pltpu.sync_copy(zacc, zpart.at[c])


def _sc3_call(ei3, u, zeros2):
    return pl.kernel(
        _sc3_body,
        out_type=[jax.ShapeDtypeStruct((NC, N, 2), jnp.float32)],
        mesh=_mesh(),
        compiler_params=pltpu.CompilerParams(use_tc_tiling_on_sc=False),
        scratch_types=[
            pltpu.VMEM((W32_CHUNKS, CH), jnp.int32),
            pltpu.VMEM((W32_CHUNKS, CH), jnp.int32),
            pltpu.VMEM((CH, 2), jnp.float32),
            pltpu.VMEM((CH, 2), jnp.float32),
            pltpu.VMEM((CH, 2), jnp.float32),
            pltpu.VMEM((CH, 2), jnp.float32),
            pltpu.VMEM((CH, 2), jnp.float32),
            pltpu.VMEM((CH, 2), jnp.float32),
            pltpu.VMEM((CH, 2), jnp.float32),
            pltpu.VMEM((CH, 2), jnp.float32),
            pltpu.VMEM_SHARED((N, 2), jnp.float32),
            pltpu.SemaphoreType.DMA,
            pltpu.SemaphoreType.DMA,
        ],
    )(ei3, u, zeros2)


_RB = 1000
_GRID = N // _RB


def _mm_body(x_ref, w_ref, o_ref):
    o_ref[...] = jnp.dot(x_ref[...], w_ref[...], preferred_element_type=jnp.float32)


def _tc_matmul(x, w):
    return pl.pallas_call(
        _mm_body,
        grid=(N // _RB,),
        in_specs=[
            pl.BlockSpec((_RB, D), lambda i: (i, 0)),
            pl.BlockSpec((D, H), lambda i: (0, 0)),
        ],
        out_specs=pl.BlockSpec((_RB, H), lambda i: (i, 0)),
        out_shape=jax.ShapeDtypeStruct((N, H), jnp.float32),
    )(x, w)


def _tcb_body(dp_ref, h1_ref, h1p_ref, dis_ref, t0a_ref, t0b_ref, t1a_ref, t1b_ref):
    deg = dp_ref[:, 0] + dp_ref[:, 1]
    dis = lax.rsqrt(jnp.maximum(deg, 1.0))
    dis_ref[...] = dis[:, None]
    t0 = h1_ref[...] * dis[:, None]
    t1 = h1p_ref[...] * dis[:, None]
    t0a_ref[...] = t0[:, :DQ]
    t0b_ref[...] = t0[:, DQ:]
    t1a_ref[...] = t1[:, :DQ]
    t1b_ref[...] = t1[:, DQ:]


def _tc_b(deg_part, h1, h1p):
    qspec = pl.BlockSpec((_RB, DQ), lambda i: (i, 0))
    qshape = jax.ShapeDtypeStruct((N, DQ), jnp.float32)
    return pl.pallas_call(
        _tcb_body,
        grid=(_GRID,),
        in_specs=[
            pl.BlockSpec((_RB, NC), lambda i: (i, 0)),
            pl.BlockSpec((_RB, H), lambda i: (i, 0)),
            pl.BlockSpec((_RB, H), lambda i: (i, 0)),
        ],
        out_specs=[
            pl.BlockSpec((_RB, 1), lambda i: (i, 0)),
            qspec, qspec, qspec, qspec,
        ],
        out_shape=[
            jax.ShapeDtypeStruct((N, 1), jnp.float32),
            qshape, qshape, qshape, qshape,
        ],
    )(deg_part, h1, h1p)


def _tcc_body(agg_ref, cp_ref, dis_ref, b1_ref, w2_ref, b2_ref, wd_ref,
              u_ref, b2s_ref, p_scr, w2s_scr):
    p = pl.program_id(0)
    i = pl.program_id(1)
    dis = dis_ref[...]
    rp = jnp.maximum(
        jnp.concatenate([agg_ref[0, 0], agg_ref[0, 1]], axis=1) * dis
        + b1_ref[...], 0.0)

    @pl.when(p == 0)
    def _():
        @pl.when(i == 0)
        def _():
            p_scr[...] = jnp.zeros_like(p_scr)

        cvec = (cp_ref[:, 0] + cp_ref[:, 1]) * dis[:, 0]
        p_scr[...] += jnp.dot(cvec[None, :], rp, preferred_element_type=jnp.float32)

    @pl.when(p == 1)
    def _():
        @pl.when(i == 0)
        def _():
            mp = jnp.dot(p_scr[...], w2_ref[...], preferred_element_type=jnp.float32)
            mp = mp * (1.0 / N) + b2_ref[...]
            summary = 1.0 / (1.0 + jnp.exp(-mp))
            s_row = lax.dot_general(summary, wd_ref[...], (((1,), (1,)), ((), ())),
                                    preferred_element_type=jnp.float32)
            w2s_scr[...] = lax.dot_general(s_row, w2_ref[...],
                                           (((1,), (1,)), ((), ())),
                                           preferred_element_type=jnp.float32)
            b2s_ref[...] = jnp.sum(b2_ref[...] * s_row, axis=1, keepdims=True)

        rn = jnp.maximum(
            jnp.concatenate([agg_ref[1, 0], agg_ref[1, 1]], axis=1) * dis
            + b1_ref[...], 0.0)
        w2s = w2s_scr[...]
        vp = lax.dot_general(rp, w2s, (((1,), (1,)), ((), ())),
                             preferred_element_type=jnp.float32)
        vn = lax.dot_general(rn, w2s, (((1,), (1,)), ((), ())),
                             preferred_element_type=jnp.float32)
        u_ref[...] = jnp.concatenate([vp, vn], axis=1) * dis


def _tc_c(agg, c_part, dis2, b1r, w2, b2r, wd):
    return pl.pallas_call(
        _tcc_body,
        grid=(2, _GRID),
        in_specs=[
            pl.BlockSpec((NC, 2, _RB, DQ), lambda p, i: (0, 0, i, 0)),
            pl.BlockSpec((_RB, NC), lambda p, i: (i, 0)),
            pl.BlockSpec((_RB, 1), lambda p, i: (i, 0)),
            pl.BlockSpec((1, H), lambda p, i: (0, 0)),
            pl.BlockSpec((H, H), lambda p, i: (0, 0)),
            pl.BlockSpec((1, H), lambda p, i: (0, 0)),
            pl.BlockSpec((H, H), lambda p, i: (0, 0)),
        ],
        out_specs=[
            pl.BlockSpec((_RB, 2), lambda p, i: (i, 0)),
            pl.BlockSpec((1, 1), lambda p, i: (0, 0)),
        ],
        out_shape=[
            jax.ShapeDtypeStruct((N, 2), jnp.float32),
            jax.ShapeDtypeStruct((1, 1), jnp.float32),
        ],
        scratch_shapes=[
            pltpu.VMEM((1, H), jnp.float32),
            pltpu.VMEM((1, H), jnp.float32),
        ],
    )(agg, c_part, dis2, b1r, w2, b2r, wd)


def _softplus(x):
    return jnp.maximum(x, 0.0) + jnp.log(1.0 + jnp.exp(-jnp.abs(x)))


def _tcd_body(zp_ref, dis_ref, b2s_ref, o_ref):
    i = pl.program_id(0)
    z = zp_ref[0] + zp_ref[1]
    logits = z * dis_ref[...] + b2s_ref[...]
    part = jnp.sum(_softplus(-logits[:, 0:1])) + jnp.sum(_softplus(logits[:, 1:2]))

    @pl.when(i == 0)
    def _():
        o_ref[...] = jnp.zeros_like(o_ref)

    o_ref[...] += part

    @pl.when(i == _GRID - 1)
    def _():
        o_ref[...] = o_ref[...] * (1.0 / N)


def _tc_d(z_part, dis2, b2s):
    return pl.pallas_call(
        _tcd_body,
        grid=(_GRID,),
        in_specs=[
            pl.BlockSpec((NC, _RB, 2), lambda i: (0, i, 0)),
            pl.BlockSpec((_RB, 1), lambda i: (i, 0)),
            pl.BlockSpec((1, 1), lambda i: (0, 0)),
        ],
        out_specs=pl.BlockSpec((1, 1), lambda i: (0, 0)),
        out_shape=jax.ShapeDtypeStruct((1, 1), jnp.float32),
    )(z_part, dis2, b2s)


def kernel(features, edge_index, W1, b1, W2, b2, Wd):
    ei = edge_index.astype(jnp.int32)
    ei3 = ei.reshape(2, E // CH, CH)
    perm1 = _perm_i32()
    zeros1 = jnp.zeros((N,), jnp.float32)
    zer2d = jnp.zeros((ROWS_PER_SUB, DQ), jnp.float32)
    zeros2 = jnp.zeros((N, 2), jnp.float32)
    b1r = b1.reshape(1, H)
    b2r = b2.reshape(1, H)

    h1 = _tc_matmul(features, W1)
    deg_part, h1p = _sc1_call(ei3, perm1, h1, zeros1)
    dis2, t0a, t0b, t1a, t1b = _tc_b(deg_part.reshape(NC, N).T, h1, h1p)
    dis1 = dis2.reshape(N)
    agg, c_part = _sc2_call(ei3, t0a, t0b, t1a, t1b, dis1, zer2d, zeros1)
    u, b2s = _tc_c(agg, c_part.reshape(NC, N).T, dis2, b1r, W2, b2r, Wd)
    (z_part,) = _sc3_call(ei3, u, zeros2)
    total = _tc_d(z_part, dis2, b2s)
    return total[0, 0]

# --- scband reference (transcript-rebuilt; emitter-appended) ---
"""Pipeline reference for scband-dgi-25752623906962 (READ-ONLY COPY).

The authoritative reference and input builder live on the scoring server;
editing this copy changes nothing except your own understanding.
"""

import jax, jax.numpy as jnp
import numpy as np
import math

N = 10000
E = 320000
D = 128
H = 128


def _uniform(key, shape, bound):
    return jax.random.uniform(key, shape, dtype=jnp.float32, minval=-bound, maxval=bound)


def setup_inputs(seed: int = 0) -> dict:
    key = jax.random.key(seed)
    k1, k2, k3, k4, k5, k6, k7 = jax.random.split(key, 7)
    features = jax.random.normal(k1, (N, D), dtype=jnp.float32)
    edge_index = jax.random.randint(k2, (2, E), 0, N).astype(jnp.int64)
    # GCN layer params (glorot-ish uniform like DGL GraphConv)
    b_in = 1.0 / math.sqrt(D)
    b_h = 1.0 / math.sqrt(H)
    W1 = _uniform(k3, (D, H), b_in)
    b1 = jnp.zeros((H,), dtype=jnp.float32)
    W2 = _uniform(k4, (H, H), b_h)
    b2 = jnp.zeros((H,), dtype=jnp.float32)
    # Discriminator bilinear weight, uniform(-1/sqrt(H), 1/sqrt(H))
    Wd = _uniform(k5, (H, H), b_h)
    return {"features": features, "edge_index": edge_index, "W1": W1, "b1": b1, "W2": W2, "b2": b2, "Wd": Wd}


def reference(features, edge_index, W1, b1, W2, b2, Wd):
    src = edge_index[0]
    dst = edge_index[1]
    n = features.shape[0]
    # symmetric GCN normalization based on in-degree
    deg = jax.ops.segment_sum(jnp.ones((src.shape[0],), dtype=jnp.float32), dst, num_segments=n)
    deg = jnp.clip(deg, 1.0, None)
    dis = deg ** -0.5

    def conv(x, W, b):
        h = x @ W
        h = h * dis[:, None]
        agg = jax.ops.segment_sum(h[src], dst, num_segments=n)
        return agg * dis[:, None] + b

    def encode(x):
        h = jax.nn.relu(conv(x, W1, b1))
        return conv(h, W2, b2)

    positive = encode(features)
    # corrupt=True: permute node features (fixed permutation for determinism)
    perm = jax.random.permutation(jax.random.key(1), n)
    negative = encode(features[perm])

    summary = jax.nn.sigmoid(jnp.mean(positive, axis=0))
    s = Wd @ summary  # [H]
    pos_logits = positive @ s  # [N]
    neg_logits = negative @ s  # [N]
    # BCEWithLogits(pos, 1) = softplus(-x); BCEWithLogits(neg, 0) = softplus(x)
    l1 = jnp.mean(jax.nn.softplus(-pos_logits))
    l2 = jnp.mean(jax.nn.softplus(neg_logits))
    return l1 + l2

if __name__ == "__main__":
    import jax
    _d = setup_inputs()
    print(jax.jit(kernel)(*tuple(_d.values())))

</pallas_src>

<mosaic_0001>
#map = affine_map<(d0, d1) -> (0, 0, 0)>
#map1 = affine_map<(d0, d1) -> (0)>
#map2 = affine_map<(d0, d1) -> (0, 0)>
module attributes {stable_mosaic.version = 14 : i64} {
  func.func @_sc1_body(%arg0: i32, %arg1: i32, %arg2: memref<2x2560x125xi32, #tpu.memory_space<hbm>>, %arg3: memref<10000xi32, #tpu.memory_space<hbm>>, %arg4: memref<10000x128xf32, #tpu.memory_space<hbm>>, %arg5: memref<10000xf32, #tpu.memory_space<hbm>>, %arg6: memref<20000xf32, #tpu.memory_space<hbm>>, %arg7: memref<10000x128xf32, #tpu.memory_space<hbm>>, %arg8: memref<80x125xi32, #tpu.memory_space<vmem>>, %arg9: memref<80xi32, #tpu.memory_space<vmem>>, %arg10: memref<80x128xf32, #tpu.memory_space<vmem>>, %arg11: memref<128xf32, #tpu.memory_space<vmem>>, %arg12: memref<10000xf32, #tpu.memory_space<vmem>>, %arg13: memref<10000xf32, #tpu.memory_space<vmem_shared>>, %arg14: memref<!tpu.dma_semaphore, #tpu.memory_space<semaphore_mem>>) attributes {dimension_semantics = [#tpu.dimension_semantics<core_parallel>, #tpu.dimension_semantics<subcore_parallel>], iteration_bounds = array<i64: 2, 16>, scalar_prefetch = 0 : i64, scratch_operands = 7 : i64, tpu.core_type = #tpu.core_type<sc_vector_subcore>, window_params = [{transform_indices = #map}, {transform_indices = #map1}, {transform_indices = #map2}, {transform_indices = #map1}, {transform_indices = #map1}, {transform_indices = #map2}]} {
    %mul3A = arith.constant 2 : i32
    %mul3A_0 = arith.muli %arg1, %mul3A : i32
    %add3A = arith.addi %mul3A_0, %arg0 : i32
    %broadcast_in_dim3A = arith.constant 1.000000e+00 : f32
    %broadcast_in_dim3A_1 = vector.broadcast %broadcast_in_dim3A : f32 to vector<16xf32>
    %swap3A = arith.constant 0 : index
    %swap3A_2 = tpu.vector_load %arg11[%swap3A] {strides = array<i32>} : memref<128xf32, #tpu.memory_space<vmem>>, vector<16xf32>,
    %swap3A_3 = vector.shape_cast %swap3A_2 : vector<16xf32> to vector<16xf32>
    %swap3A_4 = vector.shape_cast %broadcast_in_dim3A_1 : vector<16xf32> to vector<16xf32>
    tpu.vector_store %arg11[%swap3A], %swap3A_4 {strides = array<i32>} : memref<128xf32, #tpu.memory_space<vmem>>, vector<16xf32>,
    %broadcast_in_dim3A_5 = arith.constant 1.000000e+00 : f32
    %broadcast_in_dim3A_6 = vector.broadcast %broadcast_in_dim3A_5 : f32 to vector<16xf32>
    %swap3A_7 = arith.constant 16 : index
    %swap3A_8 = tpu.vector_load %arg11[%swap3A_7] {strides = array<i32>} : memref<128xf32, #tpu.memory_space<vmem>>, vector<16xf32>,
    %swap3A_9 = vector.shape_cast %swap3A_8 : vector<16xf32> to vector<16xf32>
    %swap3A_10 = vector.shape_cast %broadcast_in_dim3A_6 : vector<16xf32> to vector<16xf32>
    tpu.vector_store %arg11[%swap3A_7], %swap3A_10 {strides = array<i32>} : memref<128xf32, #tpu.memory_space<vmem>>, vector<16xf32>,
    %broadcast_in_dim3A_11 = arith.constant 1.000000e+00 : f32
    %broadcast_in_dim3A_12 = vector.broadcast %broadcast_in_dim3A_11 : f32 to vector<16xf32>
    %swap3A_13 = arith.constant 32 : index
    %swap3A_14 = tpu.vector_load %arg11[%swap3A_13] {strides = array<i32>} : memref<128xf32, #tpu.memory_space<vmem>>, vector<16xf32>,
    %swap3A_15 = vector.shape_cast %swap3A_14 : vector<16xf32> to vector<16xf32>
    %swap3A_16 = vector.shape_cast %broadcast_in_dim3A_12 : vector<16xf32> to vector<16xf32>
    tpu.vector_store %arg11[%swap3A_13], %swap3A_16 {strides = array<i32>} : memref<128xf32, #tpu.memory_space<vmem>>, vector<16xf32>,
    %broadcast_in_dim3A_17 = arith.constant 1.000000e+00 : f32
    %broadcast_in_dim3A_18 = vector.broadcast %broadcast_in_dim3A_17 : f32 to vector<16xf32>
    %swap3A_19 = arith.constant 48 : index
    %swap3A_20 = tpu.vector_load %arg11[%swap3A_19] {strides = array<i32>} : memref<128xf32, #tpu.memory_space<vmem>>, vector<16xf32>,
    %swap3A_21 = vector.shape_cast %swap3A_20 : vector<16xf32> to vector<16xf32>
    %swap3A_22 = vector.shape_cast %broadcast_in_dim3A_18 : vector<16xf32> to vector<16xf32>
    tpu.vector_store %arg11[%swap3A_19], %swap3A_22 {strides = array<i32>} : memref<128xf32, #tpu.memory_space<vmem>>, vector<16xf32>,
    %broadcast_in_dim3A_23 = arith.constant 1.000000e+00 : f32
    %broadcast_in_dim3A_24 = vector.broadcast %broadcast_in_dim3A_23 : f32 to vector<16xf32>
    %swap3A_25 = arith.constant 64 : index
    %swap3A_26 = tpu.vector_load %arg11[%swap3A_25] {strides = array<i32>} : memref<128xf32, #tpu.memory_space<vmem>>, vector<16xf32>,
    %swap3A_27 = vector.shape_cast %swap3A_26 : vector<16xf32> to vector<16xf32>
    %swap3A_28 = vector.shape_cast %broadcast_in_dim3A_24 : vector<16xf32> to vector<16xf32>
    tpu.vector_store %arg11[%swap3A_25], %swap3A_28 {strides = array<i32>} : memref<128xf32, #tpu.memory_space<vmem>>, vector<16xf32>,
    %broadcast_in_dim3A_29 = arith.constant 1.000000e+00 : f32
    %broadcast_in_dim3A_30 = vector.broadcast %broadcast_in_dim3A_29 : f32 to vector<16xf32>
    %swap3A_31 = arith.constant 80 : index
    %swap3A_32 = tpu.vector_load %arg11[%swap3A_31] {strides = array<i32>} : memref<128xf32, #tpu.memory_space<vmem>>, vector<16xf32>,
    %swap3A_33 = vector.shape_cast %swap3A_32 : vector<16xf32> to vector<16xf32>
    %swap3A_34 = vector.shape_cast %broadcast_in_dim3A_30 : vector<16xf32> to vector<16xf32>
    tpu.vector_store %arg11[%swap3A_31], %swap3A_34 {strides = array<i32>} : memref<128xf32, #tpu.memory_space<vmem>>, vector<16xf32>,
    %broadcast_in_dim3A_35 = arith.constant 1.000000e+00 : f32
    %broadcast_in_dim3A_36 = vector.broadcast %broadcast_in_dim3A_35 : f32 to vector<16xf32>
    %swap3A_37 = arith.constant 96 : index
    %swap3A_38 = tpu.vector_load %arg11[%swap3A_37] {strides = array<i32>} : memref<128xf32, #tpu.memory_space<vmem>>, vector<16xf32>,
    %swap3A_39 = vector.shape_cast %swap3A_38 : vector<16xf32> to vector<16xf32>
    %swap3A_40 = vector.shape_cast %broadcast_in_dim3A_36 : vector<16xf32> to vector<16xf32>
    tpu.vector_store %arg11[%swap3A_37], %swap3A_40 {strides = array<i32>} : memref<128xf32, #tpu.memory_space<vmem>>, vector<16xf32>,
    %broadcast_in_dim3A_41 = arith.constant 1.000000e+00 : f32
    %broadcast_in_dim3A_42 = vector.broadcast %broadcast_in_dim3A_41 : f32 to vector<16xf32>
    %swap3A_43 = arith.constant 112 : index
    %swap3A_44 = tpu.vector_load %arg11[%swap3A_43] {strides = array<i32>} : memref<128xf32, #tpu.memory_space<vmem>>, vector<16xf32>,
    %swap3A_45 = vector.shape_cast %swap3A_44 : vector<16xf32> to vector<16xf32>
    %swap3A_46 = vector.shape_cast %broadcast_in_dim3A_42 : vector<16xf32> to vector<16xf32>
    tpu.vector_store %arg11[%swap3A_43], %swap3A_46 {strides = array<i32>} : memref<128xf32, #tpu.memory_space<vmem>>, vector<16xf32>,
    %eq3A = arith.constant 0 : i32
    %eq3A_47 = arith.cmpi eq, %arg1, %eq3A : i32
    %convert_element_type3A = arith.extui %eq3A_47 : i1 to i32
    %cond3A = arith.constant 0 : i32
    %cond3A_48 = arith.cmpi ne, %convert_element_type3A, %cond3A : i32
    scf.if %cond3A_48 {
      "tpu.region"() ({
        %run_scoped3A_89 = tpu.sem_alloc : memref<!tpu.dma_semaphore, #tpu.memory_space<semaphore_mem>>
        tpu.enqueue_dma source(%arg5 : memref<10000xf32, #tpu.memory_space<hbm>>) target(%arg12 : memref<10000xf32, #tpu.memory_space<vmem>>) target_semaphore(%run_scoped3A_89 : memref<!tpu.dma_semaphore, #tpu.memory_space<semaphore_mem>>)
        tpu.wait_dma2 semaphore(%run_scoped3A_89 : memref<!tpu.dma_semaphore, #tpu.memory_space<semaphore_mem>>) src(%arg5 : memref<10000xf32, #tpu.memory_space<hbm>>) dst(%arg12 : memref<10000xf32, #tpu.memory_space<vmem>>)
        tpu.yield
      }) : () -> ()
      "tpu.region"() ({
        %run_scoped3A_89 = tpu.sem_alloc : memref<!tpu.dma_semaphore, #tpu.memory_space<semaphore_mem>>
        tpu.enqueue_dma source(%arg12 : memref<10000xf32, #tpu.memory_space<vmem>>) target(%arg13 : memref<10000xf32, #tpu.memory_space<vmem_shared>>) target_semaphore(%run_scoped3A_89 : memref<!tpu.dma_semaphore, #tpu.memory_space<semaphore_mem>>)
        tpu.wait_dma2 semaphore(%run_scoped3A_89 : memref<!tpu.dma_semaphore, #tpu.memory_space<semaphore_mem>>) src(%arg12 : memref<10000xf32, #tpu.memory_space<vmem>>) dst(%arg13 : memref<10000xf32, #tpu.memory_space<vmem_shared>>)
        tpu.yield
      }) : () -> ()
    } else {
    }
    %mul3A_49 = arith.constant 80 : i32
    %mul3A_50 = arith.muli %add3A, %mul3A_49 : i32
    %multiple_of3A = tpu.assume_multiple %mul3A_50, 8 : i32
    %run_scoped3A = arith.constant 1 : i32
    "tpu.region"() ({
      %run_scoped3A_89 = tpu.sem_alloc : memref<!tpu.dma_semaphore, #tpu.memory_space<semaphore_mem>>
      %dma_start3A = arith.constant 0 : i32
      %dma_start3A_90 = tpu.memref_slice %arg2[%run_scoped3A, %multiple_of3A, %dma_start3A] : memref<2x2560x125xi32, #tpu.memory_space<hbm>> -> memref<1x80x125xi32, #tpu.memory_space<hbm>>
      %dma_start3A_91 = tpu.memref_squeeze %dma_start3A_90 : memref<1x80x125xi32, #tpu.memory_space<hbm>> -> memref<80x125xi32, #tpu.memory_space<hbm>>
      %dma_start3A_92 = arith.constant 0 : i32
      %dma_start3A_93 = tpu.memref_slice %arg2[%run_scoped3A, %multiple_of3A, %dma_start3A_92] : memref<2x2560x125xi32, #tpu.memory_space<hbm>> -> memref<1x80x125xi32, #tpu.memory_space<hbm>>
      %dma_start3A_94 = tpu.memref_squeeze %dma_start3A_93 : memref<1x80x125xi32, #tpu.memory_space<hbm>> -> memref<80x125xi32, #tpu.memory_space<hbm>>
      tpu.enqueue_dma source(%dma_start3A_94 : memref<80x125xi32, #tpu.memory_space<hbm>>) target(%arg8 : memref<80x125xi32, #tpu.memory_space<vmem>>) target_semaphore(%run_scoped3A_89 : memref<!tpu.dma_semaphore, #tpu.memory_space<semaphore_mem>>)
      %dma_wait3A = arith.constant 0 : i32
      %dma_wait3A_95 = tpu.memref_slice %arg2[%run_scoped3A, %multiple_of3A, %dma_wait3A] : memref<2x2560x125xi32, #tpu.memory_space<hbm>> -> memref<1x80x125xi32, #tpu.memory_space<hbm>>
      %dma_wait3A_96 = tpu.memref_squeeze %dma_wait3A_95 : memref<1x80x125xi32, #tpu.memory_space<hbm>> -> memref<80x125xi32, #tpu.memory_space<hbm>>
      %dma_wait3A_97 = arith.constant 0 : i32
      %dma_wait3A_98 = tpu.memref_slice %arg2[%run_scoped3A, %multiple_of3A, %dma_wait3A_97] : memref<2x2560x125xi32, #tpu.memory_space<hbm>> -> memref<1x80x125xi32, #tpu.memory_space<hbm>>
      %dma_wait3A_99 = tpu.memref_squeeze %dma_wait3A_98 : memref<1x80x125xi32, #tpu.memory_space<hbm>> -> memref<80x125xi32, #tpu.memory_space<hbm>>
      tpu.wait_dma2 semaphore(%run_scoped3A_89 : memref<!tpu.dma_semaphore, #tpu.memory_space<semaphore_mem>>) src(%dma_wait3A_99 : memref<80x125xi32, #tpu.memory_space<hbm>>) dst(%arg8 : memref<80x125xi32, #tpu.memory_space<vmem>>)
      tpu.yield
    }) : () -> ()
    %barrier3A = arith.constant 0 : index
    tpu.barrier barrier_id(%barrier3A)
    %scan3A = arith.constant 0 : i32
    %scan3A_51 = arith.constant 0 : i32
    %scan3A_52 = arith.constant 80 : i32
    %scan3A_53 = arith.addi %scan3A_51, %scan3A_52 : i32
    %scan3A_54 = arith.constant 1 : i32
    scf.for %scan3A_89 = %scan3A_51 to %scan3A_53 step %scan3A_54  : i32 {
      "tpu.region"() ({
        %run_scoped3A_90 = tpu.sem_alloc : memref<!tpu.dma_semaphore, #tpu.memory_space<semaphore_mem>>
        %dma_start3A = arith.constant 0 : i32
        %dma_start3A_91 = tpu.memref_slice %arg11[%dma_start3A] : memref<128xf32, #tpu.memory_space<vmem>> -> memref<125xf32, #tpu.memory_space<vmem>>
        %dma_start3A_92 = arith.constant 0 : i32
        %dma_start3A_93 = tpu.memref_slice %arg8[%scan3A_89, %dma_start3A_92] : memref<80x125xi32, #tpu.memory_space<vmem>> -> memref<1x125xi32, #tpu.memory_space<vmem>>
        %dma_start3A_94 = tpu.memref_squeeze %dma_start3A_93 : memref<1x125xi32, #tpu.memory_space<vmem>> -> memref<125xi32, #tpu.memory_space<vmem>>
        %dma_start3A_95 = arith.constant 0 : i32
        %dma_start3A_96 = tpu.memref_slice %arg13[%dma_start3A_95] : memref<10000xf32, #tpu.memory_space<vmem_shared>> -> memref<10000xf32, #tpu.memory_space<vmem_shared>>
        tpu.enqueue_indirect_dma source(%dma_start3A_91 : memref<125xf32, #tpu.memory_space<vmem>>) target(%dma_start3A_96 : memref<10000xf32, #tpu.memory_space<vmem_shared>>) offsets(%dma_start3A_94 : memref<125xi32, #tpu.memory_space<vmem>>) semaphore(%run_scoped3A_90 : memref<!tpu.dma_semaphore, #tpu.memory_space<semaphore_mem>>) {add = true}
        %dma_wait3A = arith.constant 0 : i32
        %dma_wait3A_97 = tpu.memref_slice %arg11[%dma_wait3A] : memref<128xf32, #tpu.memory_space<vmem>> -> memref<125xf32, #tpu.memory_space<vmem>>
        %dma_wait3A_98 = arith.constant 0 : i32
        %dma_wait3A_99 = tpu.memref_slice %arg8[%scan3A_89, %dma_wait3A_98] : memref<80x125xi32, #tpu.memory_space<vmem>> -> memref<1x125xi32, #tpu.memory_space<vmem>>
        %dma_wait3A_100 = tpu.memref_squeeze %dma_wait3A_99 : memref<1x125xi32, #tpu.memory_space<vmem>> -> memref<125xi32, #tpu.memory_space<vmem>>
        %dma_wait3A_101 = arith.constant 0 : i32
        %dma_wait3A_102 = tpu.memref_slice %arg13[%dma_wait3A_101] : memref<10000xf32, #tpu.memory_space<vmem_shared>> -> memref<10000xf32, #tpu.memory_space<vmem_shared>>
        tpu.wait_indirect_dma semaphore(%run_scoped3A_90 : memref<!tpu.dma_semaphore, #tpu.memory_space<semaphore_mem>>) src(%dma_wait3A_97 : memref<125xf32, #tpu.memory_space<vmem>>) dst(%dma_wait3A_102 : memref<10000xf32, #tpu.memory_space<vmem_shared>>)
        tpu.yield
      }) : () -> ()
    }
    %scan3A_55 = arith.constant 80 : i32
    %add3A_56 = arith.constant 0 : i32
    %add3A_57 = arith.addi %add3A, %add3A_56 : i32
    %lt3A = arith.constant 125 : i32
    %lt3A_58 = arith.cmpi slt, %add3A_57, %lt3A : i32
    %convert_element_type3A_59 = arith.extui %lt3A_58 : i1 to i32
    %cond3A_60 = arith.constant 0 : i32
    %cond3A_61 = arith.cmpi ne, %convert_element_type3A_59, %cond3A_60 : i32
    scf.if %cond3A_61 {
      %mul3A_89 = arith.constant 80 : i32
      %mul3A_90 = arith.muli %add3A_57, %mul3A_89 : i32
      %multiple_of3A_91 = tpu.assume_multiple %mul3A_90, 8 : i32
      "tpu.region"() ({
        %run_scoped3A_99 = tpu.sem_alloc : memref<!tpu.dma_semaphore, #tpu.memory_space<semaphore_mem>>
        %dma_start3A_100 = tpu.memref_slice %arg3[%multiple_of3A_91] : memref<10000xi32, #tpu.memory_space<hbm>> -> memref<80xi32, #tpu.memory_space<hbm>>
        %dma_start3A_101 = tpu.memref_slice %arg3[%multiple_of3A_91] : memref<10000xi32, #tpu.memory_space<hbm>> -> memref<80xi32, #tpu.memory_space<hbm>>
        tpu.enqueue_dma source(%dma_start3A_101 : memref<80xi32, #tpu.memory_space<hbm>>) target(%arg9 : memref<80xi32, #tpu.memory_space<vmem>>) target_semaphore(%run_scoped3A_99 : memref<!tpu.dma_semaphore, #tpu.memory_space<semaphore_mem>>)
        %dma_wait3A_102 = tpu.memref_slice %arg3[%multiple_of3A_91] : memref<10000xi32, #tpu.memory_space<hbm>> -> memref<80xi32, #tpu.memory_space<hbm>>
        %dma_wait3A_103 = tpu.memref_slice %arg3[%multiple_of3A_91] : memref<10000xi32, #tpu.memory_space<hbm>> -> memref<80xi32, #tpu.memory_space<hbm>>
        tpu.wait_dma2 semaphore(%run_scoped3A_99 : memref<!tpu.dma_semaphore, #tpu.memory_space<semaphore_mem>>) src(%dma_wait3A_103 : memref<80xi32, #tpu.memory_space<hbm>>) dst(%arg9 : memref<80xi32, #tpu.memory_space<vmem>>)
        tpu.yield
      }) : () -> ()
      %dma_start3A = arith.constant 0 : i32
      %dma_start3A_92 = arith.constant 0 : i32
      %dma_start3A_93 = tpu.memref_slice %arg4[%dma_start3A, %dma_start3A_92] : memref<10000x128xf32, #tpu.memory_space<hbm>> -> memref<10000x128xf32, #tpu.memory_space<hbm>>
      tpu.enqueue_indirect_dma source(%dma_start3A_93 : memref<10000x128xf32, #tpu.memory_space<hbm>>) target(%arg10 : memref<80x128xf32, #tpu.memory_space<vmem>>) offsets(%arg9 : memref<80xi32, #tpu.memory_space<vmem>>) semaphore(%arg14 : memref<!tpu.dma_semaphore, #tpu.memory_space<semaphore_mem>>)
      %dma_wait3A = arith.constant 0 : i32
      %dma_wait3A_94 = arith.constant 0 : i32
      %dma_wait3A_95 = tpu.memref_slice %arg4[%dma_wait3A, %dma_wait3A_94] : memref<10000x128xf32, #tpu.memory_space<hbm>> -> memref<10000x128xf32, #tpu.memory_space<hbm>>
      tpu.wait_indirect_dma semaphore(%arg14 : memref<!tpu.dma_semaphore, #tpu.memory_space<semaphore_mem>>) src(%dma_wait3A_95 : memref<10000x128xf32, #tpu.memory_space<hbm>>) dst(%arg10 : memref<80x128xf32, #tpu.memory_space<vmem>>)
      %mul3A_96 = arith.constant 80 : i32
      %mul3A_97 = arith.muli %add3A_57, %mul3A_96 : i32
      %multiple_of3A_98 = tpu.assume_multiple %mul3A_97, 8 : i32
      "tpu.region"() ({
        %run_scoped3A_99 = tpu.sem_alloc : memref<!tpu.dma_semaphore, #tpu.memory_space<semaphore_mem>>
        %dma_start3A_100 = arith.constant 0 : i32
        %dma_start3A_101 = tpu.memref_slice %arg7[%multiple_of3A_98, %dma_start3A_100] : memref<10000x128xf32, #tpu.memory_space<hbm>> -> memref<80x128xf32, #tpu.memory_space<hbm>>
        %dma_start3A_102 = arith.constant 0 : i32
        %dma_start3A_103 = tpu.memref_slice %arg7[%multiple_of3A_98, %dma_start3A_102] : memref<10000x128xf32, #tpu.memory_space<hbm>> -> memref<80x128xf32, #tpu.memory_space<hbm>>
        tpu.enqueue_dma source(%arg10 : memref<80x128xf32, #tpu.memory_space<vmem>>) target(%dma_start3A_103 : memref<80x128xf32, #tpu.memory_space<hbm>>) target_semaphore(%run_scoped3A_99 : memref<!tpu.dma_semaphore, #tpu.memory_space<semaphore_mem>>)
        %dma_wait3A_104 = arith.constant 0 : i32
        %dma_wait3A_105 = tpu.memref_slice %arg7[%multiple_of3A_98, %dma_wait3A_104] : memref<10000x128xf32, #tpu.memory_space<hbm>> -> memref<80x128xf32, #tpu.memory_space<hbm>>
        %dma_wait3A_106 = arith.constant 0 : i32
        %dma_wait3A_107 = tpu.memref_slice %arg7[%multiple_of3A_98, %dma_wait3A_106] : memref<10000x128xf32, #tpu.memory_space<hbm>> -> memref<80x128xf32, #tpu.memory_space<hbm>>
        tpu.wait_dma2 semaphore(%run_scoped3A_99 : memref<!tpu.dma_semaphore, #tpu.memory_space<semaphore_mem>>) src(%arg10 : memref<80x128xf32, #tpu.memory_space<vmem>>) dst(%dma_wait3A_107 : memref<80x128xf32, #tpu.memory_space<hbm>>)
        tpu.yield
      }) : () -> ()
    } else {
    }
    %add3A_62 = arith.constant 32 : i32
    %add3A_63 = arith.addi %add3A, %add3A_62 : i32
    %lt3A_64 = arith.constant 125 : i32
    %lt3A_65 = arith.cmpi slt, %add3A_63, %lt3A_64 : i32
    %convert_element_type3A_66 = arith.extui %lt3A_65 : i1 to i32
    %cond3A_67 = arith.constant 0 : i32
    %cond3A_68 = arith.cmpi ne, %convert_element_type3A_66, %cond3A_67 : i32
    scf.if %cond3A_68 {
      %mul3A_89 = arith.constant 80 : i32
      %mul3A_90 = arith.muli %add3A_63, %mul3A_89 : i32
      %multiple_of3A_91 = tpu.assume_multiple %mul3A_90, 8 : i32
      "tpu.region"() ({
        %run_scoped3A_99 = tpu.sem_alloc : memref<!tpu.dma_semaphore, #tpu.memory_space<semaphore_mem>>
        %dma_start3A_100 = tpu.memref_slice %arg3[%multiple_of3A_91] : memref<10000xi32, #tpu.memory_space<hbm>> -> memref<80xi32, #tpu.memory_space<hbm>>
        %dma_start3A_101 = tpu.memref_slice %arg3[%multiple_of3A_91] : memref<10000xi32, #tpu.memory_space<hbm>> -> memref<80xi32, #tpu.memory_space<hbm>>
        tpu.enqueue_dma source(%dma_start3A_101 : memref<80xi32, #tpu.memory_space<hbm>>) target(%arg9 : memref<80xi32, #tpu.memory_space<vmem>>) target_semaphore(%run_scoped3A_99 : memref<!tpu.dma_semaphore, #tpu.memory_space<semaphore_mem>>)
        %dma_wait3A_102 = tpu.memref_slice %arg3[%multiple_of3A_91] : memref<10000xi32, #tpu.memory_space<hbm>> -> memref<80xi32, #tpu.memory_space<hbm>>
        %dma_wait3A_103 = tpu.memref_slice %arg3[%multiple_of3A_91] : memref<10000xi32, #tpu.memory_space<hbm>> -> memref<80xi32, #tpu.memory_space<hbm>>
        tpu.wait_dma2 semaphore(%run_scoped3A_99 : memref<!tpu.dma_semaphore, #tpu.memory_space<semaphore_mem>>) src(%dma_wait3A_103 : memref<80xi32, #tpu.memory_space<hbm>>) dst(%arg9 : memref<80xi32, #tpu.memory_space<vmem>>)
        tpu.yield
      }) : () -> ()
      %dma_start3A = arith.constant 0 : i32
      %dma_start3A_92 = arith.constant 0 : i32
      %dma_start3A_93 = tpu.memref_slice %arg4[%dma_start3A, %dma_start3A_92] : memref<10000x128xf32, #tpu.memory_space<hbm>> -> memref<10000x128xf32, #tpu.memory_space<hbm>>
      tpu.enqueue_indirect_dma source(%dma_start3A_93 : memref<10000x128xf32, #tpu.memory_space<hbm>>) target(%arg10 : memref<80x128xf32, #tpu.memory_space<vmem>>) offsets(%arg9 : memref<80xi32, #tpu.memory_space<vmem>>) semaphore(%arg14 : memref<!tpu.dma_semaphore, #tpu.memory_space<semaphore_mem>>)
      %dma_wait3A = arith.constant 0 : i32
      %dma_wait3A_94 = arith.constant 0 : i32
      %dma_wait3A_95 = tpu.memref_slice %arg4[%dma_wait3A, %dma_wait3A_94] : memref<10000x128xf32, #tpu.memory_space<hbm>> -> memref<10000x128xf32, #tpu.memory_space<hbm>>
      tpu.wait_indirect_dma semaphore(%arg14 : memref<!tpu.dma_semaphore, #tpu.memory_space<semaphore_mem>>) src(%dma_wait3A_95 : memref<10000x128xf32, #tpu.memory_space<hbm>>) dst(%arg10 : memref<80x128xf32, #tpu.memory_space<vmem>>)
      %mul3A_96 = arith.constant 80 : i32
      %mul3A_97 = arith.muli %add3A_63, %mul3A_96 : i32
      %multiple_of3A_98 = tpu.assume_multiple %mul3A_97, 8 : i32
      "tpu.region"() ({
        %run_scoped3A_99 = tpu.sem_alloc : memref<!tpu.dma_semaphore, #tpu.memory_space<semaphore_mem>>
        %dma_start3A_100 = arith.constant 0 : i32
        %dma_start3A_101 = tpu.memref_slice %arg7[%multiple_of3A_98, %dma_start3A_100] : memref<10000x128xf32, #tpu.memory_space<hbm>> -> memref<80x128xf32, #tpu.memory_space<hbm>>
        %dma_start3A_102 = arith.constant 0 : i32
        %dma_start3A_103 = tpu.memref_slice %arg7[%multiple_of3A_98, %dma_start3A_102] : memref<10000x128xf32, #tpu.memory_space<hbm>> -> memref<80x128xf32, #tpu.memory_space<hbm>>
        tpu.enqueue_dma source(%arg10 : memref<80x128xf32, #tpu.memory_space<vmem>>) target(%dma_start3A_103 : memref<80x128xf32, #tpu.memory_space<hbm>>) target_semaphore(%run_scoped3A_99 : memref<!tpu.dma_semaphore, #tpu.memory_space<semaphore_mem>>)
        %dma_wait3A_104 = arith.constant 0 : i32
        %dma_wait3A_105 = tpu.memref_slice %arg7[%multiple_of3A_98, %dma_wait3A_104] : memref<10000x128xf32, #tpu.memory_space<hbm>> -> memref<80x128xf32, #tpu.memory_space<hbm>>
        %dma_wait3A_106 = arith.constant 0 : i32
        %dma_wait3A_107 = tpu.memref_slice %arg7[%multiple_of3A_98, %dma_wait3A_106] : memref<10000x128xf32, #tpu.memory_space<hbm>> -> memref<80x128xf32, #tpu.memory_space<hbm>>
        tpu.wait_dma2 semaphore(%run_scoped3A_99 : memref<!tpu.dma_semaphore, #tpu.memory_space<semaphore_mem>>) src(%arg10 : memref<80x128xf32, #tpu.memory_space<vmem>>) dst(%dma_wait3A_107 : memref<80x128xf32, #tpu.memory_space<hbm>>)
        tpu.yield
      }) : () -> ()
    } else {
    }
    %add3A_69 = arith.constant 64 : i32
    %add3A_70 = arith.addi %add3A, %add3A_69 : i32
    %lt3A_71 = arith.constant 125 : i32
    %lt3A_72 = arith.cmpi slt, %add3A_70, %lt3A_71 : i32
    %convert_element_type3A_73 = arith.extui %lt3A_72 : i1 to i32
    %cond3A_74 = arith.constant 0 : i32
    %cond3A_75 = arith.cmpi ne, %convert_element_type3A_73, %cond3A_74 : i32
    scf.if %cond3A_75 {
      %mul3A_89 = arith.constant 80 : i32
      %mul3A_90 = arith.muli %add3A_70, %mul3A_89 : i32
      %multiple_of3A_91 = tpu.assume_multiple %mul3A_90, 8 : i32
      "tpu.region"() ({
        %run_scoped3A_99 = tpu.sem_alloc : memref<!tpu.dma_semaphore, #tpu.memory_space<semaphore_mem>>
        %dma_start3A_100 = tpu.memref_slice %arg3[%multiple_of3A_91] : memref<10000xi32, #tpu.memory_space<hbm>> -> memref<80xi32, #tpu.memory_space<hbm>>
        %dma_start3A_101 = tpu.memref_slice %arg3[%multiple_of3A_91] : memref<10000xi32, #tpu.memory_space<hbm>> -> memref<80xi32, #tpu.memory_space<hbm>>
        tpu.enqueue_dma source(%dma_start3A_101 : memref<80xi32, #tpu.memory_space<hbm>>) target(%arg9 : memref<80xi32, #tpu.memory_space<vmem>>) target_semaphore(%run_scoped3A_99 : memref<!tpu.dma_semaphore, #tpu.memory_space<semaphore_mem>>)
        %dma_wait3A_102 = tpu.memref_slice %arg3[%multiple_of3A_91] : memref<10000xi32, #tpu.memory_space<hbm>> -> memref<80xi32, #tpu.memory_space<hbm>>
        %dma_wait3A_103 = tpu.memref_slice %arg3[%multiple_of3A_91] : memref<10000xi32, #tpu.memory_space<hbm>> -> memref<80xi32, #tpu.memory_space<hbm>>
        tpu.wait_dma2 semaphore(%run_scoped3A_99 : memref<!tpu.dma_semaphore, #tpu.memory_space<semaphore_mem>>) src(%dma_wait3A_103 : memref<80xi32, #tpu.memory_space<hbm>>) dst(%arg9 : memref<80xi32, #tpu.memory_space<vmem>>)
        tpu.yield
      }) : () -> ()
      %dma_start3A = arith.constant 0 : i32
      %dma_start3A_92 = arith.constant 0 : i32
      %dma_start3A_93 = tpu.memref_slice %arg4[%dma_start3A, %dma_start3A_92] : memref<10000x128xf32, #tpu.memory_space<hbm>> -> memref<10000x128xf32, #tpu.memory_space<hbm>>
      tpu.enqueue_indirect_dma source(%dma_start3A_93 : memref<10000x128xf32, #tpu.memory_space<hbm>>) target(%arg10 : memref<80x128xf32, #tpu.memory_space<vmem>>) offsets(%arg9 : memref<80xi32, #tpu.memory_space<vmem>>) semaphore(%arg14 : memref<!tpu.dma_semaphore, #tpu.memory_space<semaphore_mem>>)
      %dma_wait3A = arith.constant 0 : i32
      %dma_wait3A_94 = arith.constant 0 : i32
      %dma_wait3A_95 = tpu.memref_slice %arg4[%dma_wait3A, %dma_wait3A_94] : memref<10000x128xf32, #tpu.memory_space<hbm>> -> memref<10000x128xf32, #tpu.memory_space<hbm>>
      tpu.wait_indirect_dma semaphore(%arg14 : memref<!tpu.dma_semaphore, #tpu.memory_space<semaphore_mem>>) src(%dma_wait3A_95 : memref<10000x128xf32, #tpu.memory_space<hbm>>) dst(%arg10 : memref<80x128xf32, #tpu.memory_space<vmem>>)
      %mul3A_96 = arith.constant 80 : i32
      %mul3A_97 = arith.muli %add3A_70, %mul3A_96 : i32
      %multiple_of3A_98 = tpu.assume_multiple %mul3A_97, 8 : i32
      "tpu.region"() ({
        %run_scoped3A_99 = tpu.sem_alloc : memref<!tpu.dma_semaphore, #tpu.memory_space<semaphore_mem>>
        %dma_start3A_100 = arith.constant 0 : i32
        %dma_start3A_101 = tpu.memref_slice %arg7[%multiple_of3A_98, %dma_start3A_100] : memref<10000x128xf32, #tpu.memory_space<hbm>> -> memref<80x128xf32, #tpu.memory_space<hbm>>
        %dma_start3A_102 = arith.constant 0 : i32
        %dma_start3A_103 = tpu.memref_slice %arg7[%multiple_of3A_98, %dma_start3A_102] : memref<10000x128xf32, #tpu.memory_space<hbm>> -> memref<80x128xf32, #tpu.memory_space<hbm>>
        tpu.enqueue_dma source(%arg10 : memref<80x128xf32, #tpu.memory_space<vmem>>) target(%dma_start3A_103 : memref<80x128xf32, #tpu.memory_space<hbm>>) target_semaphore(%run_scoped3A_99 : memref<!tpu.dma_semaphore, #tpu.memory_space<semaphore_mem>>)
        %dma_wait3A_104 = arith.constant 0 : i32
        %dma_wait3A_105 = tpu.memref_slice %arg7[%multiple_of3A_98, %dma_wait3A_104] : memref<10000x128xf32, #tpu.memory_space<hbm>> -> memref<80x128xf32, #tpu.memory_space<hbm>>
        %dma_wait3A_106 = arith.constant 0 : i32
        %dma_wait3A_107 = tpu.memref_slice %arg7[%multiple_of3A_98, %dma_wait3A_106] : memref<10000x128xf32, #tpu.memory_space<hbm>> -> memref<80x128xf32, #tpu.memory_space<hbm>>
        tpu.wait_dma2 semaphore(%run_scoped3A_99 : memref<!tpu.dma_semaphore, #tpu.memory_space<semaphore_mem>>) src(%arg10 : memref<80x128xf32, #tpu.memory_space<vmem>>) dst(%dma_wait3A_107 : memref<80x128xf32, #tpu.memory_space<hbm>>)
        tpu.yield
      }) : () -> ()
    } else {
    }
    %add3A_76 = arith.constant 96 : i32
    %add3A_77 = arith.addi %add3A, %add3A_76 : i32
    %lt3A_78 = arith.constant 125 : i32
    %lt3A_79 = arith.cmpi slt, %add3A_77, %lt3A_78 : i32
    %convert_element_type3A_80 = arith.extui %lt3A_79 : i1 to i32
    %cond3A_81 = arith.constant 0 : i32
    %cond3A_82 = arith.cmpi ne, %convert_element_type3A_80, %cond3A_81 : i32
    scf.if %cond3A_82 {
      %mul3A_89 = arith.constant 80 : i32
      %mul3A_90 = arith.muli %add3A_77, %mul3A_89 : i32
      %multiple_of3A_91 = tpu.assume_multiple %mul3A_90, 8 : i32
      "tpu.region"() ({
        %run_scoped3A_99 = tpu.sem_alloc : memref<!tpu.dma_semaphore, #tpu.memory_space<semaphore_mem>>
        %dma_start3A_100 = tpu.memref_slice %arg3[%multiple_of3A_91] : memref<10000xi32, #tpu.memory_space<hbm>> -> memref<80xi32, #tpu.memory_space<hbm>>
        %dma_start3A_101 = tpu.memref_slice %arg3[%multiple_of3A_91] : memref<10000xi32, #tpu.memory_space<hbm>> -> memref<80xi32, #tpu.memory_space<hbm>>
        tpu.enqueue_dma source(%dma_start3A_101 : memref<80xi32, #tpu.memory_space<hbm>>) target(%arg9 : memref<80xi32, #tpu.memory_space<vmem>>) target_semaphore(%run_scoped3A_99 : memref<!tpu.dma_semaphore, #tpu.memory_space<semaphore_mem>>)
        %dma_wait3A_102 = tpu.memref_slice %arg3[%multiple_of3A_91] : memref<10000xi32, #tpu.memory_space<hbm>> -> memref<80xi32, #tpu.memory_space<hbm>>
        %dma_wait3A_103 = tpu.memref_slice %arg3[%multiple_of3A_91] : memref<10000xi32, #tpu.memory_space<hbm>> -> memref<80xi32, #tpu.memory_space<hbm>>
        tpu.wait_dma2 semaphore(%run_scoped3A_99 : memref<!tpu.dma_semaphore, #tpu.memory_space<semaphore_mem>>) src(%dma_wait3A_103 : memref<80xi32, #tpu.memory_space<hbm>>) dst(%arg9 : memref<80xi32, #tpu.memory_space<vmem>>)
        tpu.yield
      }) : () -> ()
      %dma_start3A = arith.constant 0 : i32
      %dma_start3A_92 = arith.constant 0 : i32
      %dma_start3A_93 = tpu.memref_slice %arg4[%dma_start3A, %dma_start3A_92] : memref<10000x128xf32, #tpu.memory_space<hbm>> -> memref<10000x128xf32, #tpu.memory_space<hbm>>
      tpu.enqueue_indirect_dma source(%dma_start3A_93 : memref<10000x128xf32, #tpu.memory_space<hbm>>) target(%arg10 : memref<80x128xf32, #tpu.memory_space<vmem>>) offsets(%arg9 : memref<80xi32, #tpu.memory_space<vmem>>) semaphore(%arg14 : memref<!tpu.dma_semaphore, #tpu.memory_space<semaphore_mem>>)
      %dma_wait3A = arith.constant 0 : i32
      %dma_wait3A_94 = arith.constant 0 : i32
      %dma_wait3A_95 = tpu.memref_slice %arg4[%dma_wait3A, %dma_wait3A_94] : memref<10000x128xf32, #tpu.memory_space<hbm>> -> memref<10000x128xf32, #tpu.memory_space<hbm>>
      tpu.wait_indirect_dma semaphore(%arg14 : memref<!tpu.dma_semaphore, #tpu.memory_space<semaphore_mem>>) src(%dma_wait3A_95 : memref<10000x128xf32, #tpu.memory_space<hbm>>) dst(%arg10 : memref<80x128xf32, #tpu.memory_space<vmem>>)
      %mul3A_96 = arith.constant 80 : i32
      %mul3A_97 = arith.muli %add3A_77, %mul3A_96 : i32
      %multiple_of3A_98 = tpu.assume_multiple %mul3A_97, 8 : i32
      "tpu.region"() ({
        %run_scoped3A_99 = tpu.sem_alloc : memref<!tpu.dma_semaphore, #tpu.memory_space<semaphore_mem>>
        %dma_start3A_100 = arith.constant 0 : i32
        %dma_start3A_101 = tpu.memref_slice %arg7[%multiple_of3A_98, %dma_start3A_100] : memref<10000x128xf32, #tpu.memory_space<hbm>> -> memref<80x128xf32, #tpu.memory_space<hbm>>
        %dma_start3A_102 = arith.constant 0 : i32
        %dma_start3A_103 = tpu.memref_slice %arg7[%multiple_of3A_98, %dma_start3A_102] : memref<10000x128xf32, #tpu.memory_space<hbm>> -> memref<80x128xf32, #tpu.memory_space<hbm>>
        tpu.enqueue_dma source(%arg10 : memref<80x128xf32, #tpu.memory_space<vmem>>) target(%dma_start3A_103 : memref<80x128xf32, #tpu.memory_space<hbm>>) target_semaphore(%run_scoped3A_99 : memref<!tpu.dma_semaphore, #tpu.memory_space<semaphore_mem>>)
        %dma_wait3A_104 = arith.constant 0 : i32
        %dma_wait3A_105 = tpu.memref_slice %arg7[%multiple_of3A_98, %dma_wait3A_104] : memref<10000x128xf32, #tpu.memory_space<hbm>> -> memref<80x128xf32, #tpu.memory_space<hbm>>
        %dma_wait3A_106 = arith.constant 0 : i32
        %dma_wait3A_107 = tpu.memref_slice %arg7[%multiple_of3A_98, %dma_wait3A_106] : memref<10000x128xf32, #tpu.memory_space<hbm>> -> memref<80x128xf32, #tpu.memory_space<hbm>>
        tpu.wait_dma2 semaphore(%run_scoped3A_99 : memref<!tpu.dma_semaphore, #tpu.memory_space<semaphore_mem>>) src(%arg10 : memref<80x128xf32, #tpu.memory_space<vmem>>) dst(%dma_wait3A_107 : memref<80x128xf32, #tpu.memory_space<hbm>>)
        tpu.yield
      }) : () -> ()
    } else {
    }
    %barrier3A_83 = arith.constant 0 : index
    tpu.barrier barrier_id(%barrier3A_83)
    %eq3A_84 = arith.constant 0 : i32
    %eq3A_85 = arith.cmpi eq, %arg1, %eq3A_84 : i32
    %convert_element_type3A_86 = arith.extui %eq3A_85 : i1 to i32
    %cond3A_87 = arith.constant 0 : i32
    %cond3A_88 = arith.cmpi ne, %convert_element_type3A_86, %cond3A_87 : i32
    scf.if %cond3A_88 {
      "tpu.region"() ({
        %run_scoped3A_92 = tpu.sem_alloc : memref<!tpu.dma_semaphore, #tpu.memory_space<semaphore_mem>>
        tpu.enqueue_dma source(%arg13 : memref<10000xf32, #tpu.memory_space<vmem_shared>>) target(%arg12 : memref<10000xf32, #tpu.memory_space<vmem>>) target_semaphore(%run_scoped3A_92 : memref<!tpu.dma_semaphore, #tpu.memory_space<semaphore_mem>>)
        tpu.wait_dma2 semaphore(%run_scoped3A_92 : memref<!tpu.dma_semaphore, #tpu.memory_space<semaphore_mem>>) src(%arg13 : memref<10000xf32, #tpu.memory_space<vmem_shared>>) dst(%arg12 : memref<10000xf32, #tpu.memory_space<vmem>>)
        tpu.yield
      }) : () -> ()
      %mul3A_89 = arith.constant 10000 : i32
      %mul3A_90 = arith.muli %arg0, %mul3A_89 : i32
      %multiple_of3A_91 = tpu.assume_multiple %mul3A_90, 8 : i32
      "tpu.region"() ({
        %run_scoped3A_92 = tpu.sem_alloc : memref<!tpu.dma_semaphore, #tpu.memory_space<semaphore_mem>>
        %dma_start3A = tpu.memref_slice %arg6[%multiple_of3A_91] : memref<20000xf32, #tpu.memory_space<hbm>> -> memref<10000xf32, #tpu.memory_space<hbm>>
        %dma_start3A_93 = tpu.memref_slice %arg6[%multiple_of3A_91] : memref<20000xf32, #tpu.memory_space<hbm>> -> memref<10000xf32, #tpu.memory_space<hbm>>
        tpu.enqueue_dma source(%arg12 : memref<10000xf32, #tpu.memory_space<vmem>>) target(%dma_start3A_93 : memref<10000xf32, #tpu.memory_space<hbm>>) target_semaphore(%run_scoped3A_92 : memref<!tpu.dma_semaphore, #tpu.memory_space<semaphore_mem>>)
        %dma_wait3A = tpu.memref_slice %arg6[%multiple_of3A_91] : memref<20000xf32, #tpu.memory_space<hbm>> -> memref<10000xf32, #tpu.memory_space<hbm>>
        %dma_wait3A_94 = tpu.memref_slice %arg6[%multiple_of3A_91] : memref<20000xf32, #tpu.memory_space<hbm>> -> memref<10000xf32, #tpu.memory_space<hbm>>
        tpu.wait_dma2 semaphore(%run_scoped3A_92 : memref<!tpu.dma_semaphore, #tpu.memory_space<semaphore_mem>>) src(%arg12 : memref<10000xf32, #tpu.memory_space<vmem>>) dst(%dma_wait3A_94 : memref<10000xf32, #tpu.memory_space<hbm>>)
        tpu.yield
      }) : () -> ()
    } else {
    }
    return
  }
}

#map = affine_map<(d0, d1) -> (0, 0, 0)>
#map1 = affine_map<(d0, d1) -> (0, 0)>
module attributes {stable_mosaic.version = 14 : i64} {
  func.func @_sc3_body(%arg0: i32, %arg1: i32, %arg2: memref<2x2560x125xi32, #tpu.memory_space<hbm>>, %arg3: memref<10000x2xf32, #tpu.memory_space<hbm>>, %arg4: memref<10000x2xf32, #tpu.memory_space<hbm>>, %arg5: memref<2x10000x2xf32, #tpu.memory_space<hbm>>, %arg6: memref<80x125xi32, #tpu.memory_space<vmem>>, %arg7: memref<80x125xi32, #tpu.memory_space<vmem>>, %arg8: memref<125x2xf32, #tpu.memory_space<vmem>>, %arg9: memref<125x2xf32, #tpu.memory_space<vmem>>, %arg10: memref<125x2xf32, #tpu.memory_space<vmem>>, %arg11: memref<125x2xf32, #tpu.memory_space<vmem>>, %arg12: memref<125x2xf32, #tpu.memory_space<vmem>>, %arg13: memref<125x2xf32, #tpu.memory_space<vmem>>, %arg14: memref<125x2xf32, #tpu.memory_space<vmem>>, %arg15: memref<125x2xf32, #tpu.memory_space<vmem>>, %arg16: memref<10000x2xf32, #tpu.memory_space<vmem_shared>>, %arg17: memref<!tpu.dma_semaphore, #tpu.memory_space<semaphore_mem>>, %arg18: memref<!tpu.dma_semaphore, #tpu.memory_space<semaphore_mem>>) attributes {dimension_semantics = [#tpu.dimension_semantics<core_parallel>, #tpu.dimension_semantics<subcore_parallel>], iteration_bounds = array<i64: 2, 16>, scalar_prefetch = 0 : i64, scratch_operands = 13 : i64, tpu.core_type = #tpu.core_type<sc_vector_subcore>, window_params = [{transform_indices = #map}, {transform_indices = #map1}, {transform_indices = #map1}, {transform_indices = #map}]} {
    %mul3A = arith.constant 2 : i32
    %mul3A_0 = arith.muli %arg1, %mul3A : i32
    %add3A = arith.addi %mul3A_0, %arg0 : i32
    %mul3A_1 = arith.constant 80 : i32
    %mul3A_2 = arith.muli %add3A, %mul3A_1 : i32
    %multiple_of3A = tpu.assume_multiple %mul3A_2, 8 : i32
    %run_scoped3A = arith.constant 0 : i32
    "tpu.region"() ({
      %run_scoped3A_20 = tpu.sem_alloc : memref<!tpu.dma_semaphore, #tpu.memory_space<semaphore_mem>>
      %dma_start3A = arith.constant 0 : i32
      %dma_start3A_21 = tpu.memref_slice %arg2[%run_scoped3A, %multiple_of3A, %dma_start3A] : memref<2x2560x125xi32, #tpu.memory_space<hbm>> -> memref<1x80x125xi32, #tpu.memory_space<hbm>>
      %dma_start3A_22 = tpu.memref_squeeze %dma_start3A_21 : memref<1x80x125xi32, #tpu.memory_space<hbm>> -> memref<80x125xi32, #tpu.memory_space<hbm>>
      %dma_start3A_23 = arith.constant 0 : i32
      %dma_start3A_24 = tpu.memref_slice %arg2[%run_scoped3A, %multiple_of3A, %dma_start3A_23] : memref<2x2560x125xi32, #tpu.memory_space<hbm>> -> memref<1x80x125xi32, #tpu.memory_space<hbm>>
      %dma_start3A_25 = tpu.memref_squeeze %dma_start3A_24 : memref<1x80x125xi32, #tpu.memory_space<hbm>> -> memref<80x125xi32, #tpu.memory_space<hbm>>
      tpu.enqueue_dma source(%dma_start3A_25 : memref<80x125xi32, #tpu.memory_space<hbm>>) target(%arg6 : memref<80x125xi32, #tpu.memory_space<vmem>>) target_semaphore(%run_scoped3A_20 : memref<!tpu.dma_semaphore, #tpu.memory_space<semaphore_mem>>)
      %dma_wait3A = arith.constant 0 : i32
      %dma_wait3A_26 = tpu.memref_slice %arg2[%run_scoped3A, %multiple_of3A, %dma_wait3A] : memref<2x2560x125xi32, #tpu.memory_space<hbm>> -> memref<1x80x125xi32, #tpu.memory_space<hbm>>
      %dma_wait3A_27 = tpu.memref_squeeze %dma_wait3A_26 : memref<1x80x125xi32, #tpu.memory_space<hbm>> -> memref<80x125xi32, #tpu.memory_space<hbm>>
      %dma_wait3A_28 = arith.constant 0 : i32
      %dma_wait3A_29 = tpu.memref_slice %arg2[%run_scoped3A, %multiple_of3A, %dma_wait3A_28] : memref<2x2560x125xi32, #tpu.memory_space<hbm>> -> memref<1x80x125xi32, #tpu.memory_space<hbm>>
      %dma_wait3A_30 = tpu.memref_squeeze %dma_wait3A_29 : memref<1x80x125xi32, #tpu.memory_space<hbm>> -> memref<80x125xi32, #tpu.memory_space<hbm>>
      tpu.wait_dma2 semaphore(%run_scoped3A_20 : memref<!tpu.dma_semaphore, #tpu.memory_space<semaphore_mem>>) src(%dma_wait3A_30 : memref<80x125xi32, #tpu.memory_space<hbm>>) dst(%arg6 : memref<80x125xi32, #tpu.memory_space<vmem>>)
      tpu.yield
    }) : () -> ()
    %mul3A_3 = arith.constant 80 : i32
    %mul3A_4 = arith.muli %add3A, %mul3A_3 : i32
    %multiple_of3A_5 = tpu.assume_multiple %mul3A_4, 8 : i32
    %run_scoped3A_6 = arith.constant 1 : i32
    "tpu.region"() ({
      %run_scoped3A_20 = tpu.sem_alloc : memref<!tpu.dma_semaphore, #tpu.memory_space<semaphore_mem>>
      %dma_start3A = arith.constant 0 : i32
      %dma_start3A_21 = tpu.memref_slice %arg2[%run_scoped3A_6, %multiple_of3A_5, %dma_start3A] : memref<2x2560x125xi32, #tpu.memory_space<hbm>> -> memref<1x80x125xi32, #tpu.memory_space<hbm>>
      %dma_start3A_22 = tpu.memref_squeeze %dma_start3A_21 : memref<1x80x125xi32, #tpu.memory_space<hbm>> -> memref<80x125xi32, #tpu.memory_space<hbm>>
      %dma_start3A_23 = arith.constant 0 : i32
      %dma_start3A_24 = tpu.memref_slice %arg2[%run_scoped3A_6, %multiple_of3A_5, %dma_start3A_23] : memref<2x2560x125xi32, #tpu.memory_space<hbm>> -> memref<1x80x125xi32, #tpu.memory_space<hbm>>
      %dma_start3A_25 = tpu.memref_squeeze %dma_start3A_24 : memref<1x80x125xi32, #tpu.memory_space<hbm>> -> memref<80x125xi32, #tpu.memory_space<hbm>>
      tpu.enqueue_dma source(%dma_start3A_25 : memref<80x125xi32, #tpu.memory_space<hbm>>) target(%arg7 : memref<80x125xi32, #tpu.memory_space<vmem>>) target_semaphore(%run_scoped3A_20 : memref<!tpu.dma_semaphore, #tpu.memory_space<semaphore_mem>>)
      %dma_wait3A = arith.constant 0 : i32
      %dma_wait3A_26 = tpu.memref_slice %arg2[%run_scoped3A_6, %multiple_of3A_5, %dma_wait3A] : memref<2x2560x125xi32, #tpu.memory_space<hbm>> -> memref<1x80x125xi32, #tpu.memory_space<hbm>>
      %dma_wait3A_27 = tpu.memref_squeeze %dma_wait3A_26 : memref<1x80x125xi32, #tpu.memory_space<hbm>> -> memref<80x125xi32, #tpu.memory_space<hbm>>
      %dma_wait3A_28 = arith.constant 0 : i32
      %dma_wait3A_29 = tpu.memref_slice %arg2[%run_scoped3A_6, %multiple_of3A_5, %dma_wait3A_28] : memref<2x2560x125xi32, #tpu.memory_space<hbm>> -> memref<1x80x125xi32, #tpu.memory_space<hbm>>
      %dma_wait3A_30 = tpu.memref_squeeze %dma_wait3A_29 : memref<1x80x125xi32, #tpu.memory_space<hbm>> -> memref<80x125xi32, #tpu.memory_space<hbm>>
      tpu.wait_dma2 semaphore(%run_scoped3A_20 : memref<!tpu.dma_semaphore, #tpu.memory_space<semaphore_mem>>) src(%dma_wait3A_30 : memref<80x125xi32, #tpu.memory_space<hbm>>) dst(%arg7 : memref<80x125xi32, #tpu.memory_space<vmem>>)
      tpu.yield
    }) : () -> ()
    %eq3A = arith.constant 0 : i32
    %eq3A_7 = arith.cmpi eq, %arg1, %eq3A : i32
    %convert_element_type3A = arith.extui %eq3A_7 : i1 to i32
    %cond3A = arith.constant 0 : i32
    %cond3A_8 = arith.cmpi ne, %convert_element_type3A, %cond3A : i32
    scf.if %cond3A_8 {
      "tpu.region"() ({
        %run_scoped3A_20 = tpu.sem_alloc : memref<!tpu.dma_semaphore, #tpu.memory_space<semaphore_mem>>
        tpu.enqueue_dma source(%arg4 : memref<10000x2xf32, #tpu.memory_space<hbm>>) target(%arg16 : memref<10000x2xf32, #tpu.memory_space<vmem_shared>>) target_semaphore(%run_scoped3A_20 : memref<!tpu.dma_semaphore, #tpu.memory_space<semaphore_mem>>)
        tpu.wait_dma2 semaphore(%run_scoped3A_20 : memref<!tpu.dma_semaphore, #tpu.memory_space<semaphore_mem>>) src(%arg4 : memref<10000x2xf32, #tpu.memory_space<hbm>>) dst(%arg16 : memref<10000x2xf32, #tpu.memory_space<vmem_shared>>)
        tpu.yield
      }) : () -> ()
    } else {
    }
    %barrier3A = arith.constant 0 : index
    tpu.barrier barrier_id(%barrier3A)
    %scan3A = arith.constant 0 : i32
    %scan3A_9 = arith.constant 0 : i32
    %scan3A_10 = arith.constant 10 : i32
    %scan3A_11 = arith.addi %scan3A_9, %scan3A_10 : i32
    %scan3A_12 = arith.constant 1 : i32
    scf.for %scan3A_20 = %scan3A_9 to %scan3A_11 step %scan3A_12  : i32 {
      %mul3A_21 = arith.constant 8 : i32
      %mul3A_22 = arith.muli %mul3A_21, %scan3A_20 : i32
      %add3A_23 = arith.constant 0 : i32
      %add3A_24 = arith.addi %mul3A_22, %add3A_23 : i32
      %dma_start3A = arith.constant 0 : i32
      %dma_start3A_25 = tpu.memref_slice %arg6[%add3A_24, %dma_start3A] : memref<80x125xi32, #tpu.memory_space<vmem>> -> memref<1x125xi32, #tpu.memory_space<vmem>>
      %dma_start3A_26 = tpu.memref_squeeze %dma_start3A_25 : memref<1x125xi32, #tpu.memory_space<vmem>> -> memref<125xi32, #tpu.memory_space<vmem>>
      %dma_start3A_27 = arith.constant 0 : i32
      %dma_start3A_28 = arith.constant 0 : i32
      %dma_start3A_29 = tpu.memref_slice %arg3[%dma_start3A_27, %dma_start3A_28] : memref<10000x2xf32, #tpu.memory_space<hbm>> -> memref<10000x2xf32, #tpu.memory_space<hbm>>
      tpu.enqueue_indirect_dma source(%dma_start3A_29 : memref<10000x2xf32, #tpu.memory_space<hbm>>) target(%arg8 : memref<125x2xf32, #tpu.memory_space<vmem>>) offsets(%dma_start3A_26 : memref<125xi32, #tpu.memory_space<vmem>>) semaphore(%arg17 : memref<!tpu.dma_semaphore, #tpu.memory_space<semaphore_mem>>)
      %add3A_30 = arith.constant 1 : i32
      %add3A_31 = arith.addi %mul3A_22, %add3A_30 : i32
      %dma_start3A_32 = arith.constant 0 : i32
      %dma_start3A_33 = tpu.memref_slice %arg6[%add3A_31, %dma_start3A_32] : memref<80x125xi32, #tpu.memory_space<vmem>> -> memref<1x125xi32, #tpu.memory_space<vmem>>
      %dma_start3A_34 = tpu.memref_squeeze %dma_start3A_33 : memref<1x125xi32, #tpu.memory_space<vmem>> -> memref<125xi32, #tpu.memory_space<vmem>>
      %dma_start3A_35 = arith.constant 0 : i32
      %dma_start3A_36 = arith.constant 0 : i32
      %dma_start3A_37 = tpu.memref_slice %arg3[%dma_start3A_35, %dma_start3A_36] : memref<10000x2xf32, #tpu.memory_space<hbm>> -> memref<10000x2xf32, #tpu.memory_space<hbm>>
      tpu.enqueue_indirect_dma source(%dma_start3A_37 : memref<10000x2xf32, #tpu.memory_space<hbm>>) target(%arg9 : memref<125x2xf32, #tpu.memory_space<vmem>>) offsets(%dma_start3A_34 : memref<125xi32, #tpu.memory_space<vmem>>) semaphore(%arg17 : memref<!tpu.dma_semaphore, #tpu.memory_space<semaphore_mem>>)
      %add3A_38 = arith.constant 2 : i32
      %add3A_39 = arith.addi %mul3A_22, %add3A_38 : i32
      %dma_start3A_40 = arith.constant 0 : i32
      %dma_start3A_41 = tpu.memref_slice %arg6[%add3A_39, %dma_start3A_40] : memref<80x125xi32, #tpu.memory_space<vmem>> -> memref<1x125xi32, #tpu.memory_space<vmem>>
      %dma_start3A_42 = tpu.memref_squeeze %dma_start3A_41 : memref<1x125xi32, #tpu.memory_space<vmem>> -> memref<125xi32, #tpu.memory_space<vmem>>
      %dma_start3A_43 = arith.constant 0 : i32
      %dma_start3A_44 = arith.constant 0 : i32
      %dma_start3A_45 = tpu.memref_slice %arg3[%dma_start3A_43, %dma_start3A_44] : memref<10000x2xf32, #tpu.memory_space<hbm>> -> memref<10000x2xf32, #tpu.memory_space<hbm>>
      tpu.enqueue_indirect_dma source(%dma_start3A_45 : memref<10000x2xf32, #tpu.memory_space<hbm>>) target(%arg10 : memref<125x2xf32, #tpu.memory_space<vmem>>) offsets(%dma_start3A_42 : memref<125xi32, #tpu.memory_space<vmem>>) semaphore(%arg17 : memref<!tpu.dma_semaphore, #tpu.memory_space<semaphore_mem>>)
      %add3A_46 = arith.constant 3 : i32
      %add3A_47 = arith.addi %mul3A_22, %add3A_46 : i32
      %dma_start3A_48 = arith.constant 0 : i32
      %dma_start3A_49 = tpu.memref_slice %arg6[%add3A_47, %dma_start3A_48] : memref<80x125xi32, #tpu.memory_space<vmem>> -> memref<1x125xi32, #tpu.memory_space<vmem>>
      %dma_start3A_50 = tpu.memref_squeeze %dma_start3A_49 : memref<1x125xi32, #tpu.memory_space<vmem>> -> memref<125xi32, #tpu.memory_space<vmem>>
      %dma_start3A_51 = arith.constant 0 : i32
      %dma_start3A_52 = arith.constant 0 : i32
      %dma_start3A_53 = tpu.memref_slice %arg3[%dma_start3A_51, %dma_start3A_52] : memref<10000x2xf32, #tpu.memory_space<hbm>> -> memref<10000x2xf32, #tpu.memory_space<hbm>>
      tpu.enqueue_indirect_dma source(%dma_start3A_53 : memref<10000x2xf32, #tpu.memory_space<hbm>>) target(%arg11 : memref<125x2xf32, #tpu.memory_space<vmem>>) offsets(%dma_start3A_50 : memref<125xi32, #tpu.memory_space<vmem>>) semaphore(%arg17 : memref<!tpu.dma_semaphore, #tpu.memory_space<semaphore_mem>>)
      %add3A_54 = arith.constant 4 : i32
      %add3A_55 = arith.addi %mul3A_22, %add3A_54 : i32
      %dma_start3A_56 = arith.constant 0 : i32
      %dma_start3A_57 = tpu.memref_slice %arg6[%add3A_55, %dma_start3A_56] : memref<80x125xi32, #tpu.memory_space<vmem>> -> memref<1x125xi32, #tpu.memory_space<vmem>>
      %dma_start3A_58 = tpu.memref_squeeze %dma_start3A_57 : memref<1x125xi32, #tpu.memory_space<vmem>> -> memref<125xi32, #tpu.memory_space<vmem>>
      %dma_start3A_59 = arith.constant 0 : i32
      %dma_start3A_60 = arith.constant 0 : i32
      %dma_start3A_61 = tpu.memref_slice %arg3[%dma_start3A_59, %dma_start3A_60] : memref<10000x2xf32, #tpu.memory_space<hbm>> -> memref<10000x2xf32, #tpu.memory_space<hbm>>
      tpu.enqueue_indirect_dma source(%dma_start3A_61 : memref<10000x2xf32, #tpu.memory_space<hbm>>) target(%arg12 : memref<125x2xf32, #tpu.memory_space<vmem>>) offsets(%dma_start3A_58 : memref<125xi32, #tpu.memory_space<vmem>>) semaphore(%arg17 : memref<!tpu.dma_semaphore, #tpu.memory_space<semaphore_mem>>)
      %add3A_62 = arith.constant 5 : i32
      %add3A_63 = arith.addi %mul3A_22, %add3A_62 : i32
      %dma_start3A_64 = arith.constant 0 : i32
      %dma_start3A_65 = tpu.memref_slice %arg6[%add3A_63, %dma_start3A_64] : memref<80x125xi32, #tpu.memory_space<vmem>> -> memref<1x125xi32, #tpu.memory_space<vmem>>
      %dma_start3A_66 = tpu.memref_squeeze %dma_start3A_65 : memref<1x125xi32, #tpu.memory_space<vmem>> -> memref<125xi32, #tpu.memory_space<vmem>>
      %dma_start3A_67 = arith.constant 0 : i32
      %dma_start3A_68 = arith.constant 0 : i32
      %dma_start3A_69 = tpu.memref_slice %arg3[%dma_start3A_67, %dma_start3A_68] : memref<10000x2xf32, #tpu.memory_space<hbm>> -> memref<10000x2xf32, #tpu.memory_space<hbm>>
      tpu.enqueue_indirect_dma source(%dma_start3A_69 : memref<10000x2xf32, #tpu.memory_space<hbm>>) target(%arg13 : memref<125x2xf32, #tpu.memory_space<vmem>>) offsets(%dma_start3A_66 : memref<125xi32, #tpu.memory_space<vmem>>) semaphore(%arg17 : memref<!tpu.dma_semaphore, #tpu.memory_space<semaphore_mem>>)
      %add3A_70 = arith.constant 6 : i32
      %add3A_71 = arith.addi %mul3A_22, %add3A_70 : i32
      %dma_start3A_72 = arith.constant 0 : i32
      %dma_start3A_73 = tpu.memref_slice %arg6[%add3A_71, %dma_start3A_72] : memref<80x125xi32, #tpu.memory_space<vmem>> -> memref<1x125xi32, #tpu.memory_space<vmem>>
      %dma_start3A_74 = tpu.memref_squeeze %dma_start3A_73 : memref<1x125xi32, #tpu.memory_space<vmem>> -> memref<125xi32, #tpu.memory_space<vmem>>
      %dma_start3A_75 = arith.constant 0 : i32
      %dma_start3A_76 = arith.constant 0 : i32
      %dma_start3A_77 = tpu.memref_slice %arg3[%dma_start3A_75, %dma_start3A_76] : memref<10000x2xf32, #tpu.memory_space<hbm>> -> memref<10000x2xf32, #tpu.memory_space<hbm>>
      tpu.enqueue_indirect_dma source(%dma_start3A_77 : memref<10000x2xf32, #tpu.memory_space<hbm>>) target(%arg14 : memref<125x2xf32, #tpu.memory_space<vmem>>) offsets(%dma_start3A_74 : memref<125xi32, #tpu.memory_space<vmem>>) semaphore(%arg17 : memref<!tpu.dma_semaphore, #tpu.memory_space<semaphore_mem>>)
      %add3A_78 = arith.constant 7 : i32
      %add3A_79 = arith.addi %mul3A_22, %add3A_78 : i32
      %dma_start3A_80 = arith.constant 0 : i32
      %dma_start3A_81 = tpu.memref_slice %arg6[%add3A_79, %dma_start3A_80] : memref<80x125xi32, #tpu.memory_space<vmem>> -> memref<1x125xi32, #tpu.memory_space<vmem>>
      %dma_start3A_82 = tpu.memref_squeeze %dma_start3A_81 : memref<1x125xi32, #tpu.memory_space<vmem>> -> memref<125xi32, #tpu.memory_space<vmem>>
      %dma_start3A_83 = arith.constant 0 : i32
      %dma_start3A_84 = arith.constant 0 : i32
      %dma_start3A_85 = tpu.memref_slice %arg3[%dma_start3A_83, %dma_start3A_84] : memref<10000x2xf32, #tpu.memory_space<hbm>> -> memref<10000x2xf32, #tpu.memory_space<hbm>>
      tpu.enqueue_indirect_dma source(%dma_start3A_85 : memref<10000x2xf32, #tpu.memory_space<hbm>>) target(%arg15 : memref<125x2xf32, #tpu.memory_space<vmem>>) offsets(%dma_start3A_82 : memref<125xi32, #tpu.memory_space<vmem>>) semaphore(%arg17 : memref<!tpu.dma_semaphore, #tpu.memory_space<semaphore_mem>>)
      %dma_wait3A = arith.constant 0 : i32
      %dma_wait3A_86 = tpu.memref_slice %arg6[%add3A_24, %dma_wait3A] : memref<80x125xi32, #tpu.memory_space<vmem>> -> memref<1x125xi32, #tpu.memory_space<vmem>>
      %dma_wait3A_87 = tpu.memref_squeeze %dma_wait3A_86 : memref<1x125xi32, #tpu.memory_space<vmem>> -> memref<125xi32, #tpu.memory_space<vmem>>
      %dma_wait3A_88 = arith.constant 0 : i32
      %dma_wait3A_89 = arith.constant 0 : i32
      %dma_wait3A_90 = tpu.memref_slice %arg3[%dma_wait3A_88, %dma_wait3A_89] : memref<10000x2xf32, #tpu.memory_space<hbm>> -> memref<10000x2xf32, #tpu.memory_space<hbm>>
      tpu.wait_indirect_dma semaphore(%arg17 : memref<!tpu.dma_semaphore, #tpu.memory_space<semaphore_mem>>) src(%dma_wait3A_90 : memref<10000x2xf32, #tpu.memory_space<hbm>>) dst(%arg8 : memref<125x2xf32, #tpu.memory_space<vmem>>)
      %add3A_91 = arith.constant 0 : i32
      %add3A_92 = arith.addi %mul3A_22, %add3A_91 : i32
      %dma_start3A_93 = arith.constant 0 : i32
      %dma_start3A_94 = tpu.memref_slice %arg7[%add3A_92, %dma_start3A_93] : memref<80x125xi32, #tpu.memory_space<vmem>> -> memref<1x125xi32, #tpu.memory_space<vmem>>
      %dma_start3A_95 = tpu.memref_squeeze %dma_start3A_94 : memref<1x125xi32, #tpu.memory_space<vmem>> -> memref<125xi32, #tpu.memory_space<vmem>>
      %dma_start3A_96 = arith.constant 0 : i32
      %dma_start3A_97 = arith.constant 0 : i32
      %dma_start3A_98 = tpu.memref_slice %arg16[%dma_start3A_96, %dma_start3A_97] : memref<10000x2xf32, #tpu.memory_space<vmem_shared>> -> memref<10000x2xf32, #tpu.memory_space<vmem_shared>>
      tpu.enqueue_indirect_dma source(%arg8 : memref<125x2xf32, #tpu.memory_space<vmem>>) target(%dma_start3A_98 : memref<10000x2xf32, #tpu.memory_space<vmem_shared>>) offsets(%dma_start3A_95 : memref<125xi32, #tpu.memory_space<vmem>>) semaphore(%arg18 : memref<!tpu.dma_semaphore, #tpu.memory_space<semaphore_mem>>) {add = true}
      %dma_wait3A_99 = arith.constant 0 : i32
      %dma_wait3A_100 = tpu.memref_slice %arg6[%add3A_31, %dma_wait3A_99] : memref<80x125xi32, #tpu.memory_space<vmem>> -> memref<1x125xi32, #tpu.memory_space<vmem>>
      %dma_wait3A_101 = tpu.memref_squeeze %dma_wait3A_100 : memref<1x125xi32, #tpu.memory_space<vmem>> -> memref<125xi32, #tpu.memory_space<vmem>>
      %dma_wait3A_102 = arith.constant 0 : i32
      %dma_wait3A_103 = arith.constant 0 : i32
      %dma_wait3A_104 = tpu.memref_slice %arg3[%dma_wait3A_102, %dma_wait3A_103] : memref<10000x2xf32, #tpu.memory_space<hbm>> -> memref<10000x2xf32, #tpu.memory_space<hbm>>
      tpu.wait_indirect_dma semaphore(%arg17 : memref<!tpu.dma_semaphore, #tpu.memory_space<semaphore_mem>>) src(%dma_wait3A_104 : memref<10000x2xf32, #tpu.memory_space<hbm>>) dst(%arg9 : memref<125x2xf32, #tpu.memory_space<vmem>>)
      %add3A_105 = arith.constant 1 : i32
      %add3A_106 = arith.addi %mul3A_22, %add3A_105 : i32
      %dma_start3A_107 = arith.constant 0 : i32
      %dma_start3A_108 = tpu.memref_slice %arg7[%add3A_106, %dma_start3A_107] : memref<80x125xi32, #tpu.memory_space<vmem>> -> memref<1x125xi32, #tpu.memory_space<vmem>>
      %dma_start3A_109 = tpu.memref_squeeze %dma_start3A_108 : memref<1x125xi32, #tpu.memory_space<vmem>> -> memref<125xi32, #tpu.memory_space<vmem>>
      %dma_start3A_110 = arith.constant 0 : i32
      %dma_start3A_111 = arith.constant 0 : i32
      %dma_start3A_112 = tpu.memref_slice %arg16[%dma_start3A_110, %dma_start3A_111] : memref<10000x2xf32, #tpu.memory_space<vmem_shared>> -> memref<10000x2xf32, #tpu.memory_space<vmem_shared>>
      tpu.enqueue_indirect_dma source(%arg9 : memref<125x2xf32, #tpu.memory_space<vmem>>) target(%dma_start3A_112 : memref<10000x2xf32, #tpu.memory_space<vmem_shared>>) offsets(%dma_start3A_109 : memref<125xi32, #tpu.memory_space<vmem>>) semaphore(%arg18 : memref<!tpu.dma_semaphore, #tpu.memory_space<semaphore_mem>>) {add = true}
      %dma_wait3A_113 = arith.constant 0 : i32
      %dma_wait3A_114 = tpu.memref_slice %arg6[%add3A_39, %dma_wait3A_113] : memref<80x125xi32, #tpu.memory_space<vmem>> -> memref<1x125xi32, #tpu.memory_space<vmem>>
      %dma_wait3A_115 = tpu.memref_squeeze %dma_wait3A_114 : memref<1x125xi32, #tpu.memory_space<vmem>> -> memref<125xi32, #tpu.memory_space<vmem>>
      %dma_wait3A_116 = arith.constant 0 : i32
      %dma_wait3A_117 = arith.constant 0 : i32
      %dma_wait3A_118 = tpu.memref_slice %arg3[%dma_wait3A_116, %dma_wait3A_117] : memref<10000x2xf32, #tpu.memory_space<hbm>> -> memref<10000x2xf32, #tpu.memory_space<hbm>>
      tpu.wait_indirect_dma semaphore(%arg17 : memref<!tpu.dma_semaphore, #tpu.memory_space<semaphore_mem>>) src(%dma_wait3A_118 : memref<10000x2xf32, #tpu.memory_space<hbm>>) dst(%arg10 : memref<125x2xf32, #tpu.memory_space<vmem>>)
      %add3A_119 = arith.constant 2 : i32
      %add3A_120 = arith.addi %mul3A_22, %add3A_119 : i32
      %dma_start3A_121 = arith.constant 0 : i32
      %dma_start3A_122 = tpu.memref_slice %arg7[%add3A_120, %dma_start3A_121] : memref<80x125xi32, #tpu.memory_space<vmem>> -> memref<1x125xi32, #tpu.memory_space<vmem>>
      %dma_start3A_123 = tpu.memref_squeeze %dma_start3A_122 : memref<1x125xi32, #tpu.memory_space<vmem>> -> memref<125xi32, #tpu.memory_space<vmem>>
      %dma_start3A_124 = arith.constant 0 : i32
      %dma_start3A_125 = arith.constant 0 : i32
      %dma_start3A_126 = tpu.memref_slice %arg16[%dma_start3A_124, %dma_start3A_125] : memref<10000x2xf32, #tpu.memory_space<vmem_shared>> -> memref<10000x2xf32, #tpu.memory_space<vmem_shared>>
      tpu.enqueue_indirect_dma source(%arg10 : memref<125x2xf32, #tpu.memory_space<vmem>>) target(%dma_start3A_126 : memref<10000x2xf32, #tpu.memory_space<vmem_shared>>) offsets(%dma_start3A_123 : memref<125xi32, #tpu.memory_space<vmem>>) semaphore(%arg18 : memref<!tpu.dma_semaphore, #tpu.memory_space<semaphore_mem>>) {add = true}
      %dma_wait3A_127 = arith.constant 0 : i32
      %dma_wait3A_128 = tpu.memref_slice %arg6[%add3A_47, %dma_wait3A_127] : memref<80x125xi32, #tpu.memory_space<vmem>> -> memref<1x125xi32, #tpu.memory_space<vmem>>
      %dma_wait3A_129 = tpu.memref_squeeze %dma_wait3A_128 : memref<1x125xi32, #tpu.memory_space<vmem>> -> memref<125xi32, #tpu.memory_space<vmem>>
      %dma_wait3A_130 = arith.constant 0 : i32
      %dma_wait3A_131 = arith.constant 0 : i32
      %dma_wait3A_132 = tpu.memref_slice %arg3[%dma_wait3A_130, %dma_wait3A_131] : memref<10000x2xf32, #tpu.memory_space<hbm>> -> memref<10000x2xf32, #tpu.memory_space<hbm>>
      tpu.wait_indirect_dma semaphore(%arg17 : memref<!tpu.dma_semaphore, #tpu.memory_space<semaphore_mem>>) src(%dma_wait3A_132 : memref<10000x2xf32, #tpu.memory_space<hbm>>) dst(%arg11 : memref<125x2xf32, #tpu.memory_space<vmem>>)
      %add3A_133 = arith.constant 3 : i32
      %add3A_134 = arith.addi %mul3A_22, %add3A_133 : i32
      %dma_start3A_135 = arith.constant 0 : i32
      %dma_start3A_136 = tpu.memref_slice %arg7[%add3A_134, %dma_start3A_135] : memref<80x125xi32, #tpu.memory_space<vmem>> -> memref<1x125xi32, #tpu.memory_space<vmem>>
      %dma_start3A_137 = tpu.memref_squeeze %dma_start3A_136 : memref<1x125xi32, #tpu.memory_space<vmem>> -> memref<125xi32, #tpu.memory_space<vmem>>
      %dma_start3A_138 = arith.constant 0 : i32
      %dma_start3A_139 = arith.constant 0 : i32
      %dma_start3A_140 = tpu.memref_slice %arg16[%dma_start3A_138, %dma_start3A_139] : memref<10000x2xf32, #tpu.memory_space<vmem_shared>> -> memref<10000x2xf32, #tpu.memory_space<vmem_shared>>
      tpu.enqueue_indirect_dma source(%arg11 : memref<125x2xf32, #tpu.memory_space<vmem>>) target(%dma_start3A_140 : memref<10000x2xf32, #tpu.memory_space<vmem_shared>>) offsets(%dma_start3A_137 : memref<125xi32, #tpu.memory_space<vmem>>) semaphore(%arg18 : memref<!tpu.dma_semaphore, #tpu.memory_space<semaphore_mem>>) {add = true}
      %dma_wait3A_141 = arith.constant 0 : i32
      %dma_wait3A_142 = tpu.memref_slice %arg6[%add3A_55, %dma_wait3A_141] : memref<80x125xi32, #tpu.memory_space<vmem>> -> memref<1x125xi32, #tpu.memory_space<vmem>>
      %dma_wait3A_143 = tpu.memref_squeeze %dma_wait3A_142 : memref<1x125xi32, #tpu.memory_space<vmem>> -> memref<125xi32, #tpu.memory_space<vmem>>
      %dma_wait3A_144 = arith.constant 0 : i32
      %dma_wait3A_145 = arith.constant 0 : i32
      %dma_wait3A_146 = tpu.memref_slice %arg3[%dma_wait3A_144, %dma_wait3A_145] : memref<10000x2xf32, #tpu.memory_space<hbm>> -> memref<10000x2xf32, #tpu.memory_space<hbm>>
      tpu.wait_indirect_dma semaphore(%arg17 : memref<!tpu.dma_semaphore, #tpu.memory_space<semaphore_mem>>) src(%dma_wait3A_146 : memref<10000x2xf32, #tpu.memory_space<hbm>>) dst(%arg12 : memref<125x2xf32, #tpu.memory_space<vmem>>)
      %add3A_147 = arith.constant 4 : i32
      %add3A_148 = arith.addi %mul3A_22, %add3A_147 : i32
      %dma_start3A_149 = arith.constant 0 : i32
      %dma_start3A_150 = tpu.memref_slice %arg7[%add3A_148, %dma_start3A_149] : memref<80x125xi32, #tpu.memory_space<vmem>> -> memref<1x125xi32, #tpu.memory_space<vmem>>
      %dma_start3A_151 = tpu.memref_squeeze %dma_start3A_150 : memref<1x125xi32, #tpu.memory_space<vmem>> -> memref<125xi32, #tpu.memory_space<vmem>>
      %dma_start3A_152 = arith.constant 0 : i32
      %dma_start3A_153 = arith.constant 0 : i32
      %dma_start3A_154 = tpu.memref_slice %arg16[%dma_start3A_152, %dma_start3A_153] : memref<10000x2xf32, #tpu.memory_space<vmem_shared>> -> memref<10000x2xf32, #tpu.memory_space<vmem_shared>>
      tpu.enqueue_indirect_dma source(%arg12 : memref<125x2xf32, #tpu.memory_space<vmem>>) target(%dma_start3A_154 : memref<10000x2xf32, #tpu.memory_space<vmem_shared>>) offsets(%dma_start3A_151 : memref<125xi32, #tpu.memory_space<vmem>>) semaphore(%arg18 : memref<!tpu.dma_semaphore, #tpu.memory_space<semaphore_mem>>) {add = true}
      %dma_wait3A_155 = arith.constant 0 : i32
      %dma_wait3A_156 = tpu.memref_slice %arg6[%add3A_63, %dma_wait3A_155] : memref<80x125xi32, #tpu.memory_space<vmem>> -> memref<1x125xi32, #tpu.memory_space<vmem>>
      %dma_wait3A_157 = tpu.memref_squeeze %dma_wait3A_156 : memref<1x125xi32, #tpu.memory_space<vmem>> -> memref<125xi32, #tpu.memory_space<vmem>>
      %dma_wait3A_158 = arith.constant 0 : i32
      %dma_wait3A_159 = arith.constant 0 : i32
      %dma_wait3A_160 = tpu.memref_slice %arg3[%dma_wait3A_158, %dma_wait3A_159] : memref<10000x2xf32, #tpu.memory_space<hbm>> -> memref<10000x2xf32, #tpu.memory_space<hbm>>
      tpu.wait_indirect_dma semaphore(%arg17 : memref<!tpu.dma_semaphore, #tpu.memory_space<semaphore_mem>>) src(%dma_wait3A_160 : memref<10000x2xf32, #tpu.memory_space<hbm>>) dst(%arg13 : memref<125x2xf32, #tpu.memory_space<vmem>>)
      %add3A_161 = arith.constant 5 : i32
      %add3A_162 = arith.addi %mul3A_22, %add3A_161 : i32
      %dma_start3A_163 = arith.constant 0 : i32
      %dma_start3A_164 = tpu.memref_slice %arg7[%add3A_162, %dma_start3A_163] : memref<80x125xi32, #tpu.memory_space<vmem>> -> memref<1x125xi32, #tpu.memory_space<vmem>>
      %dma_start3A_165 = tpu.memref_squeeze %dma_start3A_164 : memref<1x125xi32, #tpu.memory_space<vmem>> -> memref<125xi32, #tpu.memory_space<vmem>>
      %dma_start3A_166 = arith.constant 0 : i32
      %dma_start3A_167 = arith.constant 0 : i32
      %dma_start3A_168 = tpu.memref_slice %arg16[%dma_start3A_166, %dma_start3A_167] : memref<10000x2xf32, #tpu.memory_space<vmem_shared>> -> memref<10000x2xf32, #tpu.memory_space<vmem_shared>>
      tpu.enqueue_indirect_dma source(%arg13 : memref<125x2xf32, #tpu.memory_space<vmem>>) target(%dma_start3A_168 : memref<10000x2xf32, #tpu.memory_space<vmem_shared>>) offsets(%dma_start3A_165 : memref<125xi32, #tpu.memory_space<vmem>>) semaphore(%arg18 : memref<!tpu.dma_semaphore, #tpu.memory_space<semaphore_mem>>) {add = true}
      %dma_wait3A_169 = arith.constant 0 : i32
      %dma_wait3A_170 = tpu.memref_slice %arg6[%add3A_71, %dma_wait3A_169] : memref<80x125xi32, #tpu.memory_space<vmem>> -> memref<1x125xi32, #tpu.memory_space<vmem>>
      %dma_wait3A_171 = tpu.memref_squeeze %dma_wait3A_170 : memref<1x125xi32, #tpu.memory_space<vmem>> -> memref<125xi32, #tpu.memory_space<vmem>>
      %dma_wait3A_172 = arith.constant 0 : i32
      %dma_wait3A_173 = arith.constant 0 : i32
      %dma_wait3A_174 = tpu.memref_slice %arg3[%dma_wait3A_172, %dma_wait3A_173] : memref<10000x2xf32, #tpu.memory_space<hbm>> -> memref<10000x2xf32, #tpu.memory_space<hbm>>
      tpu.wait_indirect_dma semaphore(%arg17 : memref<!tpu.dma_semaphore, #tpu.memory_space<semaphore_mem>>) src(%dma_wait3A_174 : memref<10000x2xf32, #tpu.memory_space<hbm>>) dst(%arg14 : memref<125x2xf32, #tpu.memory_space<vmem>>)
      %add3A_175 = arith.constant 6 : i32
      %add3A_176 = arith.addi %mul3A_22, %add3A_175 : i32
      %dma_start3A_177 = arith.constant 0 : i32
      %dma_start3A_178 = tpu.memref_slice %arg7[%add3A_176, %dma_start3A_177] : memref<80x125xi32, #tpu.memory_space<vmem>> -> memref<1x125xi32, #tpu.memory_space<vmem>>
      %dma_start3A_179 = tpu.memref_squeeze %dma_start3A_178 : memref<1x125xi32, #tpu.memory_space<vmem>> -> memref<125xi32, #tpu.memory_space<vmem>>
      %dma_start3A_180 = arith.constant 0 : i32
      %dma_start3A_181 = arith.constant 0 : i32
      %dma_start3A_182 = tpu.memref_slice %arg16[%dma_start3A_180, %dma_start3A_181] : memref<10000x2xf32, #tpu.memory_space<vmem_shared>> -> memref<10000x2xf32, #tpu.memory_space<vmem_shared>>
      tpu.enqueue_indirect_dma source(%arg14 : memref<125x2xf32, #tpu.memory_space<vmem>>) target(%dma_start3A_182 : memref<10000x2xf32, #tpu.memory_space<vmem_shared>>) offsets(%dma_start3A_179 : memref<125xi32, #tpu.memory_space<vmem>>) semaphore(%arg18 : memref<!tpu.dma_semaphore, #tpu.memory_space<semaphore_mem>>) {add = true}
      %dma_wait3A_183 = arith.constant 0 : i32
      %dma_wait3A_184 = tpu.memref_slice %arg6[%add3A_79, %dma_wait3A_183] : memref<80x125xi32, #tpu.memory_space<vmem>> -> memref<1x125xi32, #tpu.memory_space<vmem>>
      %dma_wait3A_185 = tpu.memref_squeeze %dma_wait3A_184 : memref<1x125xi32, #tpu.memory_space<vmem>> -> memref<125xi32, #tpu.memory_space<vmem>>
      %dma_wait3A_186 = arith.constant 0 : i32
      %dma_wait3A_187 = arith.constant 0 : i32
      %dma_wait3A_188 = tpu.memref_slice %arg3[%dma_wait3A_186, %dma_wait3A_187] : memref<10000x2xf32, #tpu.memory_space<hbm>> -> memref<10000x2xf32, #tpu.memory_space<hbm>>
      tpu.wait_indirect_dma semaphore(%arg17 : memref<!tpu.dma_semaphore, #tpu.memory_space<semaphore_mem>>) src(%dma_wait3A_188 : memref<10000x2xf32, #tpu.memory_space<hbm>>) dst(%arg15 : memref<125x2xf32, #tpu.memory_space<vmem>>)
      %add3A_189 = arith.constant 7 : i32
      %add3A_190 = arith.addi %mul3A_22, %add3A_189 : i32
      %dma_start3A_191 = arith.constant 0 : i32
      %dma_start3A_192 = tpu.memref_slice %arg7[%add3A_190, %dma_start3A_191] : memref<80x125xi32, #tpu.memory_space<vmem>> -> memref<1x125xi32, #tpu.memory_space<vmem>>
      %dma_start3A_193 = tpu.memref_squeeze %dma_start3A_192 : memref<1x125xi32, #tpu.memory_space<vmem>> -> memref<125xi32, #tpu.memory_space<vmem>>
      %dma_start3A_194 = arith.constant 0 : i32
      %dma_start3A_195 = arith.constant 0 : i32
      %dma_start3A_196 = tpu.memref_slice %arg16[%dma_start3A_194, %dma_start3A_195] : memref<10000x2xf32, #tpu.memory_space<vmem_shared>> -> memref<10000x2xf32, #tpu.memory_space<vmem_shared>>
      tpu.enqueue_indirect_dma source(%arg15 : memref<125x2xf32, #tpu.memory_space<vmem>>) target(%dma_start3A_196 : memref<10000x2xf32, #tpu.memory_space<vmem_shared>>) offsets(%dma_start3A_193 : memref<125xi32, #tpu.memory_space<vmem>>) semaphore(%arg18 : memref<!tpu.dma_semaphore, #tpu.memory_space<semaphore_mem>>) {add = true}
      %dma_wait3A_197 = arith.constant 0 : i32
      %dma_wait3A_198 = tpu.memref_slice %arg7[%add3A_92, %dma_wait3A_197] : memref<80x125xi32, #tpu.memory_space<vmem>> -> memref<1x125xi32, #tpu.memory_space<vmem>>
      %dma_wait3A_199 = tpu.memref_squeeze %dma_wait3A_198 : memref<1x125xi32, #tpu.memory_space<vmem>> -> memref<125xi32, #tpu.memory_space<vmem>>
      %dma_wait3A_200 = arith.constant 0 : i32
      %dma_wait3A_201 = arith.constant 0 : i32
      %dma_wait3A_202 = tpu.memref_slice %arg16[%dma_wait3A_200, %dma_wait3A_201] : memref<10000x2xf32, #tpu.memory_space<vmem_shared>> -> memref<10000x2xf32, #tpu.memory_space<vmem_shared>>
      tpu.wait_indirect_dma semaphore(%arg18 : memref<!tpu.dma_semaphore, #tpu.memory_space<semaphore_mem>>) src(%arg8 : memref<125x2xf32, #tpu.memory_space<vmem>>) dst(%dma_wait3A_202 : memref<10000x2xf32, #tpu.memory_space<vmem_shared>>)
      %dma_wait3A_203 = arith.constant 0 : i32
      %dma_wait3A_204 = tpu.memref_slice %arg7[%add3A_106, %dma_wait3A_203] : memref<80x125xi32, #tpu.memory_space<vmem>> -> memref<1x125xi32, #tpu.memory_space<vmem>>
      %dma_wait3A_205 = tpu.memref_squeeze %dma_wait3A_204 : memref<1x125xi32, #tpu.memory_space<vmem>> -> memref<125xi32, #tpu.memory_space<vmem>>
      %dma_wait3A_206 = arith.constant 0 : i32
      %dma_wait3A_207 = arith.constant 0 : i32
      %dma_wait3A_208 = tpu.memref_slice %arg16[%dma_wait3A_206, %dma_wait3A_207] : memref<10000x2xf32, #tpu.memory_space<vmem_shared>> -> memref<10000x2xf32, #tpu.memory_space<vmem_shared>>
      tpu.wait_indirect_dma semaphore(%arg18 : memref<!tpu.dma_semaphore, #tpu.memory_space<semaphore_mem>>) src(%arg9 : memref<125x2xf32, #tpu.memory_space<vmem>>) dst(%dma_wait3A_208 : memref<10000x2xf32, #tpu.memory_space<vmem_shared>>)
      %dma_wait3A_209 = arith.constant 0 : i32
      %dma_wait3A_210 = tpu.memref_slice %arg7[%add3A_120, %dma_wait3A_209] : memref<80x125xi32, #tpu.memory_space<vmem>> -> memref<1x125xi32, #tpu.memory_space<vmem>>
      %dma_wait3A_211 = tpu.memref_squeeze %dma_wait3A_210 : memref<1x125xi32, #tpu.memory_space<vmem>> -> memref<125xi32, #tpu.memory_space<vmem>>
      %dma_wait3A_212 = arith.constant 0 : i32
      %dma_wait3A_213 = arith.constant 0 : i32
      %dma_wait3A_214 = tpu.memref_slice %arg16[%dma_wait3A_212, %dma_wait3A_213] : memref<10000x2xf32, #tpu.memory_space<vmem_shared>> -> memref<10000x2xf32, #tpu.memory_space<vmem_shared>>
      tpu.wait_indirect_dma semaphore(%arg18 : memref<!tpu.dma_semaphore, #tpu.memory_space<semaphore_mem>>) src(%arg10 : memref<125x2xf32, #tpu.memory_space<vmem>>) dst(%dma_wait3A_214 : memref<10000x2xf32, #tpu.memory_space<vmem_shared>>)
      %dma_wait3A_215 = arith.constant 0 : i32
      %dma_wait3A_216 = tpu.memref_slice %arg7[%add3A_134, %dma_wait3A_215] : memref<80x125xi32, #tpu.memory_space<vmem>> -> memref<1x125xi32, #tpu.memory_space<vmem>>
      %dma_wait3A_217 = tpu.memref_squeeze %dma_wait3A_216 : memref<1x125xi32, #tpu.memory_space<vmem>> -> memref<125xi32, #tpu.memory_space<vmem>>
      %dma_wait3A_218 = arith.constant 0 : i32
      %dma_wait3A_219 = arith.constant 0 : i32
      %dma_wait3A_220 = tpu.memref_slice %arg16[%dma_wait3A_218, %dma_wait3A_219] : memref<10000x2xf32, #tpu.memory_space<vmem_shared>> -> memref<10000x2xf32, #tpu.memory_space<vmem_shared>>
      tpu.wait_indirect_dma semaphore(%arg18 : memref<!tpu.dma_semaphore, #tpu.memory_space<semaphore_mem>>) src(%arg11 : memref<125x2xf32, #tpu.memory_space<vmem>>) dst(%dma_wait3A_220 : memref<10000x2xf32, #tpu.memory_space<vmem_shared>>)
      %dma_wait3A_221 = arith.constant 0 : i32
      %dma_wait3A_222 = tpu.memref_slice %arg7[%add3A_148, %dma_wait3A_221] : memref<80x125xi32, #tpu.memory_space<vmem>> -> memref<1x125xi32, #tpu.memory_space<vmem>>
      %dma_wait3A_223 = tpu.memref_squeeze %dma_wait3A_222 : memref<1x125xi32, #tpu.memory_space<vmem>> -> memref<125xi32, #tpu.memory_space<vmem>>
      %dma_wait3A_224 = arith.constant 0 : i32
      %dma_wait3A_225 = arith.constant 0 : i32
      %dma_wait3A_226 = tpu.memref_slice %arg16[%dma_wait3A_224, %dma_wait3A_225] : memref<10000x2xf32, #tpu.memory_space<vmem_shared>> -> memref<10000x2xf32, #tpu.memory_space<vmem_shared>>
      tpu.wait_indirect_dma semaphore(%arg18 : memref<!tpu.dma_semaphore, #tpu.memory_space<semaphore_mem>>) src(%arg12 : memref<125x2xf32, #tpu.memory_space<vmem>>) dst(%dma_wait3A_226 : memref<10000x2xf32, #tpu.memory_space<vmem_shared>>)
      %dma_wait3A_227 = arith.constant 0 : i32
      %dma_wait3A_228 = tpu.memref_slice %arg7[%add3A_162, %dma_wait3A_227] : memref<80x125xi32, #tpu.memory_space<vmem>> -> memref<1x125xi32, #tpu.memory_space<vmem>>
      %dma_wait3A_229 = tpu.memref_squeeze %dma_wait3A_228 : memref<1x125xi32, #tpu.memory_space<vmem>> -> memref<125xi32, #tpu.memory_space<vmem>>
      %dma_wait3A_230 = arith.constant 0 : i32
      %dma_wait3A_231 = arith.constant 0 : i32
      %dma_wait3A_232 = tpu.memref_slice %arg16[%dma_wait3A_230, %dma_wait3A_231] : memref<10000x2xf32, #tpu.memory_space<vmem_shared>> -> memref<10000x2xf32, #tpu.memory_space<vmem_shared>>
      tpu.wait_indirect_dma semaphore(%arg18 : memref<!tpu.dma_semaphore, #tpu.memory_space<semaphore_mem>>) src(%arg13 : memref<125x2xf32, #tpu.memory_space<vmem>>) dst(%dma_wait3A_232 : memref<10000x2xf32, #tpu.memory_space<vmem_shared>>)
      %dma_wait3A_233 = arith.constant 0 : i32
      %dma_wait3A_234 = tpu.memref_slice %arg7[%add3A_176, %dma_wait3A_233] : memref<80x125xi32, #tpu.memory_space<vmem>> -> memref<1x125xi32, #tpu.memory_space<vmem>>
      %dma_wait3A_235 = tpu.memref_squeeze %dma_wait3A_234 : memref<1x125xi32, #tpu.memory_space<vmem>> -> memref<125xi32, #tpu.memory_space<vmem>>
      %dma_wait3A_236 = arith.constant 0 : i32
      %dma_wait3A_237 = arith.constant 0 : i32
      %dma_wait3A_238 = tpu.memref_slice %arg16[%dma_wait3A_236, %dma_wait3A_237] : memref<10000x2xf32, #tpu.memory_space<vmem_shared>> -> memref<10000x2xf32, #tpu.memory_space<vmem_shared>>
      tpu.wait_indirect_dma semaphore(%arg18 : memref<!tpu.dma_semaphore, #tpu.memory_space<semaphore_mem>>) src(%arg14 : memref<125x2xf32, #tpu.memory_space<vmem>>) dst(%dma_wait3A_238 : memref<10000x2xf32, #tpu.memory_space<vmem_shared>>)
      %dma_wait3A_239 = arith.constant 0 : i32
      %dma_wait3A_240 = tpu.memref_slice %arg7[%add3A_190, %dma_wait3A_239] : memref<80x125xi32, #tpu.memory_space<vmem>> -> memref<1x125xi32, #tpu.memory_space<vmem>>
      %dma_wait3A_241 = tpu.memref_squeeze %dma_wait3A_240 : memref<1x125xi32, #tpu.memory_space<vmem>> -> memref<125xi32, #tpu.memory_space<vmem>>
      %dma_wait3A_242 = arith.constant 0 : i32
      %dma_wait3A_243 = arith.constant 0 : i32
      %dma_wait3A_244 = tpu.memref_slice %arg16[%dma_wait3A_242, %dma_wait3A_243] : memref<10000x2xf32, #tpu.memory_space<vmem_shared>> -> memref<10000x2xf32, #tpu.memory_space<vmem_shared>>
      tpu.wait_indirect_dma semaphore(%arg18 : memref<!tpu.dma_semaphore, #tpu.memory_space<semaphore_mem>>) src(%arg15 : memref<125x2xf32, #tpu.memory_space<vmem>>) dst(%dma_wait3A_244 : memref<10000x2xf32, #tpu.memory_space<vmem_shared>>)
    }
    %scan3A_13 = arith.constant 10 : i32
    %barrier3A_14 = arith.constant 0 : index
    tpu.barrier barrier_id(%barrier3A_14)
    %eq3A_15 = arith.constant 0 : i32
    %eq3A_16 = arith.cmpi eq, %arg1, %eq3A_15 : i32
    %convert_element_type3A_17 = arith.extui %eq3A_16 : i1 to i32
    %cond3A_18 = arith.constant 0 : i32
    %cond3A_19 = arith.cmpi ne, %convert_element_type3A_17, %cond3A_18 : i32
    scf.if %cond3A_19 {
      "tpu.region"() ({
        %run_scoped3A_20 = tpu.sem_alloc : memref<!tpu.dma_semaphore, #tpu.memory_space<semaphore_mem>>
        %dma_start3A = arith.constant 0 : i32
        %dma_start3A_21 = arith.constant 0 : i32
        %dma_start3A_22 = tpu.memref_slice %arg5[%arg0, %dma_start3A, %dma_start3A_21] : memref<2x10000x2xf32, #tpu.memory_space<hbm>> -> memref<1x10000x2xf32, #tpu.memory_space<hbm>>
        %dma_start3A_23 = tpu.memref_squeeze %dma_start3A_22 : memref<1x10000x2xf32, #tpu.memory_space<hbm>> -> memref<10000x2xf32, #tpu.memory_space<hbm>>
        tpu.enqueue_dma source(%arg16 : memref<10000x2xf32, #tpu.memory_space<vmem_shared>>) target(%dma_start3A_23 : memref<10000x2xf32, #tpu.memory_space<hbm>>) target_semaphore(%run_scoped3A_20 : memref<!tpu.dma_semaphore, #tpu.memory_space<semaphore_mem>>)
        %dma_wait3A = arith.constant 0 : i32
        %dma_wait3A_24 = arith.constant 0 : i32
        %dma_wait3A_25 = tpu.memref_slice %arg5[%arg0, %dma_wait3A, %dma_wait3A_24] : memref<2x10000x2xf32, #tpu.memory_space<hbm>> -> memref<1x10000x2xf32, #tpu.memory_space<hbm>>
        %dma_wait3A_26 = tpu.memref_squeeze %dma_wait3A_25 : memref<1x10000x2xf32, #tpu.memory_space<hbm>> -> memref<10000x2xf32, #tpu.memory_space<hbm>>
        tpu.wait_dma2 semaphore(%run_scoped3A_20 : memref<!tpu.dma_semaphore, #tpu.memory_space<semaphore_mem>>) src(%arg16 : memref<10000x2xf32, #tpu.memory_space<vmem_shared>>) dst(%dma_wait3A_26 : memref<10000x2xf32, #tpu.memory_space<hbm>>)
        tpu.yield
      }) : () -> ()
    } else {
    }
    return
  }
}

#map = affine_map<(d0, d1) -> (0, 0, 0)>
#map1 = affine_map<(d0, d1) -> (0, 0)>
#map2 = affine_map<(d0, d1) -> (0)>
#map3 = affine_map<(d0, d1) -> (0, 0, 0, 0)>
module attributes {stable_mosaic.version = 14 : i64} {
  func.func @_sc2_body(%arg0: i32, %arg1: i32, %arg2: memref<2x2560x125xi32, #tpu.memory_space<hbm>>, %arg3: memref<10000x64xf32, #tpu.memory_space<hbm>>, %arg4: memref<10000x64xf32, #tpu.memory_space<hbm>>, %arg5: memref<10000x64xf32, #tpu.memory_space<hbm>>, %arg6: memref<10000x64xf32, #tpu.memory_space<hbm>>, %arg7: memref<10000xf32, #tpu.memory_space<hbm>>, %arg8: memref<640x64xf32, #tpu.memory_space<hbm>>, %arg9: memref<10000xf32, #tpu.memory_space<hbm>>, %arg10: memref<2x2x10000x64xf32, #tpu.memory_space<hbm>>, %arg11: memref<20000xf32, #tpu.memory_space<hbm>>, %arg12: memref<160x125xi32, #tpu.memory_space<vmem>>, %arg13: memref<160x125xi32, #tpu.memory_space<vmem>>, %arg14: memref<125x64xf32, #tpu.memory_space<vmem>>, %arg15: memref<125x64xf32, #tpu.memory_space<vmem>>, %arg16: memref<125x64xf32, #tpu.memory_space<vmem>>, %arg17: memref<125x64xf32, #tpu.memory_space<vmem>>, %arg18: memref<125xf32, #tpu.memory_space<vmem>>, %arg19: memref<125xf32, #tpu.memory_space<vmem>>, %arg20: memref<125xf32, #tpu.memory_space<vmem>>, %arg21: memref<125xf32, #tpu.memory_space<vmem>>, %arg22: memref<10000xf32, #tpu.memory_space<vmem>>, %arg23: memref<10000x64xf32, #tpu.memory_space<vmem_shared>>, %arg24: memref<10000xf32, #tpu.memory_space<vmem_shared>>, %arg25: memref<10000xf32, #tpu.memory_space<vmem_shared>>, %arg26: memref<!tpu.dma_semaphore, #tpu.memory_space<semaphore_mem>>, %arg27: memref<!tpu.dma_semaphore, #tpu.memory_space<semaphore_mem>>) attributes {dimension_semantics = [#tpu.dimension_semantics<core_parallel>, #tpu.dimension_semantics<subcore_parallel>], iteration_bounds = array<i64: 2, 16>, scalar_prefetch = 0 : i64, scratch_operands = 16 : i64, tpu.core_type = #tpu.core_type<sc_vector_subcore>, window_params = [{transform_indices = #map}, {transform_indices = #map1}, {transform_indices = #map1}, {transform_indices = #map1}, {transform_indices = #map1}, {transform_indices = #map2}, {transform_indices = #map1}, {transform_indices = #map2}, {transform_indices = #map3}, {transform_indices = #map2}]} {
    %mul3A = arith.constant 160 : i32
    %mul3A_0 = arith.muli %arg1, %mul3A : i32
    %multiple_of3A = tpu.assume_multiple %mul3A_0, 8 : i32
    %run_scoped3A = arith.constant 0 : i32
    "tpu.region"() ({
      %run_scoped3A_82 = tpu.sem_alloc : memref<!tpu.dma_semaphore, #tpu.memory_space<semaphore_mem>>
      %dma_start3A = arith.constant 0 : i32
      %dma_start3A_83 = tpu.memref_slice %arg2[%run_scoped3A, %multiple_of3A, %dma_start3A] : memref<2x2560x125xi32, #tpu.memory_space<hbm>> -> memref<1x160x125xi32, #tpu.memory_space<hbm>>
      %dma_start3A_84 = tpu.memref_squeeze %dma_start3A_83 : memref<1x160x125xi32, #tpu.memory_space<hbm>> -> memref<160x125xi32, #tpu.memory_space<hbm>>
      %dma_start3A_85 = arith.constant 0 : i32
      %dma_start3A_86 = tpu.memref_slice %arg2[%run_scoped3A, %multiple_of3A, %dma_start3A_85] : memref<2x2560x125xi32, #tpu.memory_space<hbm>> -> memref<1x160x125xi32, #tpu.memory_space<hbm>>
      %dma_start3A_87 = tpu.memref_squeeze %dma_start3A_86 : memref<1x160x125xi32, #tpu.memory_space<hbm>> -> memref<160x125xi32, #tpu.memory_space<hbm>>
      tpu.enqueue_dma source(%dma_start3A_87 : memref<160x125xi32, #tpu.memory_space<hbm>>) target(%arg12 : memref<160x125xi32, #tpu.memory_space<vmem>>) target_semaphore(%run_scoped3A_82 : memref<!tpu.dma_semaphore, #tpu.memory_space<semaphore_mem>>)
      %dma_wait3A = arith.constant 0 : i32
      %dma_wait3A_88 = tpu.memref_slice %arg2[%run_scoped3A, %multiple_of3A, %dma_wait3A] : memref<2x2560x125xi32, #tpu.memory_space<hbm>> -> memref<1x160x125xi32, #tpu.memory_space<hbm>>
      %dma_wait3A_89 = tpu.memref_squeeze %dma_wait3A_88 : memref<1x160x125xi32, #tpu.memory_space<hbm>> -> memref<160x125xi32, #tpu.memory_space<hbm>>
      %dma_wait3A_90 = arith.constant 0 : i32
      %dma_wait3A_91 = tpu.memref_slice %arg2[%run_scoped3A, %multiple_of3A, %dma_wait3A_90] : memref<2x2560x125xi32, #tpu.memory_space<hbm>> -> memref<1x160x125xi32, #tpu.memory_space<hbm>>
      %dma_wait3A_92 = tpu.memref_squeeze %dma_wait3A_91 : memref<1x160x125xi32, #tpu.memory_space<hbm>> -> memref<160x125xi32, #tpu.memory_space<hbm>>
      tpu.wait_dma2 semaphore(%run_scoped3A_82 : memref<!tpu.dma_semaphore, #tpu.memory_space<semaphore_mem>>) src(%dma_wait3A_92 : memref<160x125xi32, #tpu.memory_space<hbm>>) dst(%arg12 : memref<160x125xi32, #tpu.memory_space<vmem>>)
      tpu.yield
    }) : () -> ()
    %mul3A_1 = arith.constant 160 : i32
    %mul3A_2 = arith.muli %arg1, %mul3A_1 : i32
    %multiple_of3A_3 = tpu.assume_multiple %mul3A_2, 8 : i32
    %run_scoped3A_4 = arith.constant 1 : i32
    "tpu.region"() ({
      %run_scoped3A_82 = tpu.sem_alloc : memref<!tpu.dma_semaphore, #tpu.memory_space<semaphore_mem>>
      %dma_start3A = arith.constant 0 : i32
      %dma_start3A_83 = tpu.memref_slice %arg2[%run_scoped3A_4, %multiple_of3A_3, %dma_start3A] : memref<2x2560x125xi32, #tpu.memory_space<hbm>> -> memref<1x160x125xi32, #tpu.memory_space<hbm>>
      %dma_start3A_84 = tpu.memref_squeeze %dma_start3A_83 : memref<1x160x125xi32, #tpu.memory_space<hbm>> -> memref<160x125xi32, #tpu.memory_space<hbm>>
      %dma_start3A_85 = arith.constant 0 : i32
      %dma_start3A_86 = tpu.memref_slice %arg2[%run_scoped3A_4, %multiple_of3A_3, %dma_start3A_85] : memref<2x2560x125xi32, #tpu.memory_space<hbm>> -> memref<1x160x125xi32, #tpu.memory_space<hbm>>
      %dma_start3A_87 = tpu.memref_squeeze %dma_start3A_86 : memref<1x160x125xi32, #tpu.memory_space<hbm>> -> memref<160x125xi32, #tpu.memory_space<hbm>>
      tpu.enqueue_dma source(%dma_start3A_87 : memref<160x125xi32, #tpu.memory_space<hbm>>) target(%arg13 : memref<160x125xi32, #tpu.memory_space<vmem>>) target_semaphore(%run_scoped3A_82 : memref<!tpu.dma_semaphore, #tpu.memory_space<semaphore_mem>>)
      %dma_wait3A = arith.constant 0 : i32
      %dma_wait3A_88 = tpu.memref_slice %arg2[%run_scoped3A_4, %multiple_of3A_3, %dma_wait3A] : memref<2x2560x125xi32, #tpu.memory_space<hbm>> -> memref<1x160x125xi32, #tpu.memory_space<hbm>>
      %dma_wait3A_89 = tpu.memref_squeeze %dma_wait3A_88 : memref<1x160x125xi32, #tpu.memory_space<hbm>> -> memref<160x125xi32, #tpu.memory_space<hbm>>
      %dma_wait3A_90 = arith.constant 0 : i32
      %dma_wait3A_91 = tpu.memref_slice %arg2[%run_scoped3A_4, %multiple_of3A_3, %dma_wait3A_90] : memref<2x2560x125xi32, #tpu.memory_space<hbm>> -> memref<1x160x125xi32, #tpu.memory_space<hbm>>
      %dma_wait3A_92 = tpu.memref_squeeze %dma_wait3A_91 : memref<1x160x125xi32, #tpu.memory_space<hbm>> -> memref<160x125xi32, #tpu.memory_space<hbm>>
      tpu.wait_dma2 semaphore(%run_scoped3A_82 : memref<!tpu.dma_semaphore, #tpu.memory_space<semaphore_mem>>) src(%dma_wait3A_92 : memref<160x125xi32, #tpu.memory_space<hbm>>) dst(%arg13 : memref<160x125xi32, #tpu.memory_space<vmem>>)
      tpu.yield
    }) : () -> ()
    %eq3A = arith.constant 0 : i32
    %eq3A_5 = arith.cmpi eq, %arg1, %eq3A : i32
    %convert_element_type3A = arith.extui %eq3A_5 : i1 to i32
    %cond3A = arith.constant 0 : i32
    %cond3A_6 = arith.cmpi ne, %convert_element_type3A, %cond3A : i32
    scf.if %cond3A_6 {
      "tpu.region"() ({
        %run_scoped3A_82 = tpu.sem_alloc : memref<!tpu.dma_semaphore, #tpu.memory_space<semaphore_mem>>
        tpu.enqueue_dma source(%arg9 : memref<10000xf32, #tpu.memory_space<hbm>>) target(%arg22 : memref<10000xf32, #tpu.memory_space<vmem>>) target_semaphore(%run_scoped3A_82 : memref<!tpu.dma_semaphore, #tpu.memory_space<semaphore_mem>>)
        tpu.wait_dma2 semaphore(%run_scoped3A_82 : memref<!tpu.dma_semaphore, #tpu.memory_space<semaphore_mem>>) src(%arg9 : memref<10000xf32, #tpu.memory_space<hbm>>) dst(%arg22 : memref<10000xf32, #tpu.memory_space<vmem>>)
        tpu.yield
      }) : () -> ()
      "tpu.region"() ({
        %run_scoped3A_82 = tpu.sem_alloc : memref<!tpu.dma_semaphore, #tpu.memory_space<semaphore_mem>>
        tpu.enqueue_dma source(%arg22 : memref<10000xf32, #tpu.memory_space<vmem>>) target(%arg24 : memref<10000xf32, #tpu.memory_space<vmem_shared>>) target_semaphore(%run_scoped3A_82 : memref<!tpu.dma_semaphore, #tpu.memory_space<semaphore_mem>>)
        tpu.wait_dma2 semaphore(%run_scoped3A_82 : memref<!tpu.dma_semaphore, #tpu.memory_space<semaphore_mem>>) src(%arg22 : memref<10000xf32, #tpu.memory_space<vmem>>) dst(%arg24 : memref<10000xf32, #tpu.memory_space<vmem_shared>>)
        tpu.yield
      }) : () -> ()
      "tpu.region"() ({
        %run_scoped3A_82 = tpu.sem_alloc : memref<!tpu.dma_semaphore, #tpu.memory_space<semaphore_mem>>
        tpu.enqueue_dma source(%arg7 : memref<10000xf32, #tpu.memory_space<hbm>>) target(%arg22 : memref<10000xf32, #tpu.memory_space<vmem>>) target_semaphore(%run_scoped3A_82 : memref<!tpu.dma_semaphore, #tpu.memory_space<semaphore_mem>>)
        tpu.wait_dma2 semaphore(%run_scoped3A_82 : memref<!tpu.dma_semaphore, #tpu.memory_space<semaphore_mem>>) src(%arg7 : memref<10000xf32, #tpu.memory_space<hbm>>) dst(%arg22 : memref<10000xf32, #tpu.memory_space<vmem>>)
        tpu.yield
      }) : () -> ()
      "tpu.region"() ({
        %run_scoped3A_82 = tpu.sem_alloc : memref<!tpu.dma_semaphore, #tpu.memory_space<semaphore_mem>>
        tpu.enqueue_dma source(%arg22 : memref<10000xf32, #tpu.memory_space<vmem>>) target(%arg25 : memref<10000xf32, #tpu.memory_space<vmem_shared>>) target_semaphore(%run_scoped3A_82 : memref<!tpu.dma_semaphore, #tpu.memory_space<semaphore_mem>>)
        tpu.wait_dma2 semaphore(%run_scoped3A_82 : memref<!tpu.dma_semaphore, #tpu.memory_space<semaphore_mem>>) src(%arg22 : memref<10000xf32, #tpu.memory_space<vmem>>) dst(%arg25 : memref<10000xf32, #tpu.memory_space<vmem_shared>>)
        tpu.yield
      }) : () -> ()
    } else {
    }
    %lt3A = arith.constant 15 : i32
    %lt3A_7 = arith.cmpi slt, %arg1, %lt3A : i32
    %convert_element_type3A_8 = arith.extui %lt3A_7 : i1 to i32
    %cond3A_9 = arith.constant 0 : i32
    %cond3A_10 = arith.cmpi ne, %convert_element_type3A_8, %cond3A_9 : i32
    scf.if %cond3A_10 {
      %mul3A_82 = arith.constant 640 : i32
      %mul3A_83 = arith.muli %arg1, %mul3A_82 : i32
      %multiple_of3A_84 = tpu.assume_multiple %mul3A_83, 8 : i32
      "tpu.region"() ({
        %run_scoped3A_85 = tpu.sem_alloc : memref<!tpu.dma_semaphore, #tpu.memory_space<semaphore_mem>>
        %dma_start3A = arith.constant 0 : i32
        %dma_start3A_86 = tpu.memref_slice %arg23[%multiple_of3A_84, %dma_start3A] : memref<10000x64xf32, #tpu.memory_space<vmem_shared>> -> memref<640x64xf32, #tpu.memory_space<vmem_shared>>
        tpu.enqueue_dma source(%arg8 : memref<640x64xf32, #tpu.memory_space<hbm>>) target(%dma_start3A_86 : memref<640x64xf32, #tpu.memory_space<vmem_shared>>) target_semaphore(%run_scoped3A_85 : memref<!tpu.dma_semaphore, #tpu.memory_space<semaphore_mem>>)
        %dma_wait3A = arith.constant 0 : i32
        %dma_wait3A_87 = tpu.memref_slice %arg23[%multiple_of3A_84, %dma_wait3A] : memref<10000x64xf32, #tpu.memory_space<vmem_shared>> -> memref<640x64xf32, #tpu.memory_space<vmem_shared>>
        tpu.wait_dma2 semaphore(%run_scoped3A_85 : memref<!tpu.dma_semaphore, #tpu.memory_space<semaphore_mem>>) src(%arg8 : memref<640x64xf32, #tpu.memory_space<hbm>>) dst(%dma_wait3A_87 : memref<640x64xf32, #tpu.memory_space<vmem_shared>>)
        tpu.yield
      }) : () -> ()
    } else {
    }
    %eq3A_11 = arith.constant 15 : i32
    %eq3A_12 = arith.cmpi eq, %arg1, %eq3A_11 : i32
    %convert_element_type3A_13 = arith.extui %eq3A_12 : i1 to i32
    %cond3A_14 = arith.constant 0 : i32
    %cond3A_15 = arith.cmpi ne, %convert_element_type3A_13, %cond3A_14 : i32
    scf.if %cond3A_15 {
      "tpu.region"() ({
        %run_scoped3A_82 = tpu.sem_alloc : memref<!tpu.dma_semaphore, #tpu.memory_space<semaphore_mem>>
        %dma_start3A = arith.constant 9600 : i32
        %dma_start3A_83 = arith.constant 0 : i32
        %dma_start3A_84 = tpu.memref_slice %arg23[%dma_start3A, %dma_start3A_83] : memref<10000x64xf32, #tpu.memory_space<vmem_shared>> -> memref<400x64xf32, #tpu.memory_space<vmem_shared>>
        %dma_start3A_85 = arith.constant 0 : i32
        %dma_start3A_86 = arith.constant 0 : i32
        %dma_start3A_87 = tpu.memref_slice %arg8[%dma_start3A_85, %dma_start3A_86] : memref<640x64xf32, #tpu.memory_space<hbm>> -> memref<400x64xf32, #tpu.memory_space<hbm>>
        tpu.enqueue_dma source(%dma_start3A_87 : memref<400x64xf32, #tpu.memory_space<hbm>>) target(%dma_start3A_84 : memref<400x64xf32, #tpu.memory_space<vmem_shared>>) target_semaphore(%run_scoped3A_82 : memref<!tpu.dma_semaphore, #tpu.memory_space<semaphore_mem>>)
        %dma_wait3A = arith.constant 9600 : i32
        %dma_wait3A_88 = arith.constant 0 : i32
        %dma_wait3A_89 = tpu.memref_slice %arg23[%dma_wait3A, %dma_wait3A_88] : memref<10000x64xf32, #tpu.memory_space<vmem_shared>> -> memref<400x64xf32, #tpu.memory_space<vmem_shared>>
        %dma_wait3A_90 = arith.constant 0 : i32
        %dma_wait3A_91 = arith.constant 0 : i32
        %dma_wait3A_92 = tpu.memref_slice %arg8[%dma_wait3A_90, %dma_wait3A_91] : memref<640x64xf32, #tpu.memory_space<hbm>> -> memref<400x64xf32, #tpu.memory_space<hbm>>
        tpu.wait_dma2 semaphore(%run_scoped3A_82 : memref<!tpu.dma_semaphore, #tpu.memory_space<semaphore_mem>>) src(%dma_wait3A_92 : memref<400x64xf32, #tpu.memory_space<hbm>>) dst(%dma_wait3A_89 : memref<400x64xf32, #tpu.memory_space<vmem_shared>>)
        tpu.yield
      }) : () -> ()
    } else {
    }
    %barrier3A = arith.constant 0 : index
    tpu.barrier barrier_id(%barrier3A)
    %eq3A_16 = arith.constant 0 : i32
    %eq3A_17 = arith.cmpi eq, %arg0, %eq3A_16 : i32
    %convert_element_type3A_18 = arith.extui %eq3A_17 : i1 to i32
    %cond3A_19 = arith.constant 0 : i32
    %cond3A_20 = arith.cmpi ne, %convert_element_type3A_18, %cond3A_19 : i32
    scf.if %cond3A_20 {
      %scan3A_82 = arith.constant 0 : i32
      %scan3A_83 = arith.constant 0 : i32
      %scan3A_84 = arith.constant 40 : i32
      %scan3A_85 = arith.addi %scan3A_83, %scan3A_84 : i32
      %scan3A_86 = arith.constant 1 : i32
      scf.for %scan3A_88 = %scan3A_83 to %scan3A_85 step %scan3A_86  : i32 {
        %mul3A_89 = arith.constant 4 : i32
        %mul3A_90 = arith.muli %mul3A_89, %scan3A_88 : i32
        %add3A = arith.constant 0 : i32
        %add3A_91 = arith.addi %mul3A_90, %add3A : i32
        %dma_start3A = arith.constant 0 : i32
        %dma_start3A_92 = tpu.memref_slice %arg12[%add3A_91, %dma_start3A] : memref<160x125xi32, #tpu.memory_space<vmem>> -> memref<1x125xi32, #tpu.memory_space<vmem>>
        %dma_start3A_93 = tpu.memref_squeeze %dma_start3A_92 : memref<1x125xi32, #tpu.memory_space<vmem>> -> memref<125xi32, #tpu.memory_space<vmem>>
        %dma_start3A_94 = arith.constant 0 : i32
        %dma_start3A_95 = arith.constant 0 : i32
        %dma_start3A_96 = tpu.memref_slice %arg3[%dma_start3A_94, %dma_start3A_95] : memref<10000x64xf32, #tpu.memory_space<hbm>> -> memref<10000x64xf32, #tpu.memory_space<hbm>>
        tpu.enqueue_indirect_dma source(%dma_start3A_96 : memref<10000x64xf32, #tpu.memory_space<hbm>>) target(%arg14 : memref<125x64xf32, #tpu.memory_space<vmem>>) offsets(%dma_start3A_93 : memref<125xi32, #tpu.memory_space<vmem>>) semaphore(%arg26 : memref<!tpu.dma_semaphore, #tpu.memory_space<semaphore_mem>>)
        %add3A_97 = arith.constant 1 : i32
        %add3A_98 = arith.addi %mul3A_90, %add3A_97 : i32
        %dma_start3A_99 = arith.constant 0 : i32
        %dma_start3A_100 = tpu.memref_slice %arg12[%add3A_98, %dma_start3A_99] : memref<160x125xi32, #tpu.memory_space<vmem>> -> memref<1x125xi32, #tpu.memory_space<vmem>>
        %dma_start3A_101 = tpu.memref_squeeze %dma_start3A_100 : memref<1x125xi32, #tpu.memory_space<vmem>> -> memref<125xi32, #tpu.memory_space<vmem>>
        %dma_start3A_102 = arith.constant 0 : i32
        %dma_start3A_103 = arith.constant 0 : i32
        %dma_start3A_104 = tpu.memref_slice %arg3[%dma_start3A_102, %dma_start3A_103] : memref<10000x64xf32, #tpu.memory_space<hbm>> -> memref<10000x64xf32, #tpu.memory_space<hbm>>
        tpu.enqueue_indirect_dma source(%dma_start3A_104 : memref<10000x64xf32, #tpu.memory_space<hbm>>) target(%arg15 : memref<125x64xf32, #tpu.memory_space<vmem>>) offsets(%dma_start3A_101 : memref<125xi32, #tpu.memory_space<vmem>>) semaphore(%arg26 : memref<!tpu.dma_semaphore, #tpu.memory_space<semaphore_mem>>)
        %add3A_105 = arith.constant 2 : i32
        %add3A_106 = arith.addi %mul3A_90, %add3A_105 : i32
        %dma_start3A_107 = arith.constant 0 : i32
        %dma_start3A_108 = tpu.memref_slice %arg12[%add3A_106, %dma_start3A_107] : memref<160x125xi32, #tpu.memory_space<vmem>> -> memref<1x125xi32, #tpu.memory_space<vmem>>
        %dma_start3A_109 = tpu.memref_squeeze %dma_start3A_108 : memref<1x125xi32, #tpu.memory_space<vmem>> -> memref<125xi32, #tpu.memory_space<vmem>>
        %dma_start3A_110 = arith.constant 0 : i32
        %dma_start3A_111 = arith.constant 0 : i32
        %dma_start3A_112 = tpu.memref_slice %arg3[%dma_start3A_110, %dma_start3A_111] : memref<10000x64xf32, #tpu.memory_space<hbm>> -> memref<10000x64xf32, #tpu.memory_space<hbm>>
        tpu.enqueue_indirect_dma source(%dma_start3A_112 : memref<10000x64xf32, #tpu.memory_space<hbm>>) target(%arg16 : memref<125x64xf32, #tpu.memory_space<vmem>>) offsets(%dma_start3A_109 : memref<125xi32, #tpu.memory_space<vmem>>) semaphore(%arg26 : memref<!tpu.dma_semaphore, #tpu.memory_space<semaphore_mem>>)
        %add3A_113 = arith.constant 3 : i32
        %add3A_114 = arith.addi %mul3A_90, %add3A_113 : i32
        %dma_start3A_115 = arith.constant 0 : i32
        %dma_start3A_116 = tpu.memref_slice %arg12[%add3A_114, %dma_start3A_115] : memref<160x125xi32, #tpu.memory_space<vmem>> -> memref<1x125xi32, #tpu.memory_space<vmem>>
        %dma_start3A_117 = tpu.memref_squeeze %dma_start3A_116 : memref<1x125xi32, #tpu.memory_space<vmem>> -> memref<125xi32, #tpu.memory_space<vmem>>
        %dma_start3A_118 = arith.constant 0 : i32
        %dma_start3A_119 = arith.constant 0 : i32
        %dma_start3A_120 = tpu.memref_slice %arg3[%dma_start3A_118, %dma_start3A_119] : memref<10000x64xf32, #tpu.memory_space<hbm>> -> memref<10000x64xf32, #tpu.memory_space<hbm>>
        tpu.enqueue_indirect_dma source(%dma_start3A_120 : memref<10000x64xf32, #tpu.memory_space<hbm>>) target(%arg17 : memref<125x64xf32, #tpu.memory_space<vmem>>) offsets(%dma_start3A_117 : memref<125xi32, #tpu.memory_space<vmem>>) semaphore(%arg26 : memref<!tpu.dma_semaphore, #tpu.memory_space<semaphore_mem>>)
        %dma_wait3A = arith.constant 0 : i32
        %dma_wait3A_121 = tpu.memref_slice %arg12[%add3A_91, %dma_wait3A] : memref<160x125xi32, #tpu.memory_space<vmem>> -> memref<1x125xi32, #tpu.memory_space<vmem>>
        %dma_wait3A_122 = tpu.memref_squeeze %dma_wait3A_121 : memref<1x125xi32, #tpu.memory_space<vmem>> -> memref<125xi32, #tpu.memory_space<vmem>>
        %dma_wait3A_123 = arith.constant 0 : i32
        %dma_wait3A_124 = arith.constant 0 : i32
        %dma_wait3A_125 = tpu.memref_slice %arg3[%dma_wait3A_123, %dma_wait3A_124] : memref<10000x64xf32, #tpu.memory_space<hbm>> -> memref<10000x64xf32, #tpu.memory_space<hbm>>
        tpu.wait_indirect_dma semaphore(%arg26 : memref<!tpu.dma_semaphore, #tpu.memory_space<semaphore_mem>>) src(%dma_wait3A_125 : memref<10000x64xf32, #tpu.memory_space<hbm>>) dst(%arg14 : memref<125x64xf32, #tpu.memory_space<vmem>>)
        %add3A_126 = arith.constant 0 : i32
        %add3A_127 = arith.addi %mul3A_90, %add3A_126 : i32
        %dma_start3A_128 = arith.constant 0 : i32
        %dma_start3A_129 = tpu.memref_slice %arg13[%add3A_127, %dma_start3A_128] : memref<160x125xi32, #tpu.memory_space<vmem>> -> memref<1x125xi32, #tpu.memory_space<vmem>>
        %dma_start3A_130 = tpu.memref_squeeze %dma_start3A_129 : memref<1x125xi32, #tpu.memory_space<vmem>> -> memref<125xi32, #tpu.memory_space<vmem>>
        %dma_start3A_131 = arith.constant 0 : i32
        %dma_start3A_132 = arith.constant 0 : i32
        %dma_start3A_133 = tpu.memref_slice %arg23[%dma_start3A_131, %dma_start3A_132] : memref<10000x64xf32, #tpu.memory_space<vmem_shared>> -> memref<10000x64xf32, #tpu.memory_space<vmem_shared>>
        tpu.enqueue_indirect_dma source(%arg14 : memref<125x64xf32, #tpu.memory_space<vmem>>) target(%dma_start3A_133 : memref<10000x64xf32, #tpu.memory_space<vmem_shared>>) offsets(%dma_start3A_130 : memref<125xi32, #tpu.memory_space<vmem>>) semaphore(%arg27 : memref<!tpu.dma_semaphore, #tpu.memory_space<semaphore_mem>>) {add = true}
        %dma_wait3A_134 = arith.constant 0 : i32
        %dma_wait3A_135 = tpu.memref_slice %arg12[%add3A_98, %dma_wait3A_134] : memref<160x125xi32, #tpu.memory_space<vmem>> -> memref<1x125xi32, #tpu.memory_space<vmem>>
        %dma_wait3A_136 = tpu.memref_squeeze %dma_wait3A_135 : memref<1x125xi32, #tpu.memory_space<vmem>> -> memref<125xi32, #tpu.memory_space<vmem>>
        %dma_wait3A_137 = arith.constant 0 : i32
        %dma_wait3A_138 = arith.constant 0 : i32
        %dma_wait3A_139 = tpu.memref_slice %arg3[%dma_wait3A_137, %dma_wait3A_138] : memref<10000x64xf32, #tpu.memory_space<hbm>> -> memref<10000x64xf32, #tpu.memory_space<hbm>>
        tpu.wait_indirect_dma semaphore(%arg26 : memref<!tpu.dma_semaphore, #tpu.memory_space<semaphore_mem>>) src(%dma_wait3A_139 : memref<10000x64xf32, #tpu.memory_space<hbm>>) dst(%arg15 : memref<125x64xf32, #tpu.memory_space<vmem>>)
        %add3A_140 = arith.constant 1 : i32
        %add3A_141 = arith.addi %mul3A_90, %add3A_140 : i32
        %dma_start3A_142 = arith.constant 0 : i32
        %dma_start3A_143 = tpu.memref_slice %arg13[%add3A_141, %dma_start3A_142] : memref<160x125xi32, #tpu.memory_space<vmem>> -> memref<1x125xi32, #tpu.memory_space<vmem>>
        %dma_start3A_144 = tpu.memref_squeeze %dma_start3A_143 : memref<1x125xi32, #tpu.memory_space<vmem>> -> memref<125xi32, #tpu.memory_space<vmem>>
        %dma_start3A_145 = arith.constant 0 : i32
        %dma_start3A_146 = arith.constant 0 : i32
        %dma_start3A_147 = tpu.memref_slice %arg23[%dma_start3A_145, %dma_start3A_146] : memref<10000x64xf32, #tpu.memory_space<vmem_shared>> -> memref<10000x64xf32, #tpu.memory_space<vmem_shared>>
        tpu.enqueue_indirect_dma source(%arg15 : memref<125x64xf32, #tpu.memory_space<vmem>>) target(%dma_start3A_147 : memref<10000x64xf32, #tpu.memory_space<vmem_shared>>) offsets(%dma_start3A_144 : memref<125xi32, #tpu.memory_space<vmem>>) semaphore(%arg27 : memref<!tpu.dma_semaphore, #tpu.memory_space<semaphore_mem>>) {add = true}
        %dma_wait3A_148 = arith.constant 0 : i32
        %dma_wait3A_149 = tpu.memref_slice %arg12[%add3A_106, %dma_wait3A_148] : memref<160x125xi32, #tpu.memory_space<vmem>> -> memref<1x125xi32, #tpu.memory_space<vmem>>
        %dma_wait3A_150 = tpu.memref_squeeze %dma_wait3A_149 : memref<1x125xi32, #tpu.memory_space<vmem>> -> memref<125xi32, #tpu.memory_space<vmem>>
        %dma_wait3A_151 = arith.constant 0 : i32
        %dma_wait3A_152 = arith.constant 0 : i32
        %dma_wait3A_153 = tpu.memref_slice %arg3[%dma_wait3A_151, %dma_wait3A_152] : memref<10000x64xf32, #tpu.memory_space<hbm>> -> memref<10000x64xf32, #tpu.memory_space<hbm>>
        tpu.wait_indirect_dma semaphore(%arg26 : memref<!tpu.dma_semaphore, #tpu.memory_space<semaphore_mem>>) src(%dma_wait3A_153 : memref<10000x64xf32, #tpu.memory_space<hbm>>) dst(%arg16 : memref<125x64xf32, #tpu.memory_space<vmem>>)
        %add3A_154 = arith.constant 2 : i32
        %add3A_155 = arith.addi %mul3A_90, %add3A_154 : i32
        %dma_start3A_156 = arith.constant 0 : i32
        %dma_start3A_157 = tpu.memref_slice %arg13[%add3A_155, %dma_start3A_156] : memref<160x125xi32, #tpu.memory_space<vmem>> -> memref<1x125xi32, #tpu.memory_space<vmem>>
        %dma_start3A_158 = tpu.memref_squeeze %dma_start3A_157 : memref<1x125xi32, #tpu.memory_space<vmem>> -> memref<125xi32, #tpu.memory_space<vmem>>
        %dma_start3A_159 = arith.constant 0 : i32
        %dma_start3A_160 = arith.constant 0 : i32
        %dma_start3A_161 = tpu.memref_slice %arg23[%dma_start3A_159, %dma_start3A_160] : memref<10000x64xf32, #tpu.memory_space<vmem_shared>> -> memref<10000x64xf32, #tpu.memory_space<vmem_shared>>
        tpu.enqueue_indirect_dma source(%arg16 : memref<125x64xf32, #tpu.memory_space<vmem>>) target(%dma_start3A_161 : memref<10000x64xf32, #tpu.memory_space<vmem_shared>>) offsets(%dma_start3A_158 : memref<125xi32, #tpu.memory_space<vmem>>) semaphore(%arg27 : memref<!tpu.dma_semaphore, #tpu.memory_space<semaphore_mem>>) {add = true}
        %dma_wait3A_162 = arith.constant 0 : i32
        %dma_wait3A_163 = tpu.memref_slice %arg12[%add3A_114, %dma_wait3A_162] : memref<160x125xi32, #tpu.memory_space<vmem>> -> memref<1x125xi32, #tpu.memory_space<vmem>>
        %dma_wait3A_164 = tpu.memref_squeeze %dma_wait3A_163 : memref<1x125xi32, #tpu.memory_space<vmem>> -> memref<125xi32, #tpu.memory_space<vmem>>
        %dma_wait3A_165 = arith.constant 0 : i32
        %dma_wait3A_166 = arith.constant 0 : i32
        %dma_wait3A_167 = tpu.memref_slice %arg3[%dma_wait3A_165, %dma_wait3A_166] : memref<10000x64xf32, #tpu.memory_space<hbm>> -> memref<10000x64xf32, #tpu.memory_space<hbm>>
        tpu.wait_indirect_dma semaphore(%arg26 : memref<!tpu.dma_semaphore, #tpu.memory_space<semaphore_mem>>) src(%dma_wait3A_167 : memref<10000x64xf32, #tpu.memory_space<hbm>>) dst(%arg17 : memref<125x64xf32, #tpu.memory_space<vmem>>)
        %add3A_168 = arith.constant 3 : i32
        %add3A_169 = arith.addi %mul3A_90, %add3A_168 : i32
        %dma_start3A_170 = arith.constant 0 : i32
        %dma_start3A_171 = tpu.memref_slice %arg13[%add3A_169, %dma_start3A_170] : memref<160x125xi32, #tpu.memory_space<vmem>> -> memref<1x125xi32, #tpu.memory_space<vmem>>
        %dma_start3A_172 = tpu.memref_squeeze %dma_start3A_171 : memref<1x125xi32, #tpu.memory_space<vmem>> -> memref<125xi32, #tpu.memory_space<vmem>>
        %dma_start3A_173 = arith.constant 0 : i32
        %dma_start3A_174 = arith.constant 0 : i32
        %dma_start3A_175 = tpu.memref_slice %arg23[%dma_start3A_173, %dma_start3A_174] : memref<10000x64xf32, #tpu.memory_space<vmem_shared>> -> memref<10000x64xf32, #tpu.memory_space<vmem_shared>>
        tpu.enqueue_indirect_dma source(%arg17 : memref<125x64xf32, #tpu.memory_space<vmem>>) target(%dma_start3A_175 : memref<10000x64xf32, #tpu.memory_space<vmem_shared>>) offsets(%dma_start3A_172 : memref<125xi32, #tpu.memory_space<vmem>>) semaphore(%arg27 : memref<!tpu.dma_semaphore, #tpu.memory_space<semaphore_mem>>) {add = true}
        %dma_wait3A_176 = arith.constant 0 : i32
        %dma_wait3A_177 = tpu.memref_slice %arg13[%add3A_127, %dma_wait3A_176] : memref<160x125xi32, #tpu.memory_space<vmem>> -> memref<1x125xi32, #tpu.memory_space<vmem>>
        %dma_wait3A_178 = tpu.memref_squeeze %dma_wait3A_177 : memref<1x125xi32, #tpu.memory_space<vmem>> -> memref<125xi32, #tpu.memory_space<vmem>>
        %dma_wait3A_179 = arith.constant 0 : i32
        %dma_wait3A_180 = arith.constant 0 : i32
        %dma_wait3A_181 = tpu.memref_slice %arg23[%dma_wait3A_179, %dma_wait3A_180] : memref<10000x64xf32, #tpu.memory_space<vmem_shared>> -> memref<10000x64xf32, #tpu.memory_space<vmem_shared>>
        tpu.wait_indirect_dma semaphore(%arg27 : memref<!tpu.dma_semaphore, #tpu.memory_space<semaphore_mem>>) src(%arg14 : memref<125x64xf32, #tpu.memory_space<vmem>>) dst(%dma_wait3A_181 : memref<10000x64xf32, #tpu.memory_space<vmem_shared>>)
        %dma_wait3A_182 = arith.constant 0 : i32
        %dma_wait3A_183 = tpu.memref_slice %arg13[%add3A_141, %dma_wait3A_182] : memref<160x125xi32, #tpu.memory_space<vmem>> -> memref<1x125xi32, #tpu.memory_space<vmem>>
        %dma_wait3A_184 = tpu.memref_squeeze %dma_wait3A_183 : memref<1x125xi32, #tpu.memory_space<vmem>> -> memref<125xi32, #tpu.memory_space<vmem>>
        %dma_wait3A_185 = arith.constant 0 : i32
        %dma_wait3A_186 = arith.constant 0 : i32
        %dma_wait3A_187 = tpu.memref_slice %arg23[%dma_wait3A_185, %dma_wait3A_186] : memref<10000x64xf32, #tpu.memory_space<vmem_shared>> -> memref<10000x64xf32, #tpu.memory_space<vmem_shared>>
        tpu.wait_indirect_dma semaphore(%arg27 : memref<!tpu.dma_semaphore, #tpu.memory_space<semaphore_mem>>) src(%arg15 : memref<125x64xf32, #tpu.memory_space<vmem>>) dst(%dma_wait3A_187 : memref<10000x64xf32, #tpu.memory_space<vmem_shared>>)
        %dma_wait3A_188 = arith.constant 0 : i32
        %dma_wait3A_189 = tpu.memref_slice %arg13[%add3A_155, %dma_wait3A_188] : memref<160x125xi32, #tpu.memory_space<vmem>> -> memref<1x125xi32, #tpu.memory_space<vmem>>
        %dma_wait3A_190 = tpu.memref_squeeze %dma_wait3A_189 : memref<1x125xi32, #tpu.memory_space<vmem>> -> memref<125xi32, #tpu.memory_space<vmem>>
        %dma_wait3A_191 = arith.constant 0 : i32
        %dma_wait3A_192 = arith.constant 0 : i32
        %dma_wait3A_193 = tpu.memref_slice %arg23[%dma_wait3A_191, %dma_wait3A_192] : memref<10000x64xf32, #tpu.memory_space<vmem_shared>> -> memref<10000x64xf32, #tpu.memory_space<vmem_shared>>
        tpu.wait_indirect_dma semaphore(%arg27 : memref<!tpu.dma_semaphore, #tpu.memory_space<semaphore_mem>>) src(%arg16 : memref<125x64xf32, #tpu.memory_space<vmem>>) dst(%dma_wait3A_193 : memref<10000x64xf32, #tpu.memory_space<vmem_shared>>)
        %dma_wait3A_194 = arith.constant 0 : i32
        %dma_wait3A_195 = tpu.memref_slice %arg13[%add3A_169, %dma_wait3A_194] : memref<160x125xi32, #tpu.memory_space<vmem>> -> memref<1x125xi32, #tpu.memory_space<vmem>>
        %dma_wait3A_196 = tpu.memref_squeeze %dma_wait3A_195 : memref<1x125xi32, #tpu.memory_space<vmem>> -> memref<125xi32, #tpu.memory_space<vmem>>
        %dma_wait3A_197 = arith.constant 0 : i32
        %dma_wait3A_198 = arith.constant 0 : i32
        %dma_wait3A_199 = tpu.memref_slice %arg23[%dma_wait3A_197, %dma_wait3A_198] : memref<10000x64xf32, #tpu.memory_space<vmem_shared>> -> memref<10000x64xf32, #tpu.memory_space<vmem_shared>>
        tpu.wait_indirect_dma semaphore(%arg27 : memref<!tpu.dma_semaphore, #tpu.memory_space<semaphore_mem>>) src(%arg17 : memref<125x64xf32, #tpu.memory_space<vmem>>) dst(%dma_wait3A_199 : memref<10000x64xf32, #tpu.memory_space<vmem_shared>>)
      }
      %scan3A_87 = arith.constant 40 : i32
    } else {
    }
    %eq3A_21 = arith.constant 1 : i32
    %eq3A_22 = arith.cmpi eq, %arg0, %eq3A_21 : i32
    %convert_element_type3A_23 = arith.extui %eq3A_22 : i1 to i32
    %cond3A_24 = arith.constant 0 : i32
    %cond3A_25 = arith.cmpi ne, %convert_element_type3A_23, %cond3A_24 : i32
    scf.if %cond3A_25 {
      %scan3A_82 = arith.constant 0 : i32
      %scan3A_83 = arith.constant 0 : i32
      %scan3A_84 = arith.constant 40 : i32
      %scan3A_85 = arith.addi %scan3A_83, %scan3A_84 : i32
      %scan3A_86 = arith.constant 1 : i32
      scf.for %scan3A_88 = %scan3A_83 to %scan3A_85 step %scan3A_86  : i32 {
        %mul3A_89 = arith.constant 4 : i32
        %mul3A_90 = arith.muli %mul3A_89, %scan3A_88 : i32
        %add3A = arith.constant 0 : i32
        %add3A_91 = arith.addi %mul3A_90, %add3A : i32
        %dma_start3A = arith.constant 0 : i32
        %dma_start3A_92 = tpu.memref_slice %arg12[%add3A_91, %dma_start3A] : memref<160x125xi32, #tpu.memory_space<vmem>> -> memref<1x125xi32, #tpu.memory_space<vmem>>
        %dma_start3A_93 = tpu.memref_squeeze %dma_start3A_92 : memref<1x125xi32, #tpu.memory_space<vmem>> -> memref<125xi32, #tpu.memory_space<vmem>>
        %dma_start3A_94 = arith.constant 0 : i32
        %dma_start3A_95 = arith.constant 0 : i32
        %dma_start3A_96 = tpu.memref_slice %arg5[%dma_start3A_94, %dma_start3A_95] : memref<10000x64xf32, #tpu.memory_space<hbm>> -> memref<10000x64xf32, #tpu.memory_space<hbm>>
        tpu.enqueue_indirect_dma source(%dma_start3A_96 : memref<10000x64xf32, #tpu.memory_space<hbm>>) target(%arg14 : memref<125x64xf32, #tpu.memory_space<vmem>>) offsets(%dma_start3A_93 : memref<125xi32, #tpu.memory_space<vmem>>) semaphore(%arg26 : memref<!tpu.dma_semaphore, #tpu.memory_space<semaphore_mem>>)
        %add3A_97 = arith.constant 1 : i32
        %add3A_98 = arith.addi %mul3A_90, %add3A_97 : i32
        %dma_start3A_99 = arith.constant 0 : i32
        %dma_start3A_100 = tpu.memref_slice %arg12[%add3A_98, %dma_start3A_99] : memref<160x125xi32, #tpu.memory_space<vmem>> -> memref<1x125xi32, #tpu.memory_space<vmem>>
        %dma_start3A_101 = tpu.memref_squeeze %dma_start3A_100 : memref<1x125xi32, #tpu.memory_space<vmem>> -> memref<125xi32, #tpu.memory_space<vmem>>
        %dma_start3A_102 = arith.constant 0 : i32
        %dma_start3A_103 = arith.constant 0 : i32
        %dma_start3A_104 = tpu.memref_slice %arg5[%dma_start3A_102, %dma_start3A_103] : memref<10000x64xf32, #tpu.memory_space<hbm>> -> memref<10000x64xf32, #tpu.memory_space<hbm>>
        tpu.enqueue_indirect_dma source(%dma_start3A_104 : memref<10000x64xf32, #tpu.memory_space<hbm>>) target(%arg15 : memref<125x64xf32, #tpu.memory_space<vmem>>) offsets(%dma_start3A_101 : memref<125xi32, #tpu.memory_space<vmem>>) semaphore(%arg26 : memref<!tpu.dma_semaphore, #tpu.memory_space<semaphore_mem>>)
        %add3A_105 = arith.constant 2 : i32
        %add3A_106 = arith.addi %mul3A_90, %add3A_105 : i32
        %dma_start3A_107 = arith.constant 0 : i32
        %dma_start3A_108 = tpu.memref_slice %arg12[%add3A_106, %dma_start3A_107] : memref<160x125xi32, #tpu.memory_space<vmem>> -> memref<1x125xi32, #tpu.memory_space<vmem>>
        %dma_start3A_109 = tpu.memref_squeeze %dma_start3A_108 : memref<1x125xi32, #tpu.memory_space<vmem>> -> memref<125xi32, #tpu.memory_space<vmem>>
        %dma_start3A_110 = arith.constant 0 : i32
        %dma_start3A_111 = arith.constant 0 : i32
        %dma_start3A_112 = tpu.memref_slice %arg5[%dma_start3A_110, %dma_start3A_111] : memref<10000x64xf32, #tpu.memory_space<hbm>> -> memref<10000x64xf32, #tpu.memory_space<hbm>>
        tpu.enqueue_indirect_dma source(%dma_start3A_112 : memref<10000x64xf32, #tpu.memory_space<hbm>>) target(%arg16 : memref<125x64xf32, #tpu.memory_space<vmem>>) offsets(%dma_start3A_109 : memref<125xi32, #tpu.memory_space<vmem>>) semaphore(%arg26 : memref<!tpu.dma_semaphore, #tpu.memory_space<semaphore_mem>>)
        %add3A_113 = arith.constant 3 : i32
        %add3A_114 = arith.addi %mul3A_90, %add3A_113 : i32
        %dma_start3A_115 = arith.constant 0 : i32
        %dma_start3A_116 = tpu.memref_slice %arg12[%add3A_114, %dma_start3A_115] : memref<160x125xi32, #tpu.memory_space<vmem>> -> memref<1x125xi32, #tpu.memory_space<vmem>>
        %dma_start3A_117 = tpu.memref_squeeze %dma_start3A_116 : memref<1x125xi32, #tpu.memory_space<vmem>> -> memref<125xi32, #tpu.memory_space<vmem>>
        %dma_start3A_118 = arith.constant 0 : i32
        %dma_start3A_119 = arith.constant 0 : i32
        %dma_start3A_120 = tpu.memref_slice %arg5[%dma_start3A_118, %dma_start3A_119] : memref<10000x64xf32, #tpu.memory_space<hbm>> -> memref<10000x64xf32, #tpu.memory_space<hbm>>
        tpu.enqueue_indirect_dma source(%dma_start3A_120 : memref<10000x64xf32, #tpu.memory_space<hbm>>) target(%arg17 : memref<125x64xf32, #tpu.memory_space<vmem>>) offsets(%dma_start3A_117 : memref<125xi32, #tpu.memory_space<vmem>>) semaphore(%arg26 : memref<!tpu.dma_semaphore, #tpu.memory_space<semaphore_mem>>)
        %dma_wait3A = arith.constant 0 : i32
        %dma_wait3A_121 = tpu.memref_slice %arg12[%add3A_91, %dma_wait3A] : memref<160x125xi32, #tpu.memory_space<vmem>> -> memref<1x125xi32, #tpu.memory_space<vmem>>
        %dma_wait3A_122 = tpu.memref_squeeze %dma_wait3A_121 : memref<1x125xi32, #tpu.memory_space<vmem>> -> memref<125xi32, #tpu.memory_space<vmem>>
        %dma_wait3A_123 = arith.constant 0 : i32
        %dma_wait3A_124 = arith.constant 0 : i32
        %dma_wait3A_125 = tpu.memref_slice %arg5[%dma_wait3A_123, %dma_wait3A_124] : memref<10000x64xf32, #tpu.memory_space<hbm>> -> memref<10000x64xf32, #tpu.memory_space<hbm>>
        tpu.wait_indirect_dma semaphore(%arg26 : memref<!tpu.dma_semaphore, #tpu.memory_space<semaphore_mem>>) src(%dma_wait3A_125 : memref<10000x64xf32, #tpu.memory_space<hbm>>) dst(%arg14 : memref<125x64xf32, #tpu.memory_space<vmem>>)
        %add3A_126 = arith.constant 0 : i32
        %add3A_127 = arith.addi %mul3A_90, %add3A_126 : i32
        %dma_start3A_128 = arith.constant 0 : i32
        %dma_start3A_129 = tpu.memref_slice %arg13[%add3A_127, %dma_start3A_128] : memref<160x125xi32, #tpu.memory_space<vmem>> -> memref<1x125xi32, #tpu.memory_space<vmem>>
        %dma_start3A_130 = tpu.memref_squeeze %dma_start3A_129 : memref<1x125xi32, #tpu.memory_space<vmem>> -> memref<125xi32, #tpu.memory_space<vmem>>
        %dma_start3A_131 = arith.constant 0 : i32
        %dma_start3A_132 = arith.constant 0 : i32
        %dma_start3A_133 = tpu.memref_slice %arg23[%dma_start3A_131, %dma_start3A_132] : memref<10000x64xf32, #tpu.memory_space<vmem_shared>> -> memref<10000x64xf32, #tpu.memory_space<vmem_shared>>
        tpu.enqueue_indirect_dma source(%arg14 : memref<125x64xf32, #tpu.memory_space<vmem>>) target(%dma_start3A_133 : memref<10000x64xf32, #tpu.memory_space<vmem_shared>>) offsets(%dma_start3A_130 : memref<125xi32, #tpu.memory_space<vmem>>) semaphore(%arg27 : memref<!tpu.dma_semaphore, #tpu.memory_space<semaphore_mem>>) {add = true}
        %dma_wait3A_134 = arith.constant 0 : i32
        %dma_wait3A_135 = tpu.memref_slice %arg12[%add3A_98, %dma_wait3A_134] : memref<160x125xi32, #tpu.memory_space<vmem>> -> memref<1x125xi32, #tpu.memory_space<vmem>>
        %dma_wait3A_136 = tpu.memref_squeeze %dma_wait3A_135 : memref<1x125xi32, #tpu.memory_space<vmem>> -> memref<125xi32, #tpu.memory_space<vmem>>
        %dma_wait3A_137 = arith.constant 0 : i32
        %dma_wait3A_138 = arith.constant 0 : i32
        %dma_wait3A_139 = tpu.memref_slice %arg5[%dma_wait3A_137, %dma_wait3A_138] : memref<10000x64xf32, #tpu.memory_space<hbm>> -> memref<10000x64xf32, #tpu.memory_space<hbm>>
        tpu.wait_indirect_dma semaphore(%arg26 : memref<!tpu.dma_semaphore, #tpu.memory_space<semaphore_mem>>) src(%dma_wait3A_139 : memref<10000x64xf32, #tpu.memory_space<hbm>>) dst(%arg15 : memref<125x64xf32, #tpu.memory_space<vmem>>)
        %add3A_140 = arith.constant 1 : i32
        %add3A_141 = arith.addi %mul3A_90, %add3A_140 : i32
        %dma_start3A_142 = arith.constant 0 : i32
        %dma_start3A_143 = tpu.memref_slice %arg13[%add3A_141, %dma_start3A_142] : memref<160x125xi32, #tpu.memory_space<vmem>> -> memref<1x125xi32, #tpu.memory_space<vmem>>
        %dma_start3A_144 = tpu.memref_squeeze %dma_start3A_143 : memref<1x125xi32, #tpu.memory_space<vmem>> -> memref<125xi32, #tpu.memory_space<vmem>>
        %dma_start3A_145 = arith.constant 0 : i32
        %dma_start3A_146 = arith.constant 0 : i32
        %dma_start3A_147 = tpu.memref_slice %arg23[%dma_start3A_145, %dma_start3A_146] : memref<10000x64xf32, #tpu.memory_space<vmem_shared>> -> memref<10000x64xf32, #tpu.memory_space<vmem_shared>>
        tpu.enqueue_indirect_dma source(%arg15 : memref<125x64xf32, #tpu.memory_space<vmem>>) target(%dma_start3A_147 : memref<10000x64xf32, #tpu.memory_space<vmem_shared>>) offsets(%dma_start3A_144 : memref<125xi32, #tpu.memory_space<vmem>>) semaphore(%arg27 : memref<!tpu.dma_semaphore, #tpu.memory_space<semaphore_mem>>) {add = true}
        %dma_wait3A_148 = arith.constant 0 : i32
        %dma_wait3A_149 = tpu.memref_slice %arg12[%add3A_106, %dma_wait3A_148] : memref<160x125xi32, #tpu.memory_space<vmem>> -> memref<1x125xi32, #tpu.memory_space<vmem>>
        %dma_wait3A_150 = tpu.memref_squeeze %dma_wait3A_149 : memref<1x125xi32, #tpu.memory_space<vmem>> -> memref<125xi32, #tpu.memory_space<vmem>>
        %dma_wait3A_151 = arith.constant 0 : i32
        %dma_wait3A_152 = arith.constant 0 : i32
        %dma_wait3A_153 = tpu.memref_slice %arg5[%dma_wait3A_151, %dma_wait3A_152] : memref<10000x64xf32, #tpu.memory_space<hbm>> -> memref<10000x64xf32, #tpu.memory_space<hbm>>
        tpu.wait_indirect_dma semaphore(%arg26 : memref<!tpu.dma_semaphore, #tpu.memory_space<semaphore_mem>>) src(%dma_wait3A_153 : memref<10000x64xf32, #tpu.memory_space<hbm>>) dst(%arg16 : memref<125x64xf32, #tpu.memory_space<vmem>>)
        %add3A_154 = arith.constant 2 : i32
        %add3A_155 = arith.addi %mul3A_90, %add3A_154 : i32
        %dma_start3A_156 = arith.constant 0 : i32
        %dma_start3A_157 = tpu.memref_slice %arg13[%add3A_155, %dma_start3A_156] : memref<160x125xi32, #tpu.memory_space<vmem>> -> memref<1x125xi32, #tpu.memory_space<vmem>>
        %dma_start3A_158 = tpu.memref_squeeze %dma_start3A_157 : memref<1x125xi32, #tpu.memory_space<vmem>> -> memref<125xi32, #tpu.memory_space<vmem>>
        %dma_start3A_159 = arith.constant 0 : i32
        %dma_start3A_160 = arith.constant 0 : i32
        %dma_start3A_161 = tpu.memref_slice %arg23[%dma_start3A_159, %dma_start3A_160] : memref<10000x64xf32, #tpu.memory_space<vmem_shared>> -> memref<10000x64xf32, #tpu.memory_space<vmem_shared>>
        tpu.enqueue_indirect_dma source(%arg16 : memref<125x64xf32, #tpu.memory_space<vmem>>) target(%dma_start3A_161 : memref<10000x64xf32, #tpu.memory_space<vmem_shared>>) offsets(%dma_start3A_158 : memref<125xi32, #tpu.memory_space<vmem>>) semaphore(%arg27 : memref<!tpu.dma_semaphore, #tpu.memory_space<semaphore_mem>>) {add = true}
        %dma_wait3A_162 = arith.constant 0 : i32
        %dma_wait3A_163 = tpu.memref_slice %arg12[%add3A_114, %dma_wait3A_162] : memref<160x125xi32, #tpu.memory_space<vmem>> -> memref<1x125xi32, #tpu.memory_space<vmem>>
        %dma_wait3A_164 = tpu.memref_squeeze %dma_wait3A_163 : memref<1x125xi32, #tpu.memory_space<vmem>> -> memref<125xi32, #tpu.memory_space<vmem>>
        %dma_wait3A_165 = arith.constant 0 : i32
        %dma_wait3A_166 = arith.constant 0 : i32
        %dma_wait3A_167 = tpu.memref_slice %arg5[%dma_wait3A_165, %dma_wait3A_166] : memref<10000x64xf32, #tpu.memory_space<hbm>> -> memref<10000x64xf32, #tpu.memory_space<hbm>>
        tpu.wait_indirect_dma semaphore(%arg26 : memref<!tpu.dma_semaphore, #tpu.memory_space<semaphore_mem>>) src(%dma_wait3A_167 : memref<10000x64xf32, #tpu.memory_space<hbm>>) dst(%arg17 : memref<125x64xf32, #tpu.memory_space<vmem>>)
        %add3A_168 = arith.constant 3 : i32
        %add3A_169 = arith.addi %mul3A_90, %add3A_168 : i32
        %dma_start3A_170 = arith.constant 0 : i32
        %dma_start3A_171 = tpu.memref_slice %arg13[%add3A_169, %dma_start3A_170] : memref<160x125xi32, #tpu.memory_space<vmem>> -> memref<1x125xi32, #tpu.memory_space<vmem>>
        %dma_start3A_172 = tpu.memref_squeeze %dma_start3A_171 : memref<1x125xi32, #tpu.memory_space<vmem>> -> memref<125xi32, #tpu.memory_space<vmem>>
        %dma_start3A_173 = arith.constant 0 : i32
        %dma_start3A_174 = arith.constant 0 : i32
        %dma_start3A_175 = tpu.memref_slice %arg23[%dma_start3A_173, %dma_start3A_174] : memref<10000x64xf32, #tpu.memory_space<vmem_shared>> -> memref<10000x64xf32, #tpu.memory_space<vmem_shared>>
        tpu.enqueue_indirect_dma source(%arg17 : memref<125x64xf32, #tpu.memory_space<vmem>>) target(%dma_start3A_175 : memref<10000x64xf32, #tpu.memory_space<vmem_shared>>) offsets(%dma_start3A_172 : memref<125xi32, #tpu.memory_space<vmem>>) semaphore(%arg27 : memref<!tpu.dma_semaphore, #tpu.memory_space<semaphore_mem>>) {add = true}
        %dma_wait3A_176 = arith.constant 0 : i32
        %dma_wait3A_177 = tpu.memref_slice %arg13[%add3A_127, %dma_wait3A_176] : memref<160x125xi32, #tpu.memory_space<vmem>> -> memref<1x125xi32, #tpu.memory_space<vmem>>
        %dma_wait3A_178 = tpu.memref_squeeze %dma_wait3A_177 : memref<1x125xi32, #tpu.memory_space<vmem>> -> memref<125xi32, #tpu.memory_space<vmem>>
        %dma_wait3A_179 = arith.constant 0 : i32
        %dma_wait3A_180 = arith.constant 0 : i32
        %dma_wait3A_181 = tpu.memref_slice %arg23[%dma_wait3A_179, %dma_wait3A_180] : memref<10000x64xf32, #tpu.memory_space<vmem_shared>> -> memref<10000x64xf32, #tpu.memory_space<vmem_shared>>
        tpu.wait_indirect_dma semaphore(%arg27 : memref<!tpu.dma_semaphore, #tpu.memory_space<semaphore_mem>>) src(%arg14 : memref<125x64xf32, #tpu.memory_space<vmem>>) dst(%dma_wait3A_181 : memref<10000x64xf32, #tpu.memory_space<vmem_shared>>)
        %dma_wait3A_182 = arith.constant 0 : i32
        %dma_wait3A_183 = tpu.memref_slice %arg13[%add3A_141, %dma_wait3A_182] : memref<160x125xi32, #tpu.memory_space<vmem>> -> memref<1x125xi32, #tpu.memory_space<vmem>>
        %dma_wait3A_184 = tpu.memref_squeeze %dma_wait3A_183 : memref<1x125xi32, #tpu.memory_space<vmem>> -> memref<125xi32, #tpu.memory_space<vmem>>
        %dma_wait3A_185 = arith.constant 0 : i32
        %dma_wait3A_186 = arith.constant 0 : i32
        %dma_wait3A_187 = tpu.memref_slice %arg23[%dma_wait3A_185, %dma_wait3A_186] : memref<10000x64xf32, #tpu.memory_space<vmem_shared>> -> memref<10000x64xf32, #tpu.memory_space<vmem_shared>>
        tpu.wait_indirect_dma semaphore(%arg27 : memref<!tpu.dma_semaphore, #tpu.memory_space<semaphore_mem>>) src(%arg15 : memref<125x64xf32, #tpu.memory_space<vmem>>) dst(%dma_wait3A_187 : memref<10000x64xf32, #tpu.memory_space<vmem_shared>>)
        %dma_wait3A_188 = arith.constant 0 : i32
        %dma_wait3A_189 = tpu.memref_slice %arg13[%add3A_155, %dma_wait3A_188] : memref<160x125xi32, #tpu.memory_space<vmem>> -> memref<1x125xi32, #tpu.memory_space<vmem>>
        %dma_wait3A_190 = tpu.memref_squeeze %dma_wait3A_189 : memref<1x125xi32, #tpu.memory_space<vmem>> -> memref<125xi32, #tpu.memory_space<vmem>>
        %dma_wait3A_191 = arith.constant 0 : i32
        %dma_wait3A_192 = arith.constant 0 : i32
        %dma_wait3A_193 = tpu.memref_slice %arg23[%dma_wait3A_191, %dma_wait3A_192] : memref<10000x64xf32, #tpu.memory_space<vmem_shared>> -> memref<10000x64xf32, #tpu.memory_space<vmem_shared>>
        tpu.wait_indirect_dma semaphore(%arg27 : memref<!tpu.dma_semaphore, #tpu.memory_space<semaphore_mem>>) src(%arg16 : memref<125x64xf32, #tpu.memory_space<vmem>>) dst(%dma_wait3A_193 : memref<10000x64xf32, #tpu.memory_space<vmem_shared>>)
        %dma_wait3A_194 = arith.constant 0 : i32
        %dma_wait3A_195 = tpu.memref_slice %arg13[%add3A_169, %dma_wait3A_194] : memref<160x125xi32, #tpu.memory_space<vmem>> -> memref<1x125xi32, #tpu.memory_space<vmem>>
        %dma_wait3A_196 = tpu.memref_squeeze %dma_wait3A_195 : memref<1x125xi32, #tpu.memory_space<vmem>> -> memref<125xi32, #tpu.memory_space<vmem>>
        %dma_wait3A_197 = arith.constant 0 : i32
        %dma_wait3A_198 = arith.constant 0 : i32
        %dma_wait3A_199 = tpu.memref_slice %arg23[%dma_wait3A_197, %dma_wait3A_198] : memref<10000x64xf32, #tpu.memory_space<vmem_shared>> -> memref<10000x64xf32, #tpu.memory_space<vmem_shared>>
        tpu.wait_indirect_dma semaphore(%arg27 : memref<!tpu.dma_semaphore, #tpu.memory_space<semaphore_mem>>) src(%arg17 : memref<125x64xf32, #tpu.memory_space<vmem>>) dst(%dma_wait3A_199 : memref<10000x64xf32, #tpu.memory_space<vmem_shared>>)
      }
      %scan3A_87 = arith.constant 40 : i32
    } else {
    }
    %barrier3A_26 = arith.constant 0 : index
    tpu.barrier barrier_id(%barrier3A_26)
    %lt3A_27 = arith.constant 15 : i32
    %lt3A_28 = arith.cmpi slt, %arg1, %lt3A_27 : i32
    %convert_element_type3A_29 = arith.extui %lt3A_28 : i1 to i32
    %cond3A_30 = arith.constant 0 : i32
    %cond3A_31 = arith.cmpi ne, %convert_element_type3A_29, %cond3A_30 : i32
    scf.if %cond3A_31 {
      %mul3A_82 = arith.constant 640 : i32
      %mul3A_83 = arith.muli %arg1, %mul3A_82 : i32
      %multiple_of3A_84 = tpu.assume_multiple %mul3A_83, 8 : i32
      %run_scoped3A_85 = arith.constant 0 : i32
      "tpu.region"() ({
        %run_scoped3A_86 = tpu.sem_alloc : memref<!tpu.dma_semaphore, #tpu.memory_space<semaphore_mem>>
        %dma_start3A = arith.constant 0 : i32
        %dma_start3A_87 = tpu.memref_slice %arg10[%arg0, %run_scoped3A_85, %multiple_of3A_84, %dma_start3A] : memref<2x2x10000x64xf32, #tpu.memory_space<hbm>> -> memref<1x1x640x64xf32, #tpu.memory_space<hbm>>
        %dma_start3A_88 = tpu.memref_squeeze %dma_start3A_87 : memref<1x1x640x64xf32, #tpu.memory_space<hbm>> -> memref<640x64xf32, #tpu.memory_space<hbm>>
        %dma_start3A_89 = arith.constant 0 : i32
        %dma_start3A_90 = tpu.memref_slice %arg23[%multiple_of3A_84, %dma_start3A_89] : memref<10000x64xf32, #tpu.memory_space<vmem_shared>> -> memref<640x64xf32, #tpu.memory_space<vmem_shared>>
        tpu.enqueue_dma source(%dma_start3A_90 : memref<640x64xf32, #tpu.memory_space<vmem_shared>>) target(%dma_start3A_88 : memref<640x64xf32, #tpu.memory_space<hbm>>) target_semaphore(%run_scoped3A_86 : memref<!tpu.dma_semaphore, #tpu.memory_space<semaphore_mem>>)
        %dma_wait3A = arith.constant 0 : i32
        %dma_wait3A_91 = tpu.memref_slice %arg10[%arg0, %run_scoped3A_85, %multiple_of3A_84, %dma_wait3A] : memref<2x2x10000x64xf32, #tpu.memory_space<hbm>> -> memref<1x1x640x64xf32, #tpu.memory_space<hbm>>
        %dma_wait3A_92 = tpu.memref_squeeze %dma_wait3A_91 : memref<1x1x640x64xf32, #tpu.memory_space<hbm>> -> memref<640x64xf32, #tpu.memory_space<hbm>>
        %dma_wait3A_93 = arith.constant 0 : i32
        %dma_wait3A_94 = tpu.memref_slice %arg23[%multiple_of3A_84, %dma_wait3A_93] : memref<10000x64xf32, #tpu.memory_space<vmem_shared>> -> memref<640x64xf32, #tpu.memory_space<vmem_shared>>
        tpu.wait_dma2 semaphore(%run_scoped3A_86 : memref<!tpu.dma_semaphore, #tpu.memory_space<semaphore_mem>>) src(%dma_wait3A_94 : memref<640x64xf32, #tpu.memory_space<vmem_shared>>) dst(%dma_wait3A_92 : memref<640x64xf32, #tpu.memory_space<hbm>>)
        tpu.yield
      }) : () -> ()
    } else {
    }
    %eq3A_32 = arith.constant 15 : i32
    %eq3A_33 = arith.cmpi eq, %arg1, %eq3A_32 : i32
    %convert_element_type3A_34 = arith.extui %eq3A_33 : i1 to i32
    %cond3A_35 = arith.constant 0 : i32
    %cond3A_36 = arith.cmpi ne, %convert_element_type3A_34, %cond3A_35 : i32
    scf.if %cond3A_36 {
      %run_scoped3A_82 = arith.constant 0 : i32
      "tpu.region"() ({
        %run_scoped3A_83 = tpu.sem_alloc : memref<!tpu.dma_semaphore, #tpu.memory_space<semaphore_mem>>
        %dma_start3A = arith.constant 9600 : i32
        %dma_start3A_84 = arith.constant 0 : i32
        %dma_start3A_85 = tpu.memref_slice %arg10[%arg0, %run_scoped3A_82, %dma_start3A, %dma_start3A_84] : memref<2x2x10000x64xf32, #tpu.memory_space<hbm>> -> memref<1x1x400x64xf32, #tpu.memory_space<hbm>>
        %dma_start3A_86 = tpu.memref_squeeze %dma_start3A_85 : memref<1x1x400x64xf32, #tpu.memory_space<hbm>> -> memref<400x64xf32, #tpu.memory_space<hbm>>
        %dma_start3A_87 = arith.constant 9600 : i32
        %dma_start3A_88 = arith.constant 0 : i32
        %dma_start3A_89 = tpu.memref_slice %arg23[%dma_start3A_87, %dma_start3A_88] : memref<10000x64xf32, #tpu.memory_space<vmem_shared>> -> memref<400x64xf32, #tpu.memory_space<vmem_shared>>
        tpu.enqueue_dma source(%dma_start3A_89 : memref<400x64xf32, #tpu.memory_space<vmem_shared>>) target(%dma_start3A_86 : memref<400x64xf32, #tpu.memory_space<hbm>>) target_semaphore(%run_scoped3A_83 : memref<!tpu.dma_semaphore, #tpu.memory_space<semaphore_mem>>)
        %dma_wait3A = arith.constant 9600 : i32
        %dma_wait3A_90 = arith.constant 0 : i32
        %dma_wait3A_91 = tpu.memref_slice %arg10[%arg0, %run_scoped3A_82, %dma_wait3A, %dma_wait3A_90] : memref<2x2x10000x64xf32, #tpu.memory_space<hbm>> -> memref<1x1x400x64xf32, #tpu.memory_space<hbm>>
        %dma_wait3A_92 = tpu.memref_squeeze %dma_wait3A_91 : memref<1x1x400x64xf32, #tpu.memory_space<hbm>> -> memref<400x64xf32, #tpu.memory_space<hbm>>
        %dma_wait3A_93 = arith.constant 9600 : i32
        %dma_wait3A_94 = arith.constant 0 : i32
        %dma_wait3A_95 = tpu.memref_slice %arg23[%dma_wait3A_93, %dma_wait3A_94] : memref<10000x64xf32, #tpu.memory_space<vmem_shared>> -> memref<400x64xf32, #tpu.memory_space<vmem_shared>>
        tpu.wait_dma2 semaphore(%run_scoped3A_83 : memref<!tpu.dma_semaphore, #tpu.memory_space<semaphore_mem>>) src(%dma_wait3A_95 : memref<400x64xf32, #tpu.memory_space<vmem_shared>>) dst(%dma_wait3A_92 : memref<400x64xf32, #tpu.memory_space<hbm>>)
        tpu.yield
      }) : () -> ()
    } else {
    }
    %lt3A_37 = arith.constant 15 : i32
    %lt3A_38 = arith.cmpi slt, %arg1, %lt3A_37 : i32
    %convert_element_type3A_39 = arith.extui %lt3A_38 : i1 to i32
    %cond3A_40 = arith.constant 0 : i32
    %cond3A_41 = arith.cmpi ne, %convert_element_type3A_39, %cond3A_40 : i32
    scf.if %cond3A_41 {
      %mul3A_82 = arith.constant 640 : i32
      %mul3A_83 = arith.muli %arg1, %mul3A_82 : i32
      %multiple_of3A_84 = tpu.assume_multiple %mul3A_83, 8 : i32
      "tpu.region"() ({
        %run_scoped3A_85 = tpu.sem_alloc : memref<!tpu.dma_semaphore, #tpu.memory_space<semaphore_mem>>
        %dma_start3A = arith.constant 0 : i32
        %dma_start3A_86 = tpu.memref_slice %arg23[%multiple_of3A_84, %dma_start3A] : memref<10000x64xf32, #tpu.memory_space<vmem_shared>> -> memref<640x64xf32, #tpu.memory_space<vmem_shared>>
        tpu.enqueue_dma source(%arg8 : memref<640x64xf32, #tpu.memory_space<hbm>>) target(%dma_start3A_86 : memref<640x64xf32, #tpu.memory_space<vmem_shared>>) target_semaphore(%run_scoped3A_85 : memref<!tpu.dma_semaphore, #tpu.memory_space<semaphore_mem>>)
        %dma_wait3A = arith.constant 0 : i32
        %dma_wait3A_87 = tpu.memref_slice %arg23[%multiple_of3A_84, %dma_wait3A] : memref<10000x64xf32, #tpu.memory_space<vmem_shared>> -> memref<640x64xf32, #tpu.memory_space<vmem_shared>>
        tpu.wait_dma2 semaphore(%run_scoped3A_85 : memref<!tpu.dma_semaphore, #tpu.memory_space<semaphore_mem>>) src(%arg8 : memref<640x64xf32, #tpu.memory_space<hbm>>) dst(%dma_wait3A_87 : memref<640x64xf32, #tpu.memory_space<vmem_shared>>)
        tpu.yield
      }) : () -> ()
    } else {
    }
    %eq3A_42 = arith.constant 15 : i32
    %eq3A_43 = arith.cmpi eq, %arg1, %eq3A_42 : i32
    %convert_element_type3A_44 = arith.extui %eq3A_43 : i1 to i32
    %cond3A_45 = arith.constant 0 : i32
    %cond3A_46 = arith.cmpi ne, %convert_element_type3A_44, %cond3A_45 : i32
    scf.if %cond3A_46 {
      "tpu.region"() ({
        %run_scoped3A_82 = tpu.sem_alloc : memref<!tpu.dma_semaphore, #tpu.memory_space<semaphore_mem>>
        %dma_start3A = arith.constant 9600 : i32
        %dma_start3A_83 = arith.constant 0 : i32
        %dma_start3A_84 = tpu.memref_slice %arg23[%dma_start3A, %dma_start3A_83] : memref<10000x64xf32, #tpu.memory_space<vmem_shared>> -> memref<400x64xf32, #tpu.memory_space<vmem_shared>>
        %dma_start3A_85 = arith.constant 0 : i32
        %dma_start3A_86 = arith.constant 0 : i32
        %dma_start3A_87 = tpu.memref_slice %arg8[%dma_start3A_85, %dma_start3A_86] : memref<640x64xf32, #tpu.memory_space<hbm>> -> memref<400x64xf32, #tpu.memory_space<hbm>>
        tpu.enqueue_dma source(%dma_start3A_87 : memref<400x64xf32, #tpu.memory_space<hbm>>) target(%dma_start3A_84 : memref<400x64xf32, #tpu.memory_space<vmem_shared>>) target_semaphore(%run_scoped3A_82 : memref<!tpu.dma_semaphore, #tpu.memory_space<semaphore_mem>>)
        %dma_wait3A = arith.constant 9600 : i32
        %dma_wait3A_88 = arith.constant 0 : i32
        %dma_wait3A_89 = tpu.memref_slice %arg23[%dma_wait3A, %dma_wait3A_88] : memref<10000x64xf32, #tpu.memory_space<vmem_shared>> -> memref<400x64xf32, #tpu.memory_space<vmem_shared>>
        %dma_wait3A_90 = arith.constant 0 : i32
        %dma_wait3A_91 = arith.constant 0 : i32
        %dma_wait3A_92 = tpu.memref_slice %arg8[%dma_wait3A_90, %dma_wait3A_91] : memref<640x64xf32, #tpu.memory_space<hbm>> -> memref<400x64xf32, #tpu.memory_space<hbm>>
        tpu.wait_dma2 semaphore(%run_scoped3A_82 : memref<!tpu.dma_semaphore, #tpu.memory_space<semaphore_mem>>) src(%dma_wait3A_92 : memref<400x64xf32, #tpu.memory_space<hbm>>) dst(%dma_wait3A_89 : memref<400x64xf32, #tpu.memory_space<vmem_shared>>)
        tpu.yield
      }) : () -> ()
    } else {
    }
    %barrier3A_47 = arith.constant 0 : index
    tpu.barrier barrier_id(%barrier3A_47)
    %eq3A_48 = arith.constant 0 : i32
    %eq3A_49 = arith.cmpi eq, %arg0, %eq3A_48 : i32
    %convert_element_type3A_50 = arith.extui %eq3A_49 : i1 to i32
    %cond3A_51 = arith.constant 0 : i32
    %cond3A_52 = arith.cmpi ne, %convert_element_type3A_50, %cond3A_51 : i32
    scf.if %cond3A_52 {
      %scan3A_82 = arith.constant 0 : i32
      %scan3A_83 = arith.constant 0 : i32
      %scan3A_84 = arith.constant 40 : i32
      %scan3A_85 = arith.addi %scan3A_83, %scan3A_84 : i32
      %scan3A_86 = arith.constant 1 : i32
      scf.for %scan3A_88 = %scan3A_83 to %scan3A_85 step %scan3A_86  : i32 {
        %mul3A_89 = arith.constant 4 : i32
        %mul3A_90 = arith.muli %mul3A_89, %scan3A_88 : i32
        %add3A = arith.constant 0 : i32
        %add3A_91 = arith.addi %mul3A_90, %add3A : i32
        %dma_start3A = arith.constant 0 : i32
        %dma_start3A_92 = tpu.memref_slice %arg12[%add3A_91, %dma_start3A] : memref<160x125xi32, #tpu.memory_space<vmem>> -> memref<1x125xi32, #tpu.memory_space<vmem>>
        %dma_start3A_93 = tpu.memref_squeeze %dma_start3A_92 : memref<1x125xi32, #tpu.memory_space<vmem>> -> memref<125xi32, #tpu.memory_space<vmem>>
        %dma_start3A_94 = arith.constant 0 : i32
        %dma_start3A_95 = arith.constant 0 : i32
        %dma_start3A_96 = tpu.memref_slice %arg4[%dma_start3A_94, %dma_start3A_95] : memref<10000x64xf32, #tpu.memory_space<hbm>> -> memref<10000x64xf32, #tpu.memory_space<hbm>>
        tpu.enqueue_indirect_dma source(%dma_start3A_96 : memref<10000x64xf32, #tpu.memory_space<hbm>>) target(%arg14 : memref<125x64xf32, #tpu.memory_space<vmem>>) offsets(%dma_start3A_93 : memref<125xi32, #tpu.memory_space<vmem>>) semaphore(%arg26 : memref<!tpu.dma_semaphore, #tpu.memory_space<semaphore_mem>>)
        %add3A_97 = arith.constant 1 : i32
        %add3A_98 = arith.addi %mul3A_90, %add3A_97 : i32
        %dma_start3A_99 = arith.constant 0 : i32
        %dma_start3A_100 = tpu.memref_slice %arg12[%add3A_98, %dma_start3A_99] : memref<160x125xi32, #tpu.memory_space<vmem>> -> memref<1x125xi32, #tpu.memory_space<vmem>>
        %dma_start3A_101 = tpu.memref_squeeze %dma_start3A_100 : memref<1x125xi32, #tpu.memory_space<vmem>> -> memref<125xi32, #tpu.memory_space<vmem>>
        %dma_start3A_102 = arith.constant 0 : i32
        %dma_start3A_103 = arith.constant 0 : i32
        %dma_start3A_104 = tpu.memref_slice %arg4[%dma_start3A_102, %dma_start3A_103] : memref<10000x64xf32, #tpu.memory_space<hbm>> -> memref<10000x64xf32, #tpu.memory_space<hbm>>
        tpu.enqueue_indirect_dma source(%dma_start3A_104 : memref<10000x64xf32, #tpu.memory_space<hbm>>) target(%arg15 : memref<125x64xf32, #tpu.memory_space<vmem>>) offsets(%dma_start3A_101 : memref<125xi32, #tpu.memory_space<vmem>>) semaphore(%arg26 : memref<!tpu.dma_semaphore, #tpu.memory_space<semaphore_mem>>)
        %add3A_105 = arith.constant 2 : i32
        %add3A_106 = arith.addi %mul3A_90, %add3A_105 : i32
        %dma_start3A_107 = arith.constant 0 : i32
        %dma_start3A_108 = tpu.memref_slice %arg12[%add3A_106, %dma_start3A_107] : memref<160x125xi32, #tpu.memory_space<vmem>> -> memref<1x125xi32, #tpu.memory_space<vmem>>
        %dma_start3A_109 = tpu.memref_squeeze %dma_start3A_108 : memref<1x125xi32, #tpu.memory_space<vmem>> -> memref<125xi32, #tpu.memory_space<vmem>>
        %dma_start3A_110 = arith.constant 0 : i32
        %dma_start3A_111 = arith.constant 0 : i32
        %dma_start3A_112 = tpu.memref_slice %arg4[%dma_start3A_110, %dma_start3A_111] : memref<10000x64xf32, #tpu.memory_space<hbm>> -> memref<10000x64xf32, #tpu.memory_space<hbm>>
        tpu.enqueue_indirect_dma source(%dma_start3A_112 : memref<10000x64xf32, #tpu.memory_space<hbm>>) target(%arg16 : memref<125x64xf32, #tpu.memory_space<vmem>>) offsets(%dma_start3A_109 : memref<125xi32, #tpu.memory_space<vmem>>) semaphore(%arg26 : memref<!tpu.dma_semaphore, #tpu.memory_space<semaphore_mem>>)
        %add3A_113 = arith.constant 3 : i32
        %add3A_114 = arith.addi %mul3A_90, %add3A_113 : i32
        %dma_start3A_115 = arith.constant 0 : i32
        %dma_start3A_116 = tpu.memref_slice %arg12[%add3A_114, %dma_start3A_115] : memref<160x125xi32, #tpu.memory_space<vmem>> -> memref<1x125xi32, #tpu.memory_space<vmem>>
        %dma_start3A_117 = tpu.memref_squeeze %dma_start3A_116 : memref<1x125xi32, #tpu.memory_space<vmem>> -> memref<125xi32, #tpu.memory_space<vmem>>
        %dma_start3A_118 = arith.constant 0 : i32
        %dma_start3A_119 = arith.constant 0 : i32
        %dma_start3A_120 = tpu.memref_slice %arg4[%dma_start3A_118, %dma_start3A_119] : memref<10000x64xf32, #tpu.memory_space<hbm>> -> memref<10000x64xf32, #tpu.memory_space<hbm>>
        tpu.enqueue_indirect_dma source(%dma_start3A_120 : memref<10000x64xf32, #tpu.memory_space<hbm>>) target(%arg17 : memref<125x64xf32, #tpu.memory_space<vmem>>) offsets(%dma_start3A_117 : memref<125xi32, #tpu.memory_space<vmem>>) semaphore(%arg26 : memref<!tpu.dma_semaphore, #tpu.memory_space<semaphore_mem>>)
        %dma_wait3A = arith.constant 0 : i32
        %dma_wait3A_121 = tpu.memref_slice %arg12[%add3A_91, %dma_wait3A] : memref<160x125xi32, #tpu.memory_space<vmem>> -> memref<1x125xi32, #tpu.memory_space<vmem>>
        %dma_wait3A_122 = tpu.memref_squeeze %dma_wait3A_121 : memref<1x125xi32, #tpu.memory_space<vmem>> -> memref<125xi32, #tpu.memory_space<vmem>>
        %dma_wait3A_123 = arith.constant 0 : i32
        %dma_wait3A_124 = arith.constant 0 : i32
        %dma_wait3A_125 = tpu.memref_slice %arg4[%dma_wait3A_123, %dma_wait3A_124] : memref<10000x64xf32, #tpu.memory_space<hbm>> -> memref<10000x64xf32, #tpu.memory_space<hbm>>
        tpu.wait_indirect_dma semaphore(%arg26 : memref<!tpu.dma_semaphore, #tpu.memory_space<semaphore_mem>>) src(%dma_wait3A_125 : memref<10000x64xf32, #tpu.memory_space<hbm>>) dst(%arg14 : memref<125x64xf32, #tpu.memory_space<vmem>>)
        %add3A_126 = arith.constant 0 : i32
        %add3A_127 = arith.addi %mul3A_90, %add3A_126 : i32
        %dma_start3A_128 = arith.constant 0 : i32
        %dma_start3A_129 = tpu.memref_slice %arg13[%add3A_127, %dma_start3A_128] : memref<160x125xi32, #tpu.memory_space<vmem>> -> memref<1x125xi32, #tpu.memory_space<vmem>>
        %dma_start3A_130 = tpu.memref_squeeze %dma_start3A_129 : memref<1x125xi32, #tpu.memory_space<vmem>> -> memref<125xi32, #tpu.memory_space<vmem>>
        %dma_start3A_131 = arith.constant 0 : i32
        %dma_start3A_132 = arith.constant 0 : i32
        %dma_start3A_133 = tpu.memref_slice %arg23[%dma_start3A_131, %dma_start3A_132] : memref<10000x64xf32, #tpu.memory_space<vmem_shared>> -> memref<10000x64xf32, #tpu.memory_space<vmem_shared>>
        tpu.enqueue_indirect_dma source(%arg14 : memref<125x64xf32, #tpu.memory_space<vmem>>) target(%dma_start3A_133 : memref<10000x64xf32, #tpu.memory_space<vmem_shared>>) offsets(%dma_start3A_130 : memref<125xi32, #tpu.memory_space<vmem>>) semaphore(%arg27 : memref<!tpu.dma_semaphore, #tpu.memory_space<semaphore_mem>>) {add = true}
        %dma_wait3A_134 = arith.constant 0 : i32
        %dma_wait3A_135 = tpu.memref_slice %arg12[%add3A_98, %dma_wait3A_134] : memref<160x125xi32, #tpu.memory_space<vmem>> -> memref<1x125xi32, #tpu.memory_space<vmem>>
        %dma_wait3A_136 = tpu.memref_squeeze %dma_wait3A_135 : memref<1x125xi32, #tpu.memory_space<vmem>> -> memref<125xi32, #tpu.memory_space<vmem>>
        %dma_wait3A_137 = arith.constant 0 : i32
        %dma_wait3A_138 = arith.constant 0 : i32
        %dma_wait3A_139 = tpu.memref_slice %arg4[%dma_wait3A_137, %dma_wait3A_138] : memref<10000x64xf32, #tpu.memory_space<hbm>> -> memref<10000x64xf32, #tpu.memory_space<hbm>>
        tpu.wait_indirect_dma semaphore(%arg26 : memref<!tpu.dma_semaphore, #tpu.memory_space<semaphore_mem>>) src(%dma_wait3A_139 : memref<10000x64xf32, #tpu.memory_space<hbm>>) dst(%arg15 : memref<125x64xf32, #tpu.memory_space<vmem>>)
        %add3A_140 = arith.constant 1 : i32
        %add3A_141 = arith.addi %mul3A_90, %add3A_140 : i32
        %dma_start3A_142 = arith.constant 0 : i32
        %dma_start3A_143 = tpu.memref_slice %arg13[%add3A_141, %dma_start3A_142] : memref<160x125xi32, #tpu.memory_space<vmem>> -> memref<1x125xi32, #tpu.memory_space<vmem>>
        %dma_start3A_144 = tpu.memref_squeeze %dma_start3A_143 : memref<1x125xi32, #tpu.memory_space<vmem>> -> memref<125xi32, #tpu.memory_space<vmem>>
        %dma_start3A_145 = arith.constant 0 : i32
        %dma_start3A_146 = arith.constant 0 : i32
        %dma_start3A_147 = tpu.memref_slice %arg23[%dma_start3A_145, %dma_start3A_146] : memref<10000x64xf32, #tpu.memory_space<vmem_shared>> -> memref<10000x64xf32, #tpu.memory_space<vmem_shared>>
        tpu.enqueue_indirect_dma source(%arg15 : memref<125x64xf32, #tpu.memory_space<vmem>>) target(%dma_start3A_147 : memref<10000x64xf32, #tpu.memory_space<vmem_shared>>) offsets(%dma_start3A_144 : memref<125xi32, #tpu.memory_space<vmem>>) semaphore(%arg27 : memref<!tpu.dma_semaphore, #tpu.memory_space<semaphore_mem>>) {add = true}
        %dma_wait3A_148 = arith.constant 0 : i32
        %dma_wait3A_149 = tpu.memref_slice %arg12[%add3A_106, %dma_wait3A_148] : memref<160x125xi32, #tpu.memory_space<vmem>> -> memref<1x125xi32, #tpu.memory_space<vmem>>
        %dma_wait3A_150 = tpu.memref_squeeze %dma_wait3A_149 : memref<1x125xi32, #tpu.memory_space<vmem>> -> memref<125xi32, #tpu.memory_space<vmem>>
        %dma_wait3A_151 = arith.constant 0 : i32
        %dma_wait3A_152 = arith.constant 0 : i32
        %dma_wait3A_153 = tpu.memref_slice %arg4[%dma_wait3A_151, %dma_wait3A_152] : memref<10000x64xf32, #tpu.memory_space<hbm>> -> memref<10000x64xf32, #tpu.memory_space<hbm>>
        tpu.wait_indirect_dma semaphore(%arg26 : memref<!tpu.dma_semaphore, #tpu.memory_space<semaphore_mem>>) src(%dma_wait3A_153 : memref<10000x64xf32, #tpu.memory_space<hbm>>) dst(%arg16 : memref<125x64xf32, #tpu.memory_space<vmem>>)
        %add3A_154 = arith.constant 2 : i32
        %add3A_155 = arith.addi %mul3A_90, %add3A_154 : i32
        %dma_start3A_156 = arith.constant 0 : i32
        %dma_start3A_157 = tpu.memref_slice %arg13[%add3A_155, %dma_start3A_156] : memref<160x125xi32, #tpu.memory_space<vmem>> -> memref<1x125xi32, #tpu.memory_space<vmem>>
        %dma_start3A_158 = tpu.memref_squeeze %dma_start3A_157 : memref<1x125xi32, #tpu.memory_space<vmem>> -> memref<125xi32, #tpu.memory_space<vmem>>
        %dma_start3A_159 = arith.constant 0 : i32
        %dma_start3A_160 = arith.constant 0 : i32
        %dma_start3A_161 = tpu.memref_slice %arg23[%dma_start3A_159, %dma_start3A_160] : memref<10000x64xf32, #tpu.memory_space<vmem_shared>> -> memref<10000x64xf32, #tpu.memory_space<vmem_shared>>
        tpu.enqueue_indirect_dma source(%arg16 : memref<125x64xf32, #tpu.memory_space<vmem>>) target(%dma_start3A_161 : memref<10000x64xf32, #tpu.memory_space<vmem_shared>>) offsets(%dma_start3A_158 : memref<125xi32, #tpu.memory_space<vmem>>) semaphore(%arg27 : memref<!tpu.dma_semaphore, #tpu.memory_space<semaphore_mem>>) {add = true}
        %dma_wait3A_162 = arith.constant 0 : i32
        %dma_wait3A_163 = tpu.memref_slice %arg12[%add3A_114, %dma_wait3A_162] : memref<160x125xi32, #tpu.memory_space<vmem>> -> memref<1x125xi32, #tpu.memory_space<vmem>>
        %dma_wait3A_164 = tpu.memref_squeeze %dma_wait3A_163 : memref<1x125xi32, #tpu.memory_space<vmem>> -> memref<125xi32, #tpu.memory_space<vmem>>
        %dma_wait3A_165 = arith.constant 0 : i32
        %dma_wait3A_166 = arith.constant 0 : i32
        %dma_wait3A_167 = tpu.memref_slice %arg4[%dma_wait3A_165, %dma_wait3A_166] : memref<10000x64xf32, #tpu.memory_space<hbm>> -> memref<10000x64xf32, #tpu.memory_space<hbm>>
        tpu.wait_indirect_dma semaphore(%arg26 : memref<!tpu.dma_semaphore, #tpu.memory_space<semaphore_mem>>) src(%dma_wait3A_167 : memref<10000x64xf32, #tpu.memory_space<hbm>>) dst(%arg17 : memref<125x64xf32, #tpu.memory_space<vmem>>)
        %add3A_168 = arith.constant 3 : i32
        %add3A_169 = arith.addi %mul3A_90, %add3A_168 : i32
        %dma_start3A_170 = arith.constant 0 : i32
        %dma_start3A_171 = tpu.memref_slice %arg13[%add3A_169, %dma_start3A_170] : memref<160x125xi32, #tpu.memory_space<vmem>> -> memref<1x125xi32, #tpu.memory_space<vmem>>
        %dma_start3A_172 = tpu.memref_squeeze %dma_start3A_171 : memref<1x125xi32, #tpu.memory_space<vmem>> -> memref<125xi32, #tpu.memory_space<vmem>>
        %dma_start3A_173 = arith.constant 0 : i32
        %dma_start3A_174 = arith.constant 0 : i32
        %dma_start3A_175 = tpu.memref_slice %arg23[%dma_start3A_173, %dma_start3A_174] : memref<10000x64xf32, #tpu.memory_space<vmem_shared>> -> memref<10000x64xf32, #tpu.memory_space<vmem_shared>>
        tpu.enqueue_indirect_dma source(%arg17 : memref<125x64xf32, #tpu.memory_space<vmem>>) target(%dma_start3A_175 : memref<10000x64xf32, #tpu.memory_space<vmem_shared>>) offsets(%dma_start3A_172 : memref<125xi32, #tpu.memory_space<vmem>>) semaphore(%arg27 : memref<!tpu.dma_semaphore, #tpu.memory_space<semaphore_mem>>) {add = true}
        %dma_wait3A_176 = arith.constant 0 : i32
        %dma_wait3A_177 = tpu.memref_slice %arg13[%add3A_127, %dma_wait3A_176] : memref<160x125xi32, #tpu.memory_space<vmem>> -> memref<1x125xi32, #tpu.memory_space<vmem>>
        %dma_wait3A_178 = tpu.memref_squeeze %dma_wait3A_177 : memref<1x125xi32, #tpu.memory_space<vmem>> -> memref<125xi32, #tpu.memory_space<vmem>>
        %dma_wait3A_179 = arith.constant 0 : i32
        %dma_wait3A_180 = arith.constant 0 : i32
        %dma_wait3A_181 = tpu.memref_slice %arg23[%dma_wait3A_179, %dma_wait3A_180] : memref<10000x64xf32, #tpu.memory_space<vmem_shared>> -> memref<10000x64xf32, #tpu.memory_space<vmem_shared>>
        tpu.wait_indirect_dma semaphore(%arg27 : memref<!tpu.dma_semaphore, #tpu.memory_space<semaphore_mem>>) src(%arg14 : memref<125x64xf32, #tpu.memory_space<vmem>>) dst(%dma_wait3A_181 : memref<10000x64xf32, #tpu.memory_space<vmem_shared>>)
        %dma_wait3A_182 = arith.constant 0 : i32
        %dma_wait3A_183 = tpu.memref_slice %arg13[%add3A_141, %dma_wait3A_182] : memref<160x125xi32, #tpu.memory_space<vmem>> -> memref<1x125xi32, #tpu.memory_space<vmem>>
        %dma_wait3A_184 = tpu.memref_squeeze %dma_wait3A_183 : memref<1x125xi32, #tpu.memory_space<vmem>> -> memref<125xi32, #tpu.memory_space<vmem>>
        %dma_wait3A_185 = arith.constant 0 : i32
        %dma_wait3A_186 = arith.constant 0 : i32
        %dma_wait3A_187 = tpu.memref_slice %arg23[%dma_wait3A_185, %dma_wait3A_186] : memref<10000x64xf32, #tpu.memory_space<vmem_shared>> -> memref<10000x64xf32, #tpu.memory_space<vmem_shared>>
        tpu.wait_indirect_dma semaphore(%arg27 : memref<!tpu.dma_semaphore, #tpu.memory_space<semaphore_mem>>) src(%arg15 : memref<125x64xf32, #tpu.memory_space<vmem>>) dst(%dma_wait3A_187 : memref<10000x64xf32, #tpu.memory_space<vmem_shared>>)
        %dma_wait3A_188 = arith.constant 0 : i32
        %dma_wait3A_189 = tpu.memref_slice %arg13[%add3A_155, %dma_wait3A_188] : memref<160x125xi32, #tpu.memory_space<vmem>> -> memref<1x125xi32, #tpu.memory_space<vmem>>
        %dma_wait3A_190 = tpu.memref_squeeze %dma_wait3A_189 : memref<1x125xi32, #tpu.memory_space<vmem>> -> memref<125xi32, #tpu.memory_space<vmem>>
        %dma_wait3A_191 = arith.constant 0 : i32
        %dma_wait3A_192 = arith.constant 0 : i32
        %dma_wait3A_193 = tpu.memref_slice %arg23[%dma_wait3A_191, %dma_wait3A_192] : memref<10000x64xf32, #tpu.memory_space<vmem_shared>> -> memref<10000x64xf32, #tpu.memory_space<vmem_shared>>
        tpu.wait_indirect_dma semaphore(%arg27 : memref<!tpu.dma_semaphore, #tpu.memory_space<semaphore_mem>>) src(%arg16 : memref<125x64xf32, #tpu.memory_space<vmem>>) dst(%dma_wait3A_193 : memref<10000x64xf32, #tpu.memory_space<vmem_shared>>)
        %dma_wait3A_194 = arith.constant 0 : i32
        %dma_wait3A_195 = tpu.memref_slice %arg13[%add3A_169, %dma_wait3A_194] : memref<160x125xi32, #tpu.memory_space<vmem>> -> memref<1x125xi32, #tpu.memory_space<vmem>>
        %dma_wait3A_196 = tpu.memref_squeeze %dma_wait3A_195 : memref<1x125xi32, #tpu.memory_space<vmem>> -> memref<125xi32, #tpu.memory_space<vmem>>
        %dma_wait3A_197 = arith.constant 0 : i32
        %dma_wait3A_198 = arith.constant 0 : i32
        %dma_wait3A_199 = tpu.memref_slice %arg23[%dma_wait3A_197, %dma_wait3A_198] : memref<10000x64xf32, #tpu.memory_space<vmem_shared>> -> memref<10000x64xf32, #tpu.memory_space<vmem_shared>>
        tpu.wait_indirect_dma semaphore(%arg27 : memref<!tpu.dma_semaphore, #tpu.memory_space<semaphore_mem>>) src(%arg17 : memref<125x64xf32, #tpu.memory_space<vmem>>) dst(%dma_wait3A_199 : memref<10000x64xf32, #tpu.memory_space<vmem_shared>>)
      }
      %scan3A_87 = arith.constant 40 : i32
    } else {
    }
    %eq3A_53 = arith.constant 1 : i32
    %eq3A_54 = arith.cmpi eq, %arg0, %eq3A_53 : i32
    %convert_element_type3A_55 = arith.extui %eq3A_54 : i1 to i32
    %cond3A_56 = arith.constant 0 : i32
    %cond3A_57 = arith.cmpi ne, %convert_element_type3A_55, %cond3A_56 : i32
    scf.if %cond3A_57 {
      %scan3A_82 = arith.constant 0 : i32
      %scan3A_83 = arith.constant 0 : i32
      %scan3A_84 = arith.constant 40 : i32
      %scan3A_85 = arith.addi %scan3A_83, %scan3A_84 : i32
      %scan3A_86 = arith.constant 1 : i32
      scf.for %scan3A_88 = %scan3A_83 to %scan3A_85 step %scan3A_86  : i32 {
        %mul3A_89 = arith.constant 4 : i32
        %mul3A_90 = arith.muli %mul3A_89, %scan3A_88 : i32
        %add3A = arith.constant 0 : i32
        %add3A_91 = arith.addi %mul3A_90, %add3A : i32
        %dma_start3A = arith.constant 0 : i32
        %dma_start3A_92 = tpu.memref_slice %arg12[%add3A_91, %dma_start3A] : memref<160x125xi32, #tpu.memory_space<vmem>> -> memref<1x125xi32, #tpu.memory_space<vmem>>
        %dma_start3A_93 = tpu.memref_squeeze %dma_start3A_92 : memref<1x125xi32, #tpu.memory_space<vmem>> -> memref<125xi32, #tpu.memory_space<vmem>>
        %dma_start3A_94 = arith.constant 0 : i32
        %dma_start3A_95 = arith.constant 0 : i32
        %dma_start3A_96 = tpu.memref_slice %arg6[%dma_start3A_94, %dma_start3A_95] : memref<10000x64xf32, #tpu.memory_space<hbm>> -> memref<10000x64xf32, #tpu.memory_space<hbm>>
        tpu.enqueue_indirect_dma source(%dma_start3A_96 : memref<10000x64xf32, #tpu.memory_space<hbm>>) target(%arg14 : memref<125x64xf32, #tpu.memory_space<vmem>>) offsets(%dma_start3A_93 : memref<125xi32, #tpu.memory_space<vmem>>) semaphore(%arg26 : memref<!tpu.dma_semaphore, #tpu.memory_space<semaphore_mem>>)
        %add3A_97 = arith.constant 1 : i32
        %add3A_98 = arith.addi %mul3A_90, %add3A_97 : i32
        %dma_start3A_99 = arith.constant 0 : i32
        %dma_start3A_100 = tpu.memref_slice %arg12[%add3A_98, %dma_start3A_99] : memref<160x125xi32, #tpu.memory_space<vmem>> -> memref<1x125xi32, #tpu.memory_space<vmem>>
        %dma_start3A_101 = tpu.memref_squeeze %dma_start3A_100 : memref<1x125xi32, #tpu.memory_space<vmem>> -> memref<125xi32, #tpu.memory_space<vmem>>
        %dma_start3A_102 = arith.constant 0 : i32
        %dma_start3A_103 = arith.constant 0 : i32
        %dma_start3A_104 = tpu.memref_slice %arg6[%dma_start3A_102, %dma_start3A_103] : memref<10000x64xf32, #tpu.memory_space<hbm>> -> memref<10000x64xf32, #tpu.memory_space<hbm>>
        tpu.enqueue_indirect_dma source(%dma_start3A_104 : memref<10000x64xf32, #tpu.memory_space<hbm>>) target(%arg15 : memref<125x64xf32, #tpu.memory_space<vmem>>) offsets(%dma_start3A_101 : memref<125xi32, #tpu.memory_space<vmem>>) semaphore(%arg26 : memref<!tpu.dma_semaphore, #tpu.memory_space<semaphore_mem>>)
        %add3A_105 = arith.constant 2 : i32
        %add3A_106 = arith.addi %mul3A_90, %add3A_105 : i32
        %dma_start3A_107 = arith.constant 0 : i32
        %dma_start3A_108 = tpu.memref_slice %arg12[%add3A_106, %dma_start3A_107] : memref<160x125xi32, #tpu.memory_space<vmem>> -> memref<1x125xi32, #tpu.memory_space<vmem>>
        %dma_start3A_109 = tpu.memref_squeeze %dma_start3A_108 : memref<1x125xi32, #tpu.memory_space<vmem>> -> memref<125xi32, #tpu.memory_space<vmem>>
        %dma_start3A_110 = arith.constant 0 : i32
        %dma_start3A_111 = arith.constant 0 : i32
        %dma_start3A_112 = tpu.memref_slice %arg6[%dma_start3A_110, %dma_start3A_111] : memref<10000x64xf32, #tpu.memory_space<hbm>> -> memref<10000x64xf32, #tpu.memory_space<hbm>>
        tpu.enqueue_indirect_dma source(%dma_start3A_112 : memref<10000x64xf32, #tpu.memory_space<hbm>>) target(%arg16 : memref<125x64xf32, #tpu.memory_space<vmem>>) offsets(%dma_start3A_109 : memref<125xi32, #tpu.memory_space<vmem>>) semaphore(%arg26 : memref<!tpu.dma_semaphore, #tpu.memory_space<semaphore_mem>>)
        %add3A_113 = arith.constant 3 : i32
        %add3A_114 = arith.addi %mul3A_90, %add3A_113 : i32
        %dma_start3A_115 = arith.constant 0 : i32
        %dma_start3A_116 = tpu.memref_slice %arg12[%add3A_114, %dma_start3A_115] : memref<160x125xi32, #tpu.memory_space<vmem>> -> memref<1x125xi32, #tpu.memory_space<vmem>>
        %dma_start3A_117 = tpu.memref_squeeze %dma_start3A_116 : memref<1x125xi32, #tpu.memory_space<vmem>> -> memref<125xi32, #tpu.memory_space<vmem>>
        %dma_start3A_118 = arith.constant 0 : i32
        %dma_start3A_119 = arith.constant 0 : i32
        %dma_start3A_120 = tpu.memref_slice %arg6[%dma_start3A_118, %dma_start3A_119] : memref<10000x64xf32, #tpu.memory_space<hbm>> -> memref<10000x64xf32, #tpu.memory_space<hbm>>
        tpu.enqueue_indirect_dma source(%dma_start3A_120 : memref<10000x64xf32, #tpu.memory_space<hbm>>) target(%arg17 : memref<125x64xf32, #tpu.memory_space<vmem>>) offsets(%dma_start3A_117 : memref<125xi32, #tpu.memory_space<vmem>>) semaphore(%arg26 : memref<!tpu.dma_semaphore, #tpu.memory_space<semaphore_mem>>)
        %dma_wait3A = arith.constant 0 : i32
        %dma_wait3A_121 = tpu.memref_slice %arg12[%add3A_91, %dma_wait3A] : memref<160x125xi32, #tpu.memory_space<vmem>> -> memref<1x125xi32, #tpu.memory_space<vmem>>
        %dma_wait3A_122 = tpu.memref_squeeze %dma_wait3A_121 : memref<1x125xi32, #tpu.memory_space<vmem>> -> memref<125xi32, #tpu.memory_space<vmem>>
        %dma_wait3A_123 = arith.constant 0 : i32
        %dma_wait3A_124 = arith.constant 0 : i32
        %dma_wait3A_125 = tpu.memref_slice %arg6[%dma_wait3A_123, %dma_wait3A_124] : memref<10000x64xf32, #tpu.memory_space<hbm>> -> memref<10000x64xf32, #tpu.memory_space<hbm>>
        tpu.wait_indirect_dma semaphore(%arg26 : memref<!tpu.dma_semaphore, #tpu.memory_space<semaphore_mem>>) src(%dma_wait3A_125 : memref<10000x64xf32, #tpu.memory_space<hbm>>) dst(%arg14 : memref<125x64xf32, #tpu.memory_space<vmem>>)
        %add3A_126 = arith.constant 0 : i32
        %add3A_127 = arith.addi %mul3A_90, %add3A_126 : i32
        %dma_start3A_128 = arith.constant 0 : i32
        %dma_start3A_129 = tpu.memref_slice %arg13[%add3A_127, %dma_start3A_128] : memref<160x125xi32, #tpu.memory_space<vmem>> -> memref<1x125xi32, #tpu.memory_space<vmem>>
        %dma_start3A_130 = tpu.memref_squeeze %dma_start3A_129 : memref<1x125xi32, #tpu.memory_space<vmem>> -> memref<125xi32, #tpu.memory_space<vmem>>
        %dma_start3A_131 = arith.constant 0 : i32
        %dma_start3A_132 = arith.constant 0 : i32
        %dma_start3A_133 = tpu.memref_slice %arg23[%dma_start3A_131, %dma_start3A_132] : memref<10000x64xf32, #tpu.memory_space<vmem_shared>> -> memref<10000x64xf32, #tpu.memory_space<vmem_shared>>
        tpu.enqueue_indirect_dma source(%arg14 : memref<125x64xf32, #tpu.memory_space<vmem>>) target(%dma_start3A_133 : memref<10000x64xf32, #tpu.memory_space<vmem_shared>>) offsets(%dma_start3A_130 : memref<125xi32, #tpu.memory_space<vmem>>) semaphore(%arg27 : memref<!tpu.dma_semaphore, #tpu.memory_space<semaphore_mem>>) {add = true}
        %dma_wait3A_134 = arith.constant 0 : i32
        %dma_wait3A_135 = tpu.memref_slice %arg12[%add3A_98, %dma_wait3A_134] : memref<160x125xi32, #tpu.memory_space<vmem>> -> memref<1x125xi32, #tpu.memory_space<vmem>>
        %dma_wait3A_136 = tpu.memref_squeeze %dma_wait3A_135 : memref<1x125xi32, #tpu.memory_space<vmem>> -> memref<125xi32, #tpu.memory_space<vmem>>
        %dma_wait3A_137 = arith.constant 0 : i32
        %dma_wait3A_138 = arith.constant 0 : i32
        %dma_wait3A_139 = tpu.memref_slice %arg6[%dma_wait3A_137, %dma_wait3A_138] : memref<10000x64xf32, #tpu.memory_space<hbm>> -> memref<10000x64xf32, #tpu.memory_space<hbm>>
        tpu.wait_indirect_dma semaphore(%arg26 : memref<!tpu.dma_semaphore, #tpu.memory_space<semaphore_mem>>) src(%dma_wait3A_139 : memref<10000x64xf32, #tpu.memory_space<hbm>>) dst(%arg15 : memref<125x64xf32, #tpu.memory_space<vmem>>)
        %add3A_140 = arith.constant 1 : i32
        %add3A_141 = arith.addi %mul3A_90, %add3A_140 : i32
        %dma_start3A_142 = arith.constant 0 : i32
        %dma_start3A_143 = tpu.memref_slice %arg13[%add3A_141, %dma_start3A_142] : memref<160x125xi32, #tpu.memory_space<vmem>> -> memref<1x125xi32, #tpu.memory_space<vmem>>
        %dma_start3A_144 = tpu.memref_squeeze %dma_start3A_143 : memref<1x125xi32, #tpu.memory_space<vmem>> -> memref<125xi32, #tpu.memory_space<vmem>>
        %dma_start3A_145 = arith.constant 0 : i32
        %dma_start3A_146 = arith.constant 0 : i32
        %dma_start3A_147 = tpu.memref_slice %arg23[%dma_start3A_145, %dma_start3A_146] : memref<10000x64xf32, #tpu.memory_space<vmem_shared>> -> memref<10000x64xf32, #tpu.memory_space<vmem_shared>>
        tpu.enqueue_indirect_dma source(%arg15 : memref<125x64xf32, #tpu.memory_space<vmem>>) target(%dma_start3A_147 : memref<10000x64xf32, #tpu.memory_space<vmem_shared>>) offsets(%dma_start3A_144 : memref<125xi32, #tpu.memory_space<vmem>>) semaphore(%arg27 : memref<!tpu.dma_semaphore, #tpu.memory_space<semaphore_mem>>) {add = true}
        %dma_wait3A_148 = arith.constant 0 : i32
        %dma_wait3A_149 = tpu.memref_slice %arg12[%add3A_106, %dma_wait3A_148] : memref<160x125xi32, #tpu.memory_space<vmem>> -> memref<1x125xi32, #tpu.memory_space<vmem>>
        %dma_wait3A_150 = tpu.memref_squeeze %dma_wait3A_149 : memref<1x125xi32, #tpu.memory_space<vmem>> -> memref<125xi32, #tpu.memory_space<vmem>>
        %dma_wait3A_151 = arith.constant 0 : i32
        %dma_wait3A_152 = arith.constant 0 : i32
        %dma_wait3A_153 = tpu.memref_slice %arg6[%dma_wait3A_151, %dma_wait3A_152] : memref<10000x64xf32, #tpu.memory_space<hbm>> -> memref<10000x64xf32, #tpu.memory_space<hbm>>
        tpu.wait_indirect_dma semaphore(%arg26 : memref<!tpu.dma_semaphore, #tpu.memory_space<semaphore_mem>>) src(%dma_wait3A_153 : memref<10000x64xf32, #tpu.memory_space<hbm>>) dst(%arg16 : memref<125x64xf32, #tpu.memory_space<vmem>>)
        %add3A_154 = arith.constant 2 : i32
        %add3A_155 = arith.addi %mul3A_90, %add3A_154 : i32
        %dma_start3A_156 = arith.constant 0 : i32
        %dma_start3A_157 = tpu.memref_slice %arg13[%add3A_155, %dma_start3A_156] : memref<160x125xi32, #tpu.memory_space<vmem>> -> memref<1x125xi32, #tpu.memory_space<vmem>>
        %dma_start3A_158 = tpu.memref_squeeze %dma_start3A_157 : memref<1x125xi32, #tpu.memory_space<vmem>> -> memref<125xi32, #tpu.memory_space<vmem>>
        %dma_start3A_159 = arith.constant 0 : i32
        %dma_start3A_160 = arith.constant 0 : i32
        %dma_start3A_161 = tpu.memref_slice %arg23[%dma_start3A_159, %dma_start3A_160] : memref<10000x64xf32, #tpu.memory_space<vmem_shared>> -> memref<10000x64xf32, #tpu.memory_space<vmem_shared>>
        tpu.enqueue_indirect_dma source(%arg16 : memref<125x64xf32, #tpu.memory_space<vmem>>) target(%dma_start3A_161 : memref<10000x64xf32, #tpu.memory_space<vmem_shared>>) offsets(%dma_start3A_158 : memref<125xi32, #tpu.memory_space<vmem>>) semaphore(%arg27 : memref<!tpu.dma_semaphore, #tpu.memory_space<semaphore_mem>>) {add = true}
        %dma_wait3A_162 = arith.constant 0 : i32
        %dma_wait3A_163 = tpu.memref_slice %arg12[%add3A_114, %dma_wait3A_162] : memref<160x125xi32, #tpu.memory_space<vmem>> -> memref<1x125xi32, #tpu.memory_space<vmem>>
        %dma_wait3A_164 = tpu.memref_squeeze %dma_wait3A_163 : memref<1x125xi32, #tpu.memory_space<vmem>> -> memref<125xi32, #tpu.memory_space<vmem>>
        %dma_wait3A_165 = arith.constant 0 : i32
        %dma_wait3A_166 = arith.constant 0 : i32
        %dma_wait3A_167 = tpu.memref_slice %arg6[%dma_wait3A_165, %dma_wait3A_166] : memref<10000x64xf32, #tpu.memory_space<hbm>> -> memref<10000x64xf32, #tpu.memory_space<hbm>>
        tpu.wait_indirect_dma semaphore(%arg26 : memref<!tpu.dma_semaphore, #tpu.memory_space<semaphore_mem>>) src(%dma_wait3A_167 : memref<10000x64xf32, #tpu.memory_space<hbm>>) dst(%arg17 : memref<125x64xf32, #tpu.memory_space<vmem>>)
        %add3A_168 = arith.constant 3 : i32
        %add3A_169 = arith.addi %mul3A_90, %add3A_168 : i32
        %dma_start3A_170 = arith.constant 0 : i32
        %dma_start3A_171 = tpu.memref_slice %arg13[%add3A_169, %dma_start3A_170] : memref<160x125xi32, #tpu.memory_space<vmem>> -> memref<1x125xi32, #tpu.memory_space<vmem>>
        %dma_start3A_172 = tpu.memref_squeeze %dma_start3A_171 : memref<1x125xi32, #tpu.memory_space<vmem>> -> memref<125xi32, #tpu.memory_space<vmem>>
        %dma_start3A_173 = arith.constant 0 : i32
        %dma_start3A_174 = arith.constant 0 : i32
        %dma_start3A_175 = tpu.memref_slice %arg23[%dma_start3A_173, %dma_start3A_174] : memref<10000x64xf32, #tpu.memory_space<vmem_shared>> -> memref<10000x64xf32, #tpu.memory_space<vmem_shared>>
        tpu.enqueue_indirect_dma source(%arg17 : memref<125x64xf32, #tpu.memory_space<vmem>>) target(%dma_start3A_175 : memref<10000x64xf32, #tpu.memory_space<vmem_shared>>) offsets(%dma_start3A_172 : memref<125xi32, #tpu.memory_space<vmem>>) semaphore(%arg27 : memref<!tpu.dma_semaphore, #tpu.memory_space<semaphore_mem>>) {add = true}
        %dma_wait3A_176 = arith.constant 0 : i32
        %dma_wait3A_177 = tpu.memref_slice %arg13[%add3A_127, %dma_wait3A_176] : memref<160x125xi32, #tpu.memory_space<vmem>> -> memref<1x125xi32, #tpu.memory_space<vmem>>
        %dma_wait3A_178 = tpu.memref_squeeze %dma_wait3A_177 : memref<1x125xi32, #tpu.memory_space<vmem>> -> memref<125xi32, #tpu.memory_space<vmem>>
        %dma_wait3A_179 = arith.constant 0 : i32
        %dma_wait3A_180 = arith.constant 0 : i32
        %dma_wait3A_181 = tpu.memref_slice %arg23[%dma_wait3A_179, %dma_wait3A_180] : memref<10000x64xf32, #tpu.memory_space<vmem_shared>> -> memref<10000x64xf32, #tpu.memory_space<vmem_shared>>
        tpu.wait_indirect_dma semaphore(%arg27 : memref<!tpu.dma_semaphore, #tpu.memory_space<semaphore_mem>>) src(%arg14 : memref<125x64xf32, #tpu.memory_space<vmem>>) dst(%dma_wait3A_181 : memref<10000x64xf32, #tpu.memory_space<vmem_shared>>)
        %dma_wait3A_182 = arith.constant 0 : i32
        %dma_wait3A_183 = tpu.memref_slice %arg13[%add3A_141, %dma_wait3A_182] : memref<160x125xi32, #tpu.memory_space<vmem>> -> memref<1x125xi32, #tpu.memory_space<vmem>>
        %dma_wait3A_184 = tpu.memref_squeeze %dma_wait3A_183 : memref<1x125xi32, #tpu.memory_space<vmem>> -> memref<125xi32, #tpu.memory_space<vmem>>
        %dma_wait3A_185 = arith.constant 0 : i32
        %dma_wait3A_186 = arith.constant 0 : i32
        %dma_wait3A_187 = tpu.memref_slice %arg23[%dma_wait3A_185, %dma_wait3A_186] : memref<10000x64xf32, #tpu.memory_space<vmem_shared>> -> memref<10000x64xf32, #tpu.memory_space<vmem_shared>>
        tpu.wait_indirect_dma semaphore(%arg27 : memref<!tpu.dma_semaphore, #tpu.memory_space<semaphore_mem>>) src(%arg15 : memref<125x64xf32, #tpu.memory_space<vmem>>) dst(%dma_wait3A_187 : memref<10000x64xf32, #tpu.memory_space<vmem_shared>>)
        %dma_wait3A_188 = arith.constant 0 : i32
        %dma_wait3A_189 = tpu.memref_slice %arg13[%add3A_155, %dma_wait3A_188] : memref<160x125xi32, #tpu.memory_space<vmem>> -> memref<1x125xi32, #tpu.memory_space<vmem>>
        %dma_wait3A_190 = tpu.memref_squeeze %dma_wait3A_189 : memref<1x125xi32, #tpu.memory_space<vmem>> -> memref<125xi32, #tpu.memory_space<vmem>>
        %dma_wait3A_191 = arith.constant 0 : i32
        %dma_wait3A_192 = arith.constant 0 : i32
        %dma_wait3A_193 = tpu.memref_slice %arg23[%dma_wait3A_191, %dma_wait3A_192] : memref<10000x64xf32, #tpu.memory_space<vmem_shared>> -> memref<10000x64xf32, #tpu.memory_space<vmem_shared>>
        tpu.wait_indirect_dma semaphore(%arg27 : memref<!tpu.dma_semaphore, #tpu.memory_space<semaphore_mem>>) src(%arg16 : memref<125x64xf32, #tpu.memory_space<vmem>>) dst(%dma_wait3A_193 : memref<10000x64xf32, #tpu.memory_space<vmem_shared>>)
        %dma_wait3A_194 = arith.constant 0 : i32
        %dma_wait3A_195 = tpu.memref_slice %arg13[%add3A_169, %dma_wait3A_194] : memref<160x125xi32, #tpu.memory_space<vmem>> -> memref<1x125xi32, #tpu.memory_space<vmem>>
        %dma_wait3A_196 = tpu.memref_squeeze %dma_wait3A_195 : memref<1x125xi32, #tpu.memory_space<vmem>> -> memref<125xi32, #tpu.memory_space<vmem>>
        %dma_wait3A_197 = arith.constant 0 : i32
        %dma_wait3A_198 = arith.constant 0 : i32
        %dma_wait3A_199 = tpu.memref_slice %arg23[%dma_wait3A_197, %dma_wait3A_198] : memref<10000x64xf32, #tpu.memory_space<vmem_shared>> -> memref<10000x64xf32, #tpu.memory_space<vmem_shared>>
        tpu.wait_indirect_dma semaphore(%arg27 : memref<!tpu.dma_semaphore, #tpu.memory_space<semaphore_mem>>) src(%arg17 : memref<125x64xf32, #tpu.memory_space<vmem>>) dst(%dma_wait3A_199 : memref<10000x64xf32, #tpu.memory_space<vmem_shared>>)
      }
      %scan3A_87 = arith.constant 40 : i32
    } else {
    }
    %barrier3A_58 = arith.constant 0 : index
    tpu.barrier barrier_id(%barrier3A_58)
    %lt3A_59 = arith.constant 15 : i32
    %lt3A_60 = arith.cmpi slt, %arg1, %lt3A_59 : i32
    %convert_element_type3A_61 = arith.extui %lt3A_60 : i1 to i32
    %cond3A_62 = arith.constant 0 : i32
    %cond3A_63 = arith.cmpi ne, %convert_element_type3A_61, %cond3A_62 : i32
    scf.if %cond3A_63 {
      %mul3A_82 = arith.constant 640 : i32
      %mul3A_83 = arith.muli %arg1, %mul3A_82 : i32
      %multiple_of3A_84 = tpu.assume_multiple %mul3A_83, 8 : i32
      %run_scoped3A_85 = arith.constant 1 : i32
      "tpu.region"() ({
        %run_scoped3A_86 = tpu.sem_alloc : memref<!tpu.dma_semaphore, #tpu.memory_space<semaphore_mem>>
        %dma_start3A = arith.constant 0 : i32
        %dma_start3A_87 = tpu.memref_slice %arg10[%arg0, %run_scoped3A_85, %multiple_of3A_84, %dma_start3A] : memref<2x2x10000x64xf32, #tpu.memory_space<hbm>> -> memref<1x1x640x64xf32, #tpu.memory_space<hbm>>
        %dma_start3A_88 = tpu.memref_squeeze %dma_start3A_87 : memref<1x1x640x64xf32, #tpu.memory_space<hbm>> -> memref<640x64xf32, #tpu.memory_space<hbm>>
        %dma_start3A_89 = arith.constant 0 : i32
        %dma_start3A_90 = tpu.memref_slice %arg23[%multiple_of3A_84, %dma_start3A_89] : memref<10000x64xf32, #tpu.memory_space<vmem_shared>> -> memref<640x64xf32, #tpu.memory_space<vmem_shared>>
        tpu.enqueue_dma source(%dma_start3A_90 : memref<640x64xf32, #tpu.memory_space<vmem_shared>>) target(%dma_start3A_88 : memref<640x64xf32, #tpu.memory_space<hbm>>) target_semaphore(%run_scoped3A_86 : memref<!tpu.dma_semaphore, #tpu.memory_space<semaphore_mem>>)
        %dma_wait3A = arith.constant 0 : i32
        %dma_wait3A_91 = tpu.memref_slice %arg10[%arg0, %run_scoped3A_85, %multiple_of3A_84, %dma_wait3A] : memref<2x2x10000x64xf32, #tpu.memory_space<hbm>> -> memref<1x1x640x64xf32, #tpu.memory_space<hbm>>
        %dma_wait3A_92 = tpu.memref_squeeze %dma_wait3A_91 : memref<1x1x640x64xf32, #tpu.memory_space<hbm>> -> memref<640x64xf32, #tpu.memory_space<hbm>>
        %dma_wait3A_93 = arith.constant 0 : i32
        %dma_wait3A_94 = tpu.memref_slice %arg23[%multiple_of3A_84, %dma_wait3A_93] : memref<10000x64xf32, #tpu.memory_space<vmem_shared>> -> memref<640x64xf32, #tpu.memory_space<vmem_shared>>
        tpu.wait_dma2 semaphore(%run_scoped3A_86 : memref<!tpu.dma_semaphore, #tpu.memory_space<semaphore_mem>>) src(%dma_wait3A_94 : memref<640x64xf32, #tpu.memory_space<vmem_shared>>) dst(%dma_wait3A_92 : memref<640x64xf32, #tpu.memory_space<hbm>>)
        tpu.yield
      }) : () -> ()
    } else {
    }
    %eq3A_64 = arith.constant 15 : i32
    %eq3A_65 = arith.cmpi eq, %arg1, %eq3A_64 : i32
    %convert_element_type3A_66 = arith.extui %eq3A_65 : i1 to i32
    %cond3A_67 = arith.constant 0 : i32
    %cond3A_68 = arith.cmpi ne, %convert_element_type3A_66, %cond3A_67 : i32
    scf.if %cond3A_68 {
      %run_scoped3A_82 = arith.constant 1 : i32
      "tpu.region"() ({
        %run_scoped3A_83 = tpu.sem_alloc : memref<!tpu.dma_semaphore, #tpu.memory_space<semaphore_mem>>
        %dma_start3A = arith.constant 9600 : i32
        %dma_start3A_84 = arith.constant 0 : i32
        %dma_start3A_85 = tpu.memref_slice %arg10[%arg0, %run_scoped3A_82, %dma_start3A, %dma_start3A_84] : memref<2x2x10000x64xf32, #tpu.memory_space<hbm>> -> memref<1x1x400x64xf32, #tpu.memory_space<hbm>>
        %dma_start3A_86 = tpu.memref_squeeze %dma_start3A_85 : memref<1x1x400x64xf32, #tpu.memory_space<hbm>> -> memref<400x64xf32, #tpu.memory_space<hbm>>
        %dma_start3A_87 = arith.constant 9600 : i32
        %dma_start3A_88 = arith.constant 0 : i32
        %dma_start3A_89 = tpu.memref_slice %arg23[%dma_start3A_87, %dma_start3A_88] : memref<10000x64xf32, #tpu.memory_space<vmem_shared>> -> memref<400x64xf32, #tpu.memory_space<vmem_shared>>
        tpu.enqueue_dma source(%dma_start3A_89 : memref<400x64xf32, #tpu.memory_space<vmem_shared>>) target(%dma_start3A_86 : memref<400x64xf32, #tpu.memory_space<hbm>>) target_semaphore(%run_scoped3A_83 : memref<!tpu.dma_semaphore, #tpu.memory_space<semaphore_mem>>)
        %dma_wait3A = arith.constant 9600 : i32
        %dma_wait3A_90 = arith.constant 0 : i32
        %dma_wait3A_91 = tpu.memref_slice %arg10[%arg0, %run_scoped3A_82, %dma_wait3A, %dma_wait3A_90] : memref<2x2x10000x64xf32, #tpu.memory_space<hbm>> -> memref<1x1x400x64xf32, #tpu.memory_space<hbm>>
        %dma_wait3A_92 = tpu.memref_squeeze %dma_wait3A_91 : memref<1x1x400x64xf32, #tpu.memory_space<hbm>> -> memref<400x64xf32, #tpu.memory_space<hbm>>
        %dma_wait3A_93 = arith.constant 9600 : i32
        %dma_wait3A_94 = arith.constant 0 : i32
        %dma_wait3A_95 = tpu.memref_slice %arg23[%dma_wait3A_93, %dma_wait3A_94] : memref<10000x64xf32, #tpu.memory_space<vmem_shared>> -> memref<400x64xf32, #tpu.memory_space<vmem_shared>>
        tpu.wait_dma2 semaphore(%run_scoped3A_83 : memref<!tpu.dma_semaphore, #tpu.memory_space<semaphore_mem>>) src(%dma_wait3A_95 : memref<400x64xf32, #tpu.memory_space<vmem_shared>>) dst(%dma_wait3A_92 : memref<400x64xf32, #tpu.memory_space<hbm>>)
        tpu.yield
      }) : () -> ()
    } else {
    }
    %mul3A_69 = arith.constant 80 : i32
    %mul3A_70 = arith.muli %arg0, %mul3A_69 : i32
    %scan3A = arith.constant 0 : i32
    %scan3A_71 = arith.constant 0 : i32
    %scan3A_72 = arith.constant 20 : i32
    %scan3A_73 = arith.addi %scan3A_71, %scan3A_72 : i32
    %scan3A_74 = arith.constant 1 : i32
    scf.for %scan3A_82 = %scan3A_71 to %scan3A_73 step %scan3A_74  : i32 {
      %mul3A_83 = arith.constant 4 : i32
      %mul3A_84 = arith.muli %mul3A_83, %scan3A_82 : i32
      %add3A = arith.addi %mul3A_70, %mul3A_84 : i32
      %add3A_85 = arith.constant 0 : i32
      %add3A_86 = arith.addi %add3A, %add3A_85 : i32
      %dma_start3A = arith.constant 0 : i32
      %dma_start3A_87 = tpu.memref_slice %arg13[%add3A_86, %dma_start3A] : memref<160x125xi32, #tpu.memory_space<vmem>> -> memref<1x125xi32, #tpu.memory_space<vmem>>
      %dma_start3A_88 = tpu.memref_squeeze %dma_start3A_87 : memref<1x125xi32, #tpu.memory_space<vmem>> -> memref<125xi32, #tpu.memory_space<vmem>>
      %dma_start3A_89 = arith.constant 0 : i32
      %dma_start3A_90 = tpu.memref_slice %arg25[%dma_start3A_89] : memref<10000xf32, #tpu.memory_space<vmem_shared>> -> memref<10000xf32, #tpu.memory_space<vmem_shared>>
      tpu.enqueue_indirect_dma source(%dma_start3A_90 : memref<10000xf32, #tpu.memory_space<vmem_shared>>) target(%arg18 : memref<125xf32, #tpu.memory_space<vmem>>) offsets(%dma_start3A_88 : memref<125xi32, #tpu.memory_space<vmem>>) semaphore(%arg26 : memref<!tpu.dma_semaphore, #tpu.memory_space<semaphore_mem>>)
      %add3A_91 = arith.constant 1 : i32
      %add3A_92 = arith.addi %add3A, %add3A_91 : i32
      %dma_start3A_93 = arith.constant 0 : i32
      %dma_start3A_94 = tpu.memref_slice %arg13[%add3A_92, %dma_start3A_93] : memref<160x125xi32, #tpu.memory_space<vmem>> -> memref<1x125xi32, #tpu.memory_space<vmem>>
      %dma_start3A_95 = tpu.memref_squeeze %dma_start3A_94 : memref<1x125xi32, #tpu.memory_space<vmem>> -> memref<125xi32, #tpu.memory_space<vmem>>
      %dma_start3A_96 = arith.constant 0 : i32
      %dma_start3A_97 = tpu.memref_slice %arg25[%dma_start3A_96] : memref<10000xf32, #tpu.memory_space<vmem_shared>> -> memref<10000xf32, #tpu.memory_space<vmem_shared>>
      tpu.enqueue_indirect_dma source(%dma_start3A_97 : memref<10000xf32, #tpu.memory_space<vmem_shared>>) target(%arg19 : memref<125xf32, #tpu.memory_space<vmem>>) offsets(%dma_start3A_95 : memref<125xi32, #tpu.memory_space<vmem>>) semaphore(%arg26 : memref<!tpu.dma_semaphore, #tpu.memory_space<semaphore_mem>>)
      %add3A_98 = arith.constant 2 : i32
      %add3A_99 = arith.addi %add3A, %add3A_98 : i32
      %dma_start3A_100 = arith.constant 0 : i32
      %dma_start3A_101 = tpu.memref_slice %arg13[%add3A_99, %dma_start3A_100] : memref<160x125xi32, #tpu.memory_space<vmem>> -> memref<1x125xi32, #tpu.memory_space<vmem>>
      %dma_start3A_102 = tpu.memref_squeeze %dma_start3A_101 : memref<1x125xi32, #tpu.memory_space<vmem>> -> memref<125xi32, #tpu.memory_space<vmem>>
      %dma_start3A_103 = arith.constant 0 : i32
      %dma_start3A_104 = tpu.memref_slice %arg25[%dma_start3A_103] : memref<10000xf32, #tpu.memory_space<vmem_shared>> -> memref<10000xf32, #tpu.memory_space<vmem_shared>>
      tpu.enqueue_indirect_dma source(%dma_start3A_104 : memref<10000xf32, #tpu.memory_space<vmem_shared>>) target(%arg20 : memref<125xf32, #tpu.memory_space<vmem>>) offsets(%dma_start3A_102 : memref<125xi32, #tpu.memory_space<vmem>>) semaphore(%arg26 : memref<!tpu.dma_semaphore, #tpu.memory_space<semaphore_mem>>)
      %add3A_105 = arith.constant 3 : i32
      %add3A_106 = arith.addi %add3A, %add3A_105 : i32
      %dma_start3A_107 = arith.constant 0 : i32
      %dma_start3A_108 = tpu.memref_slice %arg13[%add3A_106, %dma_start3A_107] : memref<160x125xi32, #tpu.memory_space<vmem>> -> memref<1x125xi32, #tpu.memory_space<vmem>>
      %dma_start3A_109 = tpu.memref_squeeze %dma_start3A_108 : memref<1x125xi32, #tpu.memory_space<vmem>> -> memref<125xi32, #tpu.memory_space<vmem>>
      %dma_start3A_110 = arith.constant 0 : i32
      %dma_start3A_111 = tpu.memref_slice %arg25[%dma_start3A_110] : memref<10000xf32, #tpu.memory_space<vmem_shared>> -> memref<10000xf32, #tpu.memory_space<vmem_shared>>
      tpu.enqueue_indirect_dma source(%dma_start3A_111 : memref<10000xf32, #tpu.memory_space<vmem_shared>>) target(%arg21 : memref<125xf32, #tpu.memory_space<vmem>>) offsets(%dma_start3A_109 : memref<125xi32, #tpu.memory_space<vmem>>) semaphore(%arg26 : memref<!tpu.dma_semaphore, #tpu.memory_space<semaphore_mem>>)
      %dma_wait3A = arith.constant 0 : i32
      %dma_wait3A_112 = tpu.memref_slice %arg13[%add3A_86, %dma_wait3A] : memref<160x125xi32, #tpu.memory_space<vmem>> -> memref<1x125xi32, #tpu.memory_space<vmem>>
      %dma_wait3A_113 = tpu.memref_squeeze %dma_wait3A_112 : memref<1x125xi32, #tpu.memory_space<vmem>> -> memref<125xi32, #tpu.memory_space<vmem>>
      %dma_wait3A_114 = arith.constant 0 : i32
      %dma_wait3A_115 = tpu.memref_slice %arg25[%dma_wait3A_114] : memref<10000xf32, #tpu.memory_space<vmem_shared>> -> memref<10000xf32, #tpu.memory_space<vmem_shared>>
      tpu.wait_indirect_dma semaphore(%arg26 : memref<!tpu.dma_semaphore, #tpu.memory_space<semaphore_mem>>) src(%dma_wait3A_115 : memref<10000xf32, #tpu.memory_space<vmem_shared>>) dst(%arg18 : memref<125xf32, #tpu.memory_space<vmem>>)
      %add3A_116 = arith.constant 0 : i32
      %add3A_117 = arith.addi %add3A, %add3A_116 : i32
      %dma_start3A_118 = arith.constant 0 : i32
      %dma_start3A_119 = tpu.memref_slice %arg12[%add3A_117, %dma_start3A_118] : memref<160x125xi32, #tpu.memory_space<vmem>> -> memref<1x125xi32, #tpu.memory_space<vmem>>
      %dma_start3A_120 = tpu.memref_squeeze %dma_start3A_119 : memref<1x125xi32, #tpu.memory_space<vmem>> -> memref<125xi32, #tpu.memory_space<vmem>>
      %dma_start3A_121 = arith.constant 0 : i32
      %dma_start3A_122 = tpu.memref_slice %arg24[%dma_start3A_121] : memref<10000xf32, #tpu.memory_space<vmem_shared>> -> memref<10000xf32, #tpu.memory_space<vmem_shared>>
      tpu.enqueue_indirect_dma source(%arg18 : memref<125xf32, #tpu.memory_space<vmem>>) target(%dma_start3A_122 : memref<10000xf32, #tpu.memory_space<vmem_shared>>) offsets(%dma_start3A_120 : memref<125xi32, #tpu.memory_space<vmem>>) semaphore(%arg27 : memref<!tpu.dma_semaphore, #tpu.memory_space<semaphore_mem>>) {add = true}
      %dma_wait3A_123 = arith.constant 0 : i32
      %dma_wait3A_124 = tpu.memref_slice %arg13[%add3A_92, %dma_wait3A_123] : memref<160x125xi32, #tpu.memory_space<vmem>> -> memref<1x125xi32, #tpu.memory_space<vmem>>
      %dma_wait3A_125 = tpu.memref_squeeze %dma_wait3A_124 : memref<1x125xi32, #tpu.memory_space<vmem>> -> memref<125xi32, #tpu.memory_space<vmem>>
      %dma_wait3A_126 = arith.constant 0 : i32
      %dma_wait3A_127 = tpu.memref_slice %arg25[%dma_wait3A_126] : memref<10000xf32, #tpu.memory_space<vmem_shared>> -> memref<10000xf32, #tpu.memory_space<vmem_shared>>
      tpu.wait_indirect_dma semaphore(%arg26 : memref<!tpu.dma_semaphore, #tpu.memory_space<semaphore_mem>>) src(%dma_wait3A_127 : memref<10000xf32, #tpu.memory_space<vmem_shared>>) dst(%arg19 : memref<125xf32, #tpu.memory_space<vmem>>)
      %add3A_128 = arith.constant 1 : i32
      %add3A_129 = arith.addi %add3A, %add3A_128 : i32
      %dma_start3A_130 = arith.constant 0 : i32
      %dma_start3A_131 = tpu.memref_slice %arg12[%add3A_129, %dma_start3A_130] : memref<160x125xi32, #tpu.memory_space<vmem>> -> memref<1x125xi32, #tpu.memory_space<vmem>>
      %dma_start3A_132 = tpu.memref_squeeze %dma_start3A_131 : memref<1x125xi32, #tpu.memory_space<vmem>> -> memref<125xi32, #tpu.memory_space<vmem>>
      %dma_start3A_133 = arith.constant 0 : i32
      %dma_start3A_134 = tpu.memref_slice %arg24[%dma_start3A_133] : memref<10000xf32, #tpu.memory_space<vmem_shared>> -> memref<10000xf32, #tpu.memory_space<vmem_shared>>
      tpu.enqueue_indirect_dma source(%arg19 : memref<125xf32, #tpu.memory_space<vmem>>) target(%dma_start3A_134 : memref<10000xf32, #tpu.memory_space<vmem_shared>>) offsets(%dma_start3A_132 : memref<125xi32, #tpu.memory_space<vmem>>) semaphore(%arg27 : memref<!tpu.dma_semaphore, #tpu.memory_space<semaphore_mem>>) {add = true}
      %dma_wait3A_135 = arith.constant 0 : i32
      %dma_wait3A_136 = tpu.memref_slice %arg13[%add3A_99, %dma_wait3A_135] : memref<160x125xi32, #tpu.memory_space<vmem>> -> memref<1x125xi32, #tpu.memory_space<vmem>>
      %dma_wait3A_137 = tpu.memref_squeeze %dma_wait3A_136 : memref<1x125xi32, #tpu.memory_space<vmem>> -> memref<125xi32, #tpu.memory_space<vmem>>
      %dma_wait3A_138 = arith.constant 0 : i32
      %dma_wait3A_139 = tpu.memref_slice %arg25[%dma_wait3A_138] : memref<10000xf32, #tpu.memory_space<vmem_shared>> -> memref<10000xf32, #tpu.memory_space<vmem_shared>>
      tpu.wait_indirect_dma semaphore(%arg26 : memref<!tpu.dma_semaphore, #tpu.memory_space<semaphore_mem>>) src(%dma_wait3A_139 : memref<10000xf32, #tpu.memory_space<vmem_shared>>) dst(%arg20 : memref<125xf32, #tpu.memory_space<vmem>>)
      %add3A_140 = arith.constant 2 : i32
      %add3A_141 = arith.addi %add3A, %add3A_140 : i32
      %dma_start3A_142 = arith.constant 0 : i32
      %dma_start3A_143 = tpu.memref_slice %arg12[%add3A_141, %dma_start3A_142] : memref<160x125xi32, #tpu.memory_space<vmem>> -> memref<1x125xi32, #tpu.memory_space<vmem>>
      %dma_start3A_144 = tpu.memref_squeeze %dma_start3A_143 : memref<1x125xi32, #tpu.memory_space<vmem>> -> memref<125xi32, #tpu.memory_space<vmem>>
      %dma_start3A_145 = arith.constant 0 : i32
      %dma_start3A_146 = tpu.memref_slice %arg24[%dma_start3A_145] : memref<10000xf32, #tpu.memory_space<vmem_shared>> -> memref<10000xf32, #tpu.memory_space<vmem_shared>>
      tpu.enqueue_indirect_dma source(%arg20 : memref<125xf32, #tpu.memory_space<vmem>>) target(%dma_start3A_146 : memref<10000xf32, #tpu.memory_space<vmem_shared>>) offsets(%dma_start3A_144 : memref<125xi32, #tpu.memory_space<vmem>>) semaphore(%arg27 : memref<!tpu.dma_semaphore, #tpu.memory_space<semaphore_mem>>) {add = true}
      %dma_wait3A_147 = arith.constant 0 : i32
      %dma_wait3A_148 = tpu.memref_slice %arg13[%add3A_106, %dma_wait3A_147] : memref<160x125xi32, #tpu.memory_space<vmem>> -> memref<1x125xi32, #tpu.memory_space<vmem>>
      %dma_wait3A_149 = tpu.memref_squeeze %dma_wait3A_148 : memref<1x125xi32, #tpu.memory_space<vmem>> -> memref<125xi32, #tpu.memory_space<vmem>>
      %dma_wait3A_150 = arith.constant 0 : i32
      %dma_wait3A_151 = tpu.memref_slice %arg25[%dma_wait3A_150] : memref<10000xf32, #tpu.memory_space<vmem_shared>> -> memref<10000xf32, #tpu.memory_space<vmem_shared>>
      tpu.wait_indirect_dma semaphore(%arg26 : memref<!tpu.dma_semaphore, #tpu.memory_space<semaphore_mem>>) src(%dma_wait3A_151 : memref<10000xf32, #tpu.memory_space<vmem_shared>>) dst(%arg21 : memref<125xf32, #tpu.memory_space<vmem>>)
      %add3A_152 = arith.constant 3 : i32
      %add3A_153 = arith.addi %add3A, %add3A_152 : i32
      %dma_start3A_154 = arith.constant 0 : i32
      %dma_start3A_155 = tpu.memref_slice %arg12[%add3A_153, %dma_start3A_154] : memref<160x125xi32, #tpu.memory_space<vmem>> -> memref<1x125xi32, #tpu.memory_space<vmem>>
      %dma_start3A_156 = tpu.memref_squeeze %dma_start3A_155 : memref<1x125xi32, #tpu.memory_space<vmem>> -> memref<125xi32, #tpu.memory_space<vmem>>
      %dma_start3A_157 = arith.constant 0 : i32
      %dma_start3A_158 = tpu.memref_slice %arg24[%dma_start3A_157] : memref<10000xf32, #tpu.memory_space<vmem_shared>> -> memref<10000xf32, #tpu.memory_space<vmem_shared>>
      tpu.enqueue_indirect_dma source(%arg21 : memref<125xf32, #tpu.memory_space<vmem>>) target(%dma_start3A_158 : memref<10000xf32, #tpu.memory_space<vmem_shared>>) offsets(%dma_start3A_156 : memref<125xi32, #tpu.memory_space<vmem>>) semaphore(%arg27 : memref<!tpu.dma_semaphore, #tpu.memory_space<semaphore_mem>>) {add = true}
      %dma_wait3A_159 = arith.constant 0 : i32
      %dma_wait3A_160 = tpu.memref_slice %arg12[%add3A_117, %dma_wait3A_159] : memref<160x125xi32, #tpu.memory_space<vmem>> -> memref<1x125xi32, #tpu.memory_space<vmem>>
      %dma_wait3A_161 = tpu.memref_squeeze %dma_wait3A_160 : memref<1x125xi32, #tpu.memory_space<vmem>> -> memref<125xi32, #tpu.memory_space<vmem>>
      %dma_wait3A_162 = arith.constant 0 : i32
      %dma_wait3A_163 = tpu.memref_slice %arg24[%dma_wait3A_162] : memref<10000xf32, #tpu.memory_space<vmem_shared>> -> memref<10000xf32, #tpu.memory_space<vmem_shared>>
      tpu.wait_indirect_dma semaphore(%arg27 : memref<!tpu.dma_semaphore, #tpu.memory_space<semaphore_mem>>) src(%arg18 : memref<125xf32, #tpu.memory_space<vmem>>) dst(%dma_wait3A_163 : memref<10000xf32, #tpu.memory_space<vmem_shared>>)
      %dma_wait3A_164 = arith.constant 0 : i32
      %dma_wait3A_165 = tpu.memref_slice %arg12[%add3A_129, %dma_wait3A_164] : memref<160x125xi32, #tpu.memory_space<vmem>> -> memref<1x125xi32, #tpu.memory_space<vmem>>
      %dma_wait3A_166 = tpu.memref_squeeze %dma_wait3A_165 : memref<1x125xi32, #tpu.memory_space<vmem>> -> memref<125xi32, #tpu.memory_space<vmem>>
      %dma_wait3A_167 = arith.constant 0 : i32
      %dma_wait3A_168 = tpu.memref_slice %arg24[%dma_wait3A_167] : memref<10000xf32, #tpu.memory_space<vmem_shared>> -> memref<10000xf32, #tpu.memory_space<vmem_shared>>
      tpu.wait_indirect_dma semaphore(%arg27 : memref<!tpu.dma_semaphore, #tpu.memory_space<semaphore_mem>>) src(%arg19 : memref<125xf32, #tpu.memory_space<vmem>>) dst(%dma_wait3A_168 : memref<10000xf32, #tpu.memory_space<vmem_shared>>)
      %dma_wait3A_169 = arith.constant 0 : i32
      %dma_wait3A_170 = tpu.memref_slice %arg12[%add3A_141, %dma_wait3A_169] : memref<160x125xi32, #tpu.memory_space<vmem>> -> memref<1x125xi32, #tpu.memory_space<vmem>>
      %dma_wait3A_171 = tpu.memref_squeeze %dma_wait3A_170 : memref<1x125xi32, #tpu.memory_space<vmem>> -> memref<125xi32, #tpu.memory_space<vmem>>
      %dma_wait3A_172 = arith.constant 0 : i32
      %dma_wait3A_173 = tpu.memref_slice %arg24[%dma_wait3A_172] : memref<10000xf32, #tpu.memory_space<vmem_shared>> -> memref<10000xf32, #tpu.memory_space<vmem_shared>>
      tpu.wait_indirect_dma semaphore(%arg27 : memref<!tpu.dma_semaphore, #tpu.memory_space<semaphore_mem>>) src(%arg20 : memref<125xf32, #tpu.memory_space<vmem>>) dst(%dma_wait3A_173 : memref<10000xf32, #tpu.memory_space<vmem_shared>>)
      %dma_wait3A_174 = arith.constant 0 : i32
      %dma_wait3A_175 = tpu.memref_slice %arg12[%add3A_153, %dma_wait3A_174] : memref<160x125xi32, #tpu.memory_space<vmem>> -> memref<1x125xi32, #tpu.memory_space<vmem>>
      %dma_wait3A_176 = tpu.memref_squeeze %dma_wait3A_175 : memref<1x125xi32, #tpu.memory_space<vmem>> -> memref<125xi32, #tpu.memory_space<vmem>>
      %dma_wait3A_177 = arith.constant 0 : i32
      %dma_wait3A_178 = tpu.memref_slice %arg24[%dma_wait3A_177] : memref<10000xf32, #tpu.memory_space<vmem_shared>> -> memref<10000xf32, #tpu.memory_space<vmem_shared>>
      tpu.wait_indirect_dma semaphore(%arg27 : memref<!tpu.dma_semaphore, #tpu.memory_space<semaphore_mem>>) src(%arg21 : memref<125xf32, #tpu.memory_space<vmem>>) dst(%dma_wait3A_178 : memref<10000xf32, #tpu.memory_space<vmem_shared>>)
    }
    %scan3A_75 = arith.constant 20 : i32
    %barrier3A_76 = arith.constant 0 : index
    tpu.barrier barrier_id(%barrier3A_76)
    %eq3A_77 = arith.constant 0 : i32
    %eq3A_78 = arith.cmpi eq, %arg1, %eq3A_77 : i32
    %convert_element_type3A_79 = arith.extui %eq3A_78 : i1 to i32
    %cond3A_80 = arith.constant 0 : i32
    %cond3A_81 = arith.cmpi ne, %convert_element_type3A_79, %cond3A_80 : i32
    scf.if %cond3A_81 {
      "tpu.region"() ({
        %run_scoped3A_85 = tpu.sem_alloc : memref<!tpu.dma_semaphore, #tpu.memory_space<semaphore_mem>>
        tpu.enqueue_dma source(%arg24 : memref<10000xf32, #tpu.memory_space<vmem_shared>>) target(%arg22 : memref<10000xf32, #tpu.memory_space<vmem>>) target_semaphore(%run_scoped3A_85 : memref<!tpu.dma_semaphore, #tpu.memory_space<semaphore_mem>>)
        tpu.wait_dma2 semaphore(%run_scoped3A_85 : memref<!tpu.dma_semaphore, #tpu.memory_space<semaphore_mem>>) src(%arg24 : memref<10000xf32, #tpu.memory_space<vmem_shared>>) dst(%arg22 : memref<10000xf32, #tpu.memory_space<vmem>>)
        tpu.yield
      }) : () -> ()
      %mul3A_82 = arith.constant 10000 : i32
      %mul3A_83 = arith.muli %arg0, %mul3A_82 : i32
      %multiple_of3A_84 = tpu.assume_multiple %mul3A_83, 8 : i32
      "tpu.region"() ({
        %run_scoped3A_85 = tpu.sem_alloc : memref<!tpu.dma_semaphore, #tpu.memory_space<semaphore_mem>>
        %dma_start3A = tpu.memref_slice %arg11[%multiple_of3A_84] : memref<20000xf32, #tpu.memory_space<hbm>> -> memref<10000xf32, #tpu.memory_space<hbm>>
        %dma_start3A_86 = tpu.memref_slice %arg11[%multiple_of3A_84] : memref<20000xf32, #tpu.memory_space<hbm>> -> memref<10000xf32, #tpu.memory_space<hbm>>
        tpu.enqueue_dma source(%arg22 : memref<10000xf32, #tpu.memory_space<vmem>>) target(%dma_start3A_86 : memref<10000xf32, #tpu.memory_space<hbm>>) target_semaphore(%run_scoped3A_85 : memref<!tpu.dma_semaphore, #tpu.memory_space<semaphore_mem>>)
        %dma_wait3A = tpu.memref_slice %arg11[%multiple_of3A_84] : memref<20000xf32, #tpu.memory_space<hbm>> -> memref<10000xf32, #tpu.memory_space<hbm>>
        %dma_wait3A_87 = tpu.memref_slice %arg11[%multiple_of3A_84] : memref<20000xf32, #tpu.memory_space<hbm>> -> memref<10000xf32, #tpu.memory_space<hbm>>
        tpu.wait_dma2 semaphore(%run_scoped3A_85 : memref<!tpu.dma_semaphore, #tpu.memory_space<semaphore_mem>>) src(%arg22 : memref<10000xf32, #tpu.memory_space<vmem>>) dst(%dma_wait3A_87 : memref<10000xf32, #tpu.memory_space<hbm>>)
        tpu.yield
      }) : () -> ()
    } else {
    }
    return
  }
}

module attributes {stable_mosaic.version = 14 : i64} {
  func.func @_mm_body(%arg0: i32, %arg1: memref<1000x128xf32, #tpu.memory_space<vmem>>, %arg2: memref<128x128xf32, #tpu.memory_space<vmem>>, %arg3: memref<1000x128xf32, #tpu.memory_space<vmem>>) attributes {dimension_semantics = [#tpu.dimension_semantics<arbitrary>], iteration_bounds = array<i64: 10>, scalar_prefetch = 0 : i64, scratch_operands = 0 : i64, tpu.core_type = #tpu.core_type<tc>, window_params = [{transform_indices = @transform_0, window_bounds = array<i64: 1000, 128>}, {pipeline_mode = #tpu.pipeline_mode<synchronous>, transform_indices = @transform_1, window_bounds = array<i64: 128, 128>}, {transform_indices = @transform_2, window_bounds = array<i64: 1000, 128>}]} {
    %get3A = arith.constant 0 : index
    %get3A_0 = arith.constant 0 : index
    %get3A_1 = vector.load %arg1[%get3A, %get3A_0] : memref<1000x128xf32, #tpu.memory_space<vmem>>, vector<1000x128xf32>
    %get3A_2 = arith.constant 0 : index
    %get3A_3 = arith.constant 0 : index
    %get3A_4 = vector.load %arg2[%get3A_2, %get3A_3] : memref<128x128xf32, #tpu.memory_space<vmem>>, vector<128x128xf32>
    %dot_general3A = arith.constant dense<0.000000e+00> : vector<1000x128xf32>
    %dot_general3A_5 = tpu.matmul %get3A_1, %get3A_4, %dot_general3A {dimension_numbers = #tpu.dot_dimension_numbers<[1], [0], [0], [1], [0, 0, 1, 1], [], []>, transpose_lhs_hint = false} : vector<1000x128xf32>, vector<128x128xf32>, vector<1000x128xf32> -> vector<1000x128xf32>
    %swap3A = arith.constant 0 : index
    %swap3A_6 = arith.constant 0 : index
    %swap3A_7 = vector.load %arg3[%swap3A, %swap3A_6] : memref<1000x128xf32, #tpu.memory_space<vmem>>, vector<1000x128xf32>
    tpu.vector_store %arg3[%swap3A, %swap3A_6], %dot_general3A_5 {strides = array<i32>} : memref<1000x128xf32, #tpu.memory_space<vmem>>, vector<1000x128xf32>,
    return
  }
  func.func @transform_0(%arg0: i32) -> (i32, i32) {
    %c0_i32 = arith.constant 0 : i32
    %c0_i32_0 = arith.constant 0 : i32
    return %arg0, %c0_i32 : i32, i32
  }
  func.func @transform_1(%arg0: i32) -> (i32, i32) {
    %c0_i32 = arith.constant 0 : i32
    %c0_i32_0 = arith.constant 0 : i32
    %c0_i32_1 = arith.constant 0 : i32
    return %c0_i32, %c0_i32_0 : i32, i32
  }
  func.func @transform_2(%arg0: i32) -> (i32, i32) {
    %c0_i32 = arith.constant 0 : i32
    %c0_i32_0 = arith.constant 0 : i32
    return %arg0, %c0_i32 : i32, i32
  }
}

module attributes {stable_mosaic.version = 14 : i64} {
  func.func @_tcb_body(%arg0: i32, %arg1: memref<1000x2xf32, #tpu.memory_space<vmem>>, %arg2: memref<1000x128xf32, #tpu.memory_space<vmem>>, %arg3: memref<1000x128xf32, #tpu.memory_space<vmem>>, %arg4: memref<1000x1xf32, #tpu.memory_space<vmem>>, %arg5: memref<1000x64xf32, #tpu.memory_space<vmem>>, %arg6: memref<1000x64xf32, #tpu.memory_space<vmem>>, %arg7: memref<1000x64xf32, #tpu.memory_space<vmem>>, %arg8: memref<1000x64xf32, #tpu.memory_space<vmem>>) attributes {dimension_semantics = [#tpu.dimension_semantics<arbitrary>], iteration_bounds = array<i64: 10>, scalar_prefetch = 0 : i64, scratch_operands = 0 : i64, tpu.core_type = #tpu.core_type<tc>, window_params = [{transform_indices = @transform_0, window_bounds = array<i64: 1000, 2>}, {transform_indices = @transform_1, window_bounds = array<i64: 1000, 128>}, {transform_indices = @transform_2, window_bounds = array<i64: 1000, 128>}, {transform_indices = @transform_3, window_bounds = array<i64: 1000, 1>}, {transform_indices = @transform_4, window_bounds = array<i64: 1000, 64>}, {transform_indices = @transform_5, window_bounds = array<i64: 1000, 64>}, {transform_indices = @transform_6, window_bounds = array<i64: 1000, 64>}, {transform_indices = @transform_7, window_bounds = array<i64: 1000, 64>}]} {
    %get3A = arith.constant 0 : index
    %get3A_0 = arith.constant 0 : index
    %get3A_1 = vector.load %arg1[%get3A, %get3A_0] : memref<1000x2xf32, #tpu.memory_space<vmem>>, vector<1000x1xf32>
    %get3A_2 = vector.shape_cast %get3A_1 : vector<1000x1xf32> to vector<1000xf32>
    %get3A_3 = arith.constant 0 : index
    %get3A_4 = arith.constant 1 : index
    %get3A_5 = vector.load %arg1[%get3A_3, %get3A_4] : memref<1000x2xf32, #tpu.memory_space<vmem>>, vector<1000x1xf32>
    %get3A_6 = vector.shape_cast %get3A_5 : vector<1000x1xf32> to vector<1000xf32>
    %add3A = arith.addf %get3A_2, %get3A_6 : vector<1000xf32>
    %max3A = arith.constant 1.000000e+00 : f32
    %max3A_7 = vector.broadcast %max3A : f32 to vector<1000xf32>
    %max3A_8 = arith.maximumf %add3A, %max3A_7 : vector<1000xf32>
    %rsqrt3A = math.rsqrt %max3A_8 : vector<1000xf32>
    %broadcast_in_dim3A = vector.shape_cast %rsqrt3A : vector<1000xf32> to vector<1000x1xf32>
    %swap3A = arith.constant 0 : index
    %swap3A_9 = arith.constant 0 : index
    %swap3A_10 = vector.load %arg4[%swap3A, %swap3A_9] : memref<1000x1xf32, #tpu.memory_space<vmem>>, vector<1000x1xf32>
    tpu.vector_store %arg4[%swap3A, %swap3A_9], %broadcast_in_dim3A {strides = array<i32>} : memref<1000x1xf32, #tpu.memory_space<vmem>>, vector<1000x1xf32>,
    %get3A_11 = arith.constant 0 : index
    %get3A_12 = arith.constant 0 : index
    %get3A_13 = vector.load %arg2[%get3A_11, %get3A_12] : memref<1000x128xf32, #tpu.memory_space<vmem>>, vector<1000x128xf32>
    %broadcast_in_dim3A_14 = vector.shape_cast %rsqrt3A : vector<1000xf32> to vector<1000x1xf32>
    %mul3A = vector.broadcast %broadcast_in_dim3A_14 : vector<1000x1xf32> to vector<1000x128xf32>
    %mul3A_15 = arith.mulf %get3A_13, %mul3A : vector<1000x128xf32>
    %get3A_16 = arith.constant 0 : index
    %get3A_17 = arith.constant 0 : index
    %get3A_18 = vector.load %arg3[%get3A_16, %get3A_17] : memref<1000x128xf32, #tpu.memory_space<vmem>>, vector<1000x128xf32>
    %broadcast_in_dim3A_19 = vector.shape_cast %rsqrt3A : vector<1000xf32> to vector<1000x1xf32>
    %mul3A_20 = vector.broadcast %broadcast_in_dim3A_19 : vector<1000x1xf32> to vector<1000x128xf32>
    %mul3A_21 = arith.mulf %get3A_18, %mul3A_20 : vector<1000x128xf32>
    %slice3A = vector.extract_strided_slice %mul3A_15 {offsets = [0, 0], sizes = [1000, 64], strides = [1, 1]} : vector<1000x128xf32> to vector<1000x64xf32>
    %swap3A_22 = arith.constant 0 : index
    %swap3A_23 = arith.constant 0 : index
    %swap3A_24 = vector.load %arg5[%swap3A_22, %swap3A_23] : memref<1000x64xf32, #tpu.memory_space<vmem>>, vector<1000x64xf32>
    tpu.vector_store %arg5[%swap3A_22, %swap3A_23], %slice3A {strides = array<i32>} : memref<1000x64xf32, #tpu.memory_space<vmem>>, vector<1000x64xf32>,
    %slice3A_25 = vector.extract_strided_slice %mul3A_15 {offsets = [0, 64], sizes = [1000, 64], strides = [1, 1]} : vector<1000x128xf32> to vector<1000x64xf32>
    %swap3A_26 = arith.constant 0 : index
    %swap3A_27 = arith.constant 0 : index
    %swap3A_28 = vector.load %arg6[%swap3A_26, %swap3A_27] : memref<1000x64xf32, #tpu.memory_space<vmem>>, vector<1000x64xf32>
    tpu.vector_store %arg6[%swap3A_26, %swap3A_27], %slice3A_25 {strides = array<i32>} : memref<1000x64xf32, #tpu.memory_space<vmem>>, vector<1000x64xf32>,
    %slice3A_29 = vector.extract_strided_slice %mul3A_21 {offsets = [0, 0], sizes = [1000, 64], strides = [1, 1]} : vector<1000x128xf32> to vector<1000x64xf32>
    %swap3A_30 = arith.constant 0 : index
    %swap3A_31 = arith.constant 0 : index
    %swap3A_32 = vector.load %arg7[%swap3A_30, %swap3A_31] : memref<1000x64xf32, #tpu.memory_space<vmem>>, vector<1000x64xf32>
    tpu.vector_store %arg7[%swap3A_30, %swap3A_31], %slice3A_29 {strides = array<i32>} : memref<1000x64xf32, #tpu.memory_space<vmem>>, vector<1000x64xf32>,
    %slice3A_33 = vector.extract_strided_slice %mul3A_21 {offsets = [0, 64], sizes = [1000, 64], strides = [1, 1]} : vector<1000x128xf32> to vector<1000x64xf32>
    %swap3A_34 = arith.constant 0 : index
    %swap3A_35 = arith.constant 0 : index
    %swap3A_36 = vector.load %arg8[%swap3A_34, %swap3A_35] : memref<1000x64xf32, #tpu.memory_space<vmem>>, vector<1000x64xf32>
    tpu.vector_store %arg8[%swap3A_34, %swap3A_35], %slice3A_33 {strides = array<i32>} : memref<1000x64xf32, #tpu.memory_space<vmem>>, vector<1000x64xf32>,
    return
  }
  func.func @transform_0(%arg0: i32) -> (i32, i32) {
    %c0_i32 = arith.constant 0 : i32
    %c0_i32_0 = arith.constant 0 : i32
    return %arg0, %c0_i32 : i32, i32
  }
  func.func @transform_1(%arg0: i32) -> (i32, i32) {
    %c0_i32 = arith.constant 0 : i32
    %c0_i32_0 = arith.constant 0 : i32
    return %arg0, %c0_i32 : i32, i32
  }
  func.func @transform_2(%arg0: i32) -> (i32, i32) {
    %c0_i32 = arith.constant 0 : i32
    %c0_i32_0 = arith.constant 0 : i32
    return %arg0, %c0_i32 : i32, i32
  }
  func.func @transform_3(%arg0: i32) -> (i32, i32) {
    %c0_i32 = arith.constant 0 : i32
    %c0_i32_0 = arith.constant 0 : i32
    return %arg0, %c0_i32 : i32, i32
  }
  func.func @transform_4(%arg0: i32) -> (i32, i32) {
    %c0_i32 = arith.constant 0 : i32
    %c0_i32_0 = arith.constant 0 : i32
    return %arg0, %c0_i32 : i32, i32
  }
  func.func @transform_5(%arg0: i32) -> (i32, i32) {
    %c0_i32 = arith.constant 0 : i32
    %c0_i32_0 = arith.constant 0 : i32
    return %arg0, %c0_i32 : i32, i32
  }
  func.func @transform_6(%arg0: i32) -> (i32, i32) {
    %c0_i32 = arith.constant 0 : i32
    %c0_i32_0 = arith.constant 0 : i32
    return %arg0, %c0_i32 : i32, i32
  }
  func.func @transform_7(%arg0: i32) -> (i32, i32) {
    %c0_i32 = arith.constant 0 : i32
    %c0_i32_0 = arith.constant 0 : i32
    return %arg0, %c0_i32 : i32, i32
  }
}

module attributes {stable_mosaic.version = 14 : i64} {
  func.func @_tcc_body(%arg0: i32, %arg1: i32, %arg2: memref<2x2x1000x64xf32, #tpu.memory_space<vmem>>, %arg3: memref<1000x2xf32, #tpu.memory_space<vmem>>, %arg4: memref<1000x1xf32, #tpu.memory_space<vmem>>, %arg5: memref<1x128xf32, #tpu.memory_space<vmem>>, %arg6: memref<128x128xf32, #tpu.memory_space<vmem>>, %arg7: memref<1x128xf32, #tpu.memory_space<vmem>>, %arg8: memref<128x128xf32, #tpu.memory_space<vmem>>, %arg9: memref<1000x2xf32, #tpu.memory_space<vmem>>, %arg10: memref<1x1xf32, #tpu.memory_space<vmem>>, %arg11: memref<1x128xf32, #tpu.memory_space<vmem>>, %arg12: memref<1x128xf32, #tpu.memory_space<vmem>>) attributes {dimension_semantics = [#tpu.dimension_semantics<arbitrary>, #tpu.dimension_semantics<arbitrary>], iteration_bounds = array<i64: 2, 10>, scalar_prefetch = 0 : i64, scratch_operands = 2 : i64, tpu.core_type = #tpu.core_type<tc>, window_params = [{transform_indices = @transform_0, window_bounds = array<i64: 2, 2, 1000, 64>}, {transform_indices = @transform_1, window_bounds = array<i64: 1000, 2>}, {transform_indices = @transform_2, window_bounds = array<i64: 1000, 1>}, {pipeline_mode = #tpu.pipeline_mode<synchronous>, transform_indices = @transform_3, window_bounds = array<i64: 1, 128>}, {pipeline_mode = #tpu.pipeline_mode<synchronous>, transform_indices = @transform_4, window_bounds = array<i64: 128, 128>}, {pipeline_mode = #tpu.pipeline_mode<synchronous>, transform_indices = @transform_5, window_bounds = array<i64: 1, 128>}, {pipeline_mode = #tpu.pipeline_mode<synchronous>, transform_indices = @transform_6, window_bounds = array<i64: 128, 128>}, {transform_indices = @transform_7, window_bounds = array<i64: 1000, 2>}, {pipeline_mode = #tpu.pipeline_mode<synchronous>, transform_indices = @transform_8, window_bounds = array<i64: 1, 1>}]} {
    %get3A = arith.constant 0 : index
    %get3A_0 = arith.constant 0 : index
    %get3A_1 = vector.load %arg4[%get3A, %get3A_0] : memref<1000x1xf32, #tpu.memory_space<vmem>>, vector<1000x1xf32>
    %get3A_2 = arith.constant 0 : index
    %get3A_3 = arith.constant 0 : index
    %get3A_4 = arith.constant 0 : index
    %get3A_5 = arith.constant 0 : index
    %get3A_6 = vector.load %arg2[%get3A_2, %get3A_3, %get3A_4, %get3A_5] : memref<2x2x1000x64xf32, #tpu.memory_space<vmem>>, vector<1x1x1000x64xf32>
    %get3A_7 = vector.shape_cast %get3A_6 : vector<1x1x1000x64xf32> to vector<1000x64xf32>
    %get3A_8 = arith.constant 0 : index
    %get3A_9 = arith.constant 1 : index
    %get3A_10 = arith.constant 0 : index
    %get3A_11 = arith.constant 0 : index
    %get3A_12 = vector.load %arg2[%get3A_8, %get3A_9, %get3A_10, %get3A_11] : memref<2x2x1000x64xf32, #tpu.memory_space<vmem>>, vector<1x1x1000x64xf32>
    %get3A_13 = vector.shape_cast %get3A_12 : vector<1x1x1000x64xf32> to vector<1000x64xf32>
    %concatenate3A = tpu.concatenate %get3A_7, %get3A_13 in 1 : vector<1000x64xf32>, vector<1000x64xf32> -> vector<1000x128xf32>
    %mul3A = vector.broadcast %get3A_1 : vector<1000x1xf32> to vector<1000x128xf32>
    %mul3A_14 = arith.mulf %concatenate3A, %mul3A : vector<1000x128xf32>
    %get3A_15 = arith.constant 0 : index
    %get3A_16 = arith.constant 0 : index
    %get3A_17 = vector.load %arg5[%get3A_15, %get3A_16] : memref<1x128xf32, #tpu.memory_space<vmem>>, vector<1x128xf32>
    %add3A = vector.broadcast %get3A_17 : vector<1x128xf32> to vector<1000x128xf32>
    %add3A_18 = arith.addf %mul3A_14, %add3A : vector<1000x128xf32>
    %max3A = arith.constant 0.000000e+00 : f32
    %max3A_19 = vector.broadcast %max3A : f32 to vector<1000x128xf32>
    %max3A_20 = arith.maximumf %add3A_18, %max3A_19 : vector<1000x128xf32>
    %eq3A = arith.constant 0 : i32
    %eq3A_21 = arith.cmpi eq, %arg0, %eq3A : i32
    %convert_element_type3A = arith.extui %eq3A_21 : i1 to i32
    %cond3A = arith.constant 0 : i32
    %cond3A_22 = arith.cmpi ne, %convert_element_type3A, %cond3A : i32
    scf.if %cond3A_22 {
      %eq3A_28 = arith.constant 0 : i32
      %eq3A_29 = arith.cmpi eq, %arg1, %eq3A_28 : i32
      %convert_element_type3A_30 = arith.extui %eq3A_29 : i1 to i32
      %cond3A_31 = arith.constant 0 : i32
      %cond3A_32 = arith.cmpi ne, %convert_element_type3A_30, %cond3A_31 : i32
      scf.if %cond3A_32 {
        %broadcast_in_dim3A_50 = arith.constant 0.000000e+00 : f32
        %broadcast_in_dim3A_51 = vector.broadcast %broadcast_in_dim3A_50 : f32 to vector<1x128xf32>
        %swap3A_52 = arith.constant 0 : index
        %swap3A_53 = arith.constant 0 : index
        %swap3A_54 = vector.load %arg11[%swap3A_52, %swap3A_53] : memref<1x128xf32, #tpu.memory_space<vmem>>, vector<1x128xf32>
        tpu.vector_store %arg11[%swap3A_52, %swap3A_53], %broadcast_in_dim3A_51 {strides = array<i32>} : memref<1x128xf32, #tpu.memory_space<vmem>>, vector<1x128xf32>,
      } else {
      }
      %get3A_33 = arith.constant 0 : index
      %get3A_34 = arith.constant 0 : index
      %get3A_35 = vector.load %arg3[%get3A_33, %get3A_34] : memref<1000x2xf32, #tpu.memory_space<vmem>>, vector<1000x1xf32>
      %get3A_36 = vector.shape_cast %get3A_35 : vector<1000x1xf32> to vector<1000xf32>
      %get3A_37 = arith.constant 0 : index
      %get3A_38 = arith.constant 1 : index
      %get3A_39 = vector.load %arg3[%get3A_37, %get3A_38] : memref<1000x2xf32, #tpu.memory_space<vmem>>, vector<1000x1xf32>
      %get3A_40 = vector.shape_cast %get3A_39 : vector<1000x1xf32> to vector<1000xf32>
      %add3A_41 = arith.addf %get3A_36, %get3A_40 : vector<1000xf32>
      %squeeze3A = vector.shape_cast %get3A_1 : vector<1000x1xf32> to vector<1000xf32>
      %mul3A_42 = arith.mulf %add3A_41, %squeeze3A : vector<1000xf32>
      %get3A_43 = arith.constant 0 : index
      %get3A_44 = arith.constant 0 : index
      %get3A_45 = vector.load %arg11[%get3A_43, %get3A_44] : memref<1x128xf32, #tpu.memory_space<vmem>>, vector<1x128xf32>
      %broadcast_in_dim3A = vector.shape_cast %mul3A_42 : vector<1000xf32> to vector<1x1000xf32>
      %dot_general3A = arith.constant dense<0.000000e+00> : vector<1x128xf32>
      %dot_general3A_46 = tpu.matmul %broadcast_in_dim3A, %max3A_20, %dot_general3A {dimension_numbers = #tpu.dot_dimension_numbers<[1], [0], [0], [1], [0, 0, 1, 1], [], []>, transpose_lhs_hint = false} : vector<1x1000xf32>, vector<1000x128xf32>, vector<1x128xf32> -> vector<1x128xf32>
      %add3A_47 = arith.addf %get3A_45, %dot_general3A_46 : vector<1x128xf32>
      %swap3A = arith.constant 0 : index
      %swap3A_48 = arith.constant 0 : index
      %swap3A_49 = vector.load %arg11[%swap3A, %swap3A_48] : memref<1x128xf32, #tpu.memory_space<vmem>>, vector<1x128xf32>
      tpu.vector_store %arg11[%swap3A, %swap3A_48], %add3A_47 {strides = array<i32>} : memref<1x128xf32, #tpu.memory_space<vmem>>, vector<1x128xf32>,
    } else {
    }
    %eq3A_23 = arith.constant 1 : i32
    %eq3A_24 = arith.cmpi eq, %arg0, %eq3A_23 : i32
    %convert_element_type3A_25 = arith.extui %eq3A_24 : i1 to i32
    %cond3A_26 = arith.constant 0 : i32
    %cond3A_27 = arith.cmpi ne, %convert_element_type3A_25, %cond3A_26 : i32
    scf.if %cond3A_27 {
      %eq3A_28 = arith.constant 0 : i32
      %eq3A_29 = arith.cmpi eq, %arg1, %eq3A_28 : i32
      %convert_element_type3A_30 = arith.extui %eq3A_29 : i1 to i32
      %cond3A_31 = arith.constant 0 : i32
      %cond3A_32 = arith.cmpi ne, %convert_element_type3A_30, %cond3A_31 : i32
      scf.if %cond3A_32 {
        %get3A_67 = arith.constant 0 : index
        %get3A_68 = arith.constant 0 : index
        %get3A_69 = vector.load %arg11[%get3A_67, %get3A_68] : memref<1x128xf32, #tpu.memory_space<vmem>>, vector<1x128xf32>
        %get3A_70 = arith.constant 0 : index
        %get3A_71 = arith.constant 0 : index
        %get3A_72 = vector.load %arg6[%get3A_70, %get3A_71] : memref<128x128xf32, #tpu.memory_space<vmem>>, vector<128x128xf32>
        %dot_general3A_73 = arith.constant dense<0.000000e+00> : vector<1x128xf32>
        %dot_general3A_74 = tpu.matmul %get3A_69, %get3A_72, %dot_general3A_73 {dimension_numbers = #tpu.dot_dimension_numbers<[1], [0], [0], [1], [0, 0, 1, 1], [], []>, transpose_lhs_hint = false} : vector<1x128xf32>, vector<128x128xf32>, vector<1x128xf32> -> vector<1x128xf32>
        %mul3A_75 = arith.constant 9.99999974E-5 : f32
        %mul3A_76 = vector.broadcast %mul3A_75 : f32 to vector<1x128xf32>
        %mul3A_77 = arith.mulf %dot_general3A_74, %mul3A_76 : vector<1x128xf32>
        %get3A_78 = arith.constant 0 : index
        %get3A_79 = arith.constant 0 : index
        %get3A_80 = vector.load %arg7[%get3A_78, %get3A_79] : memref<1x128xf32, #tpu.memory_space<vmem>>, vector<1x128xf32>
        %add3A_81 = arith.addf %mul3A_77, %get3A_80 : vector<1x128xf32>
        %neg3A = arith.constant 0.000000e+00 : f32
        %neg3A_82 = vector.broadcast %neg3A : f32 to vector<1x128xf32>
        %neg3A_83 = arith.subf %neg3A_82, %add3A_81 : vector<1x128xf32>
        %exp3A = math.exp %neg3A_83 : vector<1x128xf32>
        %add3A_84 = arith.constant 1.000000e+00 : f32
        %add3A_85 = vector.broadcast %add3A_84 : f32 to vector<1x128xf32>
        %add3A_86 = arith.addf %add3A_85, %exp3A : vector<1x128xf32>
        %div3A = arith.constant 1.000000e+00 : f32
        %div3A_87 = vector.broadcast %div3A : f32 to vector<1x128xf32>
        %div3A_88 = arith.divf %div3A_87, %add3A_86 : vector<1x128xf32>
        %get3A_89 = arith.constant 0 : index
        %get3A_90 = arith.constant 0 : index
        %get3A_91 = vector.load %arg8[%get3A_89, %get3A_90] : memref<128x128xf32, #tpu.memory_space<vmem>>, vector<128x128xf32>
        %dot_general3A_92 = arith.constant dense<0.000000e+00> : vector<1x128xf32>
        %dot_general3A_93 = tpu.matmul %div3A_88, %get3A_91, %dot_general3A_92 {dimension_numbers = #tpu.dot_dimension_numbers<[1], [1], [0], [0], [0, 0, 1, 0], [], []>, transpose_lhs_hint = false} : vector<1x128xf32>, vector<128x128xf32>, vector<1x128xf32> -> vector<1x128xf32>
        %get3A_94 = arith.constant 0 : index
        %get3A_95 = arith.constant 0 : index
        %get3A_96 = vector.load %arg6[%get3A_94, %get3A_95] : memref<128x128xf32, #tpu.memory_space<vmem>>, vector<128x128xf32>
        %dot_general3A_97 = arith.constant dense<0.000000e+00> : vector<1x128xf32>
        %dot_general3A_98 = tpu.matmul %dot_general3A_93, %get3A_96, %dot_general3A_97 {dimension_numbers = #tpu.dot_dimension_numbers<[1], [1], [0], [0], [0, 0, 1, 0], [], []>, transpose_lhs_hint = false} : vector<1x128xf32>, vector<128x128xf32>, vector<1x128xf32> -> vector<1x128xf32>
        %swap3A_99 = arith.constant 0 : index
        %swap3A_100 = arith.constant 0 : index
        %swap3A_101 = vector.load %arg12[%swap3A_99, %swap3A_100] : memref<1x128xf32, #tpu.memory_space<vmem>>, vector<1x128xf32>
        tpu.vector_store %arg12[%swap3A_99, %swap3A_100], %dot_general3A_98 {strides = array<i32>} : memref<1x128xf32, #tpu.memory_space<vmem>>, vector<1x128xf32>,
        %get3A_102 = arith.constant 0 : index
        %get3A_103 = arith.constant 0 : index
        %get3A_104 = vector.load %arg7[%get3A_102, %get3A_103] : memref<1x128xf32, #tpu.memory_space<vmem>>, vector<1x128xf32>
        %mul3A_105 = arith.mulf %get3A_104, %dot_general3A_93 : vector<1x128xf32>
        %reduce_sum3A = arith.constant dense<0.000000e+00> : vector<1xf32>
        %reduce_sum3A_106 = vector.multi_reduction <add>, %mul3A_105, %reduce_sum3A [1] : vector<1x128xf32> to vector<1xf32>
        %broadcast_in_dim3A = vector.shape_cast %reduce_sum3A_106 : vector<1xf32> to vector<1x1xf32>
        %swap3A_107 = arith.constant 0 : index
        %swap3A_108 = arith.constant 0 : index
        %swap3A_109 = vector.load %arg10[%swap3A_107, %swap3A_108] : memref<1x1xf32, #tpu.memory_space<vmem>>, vector<1x1xf32>
        tpu.vector_store %arg10[%swap3A_107, %swap3A_108], %broadcast_in_dim3A {strides = array<i32>} : memref<1x1xf32, #tpu.memory_space<vmem>>, vector<1x1xf32>,
      } else {
      }
      %get3A_33 = arith.constant 1 : index
      %get3A_34 = arith.constant 0 : index
      %get3A_35 = arith.constant 0 : index
      %get3A_36 = arith.constant 0 : index
      %get3A_37 = vector.load %arg2[%get3A_33, %get3A_34, %get3A_35, %get3A_36] : memref<2x2x1000x64xf32, #tpu.memory_space<vmem>>, vector<1x1x1000x64xf32>
      %get3A_38 = vector.shape_cast %get3A_37 : vector<1x1x1000x64xf32> to vector<1000x64xf32>
      %get3A_39 = arith.constant 1 : index
      %get3A_40 = arith.constant 1 : index
      %get3A_41 = arith.constant 0 : index
      %get3A_42 = arith.constant 0 : index
      %get3A_43 = vector.load %arg2[%get3A_39, %get3A_40, %get3A_41, %get3A_42] : memref<2x2x1000x64xf32, #tpu.memory_space<vmem>>, vector<1x1x1000x64xf32>
      %get3A_44 = vector.shape_cast %get3A_43 : vector<1x1x1000x64xf32> to vector<1000x64xf32>
      %concatenate3A_45 = tpu.concatenate %get3A_38, %get3A_44 in 1 : vector<1000x64xf32>, vector<1000x64xf32> -> vector<1000x128xf32>
      %mul3A_46 = vector.broadcast %get3A_1 : vector<1000x1xf32> to vector<1000x128xf32>
      %mul3A_47 = arith.mulf %concatenate3A_45, %mul3A_46 : vector<1000x128xf32>
      %get3A_48 = arith.constant 0 : index
      %get3A_49 = arith.constant 0 : index
      %get3A_50 = vector.load %arg5[%get3A_48, %get3A_49] : memref<1x128xf32, #tpu.memory_space<vmem>>, vector<1x128xf32>
      %add3A_51 = vector.broadcast %get3A_50 : vector<1x128xf32> to vector<1000x128xf32>
      %add3A_52 = arith.addf %mul3A_47, %add3A_51 : vector<1000x128xf32>
      %max3A_53 = arith.constant 0.000000e+00 : f32
      %max3A_54 = vector.broadcast %max3A_53 : f32 to vector<1000x128xf32>
      %max3A_55 = arith.maximumf %add3A_52, %max3A_54 : vector<1000x128xf32>
      %get3A_56 = arith.constant 0 : index
      %get3A_57 = arith.constant 0 : index
      %get3A_58 = vector.load %arg12[%get3A_56, %get3A_57] : memref<1x128xf32, #tpu.memory_space<vmem>>, vector<1x128xf32>
      %dot_general3A = arith.constant dense<0.000000e+00> : vector<1000x1xf32>
      %dot_general3A_59 = tpu.matmul %max3A_20, %get3A_58, %dot_general3A {dimension_numbers = #tpu.dot_dimension_numbers<[1], [1], [0], [0], [0, 0, 1, 0], [], []>, transpose_lhs_hint = false} : vector<1000x128xf32>, vector<1x128xf32>, vector<1000x1xf32> -> vector<1000x1xf32>
      %dot_general3A_60 = arith.constant dense<0.000000e+00> : vector<1000x1xf32>
      %dot_general3A_61 = tpu.matmul %max3A_55, %get3A_58, %dot_general3A_60 {dimension_numbers = #tpu.dot_dimension_numbers<[1], [1], [0], [0], [0, 0, 1, 0], [], []>, transpose_lhs_hint = false} : vector<1000x128xf32>, vector<1x128xf32>, vector<1000x1xf32> -> vector<1000x1xf32>
      %concatenate3A_62 = tpu.concatenate %dot_general3A_59, %dot_general3A_61 in 1 : vector<1000x1xf32>, vector<1000x1xf32> -> vector<1000x2xf32>
      %mul3A_63 = vector.broadcast %get3A_1 : vector<1000x1xf32> to vector<1000x2xf32>
      %mul3A_64 = arith.mulf %concatenate3A_62, %mul3A_63 : vector<1000x2xf32>
      %swap3A = arith.constant 0 : index
      %swap3A_65 = arith.constant 0 : index
      %swap3A_66 = vector.load %arg9[%swap3A, %swap3A_65] : memref<1000x2xf32, #tpu.memory_space<vmem>>, vector<1000x2xf32>
      tpu.vector_store %arg9[%swap3A, %swap3A_65], %mul3A_64 {strides = array<i32>} : memref<1000x2xf32, #tpu.memory_space<vmem>>, vector<1000x2xf32>,
    } else {
    }
    return
  }
  func.func @transform_0(%arg0: i32, %arg1: i32) -> (i32, i32, i32, i32) {
    %c0_i32 = arith.constant 0 : i32
    %c0_i32_0 = arith.constant 0 : i32
    %c0_i32_1 = arith.constant 0 : i32
    %c0_i32_2 = arith.constant 0 : i32
    return %c0_i32, %c0_i32_0, %arg1, %c0_i32_1 : i32, i32, i32, i32
  }
  func.func @transform_1(%arg0: i32, %arg1: i32) -> (i32, i32) {
    %c0_i32 = arith.constant 0 : i32
    %c0_i32_0 = arith.constant 0 : i32
    return %arg1, %c0_i32 : i32, i32
  }
  func.func @transform_2(%arg0: i32, %arg1: i32) -> (i32, i32) {
    %c0_i32 = arith.constant 0 : i32
    %c0_i32_0 = arith.constant 0 : i32
    return %arg1, %c0_i32 : i32, i32
  }
  func.func @transform_3(%arg0: i32, %arg1: i32) -> (i32, i32) {
    %c0_i32 = arith.constant 0 : i32
    %c0_i32_0 = arith.constant 0 : i32
    %c0_i32_1 = arith.constant 0 : i32
    return %c0_i32, %c0_i32_0 : i32, i32
  }
  func.func @transform_4(%arg0: i32, %arg1: i32) -> (i32, i32) {
    %c0_i32 = arith.constant 0 : i32
    %c0_i32_0 = arith.constant 0 : i32
    %c0_i32_1 = arith.constant 0 : i32
    return %c0_i32, %c0_i32_0 : i32, i32
  }
  func.func @transform_5(%arg0: i32, %arg1: i32) -> (i32, i32) {
    %c0_i32 = arith.constant 0 : i32
    %c0_i32_0 = arith.constant 0 : i32
    %c0_i32_1 = arith.constant 0 : i32
    return %c0_i32, %c0_i32_0 : i32, i32
  }
  func.func @transform_6(%arg0: i32, %arg1: i32) -> (i32, i32) {
    %c0_i32 = arith.constant 0 : i32
    %c0_i32_0 = arith.constant 0 : i32
    %c0_i32_1 = arith.constant 0 : i32
    return %c0_i32, %c0_i32_0 : i32, i32
  }
  func.func @transform_7(%arg0: i32, %arg1: i32) -> (i32, i32) {
    %c0_i32 = arith.constant 0 : i32
    %c0_i32_0 = arith.constant 0 : i32
    return %arg1, %c0_i32 : i32, i32
  }
  func.func @transform_8(%arg0: i32, %arg1: i32) -> (i32, i32) {
    %c0_i32 = arith.constant 0 : i32
    %c0_i32_0 = arith.constant 0 : i32
    %c0_i32_1 = arith.constant 0 : i32
    return %c0_i32, %c0_i32_0 : i32, i32
  }
}

module attributes {stable_mosaic.version = 14 : i64} {
  func.func @_tcd_body(%arg0: i32, %arg1: memref<2x1000x2xf32, #tpu.memory_space<vmem>>, %arg2: memref<1000x1xf32, #tpu.memory_space<vmem>>, %arg3: memref<1x1xf32, #tpu.memory_space<vmem>>, %arg4: memref<1x1xf32, #tpu.memory_space<vmem>>) attributes {dimension_semantics = [#tpu.dimension_semantics<arbitrary>], iteration_bounds = array<i64: 10>, scalar_prefetch = 0 : i64, scratch_operands = 0 : i64, tpu.core_type = #tpu.core_type<tc>, window_params = [{transform_indices = @transform_0, window_bounds = array<i64: 2, 1000, 2>}, {transform_indices = @transform_1, window_bounds = array<i64: 1000, 1>}, {pipeline_mode = #tpu.pipeline_mode<synchronous>, transform_indices = @transform_2, window_bounds = array<i64: 1, 1>}, {pipeline_mode = #tpu.pipeline_mode<synchronous>, transform_indices = @transform_3, window_bounds = array<i64: 1, 1>}]} {
    %get3A = arith.constant 0 : index
    %get3A_0 = arith.constant 0 : index
    %get3A_1 = arith.constant 0 : index
    %get3A_2 = vector.load %arg1[%get3A, %get3A_0, %get3A_1] : memref<2x1000x2xf32, #tpu.memory_space<vmem>>, vector<1x1000x2xf32>
    %get3A_3 = vector.shape_cast %get3A_2 : vector<1x1000x2xf32> to vector<1000x2xf32>
    %get3A_4 = arith.constant 1 : index
    %get3A_5 = arith.constant 0 : index
    %get3A_6 = arith.constant 0 : index
    %get3A_7 = vector.load %arg1[%get3A_4, %get3A_5, %get3A_6] : memref<2x1000x2xf32, #tpu.memory_space<vmem>>, vector<1x1000x2xf32>
    %get3A_8 = vector.shape_cast %get3A_7 : vector<1x1000x2xf32> to vector<1000x2xf32>
    %add3A = arith.addf %get3A_3, %get3A_8 : vector<1000x2xf32>
    %get3A_9 = arith.constant 0 : index
    %get3A_10 = arith.constant 0 : index
    %get3A_11 = vector.load %arg2[%get3A_9, %get3A_10] : memref<1000x1xf32, #tpu.memory_space<vmem>>, vector<1000x1xf32>
    %mul3A = vector.broadcast %get3A_11 : vector<1000x1xf32> to vector<1000x2xf32>
    %mul3A_12 = arith.mulf %add3A, %mul3A : vector<1000x2xf32>
    %get3A_13 = arith.constant 0 : index
    %get3A_14 = arith.constant 0 : index
    %get3A_15 = vector.load %arg3[%get3A_13, %get3A_14] : memref<1x1xf32, #tpu.memory_space<vmem>>, vector<1x1xf32>
    %add3A_16 = vector.broadcast %get3A_15 : vector<1x1xf32> to vector<1000x2xf32>
    %add3A_17 = arith.addf %mul3A_12, %add3A_16 : vector<1000x2xf32>
    %slice3A = vector.extract_strided_slice %add3A_17 {offsets = [0, 0], sizes = [1000, 1], strides = [1, 1]} : vector<1000x2xf32> to vector<1000x1xf32>
    %neg3A = arith.constant 0.000000e+00 : f32
    %neg3A_18 = vector.broadcast %neg3A : f32 to vector<1000x1xf32>
    %neg3A_19 = arith.subf %neg3A_18, %slice3A : vector<1000x1xf32>
    %max3A = arith.constant 0.000000e+00 : f32
    %max3A_20 = vector.broadcast %max3A : f32 to vector<1000x1xf32>
    %max3A_21 = arith.maximumf %neg3A_19, %max3A_20 : vector<1000x1xf32>
    %abs3A = math.absf %neg3A_19 : vector<1000x1xf32>
    %neg3A_22 = arith.constant 0.000000e+00 : f32
    %neg3A_23 = vector.broadcast %neg3A_22 : f32 to vector<1000x1xf32>
    %neg3A_24 = arith.subf %neg3A_23, %abs3A : vector<1000x1xf32>
    %exp3A = math.exp %neg3A_24 : vector<1000x1xf32>
    %add3A_25 = arith.constant 1.000000e+00 : f32
    %add3A_26 = vector.broadcast %add3A_25 : f32 to vector<1000x1xf32>
    %add3A_27 = arith.addf %add3A_26, %exp3A : vector<1000x1xf32>
    %log3A = math.log %add3A_27 : vector<1000x1xf32>
    %add3A_28 = arith.addf %max3A_21, %log3A : vector<1000x1xf32>
    %reduce_sum3A = vector.shape_cast %add3A_28 : vector<1000x1xf32> to vector<1x1000x1xf32>
    %reduce_sum3A_29 = arith.constant dense<0.000000e+00> : vector<1xf32>
    %reduce_sum3A_30 = vector.multi_reduction <add>, %reduce_sum3A, %reduce_sum3A_29 [1, 2] : vector<1x1000x1xf32> to vector<1xf32>
    %reduce_sum3A_31 = vector.shape_cast %reduce_sum3A_30 : vector<1xf32> to vector<1x1x1xf32>
    %reduce_sum3A_32 = vector.extract %reduce_sum3A_31[0, 0, 0] : f32 from vector<1x1x1xf32>
    %slice3A_33 = vector.extract_strided_slice %add3A_17 {offsets = [0, 1], sizes = [1000, 1], strides = [1, 1]} : vector<1000x2xf32> to vector<1000x1xf32>
    %max3A_34 = arith.constant 0.000000e+00 : f32
    %max3A_35 = vector.broadcast %max3A_34 : f32 to vector<1000x1xf32>
    %max3A_36 = arith.maximumf %slice3A_33, %max3A_35 : vector<1000x1xf32>
    %abs3A_37 = math.absf %slice3A_33 : vector<1000x1xf32>
    %neg3A_38 = arith.constant 0.000000e+00 : f32
    %neg3A_39 = vector.broadcast %neg3A_38 : f32 to vector<1000x1xf32>
    %neg3A_40 = arith.subf %neg3A_39, %abs3A_37 : vector<1000x1xf32>
    %exp3A_41 = math.exp %neg3A_40 : vector<1000x1xf32>
    %add3A_42 = arith.constant 1.000000e+00 : f32
    %add3A_43 = vector.broadcast %add3A_42 : f32 to vector<1000x1xf32>
    %add3A_44 = arith.addf %add3A_43, %exp3A_41 : vector<1000x1xf32>
    %log3A_45 = math.log %add3A_44 : vector<1000x1xf32>
    %add3A_46 = arith.addf %max3A_36, %log3A_45 : vector<1000x1xf32>
    %reduce_sum3A_47 = vector.shape_cast %add3A_46 : vector<1000x1xf32> to vector<1x1000x1xf32>
    %reduce_sum3A_48 = arith.constant dense<0.000000e+00> : vector<1xf32>
    %reduce_sum3A_49 = vector.multi_reduction <add>, %reduce_sum3A_47, %reduce_sum3A_48 [1, 2] : vector<1x1000x1xf32> to vector<1xf32>
    %reduce_sum3A_50 = vector.shape_cast %reduce_sum3A_49 : vector<1xf32> to vector<1x1x1xf32>
    %reduce_sum3A_51 = vector.extract %reduce_sum3A_50[0, 0, 0] : f32 from vector<1x1x1xf32>
    %add3A_52 = arith.addf %reduce_sum3A_32, %reduce_sum3A_51 : f32
    %eq3A = arith.constant 0 : i32
    %eq3A_53 = arith.cmpi eq, %arg0, %eq3A : i32
    %convert_element_type3A = arith.extui %eq3A_53 : i1 to i32
    %cond3A = arith.constant 0 : i32
    %cond3A_54 = arith.cmpi ne, %convert_element_type3A, %cond3A : i32
    scf.if %cond3A_54 {
      %broadcast_in_dim3A = arith.constant 0.000000e+00 : f32
      %broadcast_in_dim3A_67 = vector.broadcast %broadcast_in_dim3A : f32 to vector<1x1xf32>
      %swap3A_68 = arith.constant 0 : index
      %swap3A_69 = arith.constant 0 : index
      %swap3A_70 = vector.load %arg4[%swap3A_68, %swap3A_69] : memref<1x1xf32, #tpu.memory_space<vmem>>, vector<1x1xf32>
      tpu.vector_store %arg4[%swap3A_68, %swap3A_69], %broadcast_in_dim3A_67 {strides = array<i32>} : memref<1x1xf32, #tpu.memory_space<vmem>>, vector<1x1xf32>,
    } else {
    }
    %get3A_55 = arith.constant 0 : index
    %get3A_56 = arith.constant 0 : index
    %get3A_57 = vector.load %arg4[%get3A_55, %get3A_56] : memref<1x1xf32, #tpu.memory_space<vmem>>, vector<1x1xf32>
    %add3A_58 = vector.broadcast %add3A_52 : f32 to vector<1x1xf32>
    %add3A_59 = arith.addf %get3A_57, %add3A_58 : vector<1x1xf32>
    %swap3A = arith.constant 0 : index
    %swap3A_60 = arith.constant 0 : index
    %swap3A_61 = vector.load %arg4[%swap3A, %swap3A_60] : memref<1x1xf32, #tpu.memory_space<vmem>>, vector<1x1xf32>
    tpu.vector_store %arg4[%swap3A, %swap3A_60], %add3A_59 {strides = array<i32>} : memref<1x1xf32, #tpu.memory_space<vmem>>, vector<1x1xf32>,
    %eq3A_62 = arith.constant 9 : i32
    %eq3A_63 = arith.cmpi eq, %arg0, %eq3A_62 : i32
    %convert_element_type3A_64 = arith.extui %eq3A_63 : i1 to i32
    %cond3A_65 = arith.constant 0 : i32
    %cond3A_66 = arith.cmpi ne, %convert_element_type3A_64, %cond3A_65 : i32
    scf.if %cond3A_66 {
      %get3A_67 = arith.constant 0 : index
      %get3A_68 = arith.constant 0 : index
      %get3A_69 = vector.load %arg4[%get3A_67, %get3A_68] : memref<1x1xf32, #tpu.memory_space<vmem>>, vector<1x1xf32>
      %mul3A_70 = arith.constant 9.99999974E-5 : f32
      %mul3A_71 = vector.broadcast %mul3A_70 : f32 to vector<1x1xf32>
      %mul3A_72 = arith.mulf %get3A_69, %mul3A_71 : vector<1x1xf32>
      %swap3A_73 = arith.constant 0 : index
      %swap3A_74 = arith.constant 0 : index
      %swap3A_75 = vector.load %arg4[%swap3A_73, %swap3A_74] : memref<1x1xf32, #tpu.memory_space<vmem>>, vector<1x1xf32>
      tpu.vector_store %arg4[%swap3A_73, %swap3A_74], %mul3A_72 {strides = array<i32>} : memref<1x1xf32, #tpu.memory_space<vmem>>, vector<1x1xf32>,
    } else {
    }
    return
  }
  func.func @transform_0(%arg0: i32) -> (i32, i32, i32) {
    %c0_i32 = arith.constant 0 : i32
    %c0_i32_0 = arith.constant 0 : i32
    %c0_i32_1 = arith.constant 0 : i32
    return %c0_i32, %arg0, %c0_i32_0 : i32, i32, i32
  }
  func.func @transform_1(%arg0: i32) -> (i32, i32) {
    %c0_i32 = arith.constant 0 : i32
    %c0_i32_0 = arith.constant 0 : i32
    return %arg0, %c0_i32 : i32, i32
  }
  func.func @transform_2(%arg0: i32) -> (i32, i32) {
    %c0_i32 = arith.constant 0 : i32
    %c0_i32_0 = arith.constant 0 : i32
    %c0_i32_1 = arith.constant 0 : i32
    return %c0_i32, %c0_i32_0 : i32, i32
  }
  func.func @transform_3(%arg0: i32) -> (i32, i32) {
    %c0_i32 = arith.constant 0 : i32
    %c0_i32_0 = arith.constant 0 : i32
    %c0_i32_1 = arith.constant 0 : i32
    return %c0_i32, %c0_i32_0 : i32, i32
  }
}

</mosaic_0001>

<sc_bundles>
// kernel: kernel.12.cloned.1.call-start
scs
__scs_entry_jumppad:
0x0: {  	(pc) =	sbr.rel $0x88, $3  }
0x1: {  	(tag) =	ssettag $0x0;
	lr =	simm.s32 $0x1  }
0x2: {  	[smem:$0x3F9A] =	sst lr;
	_ =	strace $0xD0000000  }
0x3: {  	_ = 	snop  }
0x4: {  	_ = 	snop  }
0x5: {  	_ = 	snop  }
0x6: {  	_ = 	snop  }
0x7: {  	_ = 	snop  }
__scs_overlays_trampoline_lowered:
0x8: {  	[smem:$0x3FA9] =	sst s0  }
0x9: {  	[smem:$0x3FAA] =	sst s1  }
0xa: {  	[smem:$0x3FAB] =	sst s2  }
0xb: {  	[smem:$0x3FAC] =	sst s3  }
0xc: {  	[smem:$0x3FAD] =	sst s4  }
0xd: {  	[smem:$0x3FAE] =	sst s5  }
0xe: {  	[smem:$0x3FAF] =	sst s6  }
0xf: {  	[smem:$0x3FB0] =	sst s7  }
0x10: {  	[smem:$0x3FB1] =	sst s8  }
0x11: {  	[smem:$0x3FB2] =	sst s9;
	s0 =	simm.s32 @!p0 $0x0  }
0x12: {  	s1 =	sld [smem:$0x3F98];
	s0 =	simm.s32 @p0 $0x1  }
0x13: {  	[smem:$0x3FB3] =	sst s0;
	s0 =	simm.s32 @!p1 $0x0  }
0x14: {  	s2 =	sld [smem:$0x3F97];
	s0 =	simm.s32 @p1 $0x1  }
0x15: {  	[smem:$0x3FB4] =	sst s0;
	s0 =	simm.s32 @!p2 $0x0  }
0x16: {  	s3 =	sld [smem:$0x3FDB];
	s0 =	simm.s32 @p2 $0x1  }
0x17: {  	s4 =	simm.s32 $0x1BF5;
	[smem:$0x3FB6] =	sst s0  }
0x18: {  	s0 =	sld [smem:$0x3F99];
	_ =	swait.ge [sflag:s4], $0x0  }
0x19: {  	s7 =	sld [smem:$0x3F9A]  }
0x1a: {  	s8 =	sadd.s32 $0xFFFFE003, lr  }
0x1b: {  	s9 =	sadd.s32 $0xFFFFFEF7, lr;
	s5 =	simm.s32 $0xFFFFFFFF;
	p2 =	slt.u32 s8, $0xFFFFF086  }
0x1c: {  	p1 =	slt.u32 s9, $0xF7A;
	s5 =	simm.s32 @!p2 $0x0  }
0x1d: {  	s5 =	simm.s32 @p1 $0x1;
	p0 =	seq.s32 s7, s2  }
0x1e: {  	s7 =	smul.u32 @!p0 $0xF7A, s2;
	p2 =	seq.s32 @!p0 s5, $0x0  }
0x1f: {  	s9 =	smul.u32 $0xF7A, s1;
	s8 =	simm.s32 @!p0 $0x1BF5;
	p2 =	por !p2, p0  }
0x20: {  	[sflag:s8] =	ssyncset.s32 @!p0 $0xFFFFF086;
	s6 =	sadd.s32 @!p0 s3, s7;
	s7 =	simm.s32 @!p0 $0x108  }
0x21: {  	s3 =	sadd.s32 s3, s9;
	s6 =	sadd.s32 @!p0 $0x88, s6;
	s7 =	simm.s32 @p2 $0x1082  }
0x22: {  	[simem:s7], [sflag:s8] =	dma.local @!p0 [hbm:s6], $0xF7A  }
0x23: {  	s9 =	sor.u32 $0xD0000000, s2;
	s6 =	simm.s32 $0x108;
	_ =	swait.ge @!p0 [sflag:s8], $0x0  }
0x24: {  	s3 =	sadd.s32 $0x88, s3;
	s6 =	simm.s32 @!p1 $0x1082;
	[sflag:s4] =	ssyncset.s32 $0xFFFFF086  }
0x25: {  	[simem:s6], [sflag:s4] =	dma.local [hbm:s3], $0xF7A  }
0x26: {  	[smem:$0x3F9A] =	sst s1;
	(tag) =	ssettag s2;
	_ =	strace s9  }
0x27: {  	s1 =	sld [smem:$0x3FAA]  }
0x28: {  	s2 =	sld [smem:$0x3FAB]  }
0x29: {  	s4 =	sld [smem:$0x3FAD]  }
0x2a: {  	p0 =	seq.s32 s5, $0x0;
	s5 =	sld [smem:$0x3FAE]  }
0x2b: {  	s6 =	sld [smem:$0x3FAF]  }
0x2c: {  	s7 =	sld [smem:$0x3FB0]  }
0x2d: {  	s3 =	simm.s32 $0x108;
	s8 =	sld [smem:$0x3FB1]  }
0x2e: {  	s3 =	simm.s32 @!p0 $0x1082;
	s9 =	sld [smem:$0x3FB2]  }
0x2f: {  	lr =	sadd.s32 s0, s3;
	s0 =	sld [smem:$0x3FA9]  }
0x30: {  	s3 =	sld [smem:$0x3FAC]  }
0x31: {  	[smem:$0x3FB5] =	sst s10  }
0x32: {  	s10 =	sld [smem:$0x3FB3];
	_ =	sdelay $0x3  }
0x33: {  	p0 =	seq.s32 s10, $0x1;
	s10 =	sld [smem:$0x3FB5];
	_ =	sdelay $0x3  }
0x34: {  	[smem:$0x3FB5] =	sst s10  }
0x35: {  	s10 =	sld [smem:$0x3FB4];
	_ =	sdelay $0x3  }
0x36: {  	p1 =	seq.s32 s10, $0x1;
	s10 =	sld [smem:$0x3FB5];
	_ =	sdelay $0x3  }
0x37: {  	[smem:$0x3FB5] =	sst s10  }
0x38: {  	s10 =	sld [smem:$0x3FB6]  }
0x39: {  	_ = 	snop;
	(pc) =	sbr.ind lr, $3  }
0x3a: {  	_ = 	snop  }
0x3b: {  	_ = 	snop  }
0x3c: {  	p2 =	seq.s32 s10, $0x1;
	s10 =	sld [smem:$0x3FB5]  }
0x3d: {  	_ =	shalt  }
0x3e: {  	_ =	shalt  }
0x3f: {  	_ =	shalt  }
0x40: {  	_ =	shalt  }
0x41: {  	_ =	shalt  }
0x42: {  	_ =	shalt  }
0x43: {  	_ =	shalt  }
0x44: {  	_ =	shalt  }
0x45: {  	_ =	shalt  }
0x46: {  	_ =	shalt  }
0x47: {  	_ =	shalt  }
0x48: {  	_ =	shalt  }
0x49: {  	_ =	shalt  }
0x4a: {  	_ =	shalt  }
0x4b: {  	_ =	shalt  }
0x4c: {  	_ =	shalt  }
0x4d: {  	_ =	shalt  }
0x4e: {  	_ =	shalt  }
0x4f: {  	_ =	shalt  }
0x50: {  	_ =	shalt  }
0x51: {  	_ =	shalt  }
0x52: {  	_ =	shalt  }
0x53: {  	_ =	shalt  }
0x54: {  	_ =	shalt  }
0x55: {  	_ =	shalt  }
0x56: {  	_ =	shalt  }
0x57: {  	_ =	shalt  }
0x58: {  	_ =	shalt  }
0x59: {  	_ =	shalt  }
0x5a: {  	_ =	shalt  }
0x5b: {  	_ =	shalt  }
0x5c: {  	_ =	shalt  }
0x5d: {  	_ =	shalt  }
0x5e: {  	_ =	shalt  }
0x5f: {  	_ =	shalt  }
0x60: {  	_ =	shalt  }
0x61: {  	_ =	shalt  }
0x62: {  	_ =	shalt  }
0x63: {  	_ =	shalt  }
0x64: {  	_ =	shalt  }
0x65: {  	_ =	shalt  }
0x66: {  	_ =	shalt  }
0x67: {  	_ =	shalt  }
0x68: {  	_ =	shalt  }
0x69: {  	_ =	shalt  }
0x6a: {  	_ =	shalt  }
0x6b: {  	_ =	shalt  }
0x6c: {  	_ =	shalt  }
0x6d: {  	_ =	shalt  }
0x6e: {  	_ =	shalt  }
0x6f: {  	_ =	shalt  }
0x70: {  	_ =	shalt  }
0x71: {  	_ =	shalt  }
0x72: {  	_ =	shalt  }
0x73: {  	_ =	shalt  }
0x74: {  	_ =	shalt  }
0x75: {  	_ =	shalt  }
0x76: {  	_ =	shalt  }
0x77: {  	_ =	shalt  }
0x78: {  	_ =	shalt  }
0x79: {  	_ =	shalt  }
0x7a: {  	_ =	shalt  }
0x7b: {  	_ =	shalt  }
0x7c: {  	_ =	shalt  }
0x7d: {  	_ =	shalt  }
0x7e: {  	_ =	shalt  }
0x7f: {  	_ =	shalt  }
0x80: {  	_ =	shalt  }
0x81: {  	_ =	shalt  }
0x82: {  	_ =	shalt  }
0x83: {  	_ =	shalt  }
0x84: {  	_ =	shalt  }
0x85: {  	_ =	shalt  }
0x86: {  	_ =	shalt  }
0x87: {  	_ =	shalt  }
.Lfunc_end0:
.L_simem_size_0:
called_computation.1_lowered:
.L_overlay_start_0:
0x88: {  	s2 =	sld [smem:$0x3FD9]  }
0x89: {  	s3 =	sld [smem:$0x3FFE];
	_ =	sdelay $0x1  }
0x8a: {  	s1 =	srdreg.scid  }
0x8b: {  	s0 =	sand.u32 $0x1, s1  }
0x8c: {  	s16 =	sshll.u32 s0, $0xA;
	s2 =	sadd.s32 s3, s2  }
0x8d: {  	s2 =	sadd.s32 s2, s16  }
0x8e: {  	[smem:$0x3FC1] =	sst s2  }
0x8f: {  	_ = 	snop  }
0x90: {  	(tm) =	ssettm $0x1  }
0x91: {  	s17 =	sld [smem:$0x3FFB];
	_ =	sdelay $0x3  }
0x92: {  	_ =	strace s17  }
0x93: {  	s2 =	sld [smem:$0x3FFC];
	_ =	sdelay $0x3  }
0x94: {  	_ =	strace s2  }
0x95: {  	s2 =	sld [smem:$0x3FFD];
	_ =	sdelay $0x3  }
0x96: {  	_ =	strace s2  }
0x97: {  	_ =	strace $0x8FFFFFFF  }
0x98: {  	s18 =	sld [smem:$0x3FDB];
	_ =	sdelay $0x1  }
0x99: {  	s19 =	simm.s32 $_scs_section_size  }
0x9a: {  	s4 =	simm.s32 $_size__tile_overlayer_lowered;
	s5 =	simm.s32 $_tile_overlayer_lowered  }
0x9b: {  	s22 =	simm.s32 $0x1BFF;
	s21 =	sshll.u32 s5, $0x1;
	s2 =	sadd.s32 s19, s18  }
0x9c: {  	s6 =	simm.s32 $0x0;
	s20 =	sshll.u32 s4, $0x1;
	s4 =	sadd.s32 s21, s2  }
0x9d: {  	[timem:s6], [sflag:s22] =	dma.local [hbm:s4], s20  }
0x9e: {  	_ =	swait.ge [sflag:s22], s20  }
0x9f: {  	s3 =	ssub.s32 $0x0, s20;
	[sflag:s22] =	ssyncset.done $0x0  }
0xa0: {  	[sflag:s22] =	ssyncadd.s32 s3;
	_ =	sdelay $0x1  }
0xa1: {  	s23 =	simm.s32 $0x1B8B  }
0xa2: {  	_ =	swait.ge [sflag:s23], $0x1  }
0xa3: {  	[sflag:s23] =	ssyncset.done $0x0  }
0xa4: {  	s25 =	simm.s32 $0x1B8E;
	s24 =	sld [smem:$0x3FFE];
	[sflag:s23] =	ssyncadd.s32 $0xFFFFFFFF  }
0xa5: {  	s26 =	simm.s32 $execute0_lowered;
	[smem:$0x3FD2] =	sst s25  }
0xa6: {  	s4 =	sshll.u32 s26, $0x1;
	_ =	strace $0x80000049;
	[dreg:$0x1] =	wrdreg $0xFFFFFFFF  }
0xa7: {  	s28 =	simm.s32 $_size_execute0_lowered;
	s2 =	sadd.s32 s2, s4;
	[dreg:$0x0] =	wrdreg $0x0  }
0xa8: {  	s4 =	sshll.u32 s28, $0x1;
	[dreg:$0x2] =	wrdreg s2  }
0xa9: {  	[dreg:$0x3] =	wrdreg s4  }
0xaa: {  	[dreg:$0x4] =	wrdreg $0xC0  }
0xab: {  	_ =	task [dreg:s6], $0x5FFFF  }
0xac: {  	[dreg:$0x1] =	wrdreg $0xFFFFFFFF  }
0xad: {  	[dreg:$0x0] =	wrdreg $0x60  }
0xae: {  	[dreg:$0x2] =	wrdreg s24  }
0xaf: {  	[dreg:$0x3] =	wrdreg $0x1E2500  }
0xb0: {  	[dreg:$0x4] =	wrdreg $0x1E4C80  }
0xb1: {  	[dreg:$0x5] =	wrdreg $0x146100  }
0xb2: {  	[dreg:$0x6] =	wrdreg $0x9  }
0xb3: {  	_ =	task.clear_ibuf [dreg:s6], $0x7FFFF;
	_ =	strace $0x90000049  }
0xb4: {  	s29 =	simm.s32 $0x9;
	_ =	strace $0x8000004B  }
0xb5: {  	_ =	swait.ge [sflag:s29], $0x1  }
0xb6: {  	[sflag:s29] =	ssyncadd.s32 $0xFFFFFFFF  }
0xb7: {  	_ =	strace $0x9000004B  }
0xb8: {  	_ =	sfence  }
0xb9: {  	s30 =	sld [smem:$0x0];
	_ =	sdelay $0x2  }
0xba: {  	s31 =	sshll.u32 s1, $0xD;
	s1 =	sshrl.u32 s1, $0x2  }
0xbb: {  	s3 =	sand.u32 $0x4000, s31;
	s1 =	sadd.s32 s1, s30  }
0xbc: {  	s0 =	sor.u32 s3, s0;
	s1 =	sshll.u32 s1, $0x11  }
0xbd: {  	s0 =	sor.u32 s1, s0  }
0xbe: {  	s0 =	sadd.s32 $0x8F2B, s0  }
0xbf: {  	[sflag:s0] =	ssyncadd.remote.s32 $0x1  }
0xc0: {  	_ =	sfence.sel $0xFFFF  }
0xc1: {  	[dreg:$0x0] =	wrdreg $0xFFFFFFFF;
	(pc) =	sbr.abs _section_cstart, $3  }
0xc2: {  	[dreg:$0x1] =	wrdreg $0xFFFFFFFF  }
0xc3: {  	_ =	task.clear_ibuf [dreg:s6], $0x2FFFF;
	_ =	strace $0x9FFFFFFF  }
0xc4: {  	(tm) =	ssettm $0x7FFFFFFF  }
0xc5: {  	_ =	shalt  }
tec
execute0_lowered:
.L_overlay_start_1:
0x0: {  	(tag) =	ssettag $0x1  }
0x1: {  	s0 =	rddreg [dreg:$0x0]  }
0x2: {  	s1 =	rddreg [dreg:$0x1]  }
0x3: {  	s2 =	rddreg [dreg:$0x2]  }
0x4: {  	s3 =	rddreg [dreg:$0x3];
	s16 =	stileid.u32  }
0x5: {  	s5 =	simm.s32 $0x0;
	s22 =	srdreg.scid;
	s29 =	simm.s32 $0x7D  }
0x6: {  	s30 =	simm.s32 $0xA000;
	s31 =	simm.s32 $0xBF40;
	s28 =	simm.s32 $0xFDC0  }
0x7: {  	s4 =	smul.u32 $0x5000, s16;
	[smem:$0x7FF] =	sst s5;
	s6 =	sadd.s32 $0x3E600, s0  }
0x8: {  	s7 =	sadd.s32 $0x16E00, s0;
	s8 =	sadd.s32 $0x65A00, s0;
	s5 =	sand.u32 $0x1, s22  }
0x9: {  	s9 =	sadd.s32 $0x52000, s0;
	s10 =	sadd.s32 $0x2A800, s0;
	s11 =	sadd.s32 $0x2AE00, s0  }
0xa: {  	s12 =	sadd.s32 $0x3E000, s0;
	s24 =	smul.u32 $0x28000, s16;
	s13 =	sadd.s32 $0x79400, s0  }
0xb: {  	s17 =	smul.u32 $0xA000, s16;
	s21 =	sadd.s32 $0x96000, s3;
	p0 =	seq.s32 s16, $0xF  }
0xc: {  	_ =	strace $0x8000004A;
	[dreg:$0x5] =	wrdreg s10;
	s23 =	smul.u32 $0x4E2, s5  }
0xd: {  	[dreg:$0x6] =	wrdreg s12;
	s14 =	ssub.s32 $0x2, s5;
	s15 =	smul.u32 $0x138800, s5  }
0xe: {  	p1 =	sne.s32 @!p0 s16, $0x0;
	p2 =	sne.s32 s5, $0x0;
	s4 =	sshrl.u32 s4, $0x3  }
0xf: {  	s25 =	sshrl.u32 s14, $0x1;
	s12 =	sshrl.u32 s24, $0x2;
	s22 =	sadd.s32 s17, s3  }
0x10: {  	p3 =	por p1, p0;
	p1 =	sne.s32 s16, $0x0;
	s4 =	sadd.s32 s4, s0  }
0x11: {  	s0 =	sadd.s32 s23, s0;
	s10 =	ssub.s32 s14, s25;
	s14 =	sadd.s32 s17, s15  }
0x12: {  	s19 =	sshrl.u32 s15, $0x3;
	[dreg:$0xb] =	wrdreg s22;
	s25 =	smul.u32 $0xA000, s5  }
0x13: {  	s5 =	simm.s32 $0x1;
	s26 =	sadd.s32 $0x2E00, s4;
	s4 =	sadd.s32 $0xCE00, s4  }
0x14: {  	s18 =	sshrl.u32 s14, $0x3;
	s23 =	sadd.s32 s13, s19;
	[dreg:$0x7] =	wrdreg s26  }
0x15: {  	s0 =	sadd.s32 $0x2C200, s0;
	s14 =	simm.s32 $0x11E00;
	[dreg:$0x8] =	wrdreg s4  }
0x16: {  	s19 =	simm.s32 $0x0;
	s4 =	sadd.s32 s12, s3;
	[dreg:$0xf] =	wrdreg s0  }
0x17: {  	s20 =	sadd.s32 s13, s18;
	s12 =	sadd.s32 $0x12C00, s23;
	[dreg:$0x9] =	wrdreg s4  }
0x18: {  	s26 =	smax.u32 s10, $0x1;
	s0 =	simm.s32 $0xDE80;
	[dreg:$0xc] =	wrdreg s12  }
0x19: {  	s10 =	simm.s32 $0x2;
	s13 =	simm.s32 $0x11D80;
	[dreg:$0xa] =	wrdreg s20  }
0x1a: {  	s18 =	simm.s32 $0x11E80;
	s24 =	sadd.s32 $0x13880, s20;
	[dreg:$0x10] =	wrdreg s26  }
0x1b: {  	s4 =	sadd.s32 $0x26480, s23;
	[dreg:$0xd] =	wrdreg s24;
	s24 =	sshrl.u32 s25, $0x2  }
0x1c: {  	s12 =	simm.s32 $0x11D00;
	[dreg:$0xe] =	wrdreg s4;
	s25 =	sadd.s32 $0x5000, s24  }
.LBB2_1:
0x1d: {  	s4 =	simm.s32 $0x0;
	s15 =	rddreg [dreg:$0x7];
	s17 =	simm.s32 $0x3  }
0x1e: {  	[tilespmem:s4], [sflag:$0x3] =	stream.linear.gather [hbm4b:s15+s4], $0x5000, $0x38;
	[tilespmem:$0x1E740] =	vst v63  }
0x1f: {  	_ =	swait.ge [sflag:s17], $0x5000  }
0x20: {  	[sflag:s17] =	ssyncset.done $0x0  }
0x21: {  	s20 =	simm.s32 $0x5000;
	s26 =	rddreg [dreg:$0x8];
	[sflag:s17] =	ssyncadd.s32 $0xFFFFB000  }
0x22: {  	[tilespmem:s20], [sflag:$0x3] =	stream.linear.gather [hbm4b:s26+s4], $0x5000, $0x38;
	[tilespmem:$0x1E740] =	vst v63  }
0x23: {  	_ =	swait.ge [sflag:s17], $0x5000  }
0x24: {  	[sflag:s17] =	ssyncset.done $0x0  }
0x25: {  	s15 =	simm.s32 @p0 $0x1FC3;
	s4 =	sshrl.u32 @p0 s21, $0x3;
	[sflag:s17] =	ssyncadd.s32 $0xFFFFB000  }
0x26: {  	[spmem:s4], [sflag:s15] =	dma.local @p0 [hbm:s11], $0xC80  }
0x27: {  	s4 =	simm.s32 @p0 $0x3  }
0x28: {  	_ =	swait.ge @p0 [sflag:s4], $0xC80  }
0x29: {  	s15 =	simm.s32 @!p3 $0x11F00;
	[sflag:s4] =	ssyncset.done @p0 $0x0  }
0x2a: {  	s17 =	rddreg [dreg:$0x6];
	[sflag:s4] =	ssyncadd.s32 @p0 $0xFFFFF380;
	s4 =	simm.s32 @!p3 $0x0  }
0x2b: {  	[tilespmem:s15], [sflag:$0x3] =	stream.linear.gather @!p3 [hbm4b:s17+s4], $0x2710, $0x38;
	[tilespmem:$0x1E740] =	vst v63  }
0x2c: {  	s17 =	simm.s32 @!p3 $0x3  }
0x2d: {  	_ =	swait.ge @!p3 [sflag:s17], $0x2710  }
0x2e: {  	[sflag:s17] =	ssyncset.done @!p3 $0x0  }
0x2f: {  	[sflag:s17] =	ssyncadd.s32 @!p3 $0xFFFFD8F0  }
0x30: {  	[spmem:s1] =	stream.linear.scatter @!p3 [tilespmem:s15], [sflag:$0x3], $0x2710, $0x38;
	[tilespmem:$0x1E740] =	vst v63  }
0x31: {  	_ =	swait.ge @!p3 [sflag:s17], $0x2710  }
0x32: {  	[sflag:s17] =	ssyncset.done @!p3 $0x0  }
0x33: {  	s20 =	rddreg [dreg:$0x5];
	[sflag:s17] =	ssyncadd.s32 @!p3 $0xFFFFD8F0  }
0x34: {  	[tilespmem:s15], [sflag:$0x3] =	stream.linear.gather @!p3 [hbm4b:s20+s4], $0x2710, $0x38;
	[tilespmem:$0x1E740] =	vst v63  }
0x35: {  	_ =	swait.ge @!p3 [sflag:s17], $0x2710  }
0x36: {  	[sflag:s17] =	ssyncset.done @!p3 $0x0  }
0x37: {  	[sflag:s17] =	ssyncadd.s32 @!p3 $0xFFFFD8F0  }
0x38: {  	[spmem:s2] =	stream.linear.scatter @!p3 [tilespmem:s15], [sflag:$0x3], $0x2710, $0x38;
	[tilespmem:$0x1E740] =	vst v63  }
0x39: {  	_ =	swait.ge @!p3 [sflag:s17], $0x2710  }
0x3a: {  	s4 =	sshll.u32 @!p0 s16, $0x6;
	[sflag:s17] =	ssyncset.done @!p3 $0x0;
	s15 =	rddreg [dreg:$0x9]  }
0x3b: {  	s4 =	sor.u32 @!p0 $0x1C03, s4;
	[sflag:s17] =	ssyncadd.s32 @!p3 $0xFFFFD8F0;
	s15 =	sshrl.u32 @!p0 s15, $0x3  }
0x3c: {  	[spmem:s15], [sflag:s4] =	dma.local @!p0 [hbm:s11], $0x1400  }
0x3d: {  	s4 =	simm.s32 @!p0 $0x3  }
.Ltmp0:
0x3e: {  	_ =	swait.ge @!p0 [sflag:s4], $0x1400;
	(pc) =	sbr.rel @p2 .LBB2_5-.Ltmp0, $4  }
0x3f: {  	[sflag:s4] =	ssyncset.done @!p0 $0x0  }
0x40: {  	[sflag:s4] =	ssyncadd.s32 @!p0 $0xFFFFEC00  }
0x41: {  	[bflag:$0x0] =	sbarrier.arrive $0xFFFF  }
0x42: {  	s4 =	simm.s32 $0x0  }
0x43: {  	[tilespmem:s30], [sflag:$0x1] =	stream.indirect.gather [hbm4b:s6+s29], $0x40, s4, s29, $0xb8;
	[tilespmem:$0x1E740] =	vst v63  }
0x44: {  	s26 =	simm.s32 $0x80  }
0x45: {  	[tilespmem:s31], [sflag:$0x1] =	stream.indirect.gather [hbm4b:s6+s29], $0x40, s26, s29, $0xb8;
	[tilespmem:$0x1E740] =	vst v63  }
0x46: {  	s15 =	simm.s32 $0x100  }
0x47: {  	[tilespmem:s0], [sflag:$0x1] =	stream.indirect.gather [hbm4b:s6+s29], $0x40, s15, s29, $0xb8;
	[tilespmem:$0x1E740] =	vst v63  }
0x48: {  	s17 =	simm.s32 $0x180  }
0x49: {  	[tilespmem:s28], [sflag:$0x1] =	stream.indirect.gather [hbm4b:s6+s29], $0x40, s17, s29, $0xb8;
	[tilespmem:$0x1E740] =	vst v63  }
0x4a: {  	_ =	swait.ge [sflag:s5], $0x1F40  }
0x4b: {  	[sflag:s5] =	ssyncset.done $0x0  }
0x4c: {  	s20 =	simm.s32 $0x5000;
	[sflag:s5] =	ssyncadd.s32 $0xFFFFE0C0  }
0x4d: {  	[spmem:s3] =	stream.indirect.scatter.add.f32 [tilespmem:s30], [sflag:$0x2], $0x40, s20, s29, $0xb8;
	[tilespmem:$0x1E740] =	vst v63  }
0x4e: {  	_ =	swait.ge [sflag:s5], $0x1F40  }
0x4f: {  	[sflag:s5] =	ssyncset.done $0x0  }
0x50: {  	s22 =	simm.s32 $0x5080;
	[sflag:s5] =	ssyncadd.s32 $0xFFFFE0C0  }
0x51: {  	[spmem:s3] =	stream.indirect.scatter.add.f32 [tilespmem:s31], [sflag:$0x2], $0x40, s22, s29, $0xb8;
	[tilespmem:$0x1E740] =	vst v63  }
0x52: {  	_ =	swait.ge [sflag:s5], $0x1F40  }
0x53: {  	[sflag:s5] =	ssyncset.done $0x0  }
0x54: {  	s23 =	simm.s32 $0x5100;
	[sflag:s5] =	ssyncadd.s32 $0xFFFFE0C0  }
0x55: {  	[spmem:s3] =	stream.indirect.scatter.add.f32 [tilespmem:s0], [sflag:$0x2], $0x40, s23, s29, $0xb8;
	[tilespmem:$0x1E740] =	vst v63  }
0x56: {  	_ =	swait.ge [sflag:s5], $0x1F40  }
0x57: {  	[sflag:s5] =	ssyncset.done $0x0  }
0x58: {  	s26 =	simm.s32 $0x5180;
	[sflag:s5] =	ssyncadd.s32 $0xFFFFE0C0  }
0x59: {  	[spmem:s3] =	stream.indirect.scatter.add.f32 [tilespmem:s28], [sflag:$0x2], $0x40, s26, s29, $0xb8;
	[tilespmem:$0x1E740] =	vst v63  }
0x5a: {  	_ =	swait.ge [sflag:s10], $0x1F40  }
0x5b: {  	[sflag:s10] =	ssyncset.done $0x0  }
0x5c: {  	[sflag:s10] =	ssyncadd.s32 $0xFFFFE0C0  }
0x5d: {  	_ =	swait.ge [sflag:s10], $0x1F40  }
0x5e: {  	[sflag:s10] =	ssyncset.done $0x0  }
0x5f: {  	[sflag:s10] =	ssyncadd.s32 $0xFFFFE0C0  }
0x60: {  	_ =	swait.ge [sflag:s10], $0x1F40  }
0x61: {  	[sflag:s10] =	ssyncset.done $0x0  }
0x62: {  	[sflag:s10] =	ssyncadd.s32 $0xFFFFE0C0  }
0x63: {  	_ =	swait.ge [sflag:s10], $0x1F40  }
0x64: {  	s4 =	simm.s32 $0x1000;
	s20 =	simm.s32 $0x800;
	[sflag:s10] =	ssyncset.done $0x0  }
.LBB2_3:
0x65: {  	s15 =	sshra.s32 s20, $0x2  }
0x66: {  	[sflag:s10] =	ssyncadd.s32 $0xFFFFE0C0;
	s20 =	smov.u32 s4;
	s17 =	sadd.s32 $0x800, s4  }
0x67: {  	[tilespmem:s30], [sflag:$0x1] =	stream.indirect.gather [hbm4b:s6+s29], $0x40, s15, s29, $0xb8;
	[tilespmem:$0x1E740] =	vst v63  }
0x68: {  	p4 =	seq.s32 s4, $0x13800;
	s4 =	sadd.s32 $0x80, s15  }
0x69: {  	[tilespmem:s31], [sflag:$0x1] =	stream.indirect.gather [hbm4b:s6+s29], $0x40, s4, s29, $0xb8;
	[tilespmem:$0x1E740] =	vst v63  }
0x6a: {  	s4 =	sadd.s32 $0x100, s15  }
0x6b: {  	[tilespmem:s0], [sflag:$0x1] =	stream.indirect.gather [hbm4b:s6+s29], $0x40, s4, s29, $0xb8;
	[tilespmem:$0x1E740] =	vst v63  }
0x6c: {  	s4 =	sadd.s32 $0x180, s15  }
0x6d: {  	[tilespmem:s28], [sflag:$0x1] =	stream.indirect.gather [hbm4b:s6+s29], $0x40, s4, s29, $0xb8;
	[tilespmem:$0x1E740] =	vst v63  }
0x6e: {  	_ =	swait.ge [sflag:s5], $0x1F40  }
0x6f: {  	[sflag:s5] =	ssyncset.done $0x0  }
0x70: {  	s4 =	sadd.s32 $0x5000, s15;
	[sflag:s5] =	ssyncadd.s32 $0xFFFFE0C0  }
0x71: {  	[spmem:s3] =	stream.indirect.scatter.add.f32 [tilespmem:s30], [sflag:$0x2], $0x40, s4, s29, $0xb8;
	[tilespmem:$0x1E740] =	vst v63  }
0x72: {  	_ =	swait.ge [sflag:s5], $0x1F40  }
0x73: {  	[sflag:s5] =	ssyncset.done $0x0  }
0x74: {  	s4 =	sadd.s32 $0x5080, s15;
	[sflag:s5] =	ssyncadd.s32 $0xFFFFE0C0  }
0x75: {  	[spmem:s3] =	stream.indirect.scatter.add.f32 [tilespmem:s31], [sflag:$0x2], $0x40, s4, s29, $0xb8;
	[tilespmem:$0x1E740] =	vst v63  }
0x76: {  	_ =	swait.ge [sflag:s5], $0x1F40  }
0x77: {  	[sflag:s5] =	ssyncset.done $0x0  }
0x78: {  	s4 =	sadd.s32 $0x5100, s15;
	[sflag:s5] =	ssyncadd.s32 $0xFFFFE0C0  }
0x79: {  	[spmem:s3] =	stream.indirect.scatter.add.f32 [tilespmem:s0], [sflag:$0x2], $0x40, s4, s29, $0xb8;
	[tilespmem:$0x1E740] =	vst v63  }
0x7a: {  	_ =	swait.ge [sflag:s5], $0x1F40  }
0x7b: {  	[sflag:s5] =	ssyncset.done $0x0  }
0x7c: {  	s4 =	sadd.s32 $0x5180, s15;
	[sflag:s5] =	ssyncadd.s32 $0xFFFFE0C0  }
0x7d: {  	[spmem:s3] =	stream.indirect.scatter.add.f32 [tilespmem:s28], [sflag:$0x2], $0x40, s4, s29, $0xb8;
	[tilespmem:$0x1E740] =	vst v63  }
0x7e: {  	_ =	swait.ge [sflag:s10], $0x1F40  }
0x7f: {  	[sflag:s10] =	ssyncset.done $0x0  }
0x80: {  	[sflag:s10] =	ssyncadd.s32 $0xFFFFE0C0  }
0x81: {  	_ =	swait.ge [sflag:s10], $0x1F40  }
0x82: {  	[sflag:s10] =	ssyncset.done $0x0  }
0x83: {  	[sflag:s10] =	ssyncadd.s32 $0xFFFFE0C0  }
.Ltmp1:
0x84: {  	_ =	swait.ge [sflag:s10], $0x1F40;
	(pc) =	sbr.rel @!p4 .LBB2_3-.Ltmp1, $4  }
0x85: {  	[sflag:s10] =	ssyncset.done $0x0  }
0x86: {  	[sflag:s10] =	ssyncadd.s32 $0xFFFFE0C0  }
0x87: {  	_ =	swait.ge [sflag:s10], $0x1F40  }
0x88: {  	s4 =	smov.u32 s17;
	[sflag:s10] =	ssyncset.done $0x0  }
0x89: {  	s4 =	sshra.s32 s20, $0x2;
	[sflag:s10] =	ssyncadd.s32 $0xFFFFE0C0  }
0x8a: {  	[tilespmem:s30], [sflag:$0x1] =	stream.indirect.gather [hbm4b:s6+s29], $0x40, s4, s29, $0xb8;
	[tilespmem:$0x1E740] =	vst v63  }
0x8b: {  	s15 =	sadd.s32 $0x80, s4  }
0x8c: {  	[tilespmem:s31], [sflag:$0x1] =	stream.indirect.gather [hbm4b:s6+s29], $0x40, s15, s29, $0xb8;
	[tilespmem:$0x1E740] =	vst v63  }
0x8d: {  	s17 =	sadd.s32 $0x100, s4  }
0x8e: {  	[tilespmem:s0], [sflag:$0x1] =	stream.indirect.gather [hbm4b:s6+s29], $0x40, s17, s29, $0xb8;
	[tilespmem:$0x1E740] =	vst v63  }
0x8f: {  	s20 =	sadd.s32 $0x180, s4  }
0x90: {  	[tilespmem:s28], [sflag:$0x1] =	stream.indirect.gather [hbm4b:s6+s29], $0x40, s20, s29, $0xb8;
	[tilespmem:$0x1E740] =	vst v63  }
0x91: {  	_ =	swait.ge [sflag:s5], $0x1F40  }
0x92: {  	[sflag:s5] =	ssyncset.done $0x0  }
0x93: {  	s22 =	sadd.s32 $0x5000, s4;
	[sflag:s5] =	ssyncadd.s32 $0xFFFFE0C0  }
0x94: {  	[spmem:s3] =	stream.indirect.scatter.add.f32 [tilespmem:s30], [sflag:$0x2], $0x40, s22, s29, $0xb8;
	[tilespmem:$0x1E740] =	vst v63  }
0x95: {  	_ =	swait.ge [sflag:s5], $0x1F40  }
0x96: {  	[sflag:s5] =	ssyncset.done $0x0  }
0x97: {  	s23 =	sadd.s32 $0x5080, s4;
	[sflag:s5] =	ssyncadd.s32 $0xFFFFE0C0  }
0x98: {  	[spmem:s3] =	stream.indirect.scatter.add.f32 [tilespmem:s31], [sflag:$0x2], $0x40, s23, s29, $0xb8;
	[tilespmem:$0x1E740] =	vst v63  }
0x99: {  	_ =	swait.ge [sflag:s5], $0x1F40  }
0x9a: {  	[sflag:s5] =	ssyncset.done $0x0  }
0x9b: {  	s26 =	sadd.s32 $0x5100, s4;
	[sflag:s5] =	ssyncadd.s32 $0xFFFFE0C0  }
0x9c: {  	[spmem:s3] =	stream.indirect.scatter.add.f32 [tilespmem:s0], [sflag:$0x2], $0x40, s26, s29, $0xb8;
	[tilespmem:$0x1E740] =	vst v63  }
0x9d: {  	_ =	swait.ge [sflag:s5], $0x1F40  }
0x9e: {  	[sflag:s5] =	ssyncset.done $0x0  }
0x9f: {  	s4 =	sadd.s32 $0x5180, s4;
	[sflag:s5] =	ssyncadd.s32 $0xFFFFE0C0  }
0xa0: {  	[spmem:s3] =	stream.indirect.scatter.add.f32 [tilespmem:s28], [sflag:$0x2], $0x40, s4, s29, $0xb8;
	[tilespmem:$0x1E740] =	vst v63  }
0xa1: {  	_ =	swait.ge [sflag:s10], $0x1F40  }
0xa2: {  	[sflag:s10] =	ssyncset.done $0x0  }
0xa3: {  	[sflag:s10] =	ssyncadd.s32 $0xFFFFE0C0  }
0xa4: {  	_ =	swait.ge [sflag:s10], $0x1F40  }
0xa5: {  	[sflag:s10] =	ssyncset.done $0x0  }
0xa6: {  	[sflag:s10] =	ssyncadd.s32 $0xFFFFE0C0  }
0xa7: {  	_ =	swait.ge [sflag:s10], $0x1F40  }
.Ltmp2:
0xa8: {  	[sflag:s10] =	ssyncset.done $0x0;
	(pc) =	sbr.rel .LBB2_8-.Ltmp2, $4  }
0xa9: {  	[sflag:s10] =	ssyncadd.s32 $0xFFFFE0C0  }
0xaa: {  	_ =	swait.ge [sflag:s10], $0x1F40  }
0xab: {  	[sflag:s10] =	ssyncset.done $0x0  }
0xac: {  	[sflag:s10] =	ssyncadd.s32 $0xFFFFE0C0  }
.LBB2_5:
0xad: {  	[tilespmem:s30], [sflag:$0x1] =	stream.indirect.gather [hbm4b:s8+s29], $0x40, s4, s29, $0xb8;
	[tilespmem:$0x1E740] =	vst v63  }
0xae: {  	s26 =	simm.s32 $0x80  }
0xaf: {  	[tilespmem:s31], [sflag:$0x1] =	stream.indirect.gather [hbm4b:s8+s29], $0x40, s26, s29, $0xb8;
	[tilespmem:$0x1E740] =	vst v63  }
0xb0: {  	s15 =	simm.s32 $0x100  }
0xb1: {  	[tilespmem:s0], [sflag:$0x1] =	stream.indirect.gather [hbm4b:s8+s29], $0x40, s15, s29, $0xb8;
	[tilespmem:$0x1E740] =	vst v63  }
0xb2: {  	s17 =	simm.s32 $0x180  }
0xb3: {  	[tilespmem:s28], [sflag:$0x1] =	stream.indirect.gather [hbm4b:s8+s29], $0x40, s17, s29, $0xb8;
	[tilespmem:$0x1E740] =	vst v63  }
0xb4: {  	_ =	swait.ge [sflag:s5], $0x1F40  }
0xb5: {  	[sflag:s5] =	ssyncset.done $0x0  }
0xb6: {  	s20 =	simm.s32 $0x5000;
	[sflag:s5] =	ssyncadd.s32 $0xFFFFE0C0  }
0xb7: {  	[spmem:s3] =	stream.indirect.scatter.add.f32 [tilespmem:s30], [sflag:$0x2], $0x40, s20, s29, $0xb8;
	[tilespmem:$0x1E740] =	vst v63  }
0xb8: {  	_ =	swait.ge [sflag:s5], $0x1F40  }
0xb9: {  	[sflag:s5] =	ssyncset.done $0x0  }
0xba: {  	s22 =	simm.s32 $0x5080;
	[sflag:s5] =	ssyncadd.s32 $0xFFFFE0C0  }
0xbb: {  	[spmem:s3] =	stream.indirect.scatter.add.f32 [tilespmem:s31], [sflag:$0x2], $0x40, s22, s29, $0xb8;
	[tilespmem:$0x1E740] =	vst v63  }
0xbc: {  	_ =	swait.ge [sflag:s5], $0x1F40  }
0xbd: {  	[sflag:s5] =	ssyncset.done $0x0  }
0xbe: {  	s23 =	simm.s32 $0x5100;
	[sflag:s5] =	ssyncadd.s32 $0xFFFFE0C0  }
0xbf: {  	[spmem:s3] =	stream.indirect.scatter.add.f32 [tilespmem:s0], [sflag:$0x2], $0x40, s23, s29, $0xb8;
	[tilespmem:$0x1E740] =	vst v63  }
0xc0: {  	_ =	swait.ge [sflag:s5], $0x1F40  }
0xc1: {  	[sflag:s5] =	ssyncset.done $0x0  }
0xc2: {  	s26 =	simm.s32 $0x5180;
	[sflag:s5] =	ssyncadd.s32 $0xFFFFE0C0  }
0xc3: {  	[spmem:s3] =	stream.indirect.scatter.add.f32 [tilespmem:s28], [sflag:$0x2], $0x40, s26, s29, $0xb8;
	[tilespmem:$0x1E740] =	vst v63  }
0xc4: {  	_ =	swait.ge [sflag:s10], $0x1F40  }
0xc5: {  	[sflag:s10] =	ssyncset.done $0x0  }
0xc6: {  	[sflag:s10] =	ssyncadd.s32 $0xFFFFE0C0  }
0xc7: {  	_ =	swait.ge [sflag:s10], $0x1F40  }
0xc8: {  	[sflag:s10] =	ssyncset.done $0x0  }
0xc9: {  	[sflag:s10] =	ssyncadd.s32 $0xFFFFE0C0  }
0xca: {  	_ =	swait.ge [sflag:s10], $0x1F40  }
0xcb: {  	[sflag:s10] =	ssyncset.done $0x0  }
0xcc: {  	[sflag:s10] =	ssyncadd.s32 $0xFFFFE0C0  }
0xcd: {  	_ =	swait.ge [sflag:s10], $0x1F40  }
0xce: {  	s4 =	simm.s32 $0x1000;
	s20 =	simm.s32 $0x800;
	[sflag:s10] =	ssyncset.done $0x0  }
.LBB2_6:
0xcf: {  	s15 =	sshra.s32 s20, $0x2  }
0xd0: {  	[sflag:s10] =	ssyncadd.s32 $0xFFFFE0C0;
	s20 =	smov.u32 s4;
	s17 =	sadd.s32 $0x800, s4  }
0xd1: {  	[tilespmem:s30], [sflag:$0x1] =	stream.indirect.gather [hbm4b:s8+s29], $0x40, s15, s29, $0xb8;
	[tilespmem:$0x1E740] =	vst v63  }
0xd2: {  	p4 =	sne.s32 s4, $0x13800;
	s4 =	sadd.s32 $0x80, s15  }
0xd3: {  	[tilespmem:s31], [sflag:$0x1] =	stream.indirect.gather [hbm4b:s8+s29], $0x40, s4, s29, $0xb8;
	[tilespmem:$0x1E740] =	vst v63  }
0xd4: {  	s4 =	sadd.s32 $0x100, s15  }
0xd5: {  	[tilespmem:s0], [sflag:$0x1] =	stream.indirect.gather [hbm4b:s8+s29], $0x40, s4, s29, $0xb8;
	[tilespmem:$0x1E740] =	vst v63  }
0xd6: {  	s4 =	sadd.s32 $0x180, s15  }
0xd7: {  	[tilespmem:s28], [sflag:$0x1] =	stream.indirect.gather [hbm4b:s8+s29], $0x40, s4, s29, $0xb8;
	[tilespmem:$0x1E740] =	vst v63  }
0xd8: {  	_ =	swait.ge [sflag:s5], $0x1F40  }
0xd9: {  	[sflag:s5] =	ssyncset.done $0x0  }
0xda: {  	s4 =	sadd.s32 $0x5000, s15;
	[sflag:s5] =	ssyncadd.s32 $0xFFFFE0C0  }
0xdb: {  	[spmem:s3] =	stream.indirect.scatter.add.f32 [tilespmem:s30], [sflag:$0x2], $0x40, s4, s29, $0xb8;
	[tilespmem:$0x1E740] =	vst v63  }
0xdc: {  	_ =	swait.ge [sflag:s5], $0x1F40  }
0xdd: {  	[sflag:s5] =	ssyncset.done $0x0  }
0xde: {  	s4 =	sadd.s32 $0x5080, s15;
	[sflag:s5] =	ssyncadd.s32 $0xFFFFE0C0  }
0xdf: {  	[spmem:s3] =	stream.indirect.scatter.add.f32 [tilespmem:s31], [sflag:$0x2], $0x40, s4, s29, $0xb8;
	[tilespmem:$0x1E740] =	vst v63  }
0xe0: {  	_ =	swait.ge [sflag:s5], $0x1F40  }
0xe1: {  	[sflag:s5] =	ssyncset.done $0x0  }
0xe2: {  	s4 =	sadd.s32 $0x5100, s15;
	[sflag:s5] =	ssyncadd.s32 $0xFFFFE0C0  }
0xe3: {  	[spmem:s3] =	stream.indirect.scatter.add.f32 [tilespmem:s0], [sflag:$0x2], $0x40, s4, s29, $0xb8;
	[tilespmem:$0x1E740] =	vst v63  }
0xe4: {  	_ =	swait.ge [sflag:s5], $0x1F40  }
0xe5: {  	[sflag:s5] =	ssyncset.done $0x0  }
0xe6: {  	s4 =	sadd.s32 $0x5180, s15;
	[sflag:s5] =	ssyncadd.s32 $0xFFFFE0C0  }
0xe7: {  	[spmem:s3] =	stream.indirect.scatter.add.f32 [tilespmem:s28], [sflag:$0x2], $0x40, s4, s29, $0xb8;
	[tilespmem:$0x1E740] =	vst v63  }
0xe8: {  	_ =	swait.ge [sflag:s10], $0x1F40  }
0xe9: {  	[sflag:s10] =	ssyncset.done $0x0  }
0xea: {  	[sflag:s10] =	ssyncadd.s32 $0xFFFFE0C0  }
0xeb: {  	_ =	swait.ge [sflag:s10], $0x1F40  }
0xec: {  	[sflag:s10] =	ssyncset.done $0x0  }
0xed: {  	[sflag:s10] =	ssyncadd.s32 $0xFFFFE0C0  }
.Ltmp3:
0xee: {  	_ =	swait.ge [sflag:s10], $0x1F40;
	(pc) =	sbr.rel @p4 .LBB2_6-.Ltmp3, $4  }
0xef: {  	[sflag:s10] =	ssyncset.done $0x0  }
0xf0: {  	[sflag:s10] =	ssyncadd.s32 $0xFFFFE0C0  }
0xf1: {  	_ =	swait.ge [sflag:s10], $0x1F40  }
0xf2: {  	s4 =	smov.u32 s17;
	[sflag:s10] =	ssyncset.done $0x0  }
0xf3: {  	s4 =	sshra.s32 s20, $0x2;
	[sflag:s10] =	ssyncadd.s32 $0xFFFFE0C0  }
0xf4: {  	[tilespmem:s30], [sflag:$0x1] =	stream.indirect.gather [hbm4b:s8+s29], $0x40, s4, s29, $0xb8;
	[tilespmem:$0x1E740] =	vst v63  }
0xf5: {  	s15 =	sadd.s32 $0x80, s4  }
0xf6: {  	[tilespmem:s31], [sflag:$0x1] =	stream.indirect.gather [hbm4b:s8+s29], $0x40, s15, s29, $0xb8;
	[tilespmem:$0x1E740] =	vst v63  }
0xf7: {  	s17 =	sadd.s32 $0x100, s4  }
0xf8: {  	[tilespmem:s0], [sflag:$0x1] =	stream.indirect.gather [hbm4b:s8+s29], $0x40, s17, s29, $0xb8;
	[tilespmem:$0x1E740] =	vst v63  }
0xf9: {  	s20 =	sadd.s32 $0x180, s4  }
0xfa: {  	[tilespmem:s28], [sflag:$0x1] =	stream.indirect.gather [hbm4b:s8+s29], $0x40, s20, s29, $0xb8;
	[tilespmem:$0x1E740] =	vst v63  }
0xfb: {  	_ =	swait.ge [sflag:s5], $0x1F40  }
0xfc: {  	[sflag:s5] =	ssyncset.done $0x0  }
0xfd: {  	s22 =	sadd.s32 $0x5000, s4;
	[sflag:s5] =	ssyncadd.s32 $0xFFFFE0C0  }
0xfe: {  	[spmem:s3] =	stream.indirect.scatter.add.f32 [tilespmem:s30], [sflag:$0x2], $0x40, s22, s29, $0xb8;
	[tilespmem:$0x1E740] =	vst v63  }
0xff: {  	_ =	swait.ge [sflag:s5], $0x1F40  }
0x100: {  	[sflag:s5] =	ssyncset.done $0x0  }
0x101: {  	s23 =	sadd.s32 $0x5080, s4;
	[sflag:s5] =	ssyncadd.s32 $0xFFFFE0C0  }
0x102: {  	[spmem:s3] =	stream.indirect.scatter.add.f32 [tilespmem:s31], [sflag:$0x2], $0x40, s23, s29, $0xb8;
	[tilespmem:$0x1E740] =	vst v63  }
0x103: {  	_ =	swait.ge [sflag:s5], $0x1F40  }
0x104: {  	[sflag:s5] =	ssyncset.done $0x0  }
0x105: {  	s26 =	sadd.s32 $0x5100, s4;
	[sflag:s5] =	ssyncadd.s32 $0xFFFFE0C0  }
0x106: {  	[spmem:s3] =	stream.indirect.scatter.add.f32 [tilespmem:s0], [sflag:$0x2], $0x40, s26, s29, $0xb8;
	[tilespmem:$0x1E740] =	vst v63  }
0x107: {  	_ =	swait.ge [sflag:s5], $0x1F40  }
0x108: {  	[sflag:s5] =	ssyncset.done $0x0  }
0x109: {  	s4 =	sadd.s32 $0x5180, s4;
	[sflag:s5] =	ssyncadd.s32 $0xFFFFE0C0  }
0x10a: {  	[spmem:s3] =	stream.indirect.scatter.add.f32 [tilespmem:s28], [sflag:$0x2], $0x40, s4, s29, $0xb8;
	[tilespmem:$0x1E740] =	vst v63  }
0x10b: {  	_ =	swait.ge [sflag:s10], $0x1F40  }
0x10c: {  	[sflag:s10] =	ssyncset.done $0x0  }
0x10d: {  	[sflag:s10] =	ssyncadd.s32 $0xFFFFE0C0  }
0x10e: {  	_ =	swait.ge [sflag:s10], $0x1F40  }
0x10f: {  	[sflag:s10] =	ssyncset.done $0x0  }
0x110: {  	[sflag:s10] =	ssyncadd.s32 $0xFFFFE0C0  }
0x111: {  	_ =	swait.ge [sflag:s10], $0x1F40  }
0x112: {  	[sflag:s10] =	ssyncset.done $0x0  }
0x113: {  	[sflag:s10] =	ssyncadd.s32 $0xFFFFE0C0  }
0x114: {  	_ =	swait.ge [sflag:s10], $0x1F40  }
0x115: {  	[sflag:s10] =	ssyncset.done $0x0  }
0x116: {  	[sflag:s10] =	ssyncadd.s32 $0xFFFFE0C0  }
.LBB2_8:
0x117: {  	p4 =	por @p0 $0x1, $0x1;
	p5 =	por @!p0 $0x0, $0x0  }
0x118: {  	p4 =	por @!p0 p5, p5  }
0x119: {  	[bflag:$0x0] =	sbarrier.arrive $0xFFFF;
	s26 =	smov.u32 s21;
	s4 =	sshll.u32 @p4 s16, $0x6  }
0x11a: {  	s21 =	sshrl.u32 @p4 s21, $0x3;
	s20 =	sor.u32 @p4 $0x1C03, s4;
	s4 =	rddreg [dreg:$0xc]  }
0x11b: {  	[hbm:s4], [sflag:s20] =	dma.local @p4 [spmem:s21], $0xC80  }
0x11c: {  	s4 =	simm.s32 @p4 $0x3  }
0x11d: {  	_ =	swait.ge @p4 [sflag:s4], $0xC80  }
0x11e: {  	[sflag:s4] =	ssyncset.done @p4 $0x0  }
0x11f: {  	[sflag:s4] =	ssyncadd.s32 @p4 $0xFFFFF380  }
0x120: {  	[spmem:s21], [sflag:s20] =	dma.local @p4 [hbm:s11], $0xC80  }
0x121: {  	_ =	swait.ge @p4 [sflag:s4], $0xC80  }
0x122: {  	[sflag:s4] =	ssyncset.done @p4 $0x0  }
0x123: {  	s15 =	sshll.u32 @!p4 s16, $0x6;
	[sflag:s4] =	ssyncadd.s32 @p4 $0xFFFFF380;
	s4 =	rddreg [dreg:$0xb]  }
0x124: {  	s22 =	sor.u32 @!p4 $0x1C03, s15;
	s23 =	sshrl.u32 @!p4 s4, $0x3;
	s4 =	rddreg [dreg:$0xa]  }
0x125: {  	[hbm:s4], [sflag:s22] =	dma.local @!p4 [spmem:s23], $0x1400  }
0x126: {  	s4 =	simm.s32 @!p4 $0x3  }
0x127: {  	_ =	swait.ge @!p4 [sflag:s4], $0x1400  }
0x128: {  	[sflag:s4] =	ssyncset.done @!p4 $0x0;
	s15 =	rddreg [dreg:$0x9]  }
0x129: {  	[sflag:s4] =	ssyncadd.s32 @!p4 $0xFFFFEC00;
	s15 =	sshrl.u32 @!p4 s15, $0x3  }
0x12a: {  	[spmem:s15], [sflag:s22] =	dma.local @!p4 [hbm:s11], $0x1400  }
.Ltmp4:
0x12b: {  	_ =	swait.ge @!p4 [sflag:s4], $0x1400;
	(pc) =	sbr.rel @p2 .LBB2_12-.Ltmp4, $4  }
0x12c: {  	[sflag:s4] =	ssyncset.done @!p4 $0x0  }
0x12d: {  	[sflag:s4] =	ssyncadd.s32 @!p4 $0xFFFFEC00  }
0x12e: {  	[bflag:$0x0] =	sbarrier.arrive $0xFFFF  }
0x12f: {  	s4 =	simm.s32 $0x0  }
0x130: {  	[tilespmem:s30], [sflag:$0x1] =	stream.indirect.gather [hbm4b:s7+s29], $0x40, s4, s29, $0xb8;
	[tilespmem:$0x1E740] =	vst v63  }
0x131: {  	s17 =	simm.s32 $0x80  }
0x132: {  	[tilespmem:s31], [sflag:$0x1] =	stream.indirect.gather [hbm4b:s7+s29], $0x40, s17, s29, $0xb8;
	[tilespmem:$0x1E740] =	vst v63  }
0x133: {  	s15 =	simm.s32 $0x100  }
0x134: {  	[tilespmem:s0], [sflag:$0x1] =	stream.indirect.gather [hbm4b:s7+s29], $0x40, s15, s29, $0xb8;
	[tilespmem:$0x1E740] =	vst v63  }
0x135: {  	s16 =	simm.s32 $0x180  }
0x136: {  	[tilespmem:s28], [sflag:$0x1] =	stream.indirect.gather [hbm4b:s7+s29], $0x40, s16, s29, $0xb8;
	[tilespmem:$0x1E740] =	vst v63  }
0x137: {  	_ =	swait.ge [sflag:s5], $0x1F40  }
0x138: {  	[sflag:s5] =	ssyncset.done $0x0  }
0x139: {  	s17 =	simm.s32 $0x5000;
	[sflag:s5] =	ssyncadd.s32 $0xFFFFE0C0  }
0x13a: {  	[spmem:s3] =	stream.indirect.scatter.add.f32 [tilespmem:s30], [sflag:$0x2], $0x40, s17, s29, $0xb8;
	[tilespmem:$0x1E740] =	vst v63  }
0x13b: {  	_ =	swait.ge [sflag:s5], $0x1F40  }
0x13c: {  	[sflag:s5] =	ssyncset.done $0x0  }
0x13d: {  	s15 =	simm.s32 $0x5080;
	[sflag:s5] =	ssyncadd.s32 $0xFFFFE0C0  }
0x13e: {  	[spmem:s3] =	stream.indirect.scatter.add.f32 [tilespmem:s31], [sflag:$0x2], $0x40, s15, s29, $0xb8;
	[tilespmem:$0x1E740] =	vst v63  }
0x13f: {  	_ =	swait.ge [sflag:s5], $0x1F40  }
0x140: {  	[sflag:s5] =	ssyncset.done $0x0  }
0x141: {  	s16 =	simm.s32 $0x5100;
	[sflag:s5] =	ssyncadd.s32 $0xFFFFE0C0  }
0x142: {  	[spmem:s3] =	stream.indirect.scatter.add.f32 [tilespmem:s0], [sflag:$0x2], $0x40, s16, s29, $0xb8;
	[tilespmem:$0x1E740] =	vst v63  }
0x143: {  	_ =	swait.ge [sflag:s5], $0x1F40  }
0x144: {  	[sflag:s5] =	ssyncset.done $0x0  }
0x145: {  	s17 =	simm.s32 $0x5180;
	[sflag:s5] =	ssyncadd.s32 $0xFFFFE0C0  }
0x146: {  	[spmem:s3] =	stream.indirect.scatter.add.f32 [tilespmem:s28], [sflag:$0x2], $0x40, s17, s29, $0xb8;
	[tilespmem:$0x1E740] =	vst v63  }
0x147: {  	_ =	swait.ge [sflag:s10], $0x1F40  }
0x148: {  	[sflag:s10] =	ssyncset.done $0x0  }
0x149: {  	[sflag:s10] =	ssyncadd.s32 $0xFFFFE0C0  }
0x14a: {  	_ =	swait.ge [sflag:s10], $0x1F40  }
0x14b: {  	[sflag:s10] =	ssyncset.done $0x0  }
0x14c: {  	[sflag:s10] =	ssyncadd.s32 $0xFFFFE0C0  }
0x14d: {  	_ =	swait.ge [sflag:s10], $0x1F40  }
0x14e: {  	[sflag:s10] =	ssyncset.done $0x0  }
0x14f: {  	[sflag:s10] =	ssyncadd.s32 $0xFFFFE0C0  }
0x150: {  	_ =	swait.ge [sflag:s10], $0x1F40  }
0x151: {  	s4 =	simm.s32 $0x1000;
	s17 =	simm.s32 $0x800;
	[sflag:s10] =	ssyncset.done $0x0  }
.LBB2_10:
0x152: {  	s16 =	sshra.s32 s17, $0x2  }
0x153: {  	[sflag:s10] =	ssyncadd.s32 $0xFFFFE0C0;
	s17 =	smov.u32 s4;
	s15 =	sadd.s32 $0x800, s4  }
0x154: {  	[tilespmem:s30], [sflag:$0x1] =	stream.indirect.gather [hbm4b:s7+s29], $0x40, s16, s29, $0xb8;
	[tilespmem:$0x1E740] =	vst v63  }
0x155: {  	p5 =	seq.s32 s4, $0x13800;
	s4 =	sadd.s32 $0x80, s16  }
0x156: {  	[tilespmem:s31], [sflag:$0x1] =	stream.indirect.gather [hbm4b:s7+s29], $0x40, s4, s29, $0xb8;
	[tilespmem:$0x1E740] =	vst v63  }
0x157: {  	s4 =	sadd.s32 $0x100, s16  }
0x158: {  	[tilespmem:s0], [sflag:$0x1] =	stream.indirect.gather [hbm4b:s7+s29], $0x40, s4, s29, $0xb8;
	[tilespmem:$0x1E740] =	vst v63  }
0x159: {  	s4 =	sadd.s32 $0x180, s16  }
0x15a: {  	[tilespmem:s28], [sflag:$0x1] =	stream.indirect.gather [hbm4b:s7+s29], $0x40, s4, s29, $0xb8;
	[tilespmem:$0x1E740] =	vst v63  }
0x15b: {  	_ =	swait.ge [sflag:s5], $0x1F40  }
0x15c: {  	[sflag:s5] =	ssyncset.done $0x0  }
0x15d: {  	s4 =	sadd.s32 $0x5000, s16;
	[sflag:s5] =	ssyncadd.s32 $0xFFFFE0C0  }
0x15e: {  	[spmem:s3] =	stream.indirect.scatter.add.f32 [tilespmem:s30], [sflag:$0x2], $0x40, s4, s29, $0xb8;
	[tilespmem:$0x1E740] =	vst v63  }
0x15f: {  	_ =	swait.ge [sflag:s5], $0x1F40  }
0x160: {  	[sflag:s5] =	ssyncset.done $0x0  }
0x161: {  	s4 =	sadd.s32 $0x5080, s16;
	[sflag:s5] =	ssyncadd.s32 $0xFFFFE0C0  }
0x162: {  	[spmem:s3] =	stream.indirect.scatter.add.f32 [tilespmem:s31], [sflag:$0x2], $0x40, s4, s29, $0xb8;
	[tilespmem:$0x1E740] =	vst v63  }
0x163: {  	_ =	swait.ge [sflag:s5], $0x1F40  }
0x164: {  	[sflag:s5] =	ssyncset.done $0x0  }
0x165: {  	s4 =	sadd.s32 $0x5100, s16;
	[sflag:s5] =	ssyncadd.s32 $0xFFFFE0C0  }
0x166: {  	[spmem:s3] =	stream.indirect.scatter.add.f32 [tilespmem:s0], [sflag:$0x2], $0x40, s4, s29, $0xb8;
	[tilespmem:$0x1E740] =	vst v63  }
0x167: {  	_ =	swait.ge [sflag:s5], $0x1F40  }
0x168: {  	[sflag:s5] =	ssyncset.done $0x0  }
0x169: {  	s4 =	sadd.s32 $0x5180, s16;
	[sflag:s5] =	ssyncadd.s32 $0xFFFFE0C0  }
0x16a: {  	[spmem:s3] =	stream.indirect.scatter.add.f32 [tilespmem:s28], [sflag:$0x2], $0x40, s4, s29, $0xb8;
	[tilespmem:$0x1E740] =	vst v63  }
0x16b: {  	_ =	swait.ge [sflag:s10], $0x1F40  }
0x16c: {  	[sflag:s10] =	ssyncset.done $0x0  }
0x16d: {  	[sflag:s10] =	ssyncadd.s32 $0xFFFFE0C0  }
0x16e: {  	_ =	swait.ge [sflag:s10], $0x1F40  }
0x16f: {  	[sflag:s10] =	ssyncset.done $0x0  }
0x170: {  	[sflag:s10] =	ssyncadd.s32 $0xFFFFE0C0  }
.Ltmp5:
0x171: {  	_ =	swait.ge [sflag:s10], $0x1F40;
	(pc) =	sbr.rel @!p5 .LBB2_10-.Ltmp5, $4  }
0x172: {  	[sflag:s10] =	ssyncset.done $0x0  }
0x173: {  	[sflag:s10] =	ssyncadd.s32 $0xFFFFE0C0  }
0x174: {  	_ =	swait.ge [sflag:s10], $0x1F40  }
0x175: {  	s4 =	smov.u32 s15;
	[sflag:s10] =	ssyncset.done $0x0  }
0x176: {  	s4 =	sshra.s32 s17, $0x2;
	[sflag:s10] =	ssyncadd.s32 $0xFFFFE0C0  }
0x177: {  	[tilespmem:s30], [sflag:$0x1] =	stream.indirect.gather [hbm4b:s7+s29], $0x40, s4, s29, $0xb8;
	[tilespmem:$0x1E740] =	vst v63  }
0x178: {  	s15 =	sadd.s32 $0x80, s4  }
0x179: {  	[tilespmem:s31], [sflag:$0x1] =	stream.indirect.gather [hbm4b:s7+s29], $0x40, s15, s29, $0xb8;
	[tilespmem:$0x1E740] =	vst v63  }
0x17a: {  	s17 =	sadd.s32 $0x100, s4  }
0x17b: {  	[tilespmem:s0], [sflag:$0x1] =	stream.indirect.gather [hbm4b:s7+s29], $0x40, s17, s29, $0xb8;
	[tilespmem:$0x1E740] =	vst v63  }
0x17c: {  	s16 =	sadd.s32 $0x180, s4  }
0x17d: {  	[tilespmem:s28], [sflag:$0x1] =	stream.indirect.gather [hbm4b:s7+s29], $0x40, s16, s29, $0xb8;
	[tilespmem:$0x1E740] =	vst v63  }
0x17e: {  	_ =	swait.ge [sflag:s5], $0x1F40  }
0x17f: {  	[sflag:s5] =	ssyncset.done $0x0  }
0x180: {  	s17 =	sadd.s32 $0x5000, s4;
	[sflag:s5] =	ssyncadd.s32 $0xFFFFE0C0  }
0x181: {  	[spmem:s3] =	stream.indirect.scatter.add.f32 [tilespmem:s30], [sflag:$0x2], $0x40, s17, s29, $0xb8;
	[tilespmem:$0x1E740] =	vst v63  }
0x182: {  	_ =	swait.ge [sflag:s5], $0x1F40  }
0x183: {  	[sflag:s5] =	ssyncset.done $0x0  }
0x184: {  	s16 =	sadd.s32 $0x5080, s4;
	[sflag:s5] =	ssyncadd.s32 $0xFFFFE0C0  }
0x185: {  	[spmem:s3] =	stream.indirect.scatter.add.f32 [tilespmem:s31], [sflag:$0x2], $0x40, s16, s29, $0xb8;
	[tilespmem:$0x1E740] =	vst v63  }
0x186: {  	_ =	swait.ge [sflag:s5], $0x1F40  }
0x187: {  	[sflag:s5] =	ssyncset.done $0x0  }
0x188: {  	s17 =	sadd.s32 $0x5100, s4;
	[sflag:s5] =	ssyncadd.s32 $0xFFFFE0C0  }
0x189: {  	[spmem:s3] =	stream.indirect.scatter.add.f32 [tilespmem:s0], [sflag:$0x2], $0x40, s17, s29, $0xb8;
	[tilespmem:$0x1E740] =	vst v63  }
0x18a: {  	_ =	swait.ge [sflag:s5], $0x1F40  }
0x18b: {  	[sflag:s5] =	ssyncset.done $0x0  }
0x18c: {  	s4 =	sadd.s32 $0x5180, s4;
	[sflag:s5] =	ssyncadd.s32 $0xFFFFE0C0  }
0x18d: {  	[spmem:s3] =	stream.indirect.scatter.add.f32 [tilespmem:s28], [sflag:$0x2], $0x40, s4, s29, $0xb8;
	[tilespmem:$0x1E740] =	vst v63  }
0x18e: {  	_ =	swait.ge [sflag:s10], $0x1F40  }
0x18f: {  	[sflag:s10] =	ssyncset.done $0x0  }
0x190: {  	[sflag:s10] =	ssyncadd.s32 $0xFFFFE0C0  }
0x191: {  	_ =	swait.ge [sflag:s10], $0x1F40  }
0x192: {  	[sflag:s10] =	ssyncset.done $0x0  }
0x193: {  	[sflag:s10] =	ssyncadd.s32 $0xFFFFE0C0  }
0x194: {  	_ =	swait.ge [sflag:s10], $0x1F40  }
.Ltmp6:
0x195: {  	[sflag:s10] =	ssyncset.done $0x0;
	(pc) =	sbr.rel .LBB2_15-.Ltmp6, $4  }
0x196: {  	[sflag:s10] =	ssyncadd.s32 $0xFFFFE0C0  }
0x197: {  	_ =	swait.ge [sflag:s10], $0x1F40  }
0x198: {  	[sflag:s10] =	ssyncset.done $0x0  }
0x199: {  	[sflag:s10] =	ssyncadd.s32 $0xFFFFE0C0  }
.LBB2_12:
0x19a: {  	[tilespmem:s30], [sflag:$0x1] =	stream.indirect.gather [hbm4b:s9+s29], $0x40, s4, s29, $0xb8;
	[tilespmem:$0x1E740] =	vst v63  }
0x19b: {  	s17 =	simm.s32 $0x80  }
0x19c: {  	[tilespmem:s31], [sflag:$0x1] =	stream.indirect.gather [hbm4b:s9+s29], $0x40, s17, s29, $0xb8;
	[tilespmem:$0x1E740] =	vst v63  }
0x19d: {  	s15 =	simm.s32 $0x100  }
0x19e: {  	[tilespmem:s0], [sflag:$0x1] =	stream.indirect.gather [hbm4b:s9+s29], $0x40, s15, s29, $0xb8;
	[tilespmem:$0x1E740] =	vst v63  }
0x19f: {  	s16 =	simm.s32 $0x180  }
0x1a0: {  	[tilespmem:s28], [sflag:$0x1] =	stream.indirect.gather [hbm4b:s9+s29], $0x40, s16, s29, $0xb8;
	[tilespmem:$0x1E740] =	vst v63  }
0x1a1: {  	_ =	swait.ge [sflag:s5], $0x1F40  }
0x1a2: {  	[sflag:s5] =	ssyncset.done $0x0  }
0x1a3: {  	s17 =	simm.s32 $0x5000;
	[sflag:s5] =	ssyncadd.s32 $0xFFFFE0C0  }
0x1a4: {  	[spmem:s3] =	stream.indirect.scatter.add.f32 [tilespmem:s30], [sflag:$0x2], $0x40, s17, s29, $0xb8;
	[tilespmem:$0x1E740] =	vst v63  }
0x1a5: {  	_ =	swait.ge [sflag:s5], $0x1F40  }
0x1a6: {  	[sflag:s5] =	ssyncset.done $0x0  }
0x1a7: {  	s15 =	simm.s32 $0x5080;
	[sflag:s5] =	ssyncadd.s32 $0xFFFFE0C0  }
0x1a8: {  	[spmem:s3] =	stream.indirect.scatter.add.f32 [tilespmem:s31], [sflag:$0x2], $0x40, s15, s29, $0xb8;
	[tilespmem:$0x1E740] =	vst v63  }
0x1a9: {  	_ =	swait.ge [sflag:s5], $0x1F40  }
0x1aa: {  	[sflag:s5] =	ssyncset.done $0x0  }
0x1ab: {  	s16 =	simm.s32 $0x5100;
	[sflag:s5] =	ssyncadd.s32 $0xFFFFE0C0  }
0x1ac: {  	[spmem:s3] =	stream.indirect.scatter.add.f32 [tilespmem:s0], [sflag:$0x2], $0x40, s16, s29, $0xb8;
	[tilespmem:$0x1E740] =	vst v63  }
0x1ad: {  	_ =	swait.ge [sflag:s5], $0x1F40  }
0x1ae: {  	[sflag:s5] =	ssyncset.done $0x0  }
0x1af: {  	s17 =	simm.s32 $0x5180;
	[sflag:s5] =	ssyncadd.s32 $0xFFFFE0C0  }
0x1b0: {  	[spmem:s3] =	stream.indirect.scatter.add.f32 [tilespmem:s28], [sflag:$0x2], $0x40, s17, s29, $0xb8;
	[tilespmem:$0x1E740] =	vst v63  }
0x1b1: {  	_ =	swait.ge [sflag:s10], $0x1F40  }
0x1b2: {  	[sflag:s10] =	ssyncset.done $0x0  }
0x1b3: {  	[sflag:s10] =	ssyncadd.s32 $0xFFFFE0C0  }
0x1b4: {  	_ =	swait.ge [sflag:s10], $0x1F40  }
0x1b5: {  	[sflag:s10] =	ssyncset.done $0x0  }
0x1b6: {  	[sflag:s10] =	ssyncadd.s32 $0xFFFFE0C0  }
0x1b7: {  	_ =	swait.ge [sflag:s10], $0x1F40  }
0x1b8: {  	[sflag:s10] =	ssyncset.done $0x0  }
0x1b9: {  	[sflag:s10] =	ssyncadd.s32 $0xFFFFE0C0  }
0x1ba: {  	_ =	swait.ge [sflag:s10], $0x1F40  }
0x1bb: {  	s15 =	simm.s32 $0x1000;
	s17 =	simm.s32 $0x800;
	[sflag:s10] =	ssyncset.done $0x0  }
.LBB2_13:
0x1bc: {  	s16 =	sshra.s32 s17, $0x2  }
0x1bd: {  	[sflag:s10] =	ssyncadd.s32 $0xFFFFE0C0;
	s17 =	smov.u32 s15;
	s4 =	sadd.s32 $0x800, s15  }
0x1be: {  	[tilespmem:s30], [sflag:$0x1] =	stream.indirect.gather [hbm4b:s9+s29], $0x40, s16, s29, $0xb8;
	[tilespmem:$0x1E740] =	vst v63  }
0x1bf: {  	p5 =	sne.s32 s15, $0x13800;
	s15 =	sadd.s32 $0x80, s16  }
0x1c0: {  	[tilespmem:s31], [sflag:$0x1] =	stream.indirect.gather [hbm4b:s9+s29], $0x40, s15, s29, $0xb8;
	[tilespmem:$0x1E740] =	vst v63  }
0x1c1: {  	s15 =	sadd.s32 $0x100, s16  }
0x1c2: {  	[tilespmem:s0], [sflag:$0x1] =	stream.indirect.gather [hbm4b:s9+s29], $0x40, s15, s29, $0xb8;
	[tilespmem:$0x1E740] =	vst v63  }
0x1c3: {  	s15 =	sadd.s32 $0x180, s16  }
0x1c4: {  	[tilespmem:s28], [sflag:$0x1] =	stream.indirect.gather [hbm4b:s9+s29], $0x40, s15, s29, $0xb8;
	[tilespmem:$0x1E740] =	vst v63  }
0x1c5: {  	_ =	swait.ge [sflag:s5], $0x1F40  }
0x1c6: {  	[sflag:s5] =	ssyncset.done $0x0  }
0x1c7: {  	s15 =	sadd.s32 $0x5000, s16;
	[sflag:s5] =	ssyncadd.s32 $0xFFFFE0C0  }
0x1c8: {  	[spmem:s3] =	stream.indirect.scatter.add.f32 [tilespmem:s30], [sflag:$0x2], $0x40, s15, s29, $0xb8;
	[tilespmem:$0x1E740] =	vst v63  }
0x1c9: {  	_ =	swait.ge [sflag:s5], $0x1F40  }
0x1ca: {  	[sflag:s5] =	ssyncset.done $0x0  }
0x1cb: {  	s15 =	sadd.s32 $0x5080, s16;
	[sflag:s5] =	ssyncadd.s32 $0xFFFFE0C0  }
0x1cc: {  	[spmem:s3] =	stream.indirect.scatter.add.f32 [tilespmem:s31], [sflag:$0x2], $0x40, s15, s29, $0xb8;
	[tilespmem:$0x1E740] =	vst v63  }
0x1cd: {  	_ =	swait.ge [sflag:s5], $0x1F40  }
0x1ce: {  	[sflag:s5] =	ssyncset.done $0x0  }
0x1cf: {  	s15 =	sadd.s32 $0x5100, s16;
	[sflag:s5] =	ssyncadd.s32 $0xFFFFE0C0  }
0x1d0: {  	[spmem:s3] =	stream.indirect.scatter.add.f32 [tilespmem:s0], [sflag:$0x2], $0x40, s15, s29, $0xb8;
	[tilespmem:$0x1E740] =	vst v63  }
0x1d1: {  	_ =	swait.ge [sflag:s5], $0x1F40  }
0x1d2: {  	[sflag:s5] =	ssyncset.done $0x0  }
0x1d3: {  	s15 =	sadd.s32 $0x5180, s16;
	[sflag:s5] =	ssyncadd.s32 $0xFFFFE0C0  }
0x1d4: {  	[spmem:s3] =	stream.indirect.scatter.add.f32 [tilespmem:s28], [sflag:$0x2], $0x40, s15, s29, $0xb8;
	[tilespmem:$0x1E740] =	vst v63  }
0x1d5: {  	_ =	swait.ge [sflag:s10], $0x1F40  }
0x1d6: {  	[sflag:s10] =	ssyncset.done $0x0  }
0x1d7: {  	[sflag:s10] =	ssyncadd.s32 $0xFFFFE0C0  }
0x1d8: {  	_ =	swait.ge [sflag:s10], $0x1F40  }
0x1d9: {  	[sflag:s10] =	ssyncset.done $0x0  }
0x1da: {  	[sflag:s10] =	ssyncadd.s32 $0xFFFFE0C0  }
.Ltmp7:
0x1db: {  	_ =	swait.ge [sflag:s10], $0x1F40;
	(pc) =	sbr.rel @p5 .LBB2_13-.Ltmp7, $4  }
0x1dc: {  	[sflag:s10] =	ssyncset.done $0x0  }
0x1dd: {  	[sflag:s10] =	ssyncadd.s32 $0xFFFFE0C0  }
0x1de: {  	_ =	swait.ge [sflag:s10], $0x1F40  }
0x1df: {  	s15 =	smov.u32 s4;
	[sflag:s10] =	ssyncset.done $0x0  }
0x1e0: {  	s4 =	sshra.s32 s17, $0x2;
	[sflag:s10] =	ssyncadd.s32 $0xFFFFE0C0  }
0x1e1: {  	[tilespmem:s30], [sflag:$0x1] =	stream.indirect.gather [hbm4b:s9+s29], $0x40, s4, s29, $0xb8;
	[tilespmem:$0x1E740] =	vst v63  }
0x1e2: {  	s15 =	sadd.s32 $0x80, s4  }
0x1e3: {  	[tilespmem:s31], [sflag:$0x1] =	stream.indirect.gather [hbm4b:s9+s29], $0x40, s15, s29, $0xb8;
	[tilespmem:$0x1E740] =	vst v63  }
0x1e4: {  	s17 =	sadd.s32 $0x100, s4  }
0x1e5: {  	[tilespmem:s0], [sflag:$0x1] =	stream.indirect.gather [hbm4b:s9+s29], $0x40, s17, s29, $0xb8;
	[tilespmem:$0x1E740] =	vst v63  }
0x1e6: {  	s16 =	sadd.s32 $0x180, s4  }
0x1e7: {  	[tilespmem:s28], [sflag:$0x1] =	stream.indirect.gather [hbm4b:s9+s29], $0x40, s16, s29, $0xb8;
	[tilespmem:$0x1E740] =	vst v63  }
0x1e8: {  	_ =	swait.ge [sflag:s5], $0x1F40  }
0x1e9: {  	[sflag:s5] =	ssyncset.done $0x0  }
0x1ea: {  	s17 =	sadd.s32 $0x5000, s4;
	[sflag:s5] =	ssyncadd.s32 $0xFFFFE0C0  }
0x1eb: {  	[spmem:s3] =	stream.indirect.scatter.add.f32 [tilespmem:s30], [sflag:$0x2], $0x40, s17, s29, $0xb8;
	[tilespmem:$0x1E740] =	vst v63  }
0x1ec: {  	_ =	swait.ge [sflag:s5], $0x1F40  }
0x1ed: {  	[sflag:s5] =	ssyncset.done $0x0  }
0x1ee: {  	s16 =	sadd.s32 $0x5080, s4;
	[sflag:s5] =	ssyncadd.s32 $0xFFFFE0C0  }
0x1ef: {  	[spmem:s3] =	stream.indirect.scatter.add.f32 [tilespmem:s31], [sflag:$0x2], $0x40, s16, s29, $0xb8;
	[tilespmem:$0x1E740] =	vst v63  }
0x1f0: {  	_ =	swait.ge [sflag:s5], $0x1F40  }
0x1f1: {  	[sflag:s5] =	ssyncset.done $0x0  }
0x1f2: {  	s17 =	sadd.s32 $0x5100, s4;
	[sflag:s5] =	ssyncadd.s32 $0xFFFFE0C0  }
0x1f3: {  	[spmem:s3] =	stream.indirect.scatter.add.f32 [tilespmem:s0], [sflag:$0x2], $0x40, s17, s29, $0xb8;
	[tilespmem:$0x1E740] =	vst v63  }
0x1f4: {  	_ =	swait.ge [sflag:s5], $0x1F40  }
0x1f5: {  	[sflag:s5] =	ssyncset.done $0x0  }
0x1f6: {  	s4 =	sadd.s32 $0x5180, s4;
	[sflag:s5] =	ssyncadd.s32 $0xFFFFE0C0  }
0x1f7: {  	[spmem:s3] =	stream.indirect.scatter.add.f32 [tilespmem:s28], [sflag:$0x2], $0x40, s4, s29, $0xb8;
	[tilespmem:$0x1E740] =	vst v63  }
0x1f8: {  	_ =	swait.ge [sflag:s10], $0x1F40  }
0x1f9: {  	[sflag:s10] =	ssyncset.done $0x0  }
0x1fa: {  	[sflag:s10] =	ssyncadd.s32 $0xFFFFE0C0  }
0x1fb: {  	_ =	swait.ge [sflag:s10], $0x1F40  }
0x1fc: {  	[sflag:s10] =	ssyncset.done $0x0  }
0x1fd: {  	[sflag:s10] =	ssyncadd.s32 $0xFFFFE0C0  }
0x1fe: {  	_ =	swait.ge [sflag:s10], $0x1F40  }
0x1ff: {  	[sflag:s10] =	ssyncset.done $0x0  }
0x200: {  	[sflag:s10] =	ssyncadd.s32 $0xFFFFE0C0  }
0x201: {  	_ =	swait.ge [sflag:s10], $0x1F40  }
0x202: {  	[sflag:s10] =	ssyncset.done $0x0  }
0x203: {  	[sflag:s10] =	ssyncadd.s32 $0xFFFFE0C0  }
.LBB2_15:
0x204: {  	[bflag:$0x0] =	sbarrier.arrive $0xFFFF  }
0x205: {  	s4 =	rddreg [dreg:$0xe]  }
0x206: {  	[hbm:s4], [sflag:s20] =	dma.local @p4 [spmem:s21], $0xC80  }
0x207: {  	s4 =	simm.s32 @p4 $0x3  }
0x208: {  	_ =	swait.ge @p4 [sflag:s4], $0xC80  }
0x209: {  	[sflag:s4] =	ssyncset.done @p4 $0x0  }
0x20a: {  	[sflag:s4] =	ssyncadd.s32 @p4 $0xFFFFF380;
	s4 =	rddreg [dreg:$0xd]  }
0x20b: {  	[hbm:s4], [sflag:s22] =	dma.local @!p4 [spmem:s23], $0x1400  }
0x20c: {  	s4 =	simm.s32 @!p4 $0x3  }
0x20d: {  	_ =	swait.ge @!p4 [sflag:s4], $0x1400  }
0x20e: {  	[sflag:s4] =	ssyncset.done @!p4 $0x0  }
0x20f: {  	s17 =	sadd.s32 $0x0, s25;
	[sflag:s4] =	ssyncadd.s32 @!p4 $0xFFFFEC00  }
0x210: {  	[tilespmem:s12], [sflag:$0x1] =	stream.indirect.gather [spmem:s2], $0x1, s17, s29, $0xb8;
	[tilespmem:$0x1E740] =	vst v63  }
0x211: {  	s15 =	sadd.s32 $0x80, s17  }
0x212: {  	[tilespmem:s13], [sflag:$0x1] =	stream.indirect.gather [spmem:s2], $0x1, s15, s29, $0xb8;
	[tilespmem:$0x1E740] =	vst v63  }
0x213: {  	s20 =	sadd.s32 $0x100, s17  }
0x214: {  	[tilespmem:s14], [sflag:$0x1] =	stream.indirect.gather [spmem:s2], $0x1, s20, s29, $0xb8;
	[tilespmem:$0x1E740] =	vst v63  }
0x215: {  	s4 =	sadd.s32 $0x180, s17  }
0x216: {  	[tilespmem:s18], [sflag:$0x1] =	stream.indirect.gather [spmem:s2], $0x1, s4, s29, $0xb8;
	[tilespmem:$0x1E740] =	vst v63  }
0x217: {  	_ =	swait.ge [sflag:s5], $0x7D  }
0x218: {  	[sflag:s5] =	ssyncset.done $0x0  }
0x219: {  	s21 =	sadd.s32 $0x0, s24;
	[sflag:s5] =	ssyncadd.s32 $0xFFFFFF83  }
0x21a: {  	[spmem:s1] =	stream.indirect.scatter.add.f32 [tilespmem:s12], [sflag:$0x2], $0x1, s21, s29, $0xb8;
	[tilespmem:$0x1E740] =	vst v63  }
0x21b: {  	_ =	swait.ge [sflag:s5], $0x7D  }
0x21c: {  	[sflag:s5] =	ssyncset.done $0x0  }
0x21d: {  	s22 =	sadd.s32 $0x80, s21;
	[sflag:s5] =	ssyncadd.s32 $0xFFFFFF83  }
0x21e: {  	[spmem:s1] =	stream.indirect.scatter.add.f32 [tilespmem:s13], [sflag:$0x2], $0x1, s22, s29, $0xb8;
	[tilespmem:$0x1E740] =	vst v63  }
0x21f: {  	_ =	swait.ge [sflag:s5], $0x7D  }
0x220: {  	[sflag:s5] =	ssyncset.done $0x0  }
0x221: {  	s23 =	sadd.s32 $0x100, s21;
	[sflag:s5] =	ssyncadd.s32 $0xFFFFFF83  }
0x222: {  	[spmem:s1] =	stream.indirect.scatter.add.f32 [tilespmem:s14], [sflag:$0x2], $0x1, s23, s29, $0xb8;
	[tilespmem:$0x1E740] =	vst v63  }
0x223: {  	_ =	swait.ge [sflag:s5], $0x7D  }
0x224: {  	[sflag:s5] =	ssyncset.done $0x0  }
0x225: {  	s4 =	sadd.s32 $0x180, s21;
	[sflag:s5] =	ssyncadd.s32 $0xFFFFFF83  }
0x226: {  	[spmem:s1] =	stream.indirect.scatter.add.f32 [tilespmem:s18], [sflag:$0x2], $0x1, s4, s29, $0xb8;
	[tilespmem:$0x1E740] =	vst v63  }
0x227: {  	_ =	swait.ge [sflag:s10], $0x7D  }
0x228: {  	[sflag:s10] =	ssyncset.done $0x0  }
0x229: {  	[sflag:s10] =	ssyncadd.s32 $0xFFFFFF83  }
0x22a: {  	_ =	swait.ge [sflag:s10], $0x7D  }
0x22b: {  	[sflag:s10] =	ssyncset.done $0x0  }
0x22c: {  	[sflag:s10] =	ssyncadd.s32 $0xFFFFFF83  }
0x22d: {  	_ =	swait.ge [sflag:s10], $0x7D  }
0x22e: {  	[sflag:s10] =	ssyncset.done $0x0  }
0x22f: {  	[sflag:s10] =	ssyncadd.s32 $0xFFFFFF83  }
0x230: {  	_ =	swait.ge [sflag:s10], $0x7D  }
0x231: {  	s21 =	simm.s32 $0x1000;
	s4 =	simm.s32 $0x200;
	[sflag:s10] =	ssyncset.done $0x0  }
.LBB2_16:
0x232: {  	s15 =	sadd.s32 s4, s25  }
0x233: {  	[sflag:s10] =	ssyncadd.s32 $0xFFFFFF83;
	s20 =	smov.u32 s21;
	s17 =	sadd.s32 $0x800, s21  }
0x234: {  	[tilespmem:s12], [sflag:$0x1] =	stream.indirect.gather [spmem:s2], $0x1, s15, s29, $0xb8;
	[tilespmem:$0x1E740] =	vst v63  }
0x235: {  	p4 =	sne.s32 s21, $0x9800;
	s16 =	sadd.s32 $0x80, s15  }
0x236: {  	[tilespmem:s13], [sflag:$0x1] =	stream.indirect.gather [spmem:s2], $0x1, s16, s29, $0xb8;
	[tilespmem:$0x1E740] =	vst v63  }
0x237: {  	s16 =	sadd.s32 $0x100, s15  }
0x238: {  	[tilespmem:s14], [sflag:$0x1] =	stream.indirect.gather [spmem:s2], $0x1, s16, s29, $0xb8;
	[tilespmem:$0x1E740] =	vst v63  }
0x239: {  	s15 =	sadd.s32 $0x180, s15  }
0x23a: {  	[tilespmem:s18], [sflag:$0x1] =	stream.indirect.gather [spmem:s2], $0x1, s15, s29, $0xb8;
	[tilespmem:$0x1E740] =	vst v63  }
0x23b: {  	_ =	swait.ge [sflag:s5], $0x7D  }
0x23c: {  	[sflag:s5] =	ssyncset.done $0x0  }
0x23d: {  	s4 =	sadd.s32 s4, s24;
	[sflag:s5] =	ssyncadd.s32 $0xFFFFFF83  }
0x23e: {  	[spmem:s1] =	stream.indirect.scatter.add.f32 [tilespmem:s12], [sflag:$0x2], $0x1, s4, s29, $0xb8;
	[tilespmem:$0x1E740] =	vst v63  }
0x23f: {  	_ =	swait.ge [sflag:s5], $0x7D  }
0x240: {  	[sflag:s5] =	ssyncset.done $0x0  }
0x241: {  	s15 =	sadd.s32 $0x80, s4;
	[sflag:s5] =	ssyncadd.s32 $0xFFFFFF83  }
0x242: {  	[spmem:s1] =	stream.indirect.scatter.add.f32 [tilespmem:s13], [sflag:$0x2], $0x1, s15, s29, $0xb8;
	[tilespmem:$0x1E740] =	vst v63  }
0x243: {  	_ =	swait.ge [sflag:s5], $0x7D  }
0x244: {  	[sflag:s5] =	ssyncset.done $0x0  }
0x245: {  	s15 =	sadd.s32 $0x100, s4;
	[sflag:s5] =	ssyncadd.s32 $0xFFFFFF83  }
0x246: {  	[spmem:s1] =	stream.indirect.scatter.add.f32 [tilespmem:s14], [sflag:$0x2], $0x1, s15, s29, $0xb8;
	[tilespmem:$0x1E740] =	vst v63  }
0x247: {  	_ =	swait.ge [sflag:s5], $0x7D  }
0x248: {  	[sflag:s5] =	ssyncset.done $0x0  }
0x249: {  	s4 =	sadd.s32 $0x180, s4;
	[sflag:s5] =	ssyncadd.s32 $0xFFFFFF83  }
0x24a: {  	[spmem:s1] =	stream.indirect.scatter.add.f32 [tilespmem:s18], [sflag:$0x2], $0x1, s4, s29, $0xb8;
	[tilespmem:$0x1E740] =	vst v63  }
0x24b: {  	_ =	swait.ge [sflag:s10], $0x7D  }
0x24c: {  	[sflag:s10] =	ssyncset.done $0x0  }
0x24d: {  	[sflag:s10] =	ssyncadd.s32 $0xFFFFFF83  }
0x24e: {  	_ =	swait.ge [sflag:s10], $0x7D  }
0x24f: {  	[sflag:s10] =	ssyncset.done $0x0  }
0x250: {  	[sflag:s10] =	ssyncadd.s32 $0xFFFFFF83  }
.Ltmp8:
0x251: {  	_ =	swait.ge [sflag:s10], $0x7D;
	(pc) =	sbr.rel @p4 .LBB2_16-.Ltmp8, $4  }
0x252: {  	[sflag:s10] =	ssyncset.done $0x0  }
0x253: {  	[sflag:s10] =	ssyncadd.s32 $0xFFFFFF83  }
0x254: {  	_ =	swait.ge [sflag:s10], $0x7D  }
0x255: {  	s21 =	smov.u32 s17;
	s4 =	sshra.s32 s20, $0x2;
	[sflag:s10] =	ssyncset.done $0x0  }
0x256: {  	s15 =	sadd.s32 s4, s25;
	[sflag:s10] =	ssyncadd.s32 $0xFFFFFF83  }
0x257: {  	[tilespmem:s12], [sflag:$0x1] =	stream.indirect.gather [spmem:s2], $0x1, s15, s29, $0xb8;
	[tilespmem:$0x1E740] =	vst v63  }
0x258: {  	s16 =	sadd.s32 $0x80, s15  }
0x259: {  	[tilespmem:s13], [sflag:$0x1] =	stream.indirect.gather [spmem:s2], $0x1, s16, s29, $0xb8;
	[tilespmem:$0x1E740] =	vst v63  }
0x25a: {  	s17 =	sadd.s32 $0x100, s15  }
0x25b: {  	[tilespmem:s14], [sflag:$0x1] =	stream.indirect.gather [spmem:s2], $0x1, s17, s29, $0xb8;
	[tilespmem:$0x1E740] =	vst v63  }
0x25c: {  	s15 =	sadd.s32 $0x180, s15  }
0x25d: {  	[tilespmem:s18], [sflag:$0x1] =	stream.indirect.gather [spmem:s2], $0x1, s15, s29, $0xb8;
	[tilespmem:$0x1E740] =	vst v63  }
0x25e: {  	_ =	swait.ge [sflag:s5], $0x7D  }
0x25f: {  	[sflag:s5] =	ssyncset.done $0x0  }
0x260: {  	s20 =	sadd.s32 s4, s24;
	[sflag:s5] =	ssyncadd.s32 $0xFFFFFF83  }
0x261: {  	[spmem:s1] =	stream.indirect.scatter.add.f32 [tilespmem:s12], [sflag:$0x2], $0x1, s20, s29, $0xb8;
	[tilespmem:$0x1E740] =	vst v63  }
0x262: {  	_ =	swait.ge [sflag:s5], $0x7D  }
0x263: {  	[sflag:s5] =	ssyncset.done $0x0  }
0x264: {  	s21 =	sadd.s32 $0x80, s20;
	[sflag:s5] =	ssyncadd.s32 $0xFFFFFF83  }
0x265: {  	[spmem:s1] =	stream.indirect.scatter.add.f32 [tilespmem:s13], [sflag:$0x2], $0x1, s21, s29, $0xb8;
	[tilespmem:$0x1E740] =	vst v63  }
0x266: {  	_ =	swait.ge [sflag:s5], $0x7D  }
0x267: {  	[sflag:s5] =	ssyncset.done $0x0  }
0x268: {  	s22 =	sadd.s32 $0x100, s20;
	[sflag:s5] =	ssyncadd.s32 $0xFFFFFF83  }
0x269: {  	[spmem:s1] =	stream.indirect.scatter.add.f32 [tilespmem:s14], [sflag:$0x2], $0x1, s22, s29, $0xb8;
	[tilespmem:$0x1E740] =	vst v63  }
0x26a: {  	_ =	swait.ge [sflag:s5], $0x7D  }
0x26b: {  	[sflag:s5] =	ssyncset.done $0x0  }
0x26c: {  	s4 =	sadd.s32 $0x180, s20;
	[sflag:s5] =	ssyncadd.s32 $0xFFFFFF83  }
0x26d: {  	[spmem:s1] =	stream.indirect.scatter.add.f32 [tilespmem:s18], [sflag:$0x2], $0x1, s4, s29, $0xb8;
	[tilespmem:$0x1E740] =	vst v63  }
0x26e: {  	_ =	swait.ge [sflag:s10], $0x7D  }
0x26f: {  	[sflag:s10] =	ssyncset.done $0x0  }
0x270: {  	[sflag:s10] =	ssyncadd.s32 $0xFFFFFF83  }
0x271: {  	_ =	swait.ge [sflag:s10], $0x7D  }
0x272: {  	[sflag:s10] =	ssyncset.done $0x0  }
0x273: {  	[sflag:s10] =	ssyncadd.s32 $0xFFFFFF83  }
0x274: {  	_ =	swait.ge [sflag:s10], $0x7D  }
0x275: {  	[sflag:s10] =	ssyncset.done $0x0  }
0x276: {  	[sflag:s10] =	ssyncadd.s32 $0xFFFFFF83  }
0x277: {  	_ =	swait.ge [sflag:s10], $0x7D  }
0x278: {  	[sflag:s10] =	ssyncset.done $0x0  }
0x279: {  	[sflag:s10] =	ssyncadd.s32 $0xFFFFFF83  }
0x27a: {  	s15 =	simm.s32 @!p1 $0x3;
	s4 =	simm.s32 @!p1 $0x11F00;
	[bflag:$0x0] =	sbarrier.arrive $0xFFFF  }
0x27b: {  	[tilespmem:s4], [sflag:$0x3] =	stream.linear.gather @!p1 [spmem:s1], $0x2710, $0x38;
	[tilespmem:$0x1E740] =	vst v63  }
0x27c: {  	_ =	swait.ge @!p1 [sflag:s15], $0x2710  }
0x27d: {  	[sflag:s15] =	ssyncset.done @!p1 $0x0  }
0x27e: {  	s16 =	simm.s32 @!p1 $0x0;
	s17 =	rddreg [dreg:$0xf];
	[sflag:s15] =	ssyncadd.s32 @!p1 $0xFFFFD8F0  }
0x27f: {  	[hbm4b:s17+s16] =	stream.linear.scatter @!p1 [tilespmem:s4], [sflag:$0x3], $0x2710, $0x38;
	[tilespmem:$0x1E740] =	vst v63  }
0x280: {  	_ =	swait.ge @!p1 [sflag:s15], $0x2710  }
0x281: {  	s19 =	sadd.s32 $0x1, s19;
	s23 =	rddreg [dreg:$0x10]  }
0x282: {  	p4 =	sne.s32 s19, s23  }
.Ltmp9:
0x283: {  	_ = 	snop;
	(pc) =	sbr.rel @p4 .LBB2_1-.Ltmp9, $3  }
0x284: {  	_ =	sdelay $0x1  }
0x285: {  	[sflag:s15] =	ssyncset.done @!p1 $0x0  }
0x286: {  	s21 =	smov.u32 s26;
	s16 =	stileid.u32;
	[sflag:s15] =	ssyncadd.s32 @!p1 $0xFFFFD8F0  }
0x287: {  	_ =	sfence.sel $0x180000  }
0x288: {  	[bflag:$0x0] =	sbarrier.arrive $0xFFFF  }
0x289: {  	_ =	strace $0x9000004A  }
0x28a: {  	[bflag:$0x2] =	sbarrier.arrive $0xFFFF  }
0x28b: {  	s0 =	rddreg [dreg:$0x4]  }
0x28c: {  	s0 =	sadd.s32 @!p1 $0x100000, s0  }
0x28d: {  	[sflag:s0] =	ssyncadd.tile.s32 @!p1 $0x1;
	_ =	shalt  }
.Lfunc_end2:
_tile_overlayer_lowered:
.L_overlay_start_2:
0x28e: {  	(tag) =	ssettag $0x2  }
0x28f: {  	s0 =	rddreg [dreg:$0x0];
	s2 =	stileid.u32  }
0x290: {  	s1 =	rddreg [dreg:$0x1];
	p0 =	sne.s32 s2, $0x0  }
0x291: {  	s3 =	rddreg [dreg:$0x2];
	[bflag:$0x3] =	sbarrier.arrive $0xFFFF;
	s2 =	simm.s32 @!p0 $0x1C03  }
0x292: {  	[timem:s3], [sflag:s2] =	dma.local @!p0 [hbm:s0], s1  }
0x293: {  	s0 =	simm.s32 @!p0 $0x3  }
0x294: {  	_ =	swait.ge @!p0 [sflag:s0], s1  }
0x295: {  	s1 =	ssub.s32 @!p0 $0x0, s1;
	[sflag:s0] =	ssyncset.done @!p0 $0x0  }
0x296: {  	[sflag:s0] =	ssyncadd.s32 @!p0 s1  }
0x297: {  	[bflag:$0x3] =	sbarrier.arrive $0xFFFF  }
0x298: {  	_ =	shalt  }

// kernel: kernel.15.cloned.1.call-start
scs
__scs_entry_jumppad:
0x0: {  	(pc) =	sbr.rel $0x88, $3  }
0x1: {  	(tag) =	ssettag $0x0;
	lr =	simm.s32 $0x1  }
0x2: {  	[smem:$0x3F9A] =	sst lr;
	_ =	strace $0xD0000000  }
0x3: {  	_ = 	snop  }
0x4: {  	_ = 	snop  }
0x5: {  	_ = 	snop  }
0x6: {  	_ = 	snop  }
0x7: {  	_ = 	snop  }
__scs_overlays_trampoline_lowered:
0x8: {  	[smem:$0x3FA9] =	sst s0  }
0x9: {  	[smem:$0x3FAA] =	sst s1  }
0xa: {  	[smem:$0x3FAB] =	sst s2  }
0xb: {  	[smem:$0x3FAC] =	sst s3  }
0xc: {  	[smem:$0x3FAD] =	sst s4  }
0xd: {  	[smem:$0x3FAE] =	sst s5  }
0xe: {  	[smem:$0x3FAF] =	sst s6  }
0xf: {  	[smem:$0x3FB0] =	sst s7  }
0x10: {  	[smem:$0x3FB1] =	sst s8  }
0x11: {  	[smem:$0x3FB2] =	sst s9;
	s0 =	simm.s32 @!p0 $0x0  }
0x12: {  	s1 =	sld [smem:$0x3F98];
	s0 =	simm.s32 @p0 $0x1  }
0x13: {  	[smem:$0x3FB3] =	sst s0;
	s0 =	simm.s32 @!p1 $0x0  }
0x14: {  	s2 =	sld [smem:$0x3F97];
	s0 =	simm.s32 @p1 $0x1  }
0x15: {  	[smem:$0x3FB4] =	sst s0;
	s0 =	simm.s32 @!p2 $0x0  }
0x16: {  	s3 =	sld [smem:$0x3FDB];
	s0 =	simm.s32 @p2 $0x1  }
0x17: {  	s4 =	simm.s32 $0x1BF5;
	[smem:$0x3FB6] =	sst s0  }
0x18: {  	s0 =	sld [smem:$0x3F99];
	_ =	swait.ge [sflag:s4], $0x0  }
0x19: {  	s7 =	sld [smem:$0x3F9A]  }
0x1a: {  	s8 =	sadd.s32 $0xFFFFE003, lr  }
0x1b: {  	s9 =	sadd.s32 $0xFFFFFEF7, lr;
	s5 =	simm.s32 $0xFFFFFFFF;
	p2 =	slt.u32 s8, $0xFFFFF086  }
0x1c: {  	p1 =	slt.u32 s9, $0xF7A;
	s5 =	simm.s32 @!p2 $0x0  }
0x1d: {  	s5 =	simm.s32 @p1 $0x1;
	p0 =	seq.s32 s7, s2  }
0x1e: {  	s7 =	smul.u32 @!p0 $0xF7A, s2;
	p2 =	seq.s32 @!p0 s5, $0x0  }
0x1f: {  	s9 =	smul.u32 $0xF7A, s1;
	s8 =	simm.s32 @!p0 $0x1BF5;
	p2 =	por !p2, p0  }
0x20: {  	[sflag:s8] =	ssyncset.s32 @!p0 $0xFFFFF086;
	s6 =	sadd.s32 @!p0 s3, s7;
	s7 =	simm.s32 @!p0 $0x108  }
0x21: {  	s3 =	sadd.s32 s3, s9;
	s6 =	sadd.s32 @!p0 $0x88, s6;
	s7 =	simm.s32 @p2 $0x1082  }
0x22: {  	[simem:s7], [sflag:s8] =	dma.local @!p0 [hbm:s6], $0xF7A  }
0x23: {  	s9 =	sor.u32 $0xD0000000, s2;
	s6 =	simm.s32 $0x108;
	_ =	swait.ge @!p0 [sflag:s8], $0x0  }
0x24: {  	s3 =	sadd.s32 $0x88, s3;
	s6 =	simm.s32 @!p1 $0x1082;
	[sflag:s4] =	ssyncset.s32 $0xFFFFF086  }
0x25: {  	[simem:s6], [sflag:s4] =	dma.local [hbm:s3], $0xF7A  }
0x26: {  	[smem:$0x3F9A] =	sst s1;
	(tag) =	ssettag s2;
	_ =	strace s9  }
0x27: {  	s1 =	sld [smem:$0x3FAA]  }
0x28: {  	s2 =	sld [smem:$0x3FAB]  }
0x29: {  	s4 =	sld [smem:$0x3FAD]  }
0x2a: {  	p0 =	seq.s32 s5, $0x0;
	s5 =	sld [smem:$0x3FAE]  }
0x2b: {  	s6 =	sld [smem:$0x3FAF]  }
0x2c: {  	s7 =	sld [smem:$0x3FB0]  }
0x2d: {  	s3 =	simm.s32 $0x108;
	s8 =	sld [smem:$0x3FB1]  }
0x2e: {  	s3 =	simm.s32 @!p0 $0x1082;
	s9 =	sld [smem:$0x3FB2]  }
0x2f: {  	lr =	sadd.s32 s0, s3;
	s0 =	sld [smem:$0x3FA9]  }
0x30: {  	s3 =	sld [smem:$0x3FAC]  }
0x31: {  	[smem:$0x3FB5] =	sst s10  }
0x32: {  	s10 =	sld [smem:$0x3FB3];
	_ =	sdelay $0x3  }
0x33: {  	p0 =	seq.s32 s10, $0x1;
	s10 =	sld [smem:$0x3FB5];
	_ =	sdelay $0x3  }
0x34: {  	[smem:$0x3FB5] =	sst s10  }
0x35: {  	s10 =	sld [smem:$0x3FB4];
	_ =	sdelay $0x3  }
0x36: {  	p1 =	seq.s32 s10, $0x1;
	s10 =	sld [smem:$0x3FB5];
	_ =	sdelay $0x3  }
0x37: {  	[smem:$0x3FB5] =	sst s10  }
0x38: {  	s10 =	sld [smem:$0x3FB6]  }
0x39: {  	_ = 	snop;
	(pc) =	sbr.ind lr, $3  }
0x3a: {  	_ = 	snop  }
0x3b: {  	_ = 	snop  }
0x3c: {  	p2 =	seq.s32 s10, $0x1;
	s10 =	sld [smem:$0x3FB5]  }
0x3d: {  	_ =	shalt  }
0x3e: {  	_ =	shalt  }
0x3f: {  	_ =	shalt  }
0x40: {  	_ =	shalt  }
0x41: {  	_ =	shalt  }
0x42: {  	_ =	shalt  }
0x43: {  	_ =	shalt  }
0x44: {  	_ =	shalt  }
0x45: {  	_ =	shalt  }
0x46: {  	_ =	shalt  }
0x47: {  	_ =	shalt  }
0x48: {  	_ =	shalt  }
0x49: {  	_ =	shalt  }
0x4a: {  	_ =	shalt  }
0x4b: {  	_ =	shalt  }
0x4c: {  	_ =	shalt  }
0x4d: {  	_ =	shalt  }
0x4e: {  	_ =	shalt  }
0x4f: {  	_ =	shalt  }
0x50: {  	_ =	shalt  }
0x51: {  	_ =	shalt  }
0x52: {  	_ =	shalt  }
0x53: {  	_ =	shalt  }
0x54: {  	_ =	shalt  }
0x55: {  	_ =	shalt  }
0x56: {  	_ =	shalt  }
0x57: {  	_ =	shalt  }
0x58: {  	_ =	shalt  }
0x59: {  	_ =	shalt  }
0x5a: {  	_ =	shalt  }
0x5b: {  	_ =	shalt  }
0x5c: {  	_ =	shalt  }
0x5d: {  	_ =	shalt  }
0x5e: {  	_ =	shalt  }
0x5f: {  	_ =	shalt  }
0x60: {  	_ =	shalt  }
0x61: {  	_ =	shalt  }
0x62: {  	_ =	shalt  }
0x63: {  	_ =	shalt  }
0x64: {  	_ =	shalt  }
0x65: {  	_ =	shalt  }
0x66: {  	_ =	shalt  }
0x67: {  	_ =	shalt  }
0x68: {  	_ =	shalt  }
0x69: {  	_ =	shalt  }
0x6a: {  	_ =	shalt  }
0x6b: {  	_ =	shalt  }
0x6c: {  	_ =	shalt  }
0x6d: {  	_ =	shalt  }
0x6e: {  	_ =	shalt  }
0x6f: {  	_ =	shalt  }
0x70: {  	_ =	shalt  }
0x71: {  	_ =	shalt  }
0x72: {  	_ =	shalt  }
0x73: {  	_ =	shalt  }
0x74: {  	_ =	shalt  }
0x75: {  	_ =	shalt  }
0x76: {  	_ =	shalt  }
0x77: {  	_ =	shalt  }
0x78: {  	_ =	shalt  }
0x79: {  	_ =	shalt  }
0x7a: {  	_ =	shalt  }
0x7b: {  	_ =	shalt  }
0x7c: {  	_ =	shalt  }
0x7d: {  	_ =	shalt  }
0x7e: {  	_ =	shalt  }
0x7f: {  	_ =	shalt  }
0x80: {  	_ =	shalt  }
0x81: {  	_ =	shalt  }
0x82: {  	_ =	shalt  }
0x83: {  	_ =	shalt  }
0x84: {  	_ =	shalt  }
0x85: {  	_ =	shalt  }
0x86: {  	_ =	shalt  }
0x87: {  	_ =	shalt  }
.Lfunc_end0:
.L_simem_size_0:
called_computation.2_lowered:
.L_overlay_start_0:
0x88: {  	s2 =	sld [smem:$0x3FD9]  }
0x89: {  	s3 =	sld [smem:$0x3FFE];
	_ =	sdelay $0x1  }
0x8a: {  	s1 =	srdreg.scid  }
0x8b: {  	s0 =	sand.u32 $0x1, s1  }
0x8c: {  	s16 =	sshll.u32 s0, $0xA;
	s2 =	sadd.s32 s3, s2  }
0x8d: {  	s2 =	sadd.s32 s2, s16  }
0x8e: {  	[smem:$0x3FC1] =	sst s2  }
0x8f: {  	_ = 	snop  }
0x90: {  	(tm) =	ssettm $0x1  }
0x91: {  	s17 =	sld [smem:$0x3FFB];
	_ =	sdelay $0x3  }
0x92: {  	_ =	strace s17  }
0x93: {  	s2 =	sld [smem:$0x3FFC];
	_ =	sdelay $0x3  }
0x94: {  	_ =	strace s2  }
0x95: {  	s2 =	sld [smem:$0x3FFD];
	_ =	sdelay $0x3  }
0x96: {  	_ =	strace s2  }
0x97: {  	_ =	strace $0x8FFFFFFF  }
0x98: {  	s18 =	sld [smem:$0x3FDB];
	_ =	sdelay $0x1  }
0x99: {  	s19 =	simm.s32 $_scs_section_size  }
0x9a: {  	s4 =	simm.s32 $_size__tile_overlayer_lowered;
	s5 =	simm.s32 $_tile_overlayer_lowered  }
0x9b: {  	s22 =	simm.s32 $0x1BFF;
	s21 =	sshll.u32 s5, $0x1;
	s2 =	sadd.s32 s19, s18  }
0x9c: {  	s6 =	simm.s32 $0x0;
	s20 =	sshll.u32 s4, $0x1;
	s4 =	sadd.s32 s21, s2  }
0x9d: {  	[timem:s6], [sflag:s22] =	dma.local [hbm:s4], s20  }
0x9e: {  	_ =	swait.ge [sflag:s22], s20  }
0x9f: {  	s3 =	ssub.s32 $0x0, s20;
	[sflag:s22] =	ssyncset.done $0x0  }
0xa0: {  	[sflag:s22] =	ssyncadd.s32 s3;
	_ =	sdelay $0x1  }
0xa1: {  	s23 =	simm.s32 $0x1B8B  }
0xa2: {  	_ =	swait.ge [sflag:s23], $0x1  }
0xa3: {  	[sflag:s23] =	ssyncset.done $0x0  }
0xa4: {  	s25 =	simm.s32 $0x1B8E;
	s24 =	sld [smem:$0x3FFE];
	[sflag:s23] =	ssyncadd.s32 $0xFFFFFFFF  }
0xa5: {  	s26 =	simm.s32 $execute0_lowered;
	[smem:$0x3FD2] =	sst s25  }
0xa6: {  	s4 =	sshll.u32 s26, $0x1;
	_ =	strace $0x8000004C;
	[dreg:$0x1] =	wrdreg $0xFFFFFFFF  }
0xa7: {  	s28 =	simm.s32 $_size_execute0_lowered;
	s2 =	sadd.s32 s2, s4;
	[dreg:$0x0] =	wrdreg $0x0  }
0xa8: {  	s4 =	sshll.u32 s28, $0x1;
	[dreg:$0x2] =	wrdreg s2  }
0xa9: {  	[dreg:$0x3] =	wrdreg s4  }
0xaa: {  	[dreg:$0x4] =	wrdreg $0xC0  }
0xab: {  	_ =	task [dreg:s6], $0x5FFFF  }
0xac: {  	[dreg:$0x1] =	wrdreg $0xFFFFFFFF  }
0xad: {  	[dreg:$0x0] =	wrdreg $0x60  }
0xae: {  	[dreg:$0x2] =	wrdreg s24  }
0xaf: {  	[dreg:$0x3] =	wrdreg $0x6F400  }
0xb0: {  	[dreg:$0x4] =	wrdreg $0x9  }
0xb1: {  	_ =	task.clear_ibuf [dreg:s6], $0x5FFFF;
	_ =	strace $0x9000004C  }
0xb2: {  	s29 =	simm.s32 $0x9;
	_ =	strace $0x8000004E  }
0xb3: {  	_ =	swait.ge [sflag:s29], $0x1  }
0xb4: {  	[sflag:s29] =	ssyncadd.s32 $0xFFFFFFFF  }
0xb5: {  	_ =	strace $0x9000004E  }
0xb6: {  	_ =	sfence  }
0xb7: {  	s30 =	sld [smem:$0x0];
	_ =	sdelay $0x2  }
0xb8: {  	s31 =	sshll.u32 s1, $0xD;
	s1 =	sshrl.u32 s1, $0x2  }
0xb9: {  	s3 =	sand.u32 $0x4000, s31;
	s1 =	sadd.s32 s1, s30  }
0xba: {  	s0 =	sor.u32 s3, s0;
	s1 =	sshll.u32 s1, $0x11  }
0xbb: {  	s0 =	sor.u32 s1, s0  }
0xbc: {  	s0 =	sadd.s32 $0x8F2B, s0  }
0xbd: {  	[sflag:s0] =	ssyncadd.remote.s32 $0x1  }
0xbe: {  	_ =	sfence.sel $0xFFFF  }
0xbf: {  	[dreg:$0x0] =	wrdreg $0xFFFFFFFF;
	(pc) =	sbr.abs _section_cstart, $3  }
0xc0: {  	[dreg:$0x1] =	wrdreg $0xFFFFFFFF  }
0xc1: {  	_ =	task.clear_ibuf [dreg:s6], $0x2FFFF;
	_ =	strace $0x9FFFFFFF  }
0xc2: {  	(tm) =	ssettm $0x7FFFFFFF  }
0xc3: {  	_ =	shalt  }
tec
execute0_lowered:
.L_overlay_start_1:
0x0: {  	(tag) =	ssettag $0x1  }
0x1: {  	s0 =	srdreg.scid;
	s5 =	rddreg [dreg:$0x0]  }
0x2: {  	s9 =	stileid.u32;
	s1 =	rddreg [dreg:$0x1];
	s2 =	simm.s32 $0x0  }
0x3: {  	s12 =	simm.s32 $0x7D;
	s13 =	simm.s32 $0x5000;
	s14 =	simm.s32 $0x53E8  }
0x4: {  	s15 =	simm.s32 $0x57D0;
	s16 =	simm.s32 $0x5BB8;
	s17 =	simm.s32 $0x5FA0  }
0x5: {  	s18 =	simm.s32 $0x6388;
	s19 =	simm.s32 $0x6770;
	s20 =	simm.s32 $0x6B58  }
0x6: {  	s21 =	simm.s32 $0x1;
	s22 =	simm.s32 $0x2;
	s23 =	simm.s32 $0x0  }
0x7: {  	s4 =	sand.u32 $0x1, s0;
	s30 =	sshll.u32 s9, $0x1;
	s0 =	rddreg [dreg:$0x2]  }
0x8: {  	[smem:$0x7FF] =	sst s2;
	p0 =	sne.s32 s9, $0x0;
	s3 =	sor.u32 s4, s30  }
0x9: {  	s9 =	simm.s32 $0x3;
	_ =	strace $0x8000004D;
	s3 =	smul.u32 $0x2800, s3  }
0xa: {  	s6 =	smul.u32 $0x2710, s4;
	s8 =	ssub.s32 $0x2, s4;
	s4 =	sadd.s32 $0x2CC00, s5  }
0xb: {  	s11 =	sshrl.u32 @!p0 s1, $0x3;
	s31 =	sshrl.u32 s8, $0x1;
	s3 =	sshrl.u32 s3, $0x3  }
0xc: {  	s10 =	sadd.s32 s6, s5;
	s8 =	ssub.s32 s8, s31;
	s7 =	sadd.s32 s3, s5  }
0xd: {  	s8 =	smax.u32 s8, $0x1;
	s3 =	sadd.s32 $0x17000, s5;
	s5 =	sadd.s32 $0x2E00, s7  }
0xe: {  	s6 =	sadd.s32 $0xCE00, s7;
	s7 =	sadd.s32 $0x19800, s10;
	s10 =	simm.s32 $0x2800  }
.LBB2_1:
0xf: {  	[tilespmem:s2], [sflag:$0x3] =	stream.linear.gather [hbm4b:s5+s2], $0x2800, $0x38;
	[tilespmem:$0x7428] =	vst v63  }
0x10: {  	_ =	swait.ge [sflag:s9], $0x2800  }
0x11: {  	[sflag:s9] =	ssyncset.done $0x0  }
0x12: {  	[sflag:s9] =	ssyncadd.s32 $0xFFFFD800  }
0x13: {  	[tilespmem:s10], [sflag:$0x3] =	stream.linear.gather [hbm4b:s6+s2], $0x2800, $0x38;
	[tilespmem:$0x7428] =	vst v63  }
0x14: {  	_ =	swait.ge [sflag:s9], $0x2800  }
0x15: {  	[sflag:s9] =	ssyncset.done $0x0  }
0x16: {  	s24 =	simm.s32 @!p0 $0x1C03;
	[sflag:s9] =	ssyncadd.s32 $0xFFFFD800  }
0x17: {  	[spmem:s11], [sflag:s24] =	dma.local @!p0 [hbm:s4], $0x2710  }
0x18: {  	s24 =	simm.s32 @!p0 $0x3  }
0x19: {  	_ =	swait.ge @!p0 [sflag:s24], $0x2710  }
0x1a: {  	[sflag:s24] =	ssyncset.done @!p0 $0x0  }
0x1b: {  	[sflag:s24] =	ssyncadd.s32 @!p0 $0xFFFFD8F0  }
0x1c: {  	s31 =	simm.s32 $0x0;
	[bflag:$0x0] =	sbarrier.arrive $0xFFFF  }
0x1d: {  	[tilespmem:s13], [sflag:$0x1] =	stream.indirect.gather [hbm4b:s3+s12], $0x2, s31, s12, $0xb8;
	[tilespmem:$0x7428] =	vst v63  }
0x1e: {  	s25 =	simm.s32 $0x80  }
0x1f: {  	[tilespmem:s14], [sflag:$0x1] =	stream.indirect.gather [hbm4b:s3+s12], $0x2, s25, s12, $0xb8;
	[tilespmem:$0x7428] =	vst v63  }
0x20: {  	s26 =	simm.s32 $0x100  }
0x21: {  	[tilespmem:s15], [sflag:$0x1] =	stream.indirect.gather [hbm4b:s3+s12], $0x2, s26, s12, $0xb8;
	[tilespmem:$0x7428] =	vst v63  }
0x22: {  	s29 =	simm.s32 $0x180  }
0x23: {  	[tilespmem:s16], [sflag:$0x1] =	stream.indirect.gather [hbm4b:s3+s12], $0x2, s29, s12, $0xb8;
	[tilespmem:$0x7428] =	vst v63  }
0x24: {  	s30 =	simm.s32 $0x200  }
0x25: {  	[tilespmem:s17], [sflag:$0x1] =	stream.indirect.gather [hbm4b:s3+s12], $0x2, s30, s12, $0xb8;
	[tilespmem:$0x7428] =	vst v63  }
0x26: {  	s31 =	simm.s32 $0x280  }
0x27: {  	[tilespmem:s18], [sflag:$0x1] =	stream.indirect.gather [hbm4b:s3+s12], $0x2, s31, s12, $0xb8;
	[tilespmem:$0x7428] =	vst v63  }
0x28: {  	s25 =	simm.s32 $0x300  }
0x29: {  	[tilespmem:s19], [sflag:$0x1] =	stream.indirect.gather [hbm4b:s3+s12], $0x2, s25, s12, $0xb8;
	[tilespmem:$0x7428] =	vst v63  }
0x2a: {  	s26 =	simm.s32 $0x380  }
0x2b: {  	[tilespmem:s20], [sflag:$0x1] =	stream.indirect.gather [hbm4b:s3+s12], $0x2, s26, s12, $0xb8;
	[tilespmem:$0x7428] =	vst v63  }
0x2c: {  	_ =	swait.ge [sflag:s21], $0xFA  }
0x2d: {  	[sflag:s21] =	ssyncset.done $0x0  }
0x2e: {  	s29 =	simm.s32 $0x2800;
	[sflag:s21] =	ssyncadd.s32 $0xFFFFFF06  }
0x2f: {  	[spmem:s1] =	stream.indirect.scatter.add.f32 [tilespmem:s13], [sflag:$0x2], $0x2, s29, s12, $0xb8;
	[tilespmem:$0x7428] =	vst v63  }
0x30: {  	_ =	swait.ge [sflag:s21], $0xFA  }
0x31: {  	[sflag:s21] =	ssyncset.done $0x0  }
0x32: {  	s30 =	simm.s32 $0x2880;
	[sflag:s21] =	ssyncadd.s32 $0xFFFFFF06  }
0x33: {  	[spmem:s1] =	stream.indirect.scatter.add.f32 [tilespmem:s14], [sflag:$0x2], $0x2, s30, s12, $0xb8;
	[tilespmem:$0x7428] =	vst v63  }
0x34: {  	_ =	swait.ge [sflag:s21], $0xFA  }
0x35: {  	[sflag:s21] =	ssyncset.done $0x0  }
0x36: {  	s31 =	simm.s32 $0x2900;
	[sflag:s21] =	ssyncadd.s32 $0xFFFFFF06  }
0x37: {  	[spmem:s1] =	stream.indirect.scatter.add.f32 [tilespmem:s15], [sflag:$0x2], $0x2, s31, s12, $0xb8;
	[tilespmem:$0x7428] =	vst v63  }
0x38: {  	_ =	swait.ge [sflag:s21], $0xFA  }
0x39: {  	[sflag:s21] =	ssyncset.done $0x0  }
0x3a: {  	s25 =	simm.s32 $0x2980;
	[sflag:s21] =	ssyncadd.s32 $0xFFFFFF06  }
0x3b: {  	[spmem:s1] =	stream.indirect.scatter.add.f32 [tilespmem:s16], [sflag:$0x2], $0x2, s25, s12, $0xb8;
	[tilespmem:$0x7428] =	vst v63  }
0x3c: {  	_ =	swait.ge [sflag:s21], $0xFA  }
0x3d: {  	[sflag:s21] =	ssyncset.done $0x0  }
0x3e: {  	s26 =	simm.s32 $0x2A00;
	[sflag:s21] =	ssyncadd.s32 $0xFFFFFF06  }
0x3f: {  	[spmem:s1] =	stream.indirect.scatter.add.f32 [tilespmem:s17], [sflag:$0x2], $0x2, s26, s12, $0xb8;
	[tilespmem:$0x7428] =	vst v63  }
0x40: {  	_ =	swait.ge [sflag:s21], $0xFA  }
0x41: {  	[sflag:s21] =	ssyncset.done $0x0  }
0x42: {  	s29 =	simm.s32 $0x2A80;
	[sflag:s21] =	ssyncadd.s32 $0xFFFFFF06  }
0x43: {  	[spmem:s1] =	stream.indirect.scatter.add.f32 [tilespmem:s18], [sflag:$0x2], $0x2, s29, s12, $0xb8;
	[tilespmem:$0x7428] =	vst v63  }
0x44: {  	_ =	swait.ge [sflag:s21], $0xFA  }
0x45: {  	[sflag:s21] =	ssyncset.done $0x0  }
0x46: {  	s30 =	simm.s32 $0x2B00;
	[sflag:s21] =	ssyncadd.s32 $0xFFFFFF06  }
0x47: {  	[spmem:s1] =	stream.indirect.scatter.add.f32 [tilespmem:s19], [sflag:$0x2], $0x2, s30, s12, $0xb8;
	[tilespmem:$0x7428] =	vst v63  }
0x48: {  	_ =	swait.ge [sflag:s21], $0xFA  }
0x49: {  	[sflag:s21] =	ssyncset.done $0x0  }
0x4a: {  	s31 =	simm.s32 $0x2B80;
	[sflag:s21] =	ssyncadd.s32 $0xFFFFFF06  }
0x4b: {  	[spmem:s1] =	stream.indirect.scatter.add.f32 [tilespmem:s20], [sflag:$0x2], $0x2, s31, s12, $0xb8;
	[tilespmem:$0x7428] =	vst v63  }
0x4c: {  	_ =	swait.ge [sflag:s22], $0xFA  }
0x4d: {  	[sflag:s22] =	ssyncset.done $0x0  }
0x4e: {  	[sflag:s22] =	ssyncadd.s32 $0xFFFFFF06  }
0x4f: {  	_ =	swait.ge [sflag:s22], $0xFA  }
0x50: {  	[sflag:s22] =	ssyncset.done $0x0  }
0x51: {  	[sflag:s22] =	ssyncadd.s32 $0xFFFFFF06  }
0x52: {  	_ =	swait.ge [sflag:s22], $0xFA  }
0x53: {  	[sflag:s22] =	ssyncset.done $0x0  }
0x54: {  	[sflag:s22] =	ssyncadd.s32 $0xFFFFFF06  }
0x55: {  	_ =	swait.ge [sflag:s22], $0xFA  }
0x56: {  	[sflag:s22] =	ssyncset.done $0x0  }
0x57: {  	[sflag:s22] =	ssyncadd.s32 $0xFFFFFF06  }
0x58: {  	_ =	swait.ge [sflag:s22], $0xFA  }
0x59: {  	[sflag:s22] =	ssyncset.done $0x0  }
0x5a: {  	[sflag:s22] =	ssyncadd.s32 $0xFFFFFF06  }
0x5b: {  	_ =	swait.ge [sflag:s22], $0xFA  }
0x5c: {  	[sflag:s22] =	ssyncset.done $0x0  }
0x5d: {  	[sflag:s22] =	ssyncadd.s32 $0xFFFFFF06  }
0x5e: {  	_ =	swait.ge [sflag:s22], $0xFA  }
0x5f: {  	[sflag:s22] =	ssyncset.done $0x0  }
0x60: {  	[sflag:s22] =	ssyncadd.s32 $0xFFFFFF06  }
0x61: {  	_ =	swait.ge [sflag:s22], $0xFA  }
0x62: {  	s28 =	simm.s32 $0x2000;
	s24 =	simm.s32 $0x1000;
	[sflag:s22] =	ssyncset.done $0x0  }
.LBB2_2:
0x63: {  	s26 =	sshra.s32 s24, $0x2  }
0x64: {  	[sflag:s22] =	ssyncadd.s32 $0xFFFFFF06;
	s24 =	smov.u32 s28;
	s25 =	sadd.s32 $0x1000, s28  }
0x65: {  	[tilespmem:s13], [sflag:$0x1] =	stream.indirect.gather [hbm4b:s3+s12], $0x2, s26, s12, $0xb8;
	[tilespmem:$0x7428] =	vst v63  }
0x66: {  	p1 =	sne.s32 s28, $0x9000;
	s28 =	sadd.s32 $0x80, s26  }
0x67: {  	[tilespmem:s14], [sflag:$0x1] =	stream.indirect.gather [hbm4b:s3+s12], $0x2, s28, s12, $0xb8;
	[tilespmem:$0x7428] =	vst v63  }
0x68: {  	s28 =	sadd.s32 $0x100, s26  }
0x69: {  	[tilespmem:s15], [sflag:$0x1] =	stream.indirect.gather [hbm4b:s3+s12], $0x2, s28, s12, $0xb8;
	[tilespmem:$0x7428] =	vst v63  }
0x6a: {  	s28 =	sadd.s32 $0x180, s26  }
0x6b: {  	[tilespmem:s16], [sflag:$0x1] =	stream.indirect.gather [hbm4b:s3+s12], $0x2, s28, s12, $0xb8;
	[tilespmem:$0x7428] =	vst v63  }
0x6c: {  	s28 =	sadd.s32 $0x200, s26  }
0x6d: {  	[tilespmem:s17], [sflag:$0x1] =	stream.indirect.gather [hbm4b:s3+s12], $0x2, s28, s12, $0xb8;
	[tilespmem:$0x7428] =	vst v63  }
0x6e: {  	s28 =	sadd.s32 $0x280, s26  }
0x6f: {  	[tilespmem:s18], [sflag:$0x1] =	stream.indirect.gather [hbm4b:s3+s12], $0x2, s28, s12, $0xb8;
	[tilespmem:$0x7428] =	vst v63  }
0x70: {  	s28 =	sadd.s32 $0x300, s26  }
0x71: {  	[tilespmem:s19], [sflag:$0x1] =	stream.indirect.gather [hbm4b:s3+s12], $0x2, s28, s12, $0xb8;
	[tilespmem:$0x7428] =	vst v63  }
0x72: {  	s28 =	sadd.s32 $0x380, s26  }
0x73: {  	[tilespmem:s20], [sflag:$0x1] =	stream.indirect.gather [hbm4b:s3+s12], $0x2, s28, s12, $0xb8;
	[tilespmem:$0x7428] =	vst v63  }
0x74: {  	_ =	swait.ge [sflag:s21], $0xFA  }
0x75: {  	[sflag:s21] =	ssyncset.done $0x0  }
0x76: {  	s28 =	sadd.s32 $0x2800, s26;
	[sflag:s21] =	ssyncadd.s32 $0xFFFFFF06  }
0x77: {  	[spmem:s1] =	stream.indirect.scatter.add.f32 [tilespmem:s13], [sflag:$0x2], $0x2, s28, s12, $0xb8;
	[tilespmem:$0x7428] =	vst v63  }
0x78: {  	_ =	swait.ge [sflag:s21], $0xFA  }
0x79: {  	[sflag:s21] =	ssyncset.done $0x0  }
0x7a: {  	s28 =	sadd.s32 $0x2880, s26;
	[sflag:s21] =	ssyncadd.s32 $0xFFFFFF06  }
0x7b: {  	[spmem:s1] =	stream.indirect.scatter.add.f32 [tilespmem:s14], [sflag:$0x2], $0x2, s28, s12, $0xb8;
	[tilespmem:$0x7428] =	vst v63  }
0x7c: {  	_ =	swait.ge [sflag:s21], $0xFA  }
0x7d: {  	[sflag:s21] =	ssyncset.done $0x0  }
0x7e: {  	s28 =	sadd.s32 $0x2900, s26;
	[sflag:s21] =	ssyncadd.s32 $0xFFFFFF06  }
0x7f: {  	[spmem:s1] =	stream.indirect.scatter.add.f32 [tilespmem:s15], [sflag:$0x2], $0x2, s28, s12, $0xb8;
	[tilespmem:$0x7428] =	vst v63  }
0x80: {  	_ =	swait.ge [sflag:s21], $0xFA  }
0x81: {  	[sflag:s21] =	ssyncset.done $0x0  }
0x82: {  	s28 =	sadd.s32 $0x2980, s26;
	[sflag:s21] =	ssyncadd.s32 $0xFFFFFF06  }
0x83: {  	[spmem:s1] =	stream.indirect.scatter.add.f32 [tilespmem:s16], [sflag:$0x2], $0x2, s28, s12, $0xb8;
	[tilespmem:$0x7428] =	vst v63  }
0x84: {  	_ =	swait.ge [sflag:s21], $0xFA  }
0x85: {  	[sflag:s21] =	ssyncset.done $0x0  }
0x86: {  	s28 =	sadd.s32 $0x2A00, s26;
	[sflag:s21] =	ssyncadd.s32 $0xFFFFFF06  }
0x87: {  	[spmem:s1] =	stream.indirect.scatter.add.f32 [tilespmem:s17], [sflag:$0x2], $0x2, s28, s12, $0xb8;
	[tilespmem:$0x7428] =	vst v63  }
0x88: {  	_ =	swait.ge [sflag:s21], $0xFA  }
0x89: {  	[sflag:s21] =	ssyncset.done $0x0  }
0x8a: {  	s28 =	sadd.s32 $0x2A80, s26;
	[sflag:s21] =	ssyncadd.s32 $0xFFFFFF06  }
0x8b: {  	[spmem:s1] =	stream.indirect.scatter.add.f32 [tilespmem:s18], [sflag:$0x2], $0x2, s28, s12, $0xb8;
	[tilespmem:$0x7428] =	vst v63  }
0x8c: {  	_ =	swait.ge [sflag:s21], $0xFA  }
0x8d: {  	[sflag:s21] =	ssyncset.done $0x0  }
0x8e: {  	s28 =	sadd.s32 $0x2B00, s26;
	[sflag:s21] =	ssyncadd.s32 $0xFFFFFF06  }
0x8f: {  	[spmem:s1] =	stream.indirect.scatter.add.f32 [tilespmem:s19], [sflag:$0x2], $0x2, s28, s12, $0xb8;
	[tilespmem:$0x7428] =	vst v63  }
0x90: {  	_ =	swait.ge [sflag:s21], $0xFA  }
0x91: {  	[sflag:s21] =	ssyncset.done $0x0  }
0x92: {  	s26 =	sadd.s32 $0x2B80, s26;
	[sflag:s21] =	ssyncadd.s32 $0xFFFFFF06  }
0x93: {  	[spmem:s1] =	stream.indirect.scatter.add.f32 [tilespmem:s20], [sflag:$0x2], $0x2, s26, s12, $0xb8;
	[tilespmem:$0x7428] =	vst v63  }
0x94: {  	_ =	swait.ge [sflag:s22], $0xFA  }
0x95: {  	[sflag:s22] =	ssyncset.done $0x0  }
0x96: {  	[sflag:s22] =	ssyncadd.s32 $0xFFFFFF06  }
0x97: {  	_ =	swait.ge [sflag:s22], $0xFA  }
0x98: {  	[sflag:s22] =	ssyncset.done $0x0  }
0x99: {  	[sflag:s22] =	ssyncadd.s32 $0xFFFFFF06  }
0x9a: {  	_ =	swait.ge [sflag:s22], $0xFA  }
0x9b: {  	[sflag:s22] =	ssyncset.done $0x0  }
0x9c: {  	[sflag:s22] =	ssyncadd.s32 $0xFFFFFF06  }
0x9d: {  	_ =	swait.ge [sflag:s22], $0xFA  }
0x9e: {  	[sflag:s22] =	ssyncset.done $0x0  }
0x9f: {  	[sflag:s22] =	ssyncadd.s32 $0xFFFFFF06  }
0xa0: {  	_ =	swait.ge [sflag:s22], $0xFA  }
0xa1: {  	[sflag:s22] =	ssyncset.done $0x0  }
0xa2: {  	[sflag:s22] =	ssyncadd.s32 $0xFFFFFF06  }
0xa3: {  	_ =	swait.ge [sflag:s22], $0xFA  }
0xa4: {  	[sflag:s22] =	ssyncset.done $0x0  }
0xa5: {  	[sflag:s22] =	ssyncadd.s32 $0xFFFFFF06  }
.Ltmp0:
0xa6: {  	_ =	swait.ge [sflag:s22], $0xFA;
	(pc) =	sbr.rel @p1 .LBB2_2-.Ltmp0, $4  }
0xa7: {  	[sflag:s22] =	ssyncset.done $0x0  }
0xa8: {  	[sflag:s22] =	ssyncadd.s32 $0xFFFFFF06  }
0xa9: {  	_ =	swait.ge [sflag:s22], $0xFA  }
0xaa: {  	s28 =	smov.u32 s25;
	[sflag:s22] =	ssyncset.done $0x0  }
0xab: {  	s24 =	sshra.s32 s24, $0x2;
	[sflag:s22] =	ssyncadd.s32 $0xFFFFFF06  }
0xac: {  	[tilespmem:s13], [sflag:$0x1] =	stream.indirect.gather [hbm4b:s3+s12], $0x2, s24, s12, $0xb8;
	[tilespmem:$0x7428] =	vst v63  }
0xad: {  	s25 =	sadd.s32 $0x80, s24  }
0xae: {  	[tilespmem:s14], [sflag:$0x1] =	stream.indirect.gather [hbm4b:s3+s12], $0x2, s25, s12, $0xb8;
	[tilespmem:$0x7428] =	vst v63  }
0xaf: {  	s29 =	sadd.s32 $0x100, s24  }
0xb0: {  	[tilespmem:s15], [sflag:$0x1] =	stream.indirect.gather [hbm4b:s3+s12], $0x2, s29, s12, $0xb8;
	[tilespmem:$0x7428] =	vst v63  }
0xb1: {  	s30 =	sadd.s32 $0x180, s24  }
0xb2: {  	[tilespmem:s16], [sflag:$0x1] =	stream.indirect.gather [hbm4b:s3+s12], $0x2, s30, s12, $0xb8;
	[tilespmem:$0x7428] =	vst v63  }
0xb3: {  	s31 =	sadd.s32 $0x200, s24  }
0xb4: {  	[tilespmem:s17], [sflag:$0x1] =	stream.indirect.gather [hbm4b:s3+s12], $0x2, s31, s12, $0xb8;
	[tilespmem:$0x7428] =	vst v63  }
0xb5: {  	s26 =	sadd.s32 $0x280, s24  }
0xb6: {  	[tilespmem:s18], [sflag:$0x1] =	stream.indirect.gather [hbm4b:s3+s12], $0x2, s26, s12, $0xb8;
	[tilespmem:$0x7428] =	vst v63  }
0xb7: {  	s28 =	sadd.s32 $0x300, s24  }
0xb8: {  	[tilespmem:s19], [sflag:$0x1] =	stream.indirect.gather [hbm4b:s3+s12], $0x2, s28, s12, $0xb8;
	[tilespmem:$0x7428] =	vst v63  }
0xb9: {  	s29 =	sadd.s32 $0x380, s24  }
0xba: {  	[tilespmem:s20], [sflag:$0x1] =	stream.indirect.gather [hbm4b:s3+s12], $0x2, s29, s12, $0xb8;
	[tilespmem:$0x7428] =	vst v63  }
0xbb: {  	_ =	swait.ge [sflag:s21], $0xFA  }
0xbc: {  	[sflag:s21] =	ssyncset.done $0x0  }
0xbd: {  	s30 =	sadd.s32 $0x2800, s24;
	[sflag:s21] =	ssyncadd.s32 $0xFFFFFF06  }
0xbe: {  	[spmem:s1] =	stream.indirect.scatter.add.f32 [tilespmem:s13], [sflag:$0x2], $0x2, s30, s12, $0xb8;
	[tilespmem:$0x7428] =	vst v63  }
0xbf: {  	_ =	swait.ge [sflag:s21], $0xFA  }
0xc0: {  	[sflag:s21] =	ssyncset.done $0x0  }
0xc1: {  	s31 =	sadd.s32 $0x2880, s24;
	[sflag:s21] =	ssyncadd.s32 $0xFFFFFF06  }
0xc2: {  	[spmem:s1] =	stream.indirect.scatter.add.f32 [tilespmem:s14], [sflag:$0x2], $0x2, s31, s12, $0xb8;
	[tilespmem:$0x7428] =	vst v63  }
0xc3: {  	_ =	swait.ge [sflag:s21], $0xFA  }
0xc4: {  	[sflag:s21] =	ssyncset.done $0x0  }
0xc5: {  	s26 =	sadd.s32 $0x2900, s24;
	[sflag:s21] =	ssyncadd.s32 $0xFFFFFF06  }
0xc6: {  	[spmem:s1] =	stream.indirect.scatter.add.f32 [tilespmem:s15], [sflag:$0x2], $0x2, s26, s12, $0xb8;
	[tilespmem:$0x7428] =	vst v63  }
0xc7: {  	_ =	swait.ge [sflag:s21], $0xFA  }
0xc8: {  	[sflag:s21] =	ssyncset.done $0x0  }
0xc9: {  	s28 =	sadd.s32 $0x2980, s24;
	[sflag:s21] =	ssyncadd.s32 $0xFFFFFF06  }
0xca: {  	[spmem:s1] =	stream.indirect.scatter.add.f32 [tilespmem:s16], [sflag:$0x2], $0x2, s28, s12, $0xb8;
	[tilespmem:$0x7428] =	vst v63  }
0xcb: {  	_ =	swait.ge [sflag:s21], $0xFA  }
0xcc: {  	[sflag:s21] =	ssyncset.done $0x0  }
0xcd: {  	s29 =	sadd.s32 $0x2A00, s24;
	[sflag:s21] =	ssyncadd.s32 $0xFFFFFF06  }
0xce: {  	[spmem:s1] =	stream.indirect.scatter.add.f32 [tilespmem:s17], [sflag:$0x2], $0x2, s29, s12, $0xb8;
	[tilespmem:$0x7428] =	vst v63  }
0xcf: {  	_ =	swait.ge [sflag:s21], $0xFA  }
0xd0: {  	[sflag:s21] =	ssyncset.done $0x0  }
0xd1: {  	s30 =	sadd.s32 $0x2A80, s24;
	[sflag:s21] =	ssyncadd.s32 $0xFFFFFF06  }
0xd2: {  	[spmem:s1] =	stream.indirect.scatter.add.f32 [tilespmem:s18], [sflag:$0x2], $0x2, s30, s12, $0xb8;
	[tilespmem:$0x7428] =	vst v63  }
0xd3: {  	_ =	swait.ge [sflag:s21], $0xFA  }
0xd4: {  	[sflag:s21] =	ssyncset.done $0x0  }
0xd5: {  	s31 =	sadd.s32 $0x2B00, s24;
	[sflag:s21] =	ssyncadd.s32 $0xFFFFFF06  }
0xd6: {  	[spmem:s1] =	stream.indirect.scatter.add.f32 [tilespmem:s19], [sflag:$0x2], $0x2, s31, s12, $0xb8;
	[tilespmem:$0x7428] =	vst v63  }
0xd7: {  	_ =	swait.ge [sflag:s21], $0xFA  }
0xd8: {  	[sflag:s21] =	ssyncset.done $0x0  }
0xd9: {  	s24 =	sadd.s32 $0x2B80, s24;
	[sflag:s21] =	ssyncadd.s32 $0xFFFFFF06  }
0xda: {  	[spmem:s1] =	stream.indirect.scatter.add.f32 [tilespmem:s20], [sflag:$0x2], $0x2, s24, s12, $0xb8;
	[tilespmem:$0x7428] =	vst v63  }
0xdb: {  	_ =	swait.ge [sflag:s22], $0xFA  }
0xdc: {  	[sflag:s22] =	ssyncset.done $0x0  }
0xdd: {  	[sflag:s22] =	ssyncadd.s32 $0xFFFFFF06  }
0xde: {  	_ =	swait.ge [sflag:s22], $0xFA  }
0xdf: {  	[sflag:s22] =	ssyncset.done $0x0  }
0xe0: {  	[sflag:s22] =	ssyncadd.s32 $0xFFFFFF06  }
0xe1: {  	_ =	swait.ge [sflag:s22], $0xFA  }
0xe2: {  	[sflag:s22] =	ssyncset.done $0x0  }
0xe3: {  	[sflag:s22] =	ssyncadd.s32 $0xFFFFFF06  }
0xe4: {  	_ =	swait.ge [sflag:s22], $0xFA  }
0xe5: {  	[sflag:s22] =	ssyncset.done $0x0  }
0xe6: {  	[sflag:s22] =	ssyncadd.s32 $0xFFFFFF06  }
0xe7: {  	_ =	swait.ge [sflag:s22], $0xFA  }
0xe8: {  	[sflag:s22] =	ssyncset.done $0x0  }
0xe9: {  	[sflag:s22] =	ssyncadd.s32 $0xFFFFFF06  }
0xea: {  	_ =	swait.ge [sflag:s22], $0xFA  }
0xeb: {  	[sflag:s22] =	ssyncset.done $0x0  }
0xec: {  	[sflag:s22] =	ssyncadd.s32 $0xFFFFFF06  }
0xed: {  	_ =	swait.ge [sflag:s22], $0xFA  }
0xee: {  	[sflag:s22] =	ssyncset.done $0x0  }
0xef: {  	[sflag:s22] =	ssyncadd.s32 $0xFFFFFF06  }
0xf0: {  	_ =	swait.ge [sflag:s22], $0xFA  }
0xf1: {  	[sflag:s22] =	ssyncset.done $0x0  }
0xf2: {  	s23 =	sadd.s32 $0x1, s23;
	[sflag:s22] =	ssyncadd.s32 $0xFFFFFF06  }
0xf3: {  	p1 =	sne.s32 s23, s8;
	s24 =	simm.s32 @!p0 $0x1C03;
	[bflag:$0x0] =	sbarrier.arrive $0xFFFF  }
0xf4: {  	[hbm:s7], [sflag:s24] =	dma.local @!p0 [spmem:s11], $0x2710  }
.Ltmp1:
0xf5: {  	_ = 	snop;
	(pc) =	sbr.rel @p1 .LBB2_1-.Ltmp1, $4  }
0xf6: {  	s24 =	simm.s32 @!p0 $0x3  }
0xf7: {  	_ =	swait.ge @!p0 [sflag:s24], $0x2710  }
0xf8: {  	[sflag:s24] =	ssyncset.done @!p0 $0x0  }
0xf9: {  	[sflag:s24] =	ssyncadd.s32 @!p0 $0xFFFFD8F0  }
0xfa: {  	_ =	sfence.sel $0x180000  }
0xfb: {  	[bflag:$0x0] =	sbarrier.arrive $0xFFFF  }
0xfc: {  	_ =	strace $0x9000004D  }
0xfd: {  	s0 =	sadd.s32 @!p0 $0x100000, s0;
	[bflag:$0x2] =	sbarrier.arrive $0xFFFF  }
0xfe: {  	[sflag:s0] =	ssyncadd.tile.s32 @!p0 $0x1;
	_ =	shalt  }
.Lfunc_end2:
_tile_overlayer_lowered:
.L_overlay_start_2:
0xff: {  	(tag) =	ssettag $0x2  }
0x100: {  	s0 =	rddreg [dreg:$0x0];
	s2 =	stileid.u32  }
0x101: {  	s1 =	rddreg [dreg:$0x1];
	p0 =	sne.s32 s2, $0x0  }
0x102: {  	s3 =	rddreg [dreg:$0x2];
	[bflag:$0x3] =	sbarrier.arrive $0xFFFF;
	s2 =	simm.s32 @!p0 $0x1C03  }
0x103: {  	[timem:s3], [sflag:s2] =	dma.local @!p0 [hbm:s0], s1  }
0x104: {  	s0 =	simm.s32 @!p0 $0x3  }
0x105: {  	_ =	swait.ge @!p0 [sflag:s0], s1  }
0x106: {  	s1 =	ssub.s32 @!p0 $0x0, s1;
	[sflag:s0] =	ssyncset.done @!p0 $0x0  }
0x107: {  	[sflag:s0] =	ssyncadd.s32 @!p0 s1  }
0x108: {  	[bflag:$0x3] =	sbarrier.arrive $0xFFFF  }
0x109: {  	_ =	shalt  }

// kernel: kernel.9.cloned.1.call-start
scs
__scs_entry_jumppad:
0x0: {  	(pc) =	sbr.rel $0x88, $3  }
0x1: {  	(tag) =	ssettag $0x0;
	lr =	simm.s32 $0x1  }
0x2: {  	[smem:$0x3F9A] =	sst lr;
	_ =	strace $0xD0000000  }
0x3: {  	_ = 	snop  }
0x4: {  	_ = 	snop  }
0x5: {  	_ = 	snop  }
0x6: {  	_ = 	snop  }
0x7: {  	_ = 	snop  }
__scs_overlays_trampoline_lowered:
0x8: {  	[smem:$0x3FA9] =	sst s0  }
0x9: {  	[smem:$0x3FAA] =	sst s1  }
0xa: {  	[smem:$0x3FAB] =	sst s2  }
0xb: {  	[smem:$0x3FAC] =	sst s3  }
0xc: {  	[smem:$0x3FAD] =	sst s4  }
0xd: {  	[smem:$0x3FAE] =	sst s5  }
0xe: {  	[smem:$0x3FAF] =	sst s6  }
0xf: {  	[smem:$0x3FB0] =	sst s7  }
0x10: {  	[smem:$0x3FB1] =	sst s8  }
0x11: {  	[smem:$0x3FB2] =	sst s9;
	s0 =	simm.s32 @!p0 $0x0  }
0x12: {  	s1 =	sld [smem:$0x3F98];
	s0 =	simm.s32 @p0 $0x1  }
0x13: {  	[smem:$0x3FB3] =	sst s0;
	s0 =	simm.s32 @!p1 $0x0  }
0x14: {  	s2 =	sld [smem:$0x3F97];
	s0 =	simm.s32 @p1 $0x1  }
0x15: {  	[smem:$0x3FB4] =	sst s0;
	s0 =	simm.s32 @!p2 $0x0  }
0x16: {  	s3 =	sld [smem:$0x3FDB];
	s0 =	simm.s32 @p2 $0x1  }
0x17: {  	s4 =	simm.s32 $0x1BF5;
	[smem:$0x3FB6] =	sst s0  }
0x18: {  	s0 =	sld [smem:$0x3F99];
	_ =	swait.ge [sflag:s4], $0x0  }
0x19: {  	s7 =	sld [smem:$0x3F9A]  }
0x1a: {  	s8 =	sadd.s32 $0xFFFFE003, lr  }
0x1b: {  	s9 =	sadd.s32 $0xFFFFFEF7, lr;
	s5 =	simm.s32 $0xFFFFFFFF;
	p2 =	slt.u32 s8, $0xFFFFF086  }
0x1c: {  	p1 =	slt.u32 s9, $0xF7A;
	s5 =	simm.s32 @!p2 $0x0  }
0x1d: {  	s5 =	simm.s32 @p1 $0x1;
	p0 =	seq.s32 s7, s2  }
0x1e: {  	s7 =	smul.u32 @!p0 $0xF7A, s2;
	p2 =	seq.s32 @!p0 s5, $0x0  }
0x1f: {  	s9 =	smul.u32 $0xF7A, s1;
	s8 =	simm.s32 @!p0 $0x1BF5;
	p2 =	por !p2, p0  }
0x20: {  	[sflag:s8] =	ssyncset.s32 @!p0 $0xFFFFF086;
	s6 =	sadd.s32 @!p0 s3, s7;
	s7 =	simm.s32 @!p0 $0x108  }
0x21: {  	s3 =	sadd.s32 s3, s9;
	s6 =	sadd.s32 @!p0 $0x88, s6;
	s7 =	simm.s32 @p2 $0x1082  }
0x22: {  	[simem:s7], [sflag:s8] =	dma.local @!p0 [hbm:s6], $0xF7A  }
0x23: {  	s9 =	sor.u32 $0xD0000000, s2;
	s6 =	simm.s32 $0x108;
	_ =	swait.ge @!p0 [sflag:s8], $0x0  }
0x24: {  	s3 =	sadd.s32 $0x88, s3;
	s6 =	simm.s32 @!p1 $0x1082;
	[sflag:s4] =	ssyncset.s32 $0xFFFFF086  }
0x25: {  	[simem:s6], [sflag:s4] =	dma.local [hbm:s3], $0xF7A  }
0x26: {  	[smem:$0x3F9A] =	sst s1;
	(tag) =	ssettag s2;
	_ =	strace s9  }
0x27: {  	s1 =	sld [smem:$0x3FAA]  }
0x28: {  	s2 =	sld [smem:$0x3FAB]  }
0x29: {  	s4 =	sld [smem:$0x3FAD]  }
0x2a: {  	p0 =	seq.s32 s5, $0x0;
	s5 =	sld [smem:$0x3FAE]  }
0x2b: {  	s6 =	sld [smem:$0x3FAF]  }
0x2c: {  	s7 =	sld [smem:$0x3FB0]  }
0x2d: {  	s3 =	simm.s32 $0x108;
	s8 =	sld [smem:$0x3FB1]  }
0x2e: {  	s3 =	simm.s32 @!p0 $0x1082;
	s9 =	sld [smem:$0x3FB2]  }
0x2f: {  	lr =	sadd.s32 s0, s3;
	s0 =	sld [smem:$0x3FA9]  }
0x30: {  	s3 =	sld [smem:$0x3FAC]  }
0x31: {  	[smem:$0x3FB5] =	sst s10  }
0x32: {  	s10 =	sld [smem:$0x3FB3];
	_ =	sdelay $0x3  }
0x33: {  	p0 =	seq.s32 s10, $0x1;
	s10 =	sld [smem:$0x3FB5];
	_ =	sdelay $0x3  }
0x34: {  	[smem:$0x3FB5] =	sst s10  }
0x35: {  	s10 =	sld [smem:$0x3FB4];
	_ =	sdelay $0x3  }
0x36: {  	p1 =	seq.s32 s10, $0x1;
	s10 =	sld [smem:$0x3FB5];
	_ =	sdelay $0x3  }
0x37: {  	[smem:$0x3FB5] =	sst s10  }
0x38: {  	s10 =	sld [smem:$0x3FB6]  }
0x39: {  	_ = 	snop;
	(pc) =	sbr.ind lr, $3  }
0x3a: {  	_ = 	snop  }
0x3b: {  	_ = 	snop  }
0x3c: {  	p2 =	seq.s32 s10, $0x1;
	s10 =	sld [smem:$0x3FB5]  }
0x3d: {  	_ =	shalt  }
0x3e: {  	_ =	shalt  }
0x3f: {  	_ =	shalt  }
0x40: {  	_ =	shalt  }
0x41: {  	_ =	shalt  }
0x42: {  	_ =	shalt  }
0x43: {  	_ =	shalt  }
0x44: {  	_ =	shalt  }
0x45: {  	_ =	shalt  }
0x46: {  	_ =	shalt  }
0x47: {  	_ =	shalt  }
0x48: {  	_ =	shalt  }
0x49: {  	_ =	shalt  }
0x4a: {  	_ =	shalt  }
0x4b: {  	_ =	shalt  }
0x4c: {  	_ =	shalt  }
0x4d: {  	_ =	shalt  }
0x4e: {  	_ =	shalt  }
0x4f: {  	_ =	shalt  }
0x50: {  	_ =	shalt  }
0x51: {  	_ =	shalt  }
0x52: {  	_ =	shalt  }
0x53: {  	_ =	shalt  }
0x54: {  	_ =	shalt  }
0x55: {  	_ =	shalt  }
0x56: {  	_ =	shalt  }
0x57: {  	_ =	shalt  }
0x58: {  	_ =	shalt  }
0x59: {  	_ =	shalt  }
0x5a: {  	_ =	shalt  }
0x5b: {  	_ =	shalt  }
0x5c: {  	_ =	shalt  }
0x5d: {  	_ =	shalt  }
0x5e: {  	_ =	shalt  }
0x5f: {  	_ =	shalt  }
0x60: {  	_ =	shalt  }
0x61: {  	_ =	shalt  }
0x62: {  	_ =	shalt  }
0x63: {  	_ =	shalt  }
0x64: {  	_ =	shalt  }
0x65: {  	_ =	shalt  }
0x66: {  	_ =	shalt  }
0x67: {  	_ =	shalt  }
0x68: {  	_ =	shalt  }
0x69: {  	_ =	shalt  }
0x6a: {  	_ =	shalt  }
0x6b: {  	_ =	shalt  }
0x6c: {  	_ =	shalt  }
0x6d: {  	_ =	shalt  }
0x6e: {  	_ =	shalt  }
0x6f: {  	_ =	shalt  }
0x70: {  	_ =	shalt  }
0x71: {  	_ =	shalt  }
0x72: {  	_ =	shalt  }
0x73: {  	_ =	shalt  }
0x74: {  	_ =	shalt  }
0x75: {  	_ =	shalt  }
0x76: {  	_ =	shalt  }
0x77: {  	_ =	shalt  }
0x78: {  	_ =	shalt  }
0x79: {  	_ =	shalt  }
0x7a: {  	_ =	shalt  }
0x7b: {  	_ =	shalt  }
0x7c: {  	_ =	shalt  }
0x7d: {  	_ =	shalt  }
0x7e: {  	_ =	shalt  }
0x7f: {  	_ =	shalt  }
0x80: {  	_ =	shalt  }
0x81: {  	_ =	shalt  }
0x82: {  	_ =	shalt  }
0x83: {  	_ =	shalt  }
0x84: {  	_ =	shalt  }
0x85: {  	_ =	shalt  }
0x86: {  	_ =	shalt  }
0x87: {  	_ =	shalt  }
.Lfunc_end0:
.L_simem_size_0:
called_computation_lowered:
.L_overlay_start_0:
0x88: {  	s2 =	sld [smem:$0x3FD9]  }
0x89: {  	s3 =	sld [smem:$0x3FFE];
	_ =	sdelay $0x1  }
0x8a: {  	s1 =	srdreg.scid  }
0x8b: {  	s0 =	sand.u32 $0x1, s1  }
0x8c: {  	s16 =	sshll.u32 s0, $0xA;
	s2 =	sadd.s32 s3, s2  }
0x8d: {  	s2 =	sadd.s32 s2, s16  }
0x8e: {  	[smem:$0x3FC1] =	sst s2  }
0x8f: {  	_ = 	snop  }
0x90: {  	(tm) =	ssettm $0x1  }
0x91: {  	s17 =	sld [smem:$0x3FFB];
	_ =	sdelay $0x3  }
0x92: {  	_ =	strace s17  }
0x93: {  	s2 =	sld [smem:$0x3FFC];
	_ =	sdelay $0x3  }
0x94: {  	_ =	strace s2  }
0x95: {  	s2 =	sld [smem:$0x3FFD];
	_ =	sdelay $0x3  }
0x96: {  	_ =	strace s2  }
0x97: {  	_ =	strace $0x8FFFFFFF  }
0x98: {  	s18 =	sld [smem:$0x3FDB];
	_ =	sdelay $0x1  }
0x99: {  	s19 =	simm.s32 $_scs_section_size  }
0x9a: {  	s4 =	simm.s32 $_size__tile_overlayer_lowered;
	s5 =	simm.s32 $_tile_overlayer_lowered  }
0x9b: {  	s22 =	simm.s32 $0x1BFF;
	s21 =	sshll.u32 s5, $0x1;
	s2 =	sadd.s32 s19, s18  }
0x9c: {  	s6 =	simm.s32 $0x0;
	s20 =	sshll.u32 s4, $0x1;
	s4 =	sadd.s32 s21, s2  }
0x9d: {  	[timem:s6], [sflag:s22] =	dma.local [hbm:s4], s20  }
0x9e: {  	_ =	swait.ge [sflag:s22], s20  }
0x9f: {  	s3 =	ssub.s32 $0x0, s20;
	[sflag:s22] =	ssyncset.done $0x0  }
0xa0: {  	[sflag:s22] =	ssyncadd.s32 s3;
	_ =	sdelay $0x1  }
0xa1: {  	s23 =	simm.s32 $0x1B8B  }
0xa2: {  	_ =	swait.ge [sflag:s23], $0x1  }
0xa3: {  	[sflag:s23] =	ssyncset.done $0x0  }
0xa4: {  	s25 =	simm.s32 $0x1B8E;
	s24 =	sld [smem:$0x3FFE];
	[sflag:s23] =	ssyncadd.s32 $0xFFFFFFFF  }
0xa5: {  	s26 =	simm.s32 $execute0_lowered;
	[smem:$0x3FD2] =	sst s25  }
0xa6: {  	s4 =	sshll.u32 s26, $0x1;
	_ =	strace $0x80000046;
	[dreg:$0x1] =	wrdreg $0xFFFFFFFF  }
0xa7: {  	s28 =	simm.s32 $_size_execute0_lowered;
	s2 =	sadd.s32 s2, s4;
	[dreg:$0x0] =	wrdreg $0x0  }
0xa8: {  	s4 =	sshll.u32 s28, $0x1;
	[dreg:$0x2] =	wrdreg s2  }
0xa9: {  	[dreg:$0x3] =	wrdreg s4  }
0xaa: {  	[dreg:$0x4] =	wrdreg $0xC0  }
0xab: {  	_ =	task [dreg:s6], $0x5FFFF  }
0xac: {  	[dreg:$0x1] =	wrdreg $0xFFFFFFFF  }
0xad: {  	[dreg:$0x0] =	wrdreg $0x60  }
0xae: {  	[dreg:$0x2] =	wrdreg s24  }
0xaf: {  	[dreg:$0x3] =	wrdreg $0x77E00  }
0xb0: {  	[dreg:$0x4] =	wrdreg $0x9  }
0xb1: {  	_ =	task.clear_ibuf [dreg:s6], $0x5FFFF;
	_ =	strace $0x90000046  }
0xb2: {  	s29 =	simm.s32 $0x9;
	_ =	strace $0x80000048  }
0xb3: {  	_ =	swait.ge [sflag:s29], $0x1  }
0xb4: {  	[sflag:s29] =	ssyncadd.s32 $0xFFFFFFFF  }
0xb5: {  	_ =	strace $0x90000048  }
0xb6: {  	_ =	sfence  }
0xb7: {  	s30 =	sld [smem:$0x0];
	_ =	sdelay $0x2  }
0xb8: {  	s31 =	sshll.u32 s1, $0xD;
	s1 =	sshrl.u32 s1, $0x2  }
0xb9: {  	s3 =	sand.u32 $0x4000, s31;
	s1 =	sadd.s32 s1, s30  }
0xba: {  	s0 =	sor.u32 s3, s0;
	s1 =	sshll.u32 s1, $0x11  }
0xbb: {  	s0 =	sor.u32 s1, s0  }
0xbc: {  	s0 =	sadd.s32 $0x8F2B, s0  }
0xbd: {  	[sflag:s0] =	ssyncadd.remote.s32 $0x1  }
0xbe: {  	_ =	sfence.sel $0xFFFF  }
0xbf: {  	[dreg:$0x0] =	wrdreg $0xFFFFFFFF;
	(pc) =	sbr.abs _section_cstart, $3  }
0xc0: {  	[dreg:$0x1] =	wrdreg $0xFFFFFFFF  }
0xc1: {  	_ =	task.clear_ibuf [dreg:s6], $0x2FFFF;
	_ =	strace $0x9FFFFFFF  }
0xc2: {  	(tm) =	ssettm $0x7FFFFFFF  }
0xc3: {  	_ =	shalt  }
tec
execute0_lowered:
.L_overlay_start_1:
0x0: {  	(tag) =	ssettag $0x1  }
0x1: {  	s5 =	rddreg [dreg:$0x0]  }
0x2: {  	s1 =	rddreg [dreg:$0x1]  }
0x3: {  	s0 =	rddreg [dreg:$0x2]  }
0x4: {  	s2 =	simm.s32 $0x0;
	s3 =	srdreg.scid;
	s16 =	stileid.u32  }
0x5: {  	s22 =	simm.s32 $0x1;
	s23 =	simm.s32 $0x0;
	[smem:$0x7FF] =	sst s2  }
0x6: {  	s6 =	sand.u32 $0x1, s3;
	s30 =	sshll.u32 s16, $0x1;
	s12 =	sadd.s32 $0x3E600, s5  }
0x7: {  	s3 =	sadd.s32 $0x16E00, s5;
	s7 =	smul.u32 $0x4E2, s6;
	s19 =	sor.u32 s6, s30  }
0x8: {  	s4 =	sadd.s32 $0x3E000, s5;
	s13 =	sadd.s32 $0x3F600, s5;
	s8 =	smul.u32 $0x2800, s19  }
0x9: {  	p0 =	sne.s32 s16, $0x0;
	s9 =	smul.u32 $0xA, s19;
	s10 =	sor.u32 $0x20, s19  }
0xa: {  	s16 =	simm.s32 $0x2;
	_ =	strace $0x80000047;
	s11 =	smul.u32 $0xA, s10  }
0xb: {  	s6 =	ssub.s32 $0x2, s6;
	s31 =	sor.u32 $0x40, s19;
	s10 =	smul.u32 $0x500, s10  }
0xc: {  	s15 =	sshrl.u32 s6, $0x1;
	s20 =	sor.u32 $0x60, s19;
	s17 =	smul.u32 $0xA, s31  }
0xd: {  	p1 =	sgt.u32 s19, $0x1C;
	s19 =	simm.s32 $0x2800;
	s18 =	smul.u32 $0x500, s31  }
0xe: {  	s14 =	sadd.s32 s7, s5;
	s15 =	ssub.s32 s6, s15;
	s21 =	smul.u32 $0xA, s20  }
0xf: {  	s20 =	smul.u32 $0x500, s20;
	s8 =	sshrl.u32 s8, $0x3;
	s6 =	sadd.s32 s12, s9  }
0x10: {  	s14 =	sadd.s32 $0x3EC00, s14;
	s15 =	smax.u32 s15, $0x1;
	s5 =	sadd.s32 s5, s8  }
0x11: {  	s7 =	sadd.s32 s13, s8;
	s8 =	sadd.s32 s12, s11;
	s9 =	sadd.s32 s13, s10  }
0x12: {  	s10 =	sadd.s32 s12, s17;
	s11 =	sadd.s32 s13, s18;
	s12 =	sadd.s32 s12, s21  }
0x13: {  	s13 =	sadd.s32 s13, s20;
	s17 =	simm.s32 $0x7D;
	s18 =	simm.s32 $0x5050  }
0x14: {  	v0 =	vimm.f32 $1.000000000e+00;
	s20 =	simm.s32 $0x50;
	s21 =	simm.s32 $0x2850;
	s5 =	sadd.s32 $0xCE00, s5  }
.LBB2_1:
0x15: {  	[tilespmem:$0x5050] =	vst v0  }
0x16: {  	[tilespmem:$0x5060] =	vst v0  }
0x17: {  	[tilespmem:$0x5070] =	vst v0  }
0x18: {  	[tilespmem:$0x5080] =	vst v0  }
0x19: {  	[tilespmem:$0x5090] =	vst v0  }
0x1a: {  	[tilespmem:$0x50A0] =	vst v0  }
0x1b: {  	[tilespmem:$0x50B0] =	vst v0  }
0x1c: {  	[tilespmem:$0x50C0] =	vst v0;
	s24 =	simm.s32 @!p0 $0x0;
	s25 =	simm.s32 @!p0 $0x50D0  }
0x1d: {  	[tilespmem:s25], [sflag:$0x2] =	stream.linear.gather @!p0 [hbm4b:s4+s24], $0x2710, $0x38;
	[tilespmem:$0x7A58] =	vst v63  }
0x1e: {  	s24 =	simm.s32 @!p0 $0x2  }
0x1f: {  	_ =	swait.ge @!p0 [sflag:s24], $0x2710  }
0x20: {  	[sflag:s24] =	ssyncset.done @!p0 $0x0  }
0x21: {  	[sflag:s24] =	ssyncadd.s32 @!p0 $0xFFFFD8F0  }
0x22: {  	[spmem:s1] =	stream.linear.scatter @!p0 [tilespmem:s25], [sflag:$0x2], $0x2710, $0x38;
	[tilespmem:$0x7A58] =	vst v63  }
0x23: {  	_ =	swait.ge @!p0 [sflag:s24], $0x2710  }
0x24: {  	[sflag:s24] =	ssyncset.done @!p0 $0x0  }
0x25: {  	[sflag:s24] =	ssyncadd.s32 @!p0 $0xFFFFD8F0  }
0x26: {  	[tilespmem:s2], [sflag:$0x2] =	stream.linear.gather [hbm4b:s5+s2], $0x2800, $0x38;
	[tilespmem:$0x7A58] =	vst v63  }
0x27: {  	_ =	swait.ge [sflag:s16], $0x2800  }
0x28: {  	[sflag:s16] =	ssyncset.done $0x0  }
0x29: {  	[sflag:s16] =	ssyncadd.s32 $0xFFFFD800  }
0x2a: {  	s31 =	simm.s32 $0x0;
	[bflag:$0x0] =	sbarrier.arrive $0xFFFF  }
0x2b: {  	[spmem:s1] =	stream.indirect.scatter.add.f32 [tilespmem:s18], [sflag:$0x2], $0x1, s31, s17, $0xb8;
	[tilespmem:$0x7A58] =	vst v63  }
0x2c: {  	_ =	swait.ge [sflag:s16], $0x7D  }
0x2d: {  	s24 =	simm.s32 $0x200;
	[sflag:s16] =	ssyncset.done $0x0  }
.LBB2_2:
0x2e: {  	s25 =	sshra.s32 s24, $0x2;
	[sflag:s16] =	ssyncadd.s32 $0xFFFFFF83;
	p2 =	sne.s32 s24, $0x9E00  }
0x2f: {  	[spmem:s1] =	stream.indirect.scatter.add.f32 [tilespmem:s18], [sflag:$0x2], $0x1, s25, s17, $0xb8;
	[tilespmem:$0x7A58] =	vst v63  }
.Ltmp0:
0x30: {  	_ = 	snop;
	(pc) =	sbr.rel @p2 .LBB2_2-.Ltmp0, $4  }
0x31: {  	_ = 	snop  }
0x32: {  	s24 =	sadd.s32 $0x200, s24  }
0x33: {  	_ =	swait.ge [sflag:s16], $0x7D  }
0x34: {  	[sflag:s16] =	ssyncset.done $0x0  }
0x35: {  	[sflag:s16] =	ssyncadd.s32 $0xFFFFFF83  }
0x36: {  	[tilespmem:s19], [sflag:$0x2] =	stream.linear.gather [hbm4b:s6+s2], $0x50, $0x38;
	[tilespmem:$0x7A58] =	vst v63  }
0x37: {  	_ =	swait.ge [sflag:s16], $0x50  }
0x38: {  	[sflag:s16] =	ssyncset.done $0x0  }
0x39: {  	[sflag:s16] =	ssyncadd.s32 $0xFFFFFFB0  }
0x3a: {  	[tilespmem:s21], [sflag:$0x1] =	stream.indirect.gather [hbm4b:s3+s20], $0x80, s19, s20, $0xb8;
	[tilespmem:$0x7A58] =	vst v63  }
0x3b: {  	_ =	swait.ge [sflag:s22], $0x2800  }
0x3c: {  	[sflag:s22] =	ssyncset.done $0x0  }
0x3d: {  	[sflag:s22] =	ssyncadd.s32 $0xFFFFD800  }
0x3e: {  	[hbm4b:s7+s2] =	stream.linear.scatter [tilespmem:s21], [sflag:$0x2], $0x2800, $0x38;
	[tilespmem:$0x7A58] =	vst v63  }
0x3f: {  	_ =	swait.ge [sflag:s16], $0x2800  }
0x40: {  	[sflag:s16] =	ssyncset.done $0x0  }
0x41: {  	[sflag:s16] =	ssyncadd.s32 $0xFFFFD800  }
0x42: {  	[tilespmem:s19], [sflag:$0x2] =	stream.linear.gather [hbm4b:s8+s2], $0x50, $0x38;
	[tilespmem:$0x7A58] =	vst v63  }
0x43: {  	_ =	swait.ge [sflag:s16], $0x50  }
0x44: {  	[sflag:s16] =	ssyncset.done $0x0  }
0x45: {  	[sflag:s16] =	ssyncadd.s32 $0xFFFFFFB0  }
0x46: {  	[tilespmem:s21], [sflag:$0x1] =	stream.indirect.gather [hbm4b:s3+s20], $0x80, s19, s20, $0xb8;
	[tilespmem:$0x7A58] =	vst v63  }
0x47: {  	_ =	swait.ge [sflag:s22], $0x2800  }
0x48: {  	[sflag:s22] =	ssyncset.done $0x0  }
0x49: {  	[sflag:s22] =	ssyncadd.s32 $0xFFFFD800  }
0x4a: {  	[hbm4b:s9+s2] =	stream.linear.scatter [tilespmem:s21], [sflag:$0x2], $0x2800, $0x38;
	[tilespmem:$0x7A58] =	vst v63  }
0x4b: {  	_ =	swait.ge [sflag:s16], $0x2800  }
0x4c: {  	[sflag:s16] =	ssyncset.done $0x0  }
0x4d: {  	[sflag:s16] =	ssyncadd.s32 $0xFFFFD800  }
0x4e: {  	[tilespmem:s19], [sflag:$0x2] =	stream.linear.gather [hbm4b:s10+s2], $0x50, $0x38;
	[tilespmem:$0x7A58] =	vst v63  }
0x4f: {  	_ =	swait.ge [sflag:s16], $0x50  }
0x50: {  	[sflag:s16] =	ssyncset.done $0x0  }
0x51: {  	[sflag:s16] =	ssyncadd.s32 $0xFFFFFFB0  }
0x52: {  	[tilespmem:s21], [sflag:$0x1] =	stream.indirect.gather [hbm4b:s3+s20], $0x80, s19, s20, $0xb8;
	[tilespmem:$0x7A58] =	vst v63  }
0x53: {  	_ =	swait.ge [sflag:s22], $0x2800  }
0x54: {  	[sflag:s22] =	ssyncset.done $0x0  }
0x55: {  	[sflag:s22] =	ssyncadd.s32 $0xFFFFD800  }
0x56: {  	[hbm4b:s11+s2] =	stream.linear.scatter [tilespmem:s21], [sflag:$0x2], $0x2800, $0x38;
	[tilespmem:$0x7A58] =	vst v63  }
0x57: {  	_ =	swait.ge [sflag:s16], $0x2800  }
0x58: {  	s24 =	simm.s32 @!p1 $0x0;
	[sflag:s16] =	ssyncset.done $0x0  }
0x59: {  	s25 =	simm.s32 @!p1 $0x2800;
	s26 =	simm.s32 @!p1 $0x2;
	[sflag:s16] =	ssyncadd.s32 $0xFFFFD800  }
0x5a: {  	[tilespmem:s25], [sflag:$0x2] =	stream.linear.gather @!p1 [hbm4b:s12+s24], $0x50, $0x38;
	[tilespmem:$0x7A58] =	vst v63  }
0x5b: {  	_ =	swait.ge @!p1 [sflag:s26], $0x50  }
0x5c: {  	[sflag:s26] =	ssyncset.done @!p1 $0x0  }
0x5d: {  	s28 =	simm.s32 @!p1 $0x50;
	s29 =	simm.s32 @!p1 $0x2850;
	[sflag:s26] =	ssyncadd.s32 @!p1 $0xFFFFFFB0  }
0x5e: {  	[tilespmem:s29], [sflag:$0x1] =	stream.indirect.gather @!p1 [hbm4b:s3+s28], $0x80, s25, s28, $0xb8;
	[tilespmem:$0x7A58] =	vst v63  }
0x5f: {  	s25 =	simm.s32 @!p1 $0x1  }
0x60: {  	_ =	swait.ge @!p1 [sflag:s25], $0x2800  }
0x61: {  	[sflag:s25] =	ssyncset.done @!p1 $0x0  }
0x62: {  	[sflag:s25] =	ssyncadd.s32 @!p1 $0xFFFFD800  }
0x63: {  	[hbm4b:s13+s24] =	stream.linear.scatter @!p1 [tilespmem:s29], [sflag:$0x2], $0x2800, $0x38;
	[tilespmem:$0x7A58] =	vst v63  }
0x64: {  	_ =	swait.ge @!p1 [sflag:s26], $0x2800  }
0x65: {  	[sflag:s26] =	ssyncset.done @!p1 $0x0  }
0x66: {  	[sflag:s26] =	ssyncadd.s32 @!p1 $0xFFFFD800  }
0x67: {  	s25 =	simm.s32 @!p0 $0x2;
	s24 =	simm.s32 @!p0 $0x50D0;
	[bflag:$0x0] =	sbarrier.arrive $0xFFFF  }
0x68: {  	[tilespmem:s24], [sflag:$0x2] =	stream.linear.gather @!p0 [spmem:s1], $0x2710, $0x38;
	[tilespmem:$0x7A58] =	vst v63  }
0x69: {  	s23 =	sadd.s32 $0x1, s23;
	_ =	swait.ge @!p0 [sflag:s25], $0x2710  }
0x6a: {  	p2 =	sne.s32 s23, s15;
	[sflag:s25] =	ssyncset.done @!p0 $0x0  }
.Ltmp1:
0x6b: {  	s26 =	simm.s32 @!p0 $0x0;
	[sflag:s25] =	ssyncadd.s32 @!p0 $0xFFFFD8F0;
	(pc) =	sbr.rel @p2 .LBB2_1-.Ltmp1, $4  }
0x6c: {  	[hbm4b:s14+s26] =	stream.linear.scatter @!p0 [tilespmem:s24], [sflag:$0x2], $0x2710, $0x38;
	[tilespmem:$0x7A58] =	vst v63  }
0x6d: {  	_ =	swait.ge @!p0 [sflag:s25], $0x2710  }
0x6e: {  	[sflag:s25] =	ssyncset.done @!p0 $0x0  }
0x6f: {  	[sflag:s25] =	ssyncadd.s32 @!p0 $0xFFFFD8F0  }
0x70: {  	_ =	sfence.sel $0x180000  }
0x71: {  	[bflag:$0x0] =	sbarrier.arrive $0xFFFF  }
0x72: {  	_ =	strace $0x90000047  }
0x73: {  	s0 =	sadd.s32 @!p0 $0x100000, s0;
	[bflag:$0x2] =	sbarrier.arrive $0xFFFF  }
0x74: {  	[sflag:s0] =	ssyncadd.tile.s32 @!p0 $0x1;
	_ =	shalt  }
.Lfunc_end2:
_tile_overlayer_lowered:
.L_overlay_start_2:
0x75: {  	(tag) =	ssettag $0x2  }
0x76: {  	s0 =	rddreg [dreg:$0x0];
	s2 =	stileid.u32  }
0x77: {  	s1 =	rddreg [dreg:$0x1];
	p0 =	sne.s32 s2, $0x0  }
0x78: {  	s3 =	rddreg [dreg:$0x2];
	[bflag:$0x3] =	sbarrier.arrive $0xFFFF;
	s2 =	simm.s32 @!p0 $0x1C02  }
0x79: {  	[timem:s3], [sflag:s2] =	dma.local @!p0 [hbm:s0], s1  }
0x7a: {  	s0 =	simm.s32 @!p0 $0x2  }
0x7b: {  	_ =	swait.ge @!p0 [sflag:s0], s1  }
0x7c: {  	s1 =	ssub.s32 @!p0 $0x0, s1;
	[sflag:s0] =	ssyncset.done @!p0 $0x0  }
0x7d: {  	[sflag:s0] =	ssyncadd.s32 @!p0 s1  }
0x7e: {  	[bflag:$0x3] =	sbarrier.arrive $0xFFFF  }
0x7f: {  	_ =	shalt  }

</sc_bundles>
